<compile_context>
chip_gen: v7x
topology: tpu7x:2x2x1
jax: 0.10.2.dev20260603
libtpu: 0.0.44.dev20260713+nightly
codegen_flags: <defaults>
</compile_context>

<pallas_src>
import functools

import jax
import jax.numpy as jnp
from jax import lax
from jax.experimental import pallas as pl
from jax.experimental.pallas import tpu as pltpu
from jax.experimental.pallas import tpu_sc as plsc

NUM_ELEMENTS = 100
EMB_SIZE = 128
N_ATOMS = 100000

_NC = 2
_NS = 16
_NW = _NC * _NS
_BPW = 3128
_ILN = 3136
_CH = 128
_NCH = 25
_NBUF = 6


def _body(z_hbm, w_hbm, out_hbm, table_sh, idx_v, rows_v, g_sem, o_sem):
    wid = lax.axis_index("s") * _NC + lax.axis_index("c")
    base = wid * _BPW
    limit = jnp.minimum(base + _BPW, N_ATOMS)
    iload = jnp.minimum(base, N_ATOMS - _ILN)

    @pl.when(lax.axis_index("s") == 0)
    def _():
        pltpu.sync_copy(w_hbm, table_sh)

    pltpu.sync_copy(z_hbm.at[pl.ds(iload, _ILN)], idx_v)
    for i in range(_ILN // 16):
        sl = pl.ds(i * 16, 16)
        idx_v[sl] = idx_v[sl] - 1

    plsc.subcore_barrier()

    starts = []
    for j in range(_NCH):
        starts.append(jnp.minimum(base + j * _CH, limit - _CH))

    def gather(j):
        b = j % _NBUF
        return pltpu.async_copy(
            table_sh.at[idx_v.at[pl.ds(starts[j] - iload, _CH)]],
            rows_v.at[b],
            g_sem,
        )

    def writeout(j):
        b = j % _NBUF
        return pltpu.async_copy(
            rows_v.at[b], out_hbm.at[pl.ds(starts[j], _CH)], o_sem
        )

    g_h = [None] * _NBUF
    o_h = [None] * _NBUF
    for j in range(_NCH):
        b = j % _NBUF
        if o_h[b] is not None:
            o_h[b].wait()
        g_h[b] = gather(j)
        jj = j - (_NBUF - 1)
        if jj >= 0:
            bb = jj % _NBUF
            g_h[bb].wait()
            o_h[bb] = writeout(jj)
    for jj in range(max(0, _NCH - _NBUF + 1), _NCH):
        bb = jj % _NBUF
        g_h[bb].wait()
        o_h[bb] = writeout(jj)
    for bb in range(_NBUF):
        if o_h[bb] is not None:
            o_h[bb].wait()


_embed = functools.partial(
    pl.kernel,
    out_type=jax.ShapeDtypeStruct((N_ATOMS, EMB_SIZE), jnp.float32),
    mesh=plsc.VectorSubcoreMesh(core_axis_name="c", subcore_axis_name="s"),
    scratch_types=[
        pltpu.VMEM_SHARED((NUM_ELEMENTS, EMB_SIZE), jnp.float32),
        pltpu.VMEM((_ILN,), jnp.int32),
        pltpu.VMEM((_NBUF, _CH, EMB_SIZE), jnp.float32),
        pltpu.SemaphoreType.DMA,
        pltpu.SemaphoreType.DMA,
    ],
)(_body)


@jax.jit
def kernel(Z, weight):
    return _embed(Z, weight)

# --- scband reference (transcript-rebuilt; emitter-appended) ---
"""Pipeline reference for scband-atom-embedding-66640712564912 (READ-ONLY COPY).

The authoritative reference and input builder live on the scoring server;
editing this copy changes nothing except your own understanding.
"""

import jax, jax.numpy as jnp
import numpy as np

NUM_ELEMENTS = 100
EMB_SIZE = 128
N_ATOMS = 100000


def setup_inputs(seed: int = 0) -> dict:
    key = jax.random.key(seed)
    k_z, k_w = jax.random.split(key)
    # Atomic numbers Z are 1-based in [1, num_elements]; forward indexes with Z - 1.
    Z = jax.random.randint(k_z, (N_ATOMS,), 1, NUM_ELEMENTS + 1, dtype=jnp.int32)
    # torch.nn.init.uniform_(weight, a=-sqrt(3), b=sqrt(3))
    s = float(np.sqrt(3.0))
    weight = jax.random.uniform(k_w, (NUM_ELEMENTS, EMB_SIZE), dtype=jnp.float32, minval=-s, maxval=s)
    return {"Z": Z, "weight": weight}


def reference(Z, weight):
    # h = embeddings(Z - 1): row gather from the embedding table
    h = jnp.take(weight, Z - 1, axis=0)
    return h

if __name__ == "__main__":
    import jax
    _d = setup_inputs()
    print(jax.jit(kernel)(*tuple(_d.values())))

</pallas_src>

<mosaic_0001>
#map = affine_map<(d0, d1) -> (0)>
#map1 = affine_map<(d0, d1) -> (0, 0)>
module attributes {stable_mosaic.version = 14 : i64} {
  func.func @_body(%arg0: i32, %arg1: i32, %arg2: memref<100000xi32, #tpu.memory_space<hbm>>, %arg3: memref<100x128xf32, #tpu.memory_space<hbm>>, %arg4: memref<100000x128xf32, #tpu.memory_space<hbm>>, %arg5: memref<100x128xf32, #tpu.memory_space<vmem_shared>>, %arg6: memref<3136xi32, #tpu.memory_space<vmem>>, %arg7: memref<6x128x128xf32, #tpu.memory_space<vmem>>, %arg8: memref<!tpu.dma_semaphore, #tpu.memory_space<semaphore_mem>>, %arg9: memref<!tpu.dma_semaphore, #tpu.memory_space<semaphore_mem>>) attributes {dimension_semantics = [#tpu.dimension_semantics<core_parallel>, #tpu.dimension_semantics<subcore_parallel>], iteration_bounds = array<i64: 2, 16>, scalar_prefetch = 0 : i64, scratch_operands = 5 : i64, tpu.core_type = #tpu.core_type<sc_vector_subcore>, window_params = [{transform_indices = #map}, {transform_indices = #map1}, {transform_indices = #map1}]} {
    %mul3A = arith.constant 2 : i32
    %mul3A_0 = arith.muli %arg1, %mul3A : i32
    %add3A = arith.addi %mul3A_0, %arg0 : i32
    %mul3A_1 = arith.constant 3128 : i32
    %mul3A_2 = arith.muli %add3A, %mul3A_1 : i32
    %add3A_3 = arith.constant 3128 : i32
    %add3A_4 = arith.addi %mul3A_2, %add3A_3 : i32
    %min3A = arith.constant 100000 : i32
    %min3A_5 = arith.minsi %add3A_4, %min3A : i32
    %min3A_6 = arith.constant 96864 : i32
    %min3A_7 = arith.minsi %mul3A_2, %min3A_6 : i32
    %eq3A = arith.constant 0 : i32
    %eq3A_8 = arith.cmpi eq, %arg1, %eq3A : i32
    %convert_element_type3A = arith.extui %eq3A_8 : i1 to i32
    %cond3A = arith.constant 0 : i32
    %cond3A_9 = arith.cmpi ne, %convert_element_type3A, %cond3A : i32
    scf.if %cond3A_9 {
      "tpu.region"() ({
        %run_scoped3A = tpu.sem_alloc : memref<!tpu.dma_semaphore, #tpu.memory_space<semaphore_mem>>
        tpu.enqueue_dma source(%arg3 : memref<100x128xf32, #tpu.memory_space<hbm>>) target(%arg5 : memref<100x128xf32, #tpu.memory_space<vmem_shared>>) target_semaphore(%run_scoped3A : memref<!tpu.dma_semaphore, #tpu.memory_space<semaphore_mem>>)
        tpu.wait_dma2 semaphore(%run_scoped3A : memref<!tpu.dma_semaphore, #tpu.memory_space<semaphore_mem>>) src(%arg3 : memref<100x128xf32, #tpu.memory_space<hbm>>) dst(%arg5 : memref<100x128xf32, #tpu.memory_space<vmem_shared>>)
        tpu.yield
      }) : () -> ()
    } else {
    }
    "tpu.region"() ({
      %run_scoped3A = tpu.sem_alloc : memref<!tpu.dma_semaphore, #tpu.memory_space<semaphore_mem>>
      %dma_start3A_3215 = tpu.memref_slice %arg2[%min3A_7] : memref<100000xi32, #tpu.memory_space<hbm>> -> memref<3136xi32, #tpu.memory_space<hbm>>
      %dma_start3A_3216 = tpu.memref_slice %arg2[%min3A_7] : memref<100000xi32, #tpu.memory_space<hbm>> -> memref<3136xi32, #tpu.memory_space<hbm>>
      tpu.enqueue_dma source(%dma_start3A_3216 : memref<3136xi32, #tpu.memory_space<hbm>>) target(%arg6 : memref<3136xi32, #tpu.memory_space<vmem>>) target_semaphore(%run_scoped3A : memref<!tpu.dma_semaphore, #tpu.memory_space<semaphore_mem>>)
      %dma_wait3A_3217 = tpu.memref_slice %arg2[%min3A_7] : memref<100000xi32, #tpu.memory_space<hbm>> -> memref<3136xi32, #tpu.memory_space<hbm>>
      %dma_wait3A_3218 = tpu.memref_slice %arg2[%min3A_7] : memref<100000xi32, #tpu.memory_space<hbm>> -> memref<3136xi32, #tpu.memory_space<hbm>>
      tpu.wait_dma2 semaphore(%run_scoped3A : memref<!tpu.dma_semaphore, #tpu.memory_space<semaphore_mem>>) src(%dma_wait3A_3218 : memref<3136xi32, #tpu.memory_space<hbm>>) dst(%arg6 : memref<3136xi32, #tpu.memory_space<vmem>>)
      tpu.yield
    }) : () -> ()
    %get3A = arith.constant 0 : index
    %get3A_10 = tpu.vector_load %arg6[%get3A] {strides = array<i32>} : memref<3136xi32, #tpu.memory_space<vmem>>, vector<16xi32>,
    %get3A_11 = vector.shape_cast %get3A_10 : vector<16xi32> to vector<16xi32>
    %sub3A = arith.constant 1 : i32
    %sub3A_12 = vector.broadcast %sub3A : i32 to vector<16xi32>
    %sub3A_13 = arith.subi %get3A_11, %sub3A_12 : vector<16xi32>
    %swap3A = arith.constant 0 : index
    %swap3A_14 = tpu.vector_load %arg6[%swap3A] {strides = array<i32>} : memref<3136xi32, #tpu.memory_space<vmem>>, vector<16xi32>,
    %swap3A_15 = vector.shape_cast %swap3A_14 : vector<16xi32> to vector<16xi32>
    %swap3A_16 = vector.shape_cast %sub3A_13 : vector<16xi32> to vector<16xi32>
    tpu.vector_store %arg6[%swap3A], %swap3A_16 {strides = array<i32>} : memref<3136xi32, #tpu.memory_space<vmem>>, vector<16xi32>,
    %get3A_17 = arith.constant 16 : index
    %get3A_18 = tpu.vector_load %arg6[%get3A_17] {strides = array<i32>} : memref<3136xi32, #tpu.memory_space<vmem>>, vector<16xi32>,
    %get3A_19 = vector.shape_cast %get3A_18 : vector<16xi32> to vector<16xi32>
    %sub3A_20 = arith.constant 1 : i32
    %sub3A_21 = vector.broadcast %sub3A_20 : i32 to vector<16xi32>
    %sub3A_22 = arith.subi %get3A_19, %sub3A_21 : vector<16xi32>
    %swap3A_23 = arith.constant 16 : index
    %swap3A_24 = tpu.vector_load %arg6[%swap3A_23] {strides = array<i32>} : memref<3136xi32, #tpu.memory_space<vmem>>, vector<16xi32>,
    %swap3A_25 = vector.shape_cast %swap3A_24 : vector<16xi32> to vector<16xi32>
    %swap3A_26 = vector.shape_cast %sub3A_22 : vector<16xi32> to vector<16xi32>
    tpu.vector_store %arg6[%swap3A_23], %swap3A_26 {strides = array<i32>} : memref<3136xi32, #tpu.memory_space<vmem>>, vector<16xi32>,
    %get3A_27 = arith.constant 32 : index
    %get3A_28 = tpu.vector_load %arg6[%get3A_27] {strides = array<i32>} : memref<3136xi32, #tpu.memory_space<vmem>>, vector<16xi32>,
    %get3A_29 = vector.shape_cast %get3A_28 : vector<16xi32> to vector<16xi32>
    %sub3A_30 = arith.constant 1 : i32
    %sub3A_31 = vector.broadcast %sub3A_30 : i32 to vector<16xi32>
    %sub3A_32 = arith.subi %get3A_29, %sub3A_31 : vector<16xi32>
    %swap3A_33 = arith.constant 32 : index
    %swap3A_34 = tpu.vector_load %arg6[%swap3A_33] {strides = array<i32>} : memref<3136xi32, #tpu.memory_space<vmem>>, vector<16xi32>,
    %swap3A_35 = vector.shape_cast %swap3A_34 : vector<16xi32> to vector<16xi32>
    %swap3A_36 = vector.shape_cast %sub3A_32 : vector<16xi32> to vector<16xi32>
    tpu.vector_store %arg6[%swap3A_33], %swap3A_36 {strides = array<i32>} : memref<3136xi32, #tpu.memory_space<vmem>>, vector<16xi32>,
    %get3A_37 = arith.constant 48 : index
    %get3A_38 = tpu.vector_load %arg6[%get3A_37] {strides = array<i32>} : memref<3136xi32, #tpu.memory_space<vmem>>, vector<16xi32>,
    %get3A_39 = vector.shape_cast %get3A_38 : vector<16xi32> to vector<16xi32>
    %sub3A_40 = arith.constant 1 : i32
    %sub3A_41 = vector.broadcast %sub3A_40 : i32 to vector<16xi32>
    %sub3A_42 = arith.subi %get3A_39, %sub3A_41 : vector<16xi32>
    %swap3A_43 = arith.constant 48 : index
    %swap3A_44 = tpu.vector_load %arg6[%swap3A_43] {strides = array<i32>} : memref<3136xi32, #tpu.memory_space<vmem>>, vector<16xi32>,
    %swap3A_45 = vector.shape_cast %swap3A_44 : vector<16xi32> to vector<16xi32>
    %swap3A_46 = vector.shape_cast %sub3A_42 : vector<16xi32> to vector<16xi32>
    tpu.vector_store %arg6[%swap3A_43], %swap3A_46 {strides = array<i32>} : memref<3136xi32, #tpu.memory_space<vmem>>, vector<16xi32>,
    %get3A_47 = arith.constant 64 : index
    %get3A_48 = tpu.vector_load %arg6[%get3A_47] {strides = array<i32>} : memref<3136xi32, #tpu.memory_space<vmem>>, vector<16xi32>,
    %get3A_49 = vector.shape_cast %get3A_48 : vector<16xi32> to vector<16xi32>
    %sub3A_50 = arith.constant 1 : i32
    %sub3A_51 = vector.broadcast %sub3A_50 : i32 to vector<16xi32>
    %sub3A_52 = arith.subi %get3A_49, %sub3A_51 : vector<16xi32>
    %swap3A_53 = arith.constant 64 : index
    %swap3A_54 = tpu.vector_load %arg6[%swap3A_53] {strides = array<i32>} : memref<3136xi32, #tpu.memory_space<vmem>>, vector<16xi32>,
    %swap3A_55 = vector.shape_cast %swap3A_54 : vector<16xi32> to vector<16xi32>
    %swap3A_56 = vector.shape_cast %sub3A_52 : vector<16xi32> to vector<16xi32>
    tpu.vector_store %arg6[%swap3A_53], %swap3A_56 {strides = array<i32>} : memref<3136xi32, #tpu.memory_space<vmem>>, vector<16xi32>,
    %get3A_57 = arith.constant 80 : index
    %get3A_58 = tpu.vector_load %arg6[%get3A_57] {strides = array<i32>} : memref<3136xi32, #tpu.memory_space<vmem>>, vector<16xi32>,
    %get3A_59 = vector.shape_cast %get3A_58 : vector<16xi32> to vector<16xi32>
    %sub3A_60 = arith.constant 1 : i32
    %sub3A_61 = vector.broadcast %sub3A_60 : i32 to vector<16xi32>
    %sub3A_62 = arith.subi %get3A_59, %sub3A_61 : vector<16xi32>
    %swap3A_63 = arith.constant 80 : index
    %swap3A_64 = tpu.vector_load %arg6[%swap3A_63] {strides = array<i32>} : memref<3136xi32, #tpu.memory_space<vmem>>, vector<16xi32>,
    %swap3A_65 = vector.shape_cast %swap3A_64 : vector<16xi32> to vector<16xi32>
    %swap3A_66 = vector.shape_cast %sub3A_62 : vector<16xi32> to vector<16xi32>
    tpu.vector_store %arg6[%swap3A_63], %swap3A_66 {strides = array<i32>} : memref<3136xi32, #tpu.memory_space<vmem>>, vector<16xi32>,
    %get3A_67 = arith.constant 96 : index
    %get3A_68 = tpu.vector_load %arg6[%get3A_67] {strides = array<i32>} : memref<3136xi32, #tpu.memory_space<vmem>>, vector<16xi32>,
    %get3A_69 = vector.shape_cast %get3A_68 : vector<16xi32> to vector<16xi32>
    %sub3A_70 = arith.constant 1 : i32
    %sub3A_71 = vector.broadcast %sub3A_70 : i32 to vector<16xi32>
    %sub3A_72 = arith.subi %get3A_69, %sub3A_71 : vector<16xi32>
    %swap3A_73 = arith.constant 96 : index
    %swap3A_74 = tpu.vector_load %arg6[%swap3A_73] {strides = array<i32>} : memref<3136xi32, #tpu.memory_space<vmem>>, vector<16xi32>,
    %swap3A_75 = vector.shape_cast %swap3A_74 : vector<16xi32> to vector<16xi32>
    %swap3A_76 = vector.shape_cast %sub3A_72 : vector<16xi32> to vector<16xi32>
    tpu.vector_store %arg6[%swap3A_73], %swap3A_76 {strides = array<i32>} : memref<3136xi32, #tpu.memory_space<vmem>>, vector<16xi32>,
    %get3A_77 = arith.constant 112 : index
    %get3A_78 = tpu.vector_load %arg6[%get3A_77] {strides = array<i32>} : memref<3136xi32, #tpu.memory_space<vmem>>, vector<16xi32>,
    %get3A_79 = vector.shape_cast %get3A_78 : vector<16xi32> to vector<16xi32>
    %sub3A_80 = arith.constant 1 : i32
    %sub3A_81 = vector.broadcast %sub3A_80 : i32 to vector<16xi32>
    %sub3A_82 = arith.subi %get3A_79, %sub3A_81 : vector<16xi32>
    %swap3A_83 = arith.constant 112 : index
    %swap3A_84 = tpu.vector_load %arg6[%swap3A_83] {strides = array<i32>} : memref<3136xi32, #tpu.memory_space<vmem>>, vector<16xi32>,
    %swap3A_85 = vector.shape_cast %swap3A_84 : vector<16xi32> to vector<16xi32>
    %swap3A_86 = vector.shape_cast %sub3A_82 : vector<16xi32> to vector<16xi32>
    tpu.vector_store %arg6[%swap3A_83], %swap3A_86 {strides = array<i32>} : memref<3136xi32, #tpu.memory_space<vmem>>, vector<16xi32>,
    %get3A_87 = arith.constant 128 : index
    %get3A_88 = tpu.vector_load %arg6[%get3A_87] {strides = array<i32>} : memref<3136xi32, #tpu.memory_space<vmem>>, vector<16xi32>,
    %get3A_89 = vector.shape_cast %get3A_88 : vector<16xi32> to vector<16xi32>
    %sub3A_90 = arith.constant 1 : i32
    %sub3A_91 = vector.broadcast %sub3A_90 : i32 to vector<16xi32>
    %sub3A_92 = arith.subi %get3A_89, %sub3A_91 : vector<16xi32>
    %swap3A_93 = arith.constant 128 : index
    %swap3A_94 = tpu.vector_load %arg6[%swap3A_93] {strides = array<i32>} : memref<3136xi32, #tpu.memory_space<vmem>>, vector<16xi32>,
    %swap3A_95 = vector.shape_cast %swap3A_94 : vector<16xi32> to vector<16xi32>
    %swap3A_96 = vector.shape_cast %sub3A_92 : vector<16xi32> to vector<16xi32>
    tpu.vector_store %arg6[%swap3A_93], %swap3A_96 {strides = array<i32>} : memref<3136xi32, #tpu.memory_space<vmem>>, vector<16xi32>,
    %get3A_97 = arith.constant 144 : index
    %get3A_98 = tpu.vector_load %arg6[%get3A_97] {strides = array<i32>} : memref<3136xi32, #tpu.memory_space<vmem>>, vector<16xi32>,
    %get3A_99 = vector.shape_cast %get3A_98 : vector<16xi32> to vector<16xi32>
    %sub3A_100 = arith.constant 1 : i32
    %sub3A_101 = vector.broadcast %sub3A_100 : i32 to vector<16xi32>
    %sub3A_102 = arith.subi %get3A_99, %sub3A_101 : vector<16xi32>
    %swap3A_103 = arith.constant 144 : index
    %swap3A_104 = tpu.vector_load %arg6[%swap3A_103] {strides = array<i32>} : memref<3136xi32, #tpu.memory_space<vmem>>, vector<16xi32>,
    %swap3A_105 = vector.shape_cast %swap3A_104 : vector<16xi32> to vector<16xi32>
    %swap3A_106 = vector.shape_cast %sub3A_102 : vector<16xi32> to vector<16xi32>
    tpu.vector_store %arg6[%swap3A_103], %swap3A_106 {strides = array<i32>} : memref<3136xi32, #tpu.memory_space<vmem>>, vector<16xi32>,
    %get3A_107 = arith.constant 160 : index
    %get3A_108 = tpu.vector_load %arg6[%get3A_107] {strides = array<i32>} : memref<3136xi32, #tpu.memory_space<vmem>>, vector<16xi32>,
    %get3A_109 = vector.shape_cast %get3A_108 : vector<16xi32> to vector<16xi32>
    %sub3A_110 = arith.constant 1 : i32
    %sub3A_111 = vector.broadcast %sub3A_110 : i32 to vector<16xi32>
    %sub3A_112 = arith.subi %get3A_109, %sub3A_111 : vector<16xi32>
    %swap3A_113 = arith.constant 160 : index
    %swap3A_114 = tpu.vector_load %arg6[%swap3A_113] {strides = array<i32>} : memref<3136xi32, #tpu.memory_space<vmem>>, vector<16xi32>,
    %swap3A_115 = vector.shape_cast %swap3A_114 : vector<16xi32> to vector<16xi32>
    %swap3A_116 = vector.shape_cast %sub3A_112 : vector<16xi32> to vector<16xi32>
    tpu.vector_store %arg6[%swap3A_113], %swap3A_116 {strides = array<i32>} : memref<3136xi32, #tpu.memory_space<vmem>>, vector<16xi32>,
    %get3A_117 = arith.constant 176 : index
    %get3A_118 = tpu.vector_load %arg6[%get3A_117] {strides = array<i32>} : memref<3136xi32, #tpu.memory_space<vmem>>, vector<16xi32>,
    %get3A_119 = vector.shape_cast %get3A_118 : vector<16xi32> to vector<16xi32>
    %sub3A_120 = arith.constant 1 : i32
    %sub3A_121 = vector.broadcast %sub3A_120 : i32 to vector<16xi32>
    %sub3A_122 = arith.subi %get3A_119, %sub3A_121 : vector<16xi32>
    %swap3A_123 = arith.constant 176 : index
    %swap3A_124 = tpu.vector_load %arg6[%swap3A_123] {strides = array<i32>} : memref<3136xi32, #tpu.memory_space<vmem>>, vector<16xi32>,
    %swap3A_125 = vector.shape_cast %swap3A_124 : vector<16xi32> to vector<16xi32>
    %swap3A_126 = vector.shape_cast %sub3A_122 : vector<16xi32> to vector<16xi32>
    tpu.vector_store %arg6[%swap3A_123], %swap3A_126 {strides = array<i32>} : memref<3136xi32, #tpu.memory_space<vmem>>, vector<16xi32>,
    %get3A_127 = arith.constant 192 : index
    %get3A_128 = tpu.vector_load %arg6[%get3A_127] {strides = array<i32>} : memref<3136xi32, #tpu.memory_space<vmem>>, vector<16xi32>,
    %get3A_129 = vector.shape_cast %get3A_128 : vector<16xi32> to vector<16xi32>
    %sub3A_130 = arith.constant 1 : i32
    %sub3A_131 = vector.broadcast %sub3A_130 : i32 to vector<16xi32>
    %sub3A_132 = arith.subi %get3A_129, %sub3A_131 : vector<16xi32>
    %swap3A_133 = arith.constant 192 : index
    %swap3A_134 = tpu.vector_load %arg6[%swap3A_133] {strides = array<i32>} : memref<3136xi32, #tpu.memory_space<vmem>>, vector<16xi32>,
    %swap3A_135 = vector.shape_cast %swap3A_134 : vector<16xi32> to vector<16xi32>
    %swap3A_136 = vector.shape_cast %sub3A_132 : vector<16xi32> to vector<16xi32>
    tpu.vector_store %arg6[%swap3A_133], %swap3A_136 {strides = array<i32>} : memref<3136xi32, #tpu.memory_space<vmem>>, vector<16xi32>,
    %get3A_137 = arith.constant 208 : index
    %get3A_138 = tpu.vector_load %arg6[%get3A_137] {strides = array<i32>} : memref<3136xi32, #tpu.memory_space<vmem>>, vector<16xi32>,
    %get3A_139 = vector.shape_cast %get3A_138 : vector<16xi32> to vector<16xi32>
    %sub3A_140 = arith.constant 1 : i32
    %sub3A_141 = vector.broadcast %sub3A_140 : i32 to vector<16xi32>
    %sub3A_142 = arith.subi %get3A_139, %sub3A_141 : vector<16xi32>
    %swap3A_143 = arith.constant 208 : index
    %swap3A_144 = tpu.vector_load %arg6[%swap3A_143] {strides = array<i32>} : memref<3136xi32, #tpu.memory_space<vmem>>, vector<16xi32>,
    %swap3A_145 = vector.shape_cast %swap3A_144 : vector<16xi32> to vector<16xi32>
    %swap3A_146 = vector.shape_cast %sub3A_142 : vector<16xi32> to vector<16xi32>
    tpu.vector_store %arg6[%swap3A_143], %swap3A_146 {strides = array<i32>} : memref<3136xi32, #tpu.memory_space<vmem>>, vector<16xi32>,
    %get3A_147 = arith.constant 224 : index
    %get3A_148 = tpu.vector_load %arg6[%get3A_147] {strides = array<i32>} : memref<3136xi32, #tpu.memory_space<vmem>>, vector<16xi32>,
    %get3A_149 = vector.shape_cast %get3A_148 : vector<16xi32> to vector<16xi32>
    %sub3A_150 = arith.constant 1 : i32
    %sub3A_151 = vector.broadcast %sub3A_150 : i32 to vector<16xi32>
    %sub3A_152 = arith.subi %get3A_149, %sub3A_151 : vector<16xi32>
    %swap3A_153 = arith.constant 224 : index
    %swap3A_154 = tpu.vector_load %arg6[%swap3A_153] {strides = array<i32>} : memref<3136xi32, #tpu.memory_space<vmem>>, vector<16xi32>,
    %swap3A_155 = vector.shape_cast %swap3A_154 : vector<16xi32> to vector<16xi32>
    %swap3A_156 = vector.shape_cast %sub3A_152 : vector<16xi32> to vector<16xi32>
    tpu.vector_store %arg6[%swap3A_153], %swap3A_156 {strides = array<i32>} : memref<3136xi32, #tpu.memory_space<vmem>>, vector<16xi32>,
    %get3A_157 = arith.constant 240 : index
    %get3A_158 = tpu.vector_load %arg6[%get3A_157] {strides = array<i32>} : memref<3136xi32, #tpu.memory_space<vmem>>, vector<16xi32>,
    %get3A_159 = vector.shape_cast %get3A_158 : vector<16xi32> to vector<16xi32>
    %sub3A_160 = arith.constant 1 : i32
    %sub3A_161 = vector.broadcast %sub3A_160 : i32 to vector<16xi32>
    %sub3A_162 = arith.subi %get3A_159, %sub3A_161 : vector<16xi32>
    %swap3A_163 = arith.constant 240 : index
    %swap3A_164 = tpu.vector_load %arg6[%swap3A_163] {strides = array<i32>} : memref<3136xi32, #tpu.memory_space<vmem>>, vector<16xi32>,
    %swap3A_165 = vector.shape_cast %swap3A_164 : vector<16xi32> to vector<16xi32>
    %swap3A_166 = vector.shape_cast %sub3A_162 : vector<16xi32> to vector<16xi32>
    tpu.vector_store %arg6[%swap3A_163], %swap3A_166 {strides = array<i32>} : memref<3136xi32, #tpu.memory_space<vmem>>, vector<16xi32>,
    %get3A_167 = arith.constant 256 : index
    %get3A_168 = tpu.vector_load %arg6[%get3A_167] {strides = array<i32>} : memref<3136xi32, #tpu.memory_space<vmem>>, vector<16xi32>,
    %get3A_169 = vector.shape_cast %get3A_168 : vector<16xi32> to vector<16xi32>
    %sub3A_170 = arith.constant 1 : i32
    %sub3A_171 = vector.broadcast %sub3A_170 : i32 to vector<16xi32>
    %sub3A_172 = arith.subi %get3A_169, %sub3A_171 : vector<16xi32>
    %swap3A_173 = arith.constant 256 : index
    %swap3A_174 = tpu.vector_load %arg6[%swap3A_173] {strides = array<i32>} : memref<3136xi32, #tpu.memory_space<vmem>>, vector<16xi32>,
    %swap3A_175 = vector.shape_cast %swap3A_174 : vector<16xi32> to vector<16xi32>
    %swap3A_176 = vector.shape_cast %sub3A_172 : vector<16xi32> to vector<16xi32>
    tpu.vector_store %arg6[%swap3A_173], %swap3A_176 {strides = array<i32>} : memref<3136xi32, #tpu.memory_space<vmem>>, vector<16xi32>,
    %get3A_177 = arith.constant 272 : index
    %get3A_178 = tpu.vector_load %arg6[%get3A_177] {strides = array<i32>} : memref<3136xi32, #tpu.memory_space<vmem>>, vector<16xi32>,
    %get3A_179 = vector.shape_cast %get3A_178 : vector<16xi32> to vector<16xi32>
    %sub3A_180 = arith.constant 1 : i32
    %sub3A_181 = vector.broadcast %sub3A_180 : i32 to vector<16xi32>
    %sub3A_182 = arith.subi %get3A_179, %sub3A_181 : vector<16xi32>
    %swap3A_183 = arith.constant 272 : index
    %swap3A_184 = tpu.vector_load %arg6[%swap3A_183] {strides = array<i32>} : memref<3136xi32, #tpu.memory_space<vmem>>, vector<16xi32>,
    %swap3A_185 = vector.shape_cast %swap3A_184 : vector<16xi32> to vector<16xi32>
    %swap3A_186 = vector.shape_cast %sub3A_182 : vector<16xi32> to vector<16xi32>
    tpu.vector_store %arg6[%swap3A_183], %swap3A_186 {strides = array<i32>} : memref<3136xi32, #tpu.memory_space<vmem>>, vector<16xi32>,
    %get3A_187 = arith.constant 288 : index
    %get3A_188 = tpu.vector_load %arg6[%get3A_187] {strides = array<i32>} : memref<3136xi32, #tpu.memory_space<vmem>>, vector<16xi32>,
    %get3A_189 = vector.shape_cast %get3A_188 : vector<16xi32> to vector<16xi32>
    %sub3A_190 = arith.constant 1 : i32
    %sub3A_191 = vector.broadcast %sub3A_190 : i32 to vector<16xi32>
    %sub3A_192 = arith.subi %get3A_189, %sub3A_191 : vector<16xi32>
    %swap3A_193 = arith.constant 288 : index
    %swap3A_194 = tpu.vector_load %arg6[%swap3A_193] {strides = array<i32>} : memref<3136xi32, #tpu.memory_space<vmem>>, vector<16xi32>,
    %swap3A_195 = vector.shape_cast %swap3A_194 : vector<16xi32> to vector<16xi32>
    %swap3A_196 = vector.shape_cast %sub3A_192 : vector<16xi32> to vector<16xi32>
    tpu.vector_store %arg6[%swap3A_193], %swap3A_196 {strides = array<i32>} : memref<3136xi32, #tpu.memory_space<vmem>>, vector<16xi32>,
    %get3A_197 = arith.constant 304 : index
    %get3A_198 = tpu.vector_load %arg6[%get3A_197] {strides = array<i32>} : memref<3136xi32, #tpu.memory_space<vmem>>, vector<16xi32>,
    %get3A_199 = vector.shape_cast %get3A_198 : vector<16xi32> to vector<16xi32>
    %sub3A_200 = arith.constant 1 : i32
    %sub3A_201 = vector.broadcast %sub3A_200 : i32 to vector<16xi32>
    %sub3A_202 = arith.subi %get3A_199, %sub3A_201 : vector<16xi32>
    %swap3A_203 = arith.constant 304 : index
    %swap3A_204 = tpu.vector_load %arg6[%swap3A_203] {strides = array<i32>} : memref<3136xi32, #tpu.memory_space<vmem>>, vector<16xi32>,
    %swap3A_205 = vector.shape_cast %swap3A_204 : vector<16xi32> to vector<16xi32>
    %swap3A_206 = vector.shape_cast %sub3A_202 : vector<16xi32> to vector<16xi32>
    tpu.vector_store %arg6[%swap3A_203], %swap3A_206 {strides = array<i32>} : memref<3136xi32, #tpu.memory_space<vmem>>, vector<16xi32>,
    %get3A_207 = arith.constant 320 : index
    %get3A_208 = tpu.vector_load %arg6[%get3A_207] {strides = array<i32>} : memref<3136xi32, #tpu.memory_space<vmem>>, vector<16xi32>,
    %get3A_209 = vector.shape_cast %get3A_208 : vector<16xi32> to vector<16xi32>
    %sub3A_210 = arith.constant 1 : i32
    %sub3A_211 = vector.broadcast %sub3A_210 : i32 to vector<16xi32>
    %sub3A_212 = arith.subi %get3A_209, %sub3A_211 : vector<16xi32>
    %swap3A_213 = arith.constant 320 : index
    %swap3A_214 = tpu.vector_load %arg6[%swap3A_213] {strides = array<i32>} : memref<3136xi32, #tpu.memory_space<vmem>>, vector<16xi32>,
    %swap3A_215 = vector.shape_cast %swap3A_214 : vector<16xi32> to vector<16xi32>
    %swap3A_216 = vector.shape_cast %sub3A_212 : vector<16xi32> to vector<16xi32>
    tpu.vector_store %arg6[%swap3A_213], %swap3A_216 {strides = array<i32>} : memref<3136xi32, #tpu.memory_space<vmem>>, vector<16xi32>,
    %get3A_217 = arith.constant 336 : index
    %get3A_218 = tpu.vector_load %arg6[%get3A_217] {strides = array<i32>} : memref<3136xi32, #tpu.memory_space<vmem>>, vector<16xi32>,
    %get3A_219 = vector.shape_cast %get3A_218 : vector<16xi32> to vector<16xi32>
    %sub3A_220 = arith.constant 1 : i32
    %sub3A_221 = vector.broadcast %sub3A_220 : i32 to vector<16xi32>
    %sub3A_222 = arith.subi %get3A_219, %sub3A_221 : vector<16xi32>
    %swap3A_223 = arith.constant 336 : index
    %swap3A_224 = tpu.vector_load %arg6[%swap3A_223] {strides = array<i32>} : memref<3136xi32, #tpu.memory_space<vmem>>, vector<16xi32>,
    %swap3A_225 = vector.shape_cast %swap3A_224 : vector<16xi32> to vector<16xi32>
    %swap3A_226 = vector.shape_cast %sub3A_222 : vector<16xi32> to vector<16xi32>
    tpu.vector_store %arg6[%swap3A_223], %swap3A_226 {strides = array<i32>} : memref<3136xi32, #tpu.memory_space<vmem>>, vector<16xi32>,
    %get3A_227 = arith.constant 352 : index
    %get3A_228 = tpu.vector_load %arg6[%get3A_227] {strides = array<i32>} : memref<3136xi32, #tpu.memory_space<vmem>>, vector<16xi32>,
    %get3A_229 = vector.shape_cast %get3A_228 : vector<16xi32> to vector<16xi32>
    %sub3A_230 = arith.constant 1 : i32
    %sub3A_231 = vector.broadcast %sub3A_230 : i32 to vector<16xi32>
    %sub3A_232 = arith.subi %get3A_229, %sub3A_231 : vector<16xi32>
    %swap3A_233 = arith.constant 352 : index
    %swap3A_234 = tpu.vector_load %arg6[%swap3A_233] {strides = array<i32>} : memref<3136xi32, #tpu.memory_space<vmem>>, vector<16xi32>,
    %swap3A_235 = vector.shape_cast %swap3A_234 : vector<16xi32> to vector<16xi32>
    %swap3A_236 = vector.shape_cast %sub3A_232 : vector<16xi32> to vector<16xi32>
    tpu.vector_store %arg6[%swap3A_233], %swap3A_236 {strides = array<i32>} : memref<3136xi32, #tpu.memory_space<vmem>>, vector<16xi32>,
    %get3A_237 = arith.constant 368 : index
    %get3A_238 = tpu.vector_load %arg6[%get3A_237] {strides = array<i32>} : memref<3136xi32, #tpu.memory_space<vmem>>, vector<16xi32>,
    %get3A_239 = vector.shape_cast %get3A_238 : vector<16xi32> to vector<16xi32>
    %sub3A_240 = arith.constant 1 : i32
    %sub3A_241 = vector.broadcast %sub3A_240 : i32 to vector<16xi32>
    %sub3A_242 = arith.subi %get3A_239, %sub3A_241 : vector<16xi32>
    %swap3A_243 = arith.constant 368 : index
    %swap3A_244 = tpu.vector_load %arg6[%swap3A_243] {strides = array<i32>} : memref<3136xi32, #tpu.memory_space<vmem>>, vector<16xi32>,
    %swap3A_245 = vector.shape_cast %swap3A_244 : vector<16xi32> to vector<16xi32>
    %swap3A_246 = vector.shape_cast %sub3A_242 : vector<16xi32> to vector<16xi32>
    tpu.vector_store %arg6[%swap3A_243], %swap3A_246 {strides = array<i32>} : memref<3136xi32, #tpu.memory_space<vmem>>, vector<16xi32>,
    %get3A_247 = arith.constant 384 : index
    %get3A_248 = tpu.vector_load %arg6[%get3A_247] {strides = array<i32>} : memref<3136xi32, #tpu.memory_space<vmem>>, vector<16xi32>,
    %get3A_249 = vector.shape_cast %get3A_248 : vector<16xi32> to vector<16xi32>
    %sub3A_250 = arith.constant 1 : i32
    %sub3A_251 = vector.broadcast %sub3A_250 : i32 to vector<16xi32>
    %sub3A_252 = arith.subi %get3A_249, %sub3A_251 : vector<16xi32>
    %swap3A_253 = arith.constant 384 : index
    %swap3A_254 = tpu.vector_load %arg6[%swap3A_253] {strides = array<i32>} : memref<3136xi32, #tpu.memory_space<vmem>>, vector<16xi32>,
    %swap3A_255 = vector.shape_cast %swap3A_254 : vector<16xi32> to vector<16xi32>
    %swap3A_256 = vector.shape_cast %sub3A_252 : vector<16xi32> to vector<16xi32>
    tpu.vector_store %arg6[%swap3A_253], %swap3A_256 {strides = array<i32>} : memref<3136xi32, #tpu.memory_space<vmem>>, vector<16xi32>,
    %get3A_257 = arith.constant 400 : index
    %get3A_258 = tpu.vector_load %arg6[%get3A_257] {strides = array<i32>} : memref<3136xi32, #tpu.memory_space<vmem>>, vector<16xi32>,
    %get3A_259 = vector.shape_cast %get3A_258 : vector<16xi32> to vector<16xi32>
    %sub3A_260 = arith.constant 1 : i32
    %sub3A_261 = vector.broadcast %sub3A_260 : i32 to vector<16xi32>
    %sub3A_262 = arith.subi %get3A_259, %sub3A_261 : vector<16xi32>
    %swap3A_263 = arith.constant 400 : index
    %swap3A_264 = tpu.vector_load %arg6[%swap3A_263] {strides = array<i32>} : memref<3136xi32, #tpu.memory_space<vmem>>, vector<16xi32>,
    %swap3A_265 = vector.shape_cast %swap3A_264 : vector<16xi32> to vector<16xi32>
    %swap3A_266 = vector.shape_cast %sub3A_262 : vector<16xi32> to vector<16xi32>
    tpu.vector_store %arg6[%swap3A_263], %swap3A_266 {strides = array<i32>} : memref<3136xi32, #tpu.memory_space<vmem>>, vector<16xi32>,
    %get3A_267 = arith.constant 416 : index
    %get3A_268 = tpu.vector_load %arg6[%get3A_267] {strides = array<i32>} : memref<3136xi32, #tpu.memory_space<vmem>>, vector<16xi32>,
    %get3A_269 = vector.shape_cast %get3A_268 : vector<16xi32> to vector<16xi32>
    %sub3A_270 = arith.constant 1 : i32
    %sub3A_271 = vector.broadcast %sub3A_270 : i32 to vector<16xi32>
    %sub3A_272 = arith.subi %get3A_269, %sub3A_271 : vector<16xi32>
    %swap3A_273 = arith.constant 416 : index
    %swap3A_274 = tpu.vector_load %arg6[%swap3A_273] {strides = array<i32>} : memref<3136xi32, #tpu.memory_space<vmem>>, vector<16xi32>,
    %swap3A_275 = vector.shape_cast %swap3A_274 : vector<16xi32> to vector<16xi32>
    %swap3A_276 = vector.shape_cast %sub3A_272 : vector<16xi32> to vector<16xi32>
    tpu.vector_store %arg6[%swap3A_273], %swap3A_276 {strides = array<i32>} : memref<3136xi32, #tpu.memory_space<vmem>>, vector<16xi32>,
    %get3A_277 = arith.constant 432 : index
    %get3A_278 = tpu.vector_load %arg6[%get3A_277] {strides = array<i32>} : memref<3136xi32, #tpu.memory_space<vmem>>, vector<16xi32>,
    %get3A_279 = vector.shape_cast %get3A_278 : vector<16xi32> to vector<16xi32>
    %sub3A_280 = arith.constant 1 : i32
    %sub3A_281 = vector.broadcast %sub3A_280 : i32 to vector<16xi32>
    %sub3A_282 = arith.subi %get3A_279, %sub3A_281 : vector<16xi32>
    %swap3A_283 = arith.constant 432 : index
    %swap3A_284 = tpu.vector_load %arg6[%swap3A_283] {strides = array<i32>} : memref<3136xi32, #tpu.memory_space<vmem>>, vector<16xi32>,
    %swap3A_285 = vector.shape_cast %swap3A_284 : vector<16xi32> to vector<16xi32>
    %swap3A_286 = vector.shape_cast %sub3A_282 : vector<16xi32> to vector<16xi32>
    tpu.vector_store %arg6[%swap3A_283], %swap3A_286 {strides = array<i32>} : memref<3136xi32, #tpu.memory_space<vmem>>, vector<16xi32>,
    %get3A_287 = arith.constant 448 : index
    %get3A_288 = tpu.vector_load %arg6[%get3A_287] {strides = array<i32>} : memref<3136xi32, #tpu.memory_space<vmem>>, vector<16xi32>,
    %get3A_289 = vector.shape_cast %get3A_288 : vector<16xi32> to vector<16xi32>
    %sub3A_290 = arith.constant 1 : i32
    %sub3A_291 = vector.broadcast %sub3A_290 : i32 to vector<16xi32>
    %sub3A_292 = arith.subi %get3A_289, %sub3A_291 : vector<16xi32>
    %swap3A_293 = arith.constant 448 : index
    %swap3A_294 = tpu.vector_load %arg6[%swap3A_293] {strides = array<i32>} : memref<3136xi32, #tpu.memory_space<vmem>>, vector<16xi32>,
    %swap3A_295 = vector.shape_cast %swap3A_294 : vector<16xi32> to vector<16xi32>
    %swap3A_296 = vector.shape_cast %sub3A_292 : vector<16xi32> to vector<16xi32>
    tpu.vector_store %arg6[%swap3A_293], %swap3A_296 {strides = array<i32>} : memref<3136xi32, #tpu.memory_space<vmem>>, vector<16xi32>,
    %get3A_297 = arith.constant 464 : index
    %get3A_298 = tpu.vector_load %arg6[%get3A_297] {strides = array<i32>} : memref<3136xi32, #tpu.memory_space<vmem>>, vector<16xi32>,
    %get3A_299 = vector.shape_cast %get3A_298 : vector<16xi32> to vector<16xi32>
    %sub3A_300 = arith.constant 1 : i32
    %sub3A_301 = vector.broadcast %sub3A_300 : i32 to vector<16xi32>
    %sub3A_302 = arith.subi %get3A_299, %sub3A_301 : vector<16xi32>
    %swap3A_303 = arith.constant 464 : index
    %swap3A_304 = tpu.vector_load %arg6[%swap3A_303] {strides = array<i32>} : memref<3136xi32, #tpu.memory_space<vmem>>, vector<16xi32>,
    %swap3A_305 = vector.shape_cast %swap3A_304 : vector<16xi32> to vector<16xi32>
    %swap3A_306 = vector.shape_cast %sub3A_302 : vector<16xi32> to vector<16xi32>
    tpu.vector_store %arg6[%swap3A_303], %swap3A_306 {strides = array<i32>} : memref<3136xi32, #tpu.memory_space<vmem>>, vector<16xi32>,
    %get3A_307 = arith.constant 480 : index
    %get3A_308 = tpu.vector_load %arg6[%get3A_307] {strides = array<i32>} : memref<3136xi32, #tpu.memory_space<vmem>>, vector<16xi32>,
    %get3A_309 = vector.shape_cast %get3A_308 : vector<16xi32> to vector<16xi32>
    %sub3A_310 = arith.constant 1 : i32
    %sub3A_311 = vector.broadcast %sub3A_310 : i32 to vector<16xi32>
    %sub3A_312 = arith.subi %get3A_309, %sub3A_311 : vector<16xi32>
    %swap3A_313 = arith.constant 480 : index
    %swap3A_314 = tpu.vector_load %arg6[%swap3A_313] {strides = array<i32>} : memref<3136xi32, #tpu.memory_space<vmem>>, vector<16xi32>,
    %swap3A_315 = vector.shape_cast %swap3A_314 : vector<16xi32> to vector<16xi32>
    %swap3A_316 = vector.shape_cast %sub3A_312 : vector<16xi32> to vector<16xi32>
    tpu.vector_store %arg6[%swap3A_313], %swap3A_316 {strides = array<i32>} : memref<3136xi32, #tpu.memory_space<vmem>>, vector<16xi32>,
    %get3A_317 = arith.constant 496 : index
    %get3A_318 = tpu.vector_load %arg6[%get3A_317] {strides = array<i32>} : memref<3136xi32, #tpu.memory_space<vmem>>, vector<16xi32>,
    %get3A_319 = vector.shape_cast %get3A_318 : vector<16xi32> to vector<16xi32>
    %sub3A_320 = arith.constant 1 : i32
    %sub3A_321 = vector.broadcast %sub3A_320 : i32 to vector<16xi32>
    %sub3A_322 = arith.subi %get3A_319, %sub3A_321 : vector<16xi32>
    %swap3A_323 = arith.constant 496 : index
    %swap3A_324 = tpu.vector_load %arg6[%swap3A_323] {strides = array<i32>} : memref<3136xi32, #tpu.memory_space<vmem>>, vector<16xi32>,
    %swap3A_325 = vector.shape_cast %swap3A_324 : vector<16xi32> to vector<16xi32>
    %swap3A_326 = vector.shape_cast %sub3A_322 : vector<16xi32> to vector<16xi32>
    tpu.vector_store %arg6[%swap3A_323], %swap3A_326 {strides = array<i32>} : memref<3136xi32, #tpu.memory_space<vmem>>, vector<16xi32>,
    %get3A_327 = arith.constant 512 : index
    %get3A_328 = tpu.vector_load %arg6[%get3A_327] {strides = array<i32>} : memref<3136xi32, #tpu.memory_space<vmem>>, vector<16xi32>,
    %get3A_329 = vector.shape_cast %get3A_328 : vector<16xi32> to vector<16xi32>
    %sub3A_330 = arith.constant 1 : i32
    %sub3A_331 = vector.broadcast %sub3A_330 : i32 to vector<16xi32>
    %sub3A_332 = arith.subi %get3A_329, %sub3A_331 : vector<16xi32>
    %swap3A_333 = arith.constant 512 : index
    %swap3A_334 = tpu.vector_load %arg6[%swap3A_333] {strides = array<i32>} : memref<3136xi32, #tpu.memory_space<vmem>>, vector<16xi32>,
    %swap3A_335 = vector.shape_cast %swap3A_334 : vector<16xi32> to vector<16xi32>
    %swap3A_336 = vector.shape_cast %sub3A_332 : vector<16xi32> to vector<16xi32>
    tpu.vector_store %arg6[%swap3A_333], %swap3A_336 {strides = array<i32>} : memref<3136xi32, #tpu.memory_space<vmem>>, vector<16xi32>,
    %get3A_337 = arith.constant 528 : index
    %get3A_338 = tpu.vector_load %arg6[%get3A_337] {strides = array<i32>} : memref<3136xi32, #tpu.memory_space<vmem>>, vector<16xi32>,
    %get3A_339 = vector.shape_cast %get3A_338 : vector<16xi32> to vector<16xi32>
    %sub3A_340 = arith.constant 1 : i32
    %sub3A_341 = vector.broadcast %sub3A_340 : i32 to vector<16xi32>
    %sub3A_342 = arith.subi %get3A_339, %sub3A_341 : vector<16xi32>
    %swap3A_343 = arith.constant 528 : index
    %swap3A_344 = tpu.vector_load %arg6[%swap3A_343] {strides = array<i32>} : memref<3136xi32, #tpu.memory_space<vmem>>, vector<16xi32>,
    %swap3A_345 = vector.shape_cast %swap3A_344 : vector<16xi32> to vector<16xi32>
    %swap3A_346 = vector.shape_cast %sub3A_342 : vector<16xi32> to vector<16xi32>
    tpu.vector_store %arg6[%swap3A_343], %swap3A_346 {strides = array<i32>} : memref<3136xi32, #tpu.memory_space<vmem>>, vector<16xi32>,
    %get3A_347 = arith.constant 544 : index
    %get3A_348 = tpu.vector_load %arg6[%get3A_347] {strides = array<i32>} : memref<3136xi32, #tpu.memory_space<vmem>>, vector<16xi32>,
    %get3A_349 = vector.shape_cast %get3A_348 : vector<16xi32> to vector<16xi32>
    %sub3A_350 = arith.constant 1 : i32
    %sub3A_351 = vector.broadcast %sub3A_350 : i32 to vector<16xi32>
    %sub3A_352 = arith.subi %get3A_349, %sub3A_351 : vector<16xi32>
    %swap3A_353 = arith.constant 544 : index
    %swap3A_354 = tpu.vector_load %arg6[%swap3A_353] {strides = array<i32>} : memref<3136xi32, #tpu.memory_space<vmem>>, vector<16xi32>,
    %swap3A_355 = vector.shape_cast %swap3A_354 : vector<16xi32> to vector<16xi32>
    %swap3A_356 = vector.shape_cast %sub3A_352 : vector<16xi32> to vector<16xi32>
    tpu.vector_store %arg6[%swap3A_353], %swap3A_356 {strides = array<i32>} : memref<3136xi32, #tpu.memory_space<vmem>>, vector<16xi32>,
    %get3A_357 = arith.constant 560 : index
    %get3A_358 = tpu.vector_load %arg6[%get3A_357] {strides = array<i32>} : memref<3136xi32, #tpu.memory_space<vmem>>, vector<16xi32>,
    %get3A_359 = vector.shape_cast %get3A_358 : vector<16xi32> to vector<16xi32>
    %sub3A_360 = arith.constant 1 : i32
    %sub3A_361 = vector.broadcast %sub3A_360 : i32 to vector<16xi32>
    %sub3A_362 = arith.subi %get3A_359, %sub3A_361 : vector<16xi32>
    %swap3A_363 = arith.constant 560 : index
    %swap3A_364 = tpu.vector_load %arg6[%swap3A_363] {strides = array<i32>} : memref<3136xi32, #tpu.memory_space<vmem>>, vector<16xi32>,
    %swap3A_365 = vector.shape_cast %swap3A_364 : vector<16xi32> to vector<16xi32>
    %swap3A_366 = vector.shape_cast %sub3A_362 : vector<16xi32> to vector<16xi32>
    tpu.vector_store %arg6[%swap3A_363], %swap3A_366 {strides = array<i32>} : memref<3136xi32, #tpu.memory_space<vmem>>, vector<16xi32>,
    %get3A_367 = arith.constant 576 : index
    %get3A_368 = tpu.vector_load %arg6[%get3A_367] {strides = array<i32>} : memref<3136xi32, #tpu.memory_space<vmem>>, vector<16xi32>,
    %get3A_369 = vector.shape_cast %get3A_368 : vector<16xi32> to vector<16xi32>
    %sub3A_370 = arith.constant 1 : i32
    %sub3A_371 = vector.broadcast %sub3A_370 : i32 to vector<16xi32>
    %sub3A_372 = arith.subi %get3A_369, %sub3A_371 : vector<16xi32>
    %swap3A_373 = arith.constant 576 : index
    %swap3A_374 = tpu.vector_load %arg6[%swap3A_373] {strides = array<i32>} : memref<3136xi32, #tpu.memory_space<vmem>>, vector<16xi32>,
    %swap3A_375 = vector.shape_cast %swap3A_374 : vector<16xi32> to vector<16xi32>
    %swap3A_376 = vector.shape_cast %sub3A_372 : vector<16xi32> to vector<16xi32>
    tpu.vector_store %arg6[%swap3A_373], %swap3A_376 {strides = array<i32>} : memref<3136xi32, #tpu.memory_space<vmem>>, vector<16xi32>,
    %get3A_377 = arith.constant 592 : index
    %get3A_378 = tpu.vector_load %arg6[%get3A_377] {strides = array<i32>} : memref<3136xi32, #tpu.memory_space<vmem>>, vector<16xi32>,
    %get3A_379 = vector.shape_cast %get3A_378 : vector<16xi32> to vector<16xi32>
    %sub3A_380 = arith.constant 1 : i32
    %sub3A_381 = vector.broadcast %sub3A_380 : i32 to vector<16xi32>
    %sub3A_382 = arith.subi %get3A_379, %sub3A_381 : vector<16xi32>
    %swap3A_383 = arith.constant 592 : index
    %swap3A_384 = tpu.vector_load %arg6[%swap3A_383] {strides = array<i32>} : memref<3136xi32, #tpu.memory_space<vmem>>, vector<16xi32>,
    %swap3A_385 = vector.shape_cast %swap3A_384 : vector<16xi32> to vector<16xi32>
    %swap3A_386 = vector.shape_cast %sub3A_382 : vector<16xi32> to vector<16xi32>
    tpu.vector_store %arg6[%swap3A_383], %swap3A_386 {strides = array<i32>} : memref<3136xi32, #tpu.memory_space<vmem>>, vector<16xi32>,
    %get3A_387 = arith.constant 608 : index
    %get3A_388 = tpu.vector_load %arg6[%get3A_387] {strides = array<i32>} : memref<3136xi32, #tpu.memory_space<vmem>>, vector<16xi32>,
    %get3A_389 = vector.shape_cast %get3A_388 : vector<16xi32> to vector<16xi32>
    %sub3A_390 = arith.constant 1 : i32
    %sub3A_391 = vector.broadcast %sub3A_390 : i32 to vector<16xi32>
    %sub3A_392 = arith.subi %get3A_389, %sub3A_391 : vector<16xi32>
    %swap3A_393 = arith.constant 608 : index
    %swap3A_394 = tpu.vector_load %arg6[%swap3A_393] {strides = array<i32>} : memref<3136xi32, #tpu.memory_space<vmem>>, vector<16xi32>,
    %swap3A_395 = vector.shape_cast %swap3A_394 : vector<16xi32> to vector<16xi32>
    %swap3A_396 = vector.shape_cast %sub3A_392 : vector<16xi32> to vector<16xi32>
    tpu.vector_store %arg6[%swap3A_393], %swap3A_396 {strides = array<i32>} : memref<3136xi32, #tpu.memory_space<vmem>>, vector<16xi32>,
    %get3A_397 = arith.constant 624 : index
    %get3A_398 = tpu.vector_load %arg6[%get3A_397] {strides = array<i32>} : memref<3136xi32, #tpu.memory_space<vmem>>, vector<16xi32>,
    %get3A_399 = vector.shape_cast %get3A_398 : vector<16xi32> to vector<16xi32>
    %sub3A_400 = arith.constant 1 : i32
    %sub3A_401 = vector.broadcast %sub3A_400 : i32 to vector<16xi32>
    %sub3A_402 = arith.subi %get3A_399, %sub3A_401 : vector<16xi32>
    %swap3A_403 = arith.constant 624 : index
    %swap3A_404 = tpu.vector_load %arg6[%swap3A_403] {strides = array<i32>} : memref<3136xi32, #tpu.memory_space<vmem>>, vector<16xi32>,
    %swap3A_405 = vector.shape_cast %swap3A_404 : vector<16xi32> to vector<16xi32>
    %swap3A_406 = vector.shape_cast %sub3A_402 : vector<16xi32> to vector<16xi32>
    tpu.vector_store %arg6[%swap3A_403], %swap3A_406 {strides = array<i32>} : memref<3136xi32, #tpu.memory_space<vmem>>, vector<16xi32>,
    %get3A_407 = arith.constant 640 : index
    %get3A_408 = tpu.vector_load %arg6[%get3A_407] {strides = array<i32>} : memref<3136xi32, #tpu.memory_space<vmem>>, vector<16xi32>,
    %get3A_409 = vector.shape_cast %get3A_408 : vector<16xi32> to vector<16xi32>
    %sub3A_410 = arith.constant 1 : i32
    %sub3A_411 = vector.broadcast %sub3A_410 : i32 to vector<16xi32>
    %sub3A_412 = arith.subi %get3A_409, %sub3A_411 : vector<16xi32>
    %swap3A_413 = arith.constant 640 : index
    %swap3A_414 = tpu.vector_load %arg6[%swap3A_413] {strides = array<i32>} : memref<3136xi32, #tpu.memory_space<vmem>>, vector<16xi32>,
    %swap3A_415 = vector.shape_cast %swap3A_414 : vector<16xi32> to vector<16xi32>
    %swap3A_416 = vector.shape_cast %sub3A_412 : vector<16xi32> to vector<16xi32>
    tpu.vector_store %arg6[%swap3A_413], %swap3A_416 {strides = array<i32>} : memref<3136xi32, #tpu.memory_space<vmem>>, vector<16xi32>,
    %get3A_417 = arith.constant 656 : index
    %get3A_418 = tpu.vector_load %arg6[%get3A_417] {strides = array<i32>} : memref<3136xi32, #tpu.memory_space<vmem>>, vector<16xi32>,
    %get3A_419 = vector.shape_cast %get3A_418 : vector<16xi32> to vector<16xi32>
    %sub3A_420 = arith.constant 1 : i32
    %sub3A_421 = vector.broadcast %sub3A_420 : i32 to vector<16xi32>
    %sub3A_422 = arith.subi %get3A_419, %sub3A_421 : vector<16xi32>
    %swap3A_423 = arith.constant 656 : index
    %swap3A_424 = tpu.vector_load %arg6[%swap3A_423] {strides = array<i32>} : memref<3136xi32, #tpu.memory_space<vmem>>, vector<16xi32>,
    %swap3A_425 = vector.shape_cast %swap3A_424 : vector<16xi32> to vector<16xi32>
    %swap3A_426 = vector.shape_cast %sub3A_422 : vector<16xi32> to vector<16xi32>
    tpu.vector_store %arg6[%swap3A_423], %swap3A_426 {strides = array<i32>} : memref<3136xi32, #tpu.memory_space<vmem>>, vector<16xi32>,
    %get3A_427 = arith.constant 672 : index
    %get3A_428 = tpu.vector_load %arg6[%get3A_427] {strides = array<i32>} : memref<3136xi32, #tpu.memory_space<vmem>>, vector<16xi32>,
    %get3A_429 = vector.shape_cast %get3A_428 : vector<16xi32> to vector<16xi32>
    %sub3A_430 = arith.constant 1 : i32
    %sub3A_431 = vector.broadcast %sub3A_430 : i32 to vector<16xi32>
    %sub3A_432 = arith.subi %get3A_429, %sub3A_431 : vector<16xi32>
    %swap3A_433 = arith.constant 672 : index
    %swap3A_434 = tpu.vector_load %arg6[%swap3A_433] {strides = array<i32>} : memref<3136xi32, #tpu.memory_space<vmem>>, vector<16xi32>,
    %swap3A_435 = vector.shape_cast %swap3A_434 : vector<16xi32> to vector<16xi32>
    %swap3A_436 = vector.shape_cast %sub3A_432 : vector<16xi32> to vector<16xi32>
    tpu.vector_store %arg6[%swap3A_433], %swap3A_436 {strides = array<i32>} : memref<3136xi32, #tpu.memory_space<vmem>>, vector<16xi32>,
    %get3A_437 = arith.constant 688 : index
    %get3A_438 = tpu.vector_load %arg6[%get3A_437] {strides = array<i32>} : memref<3136xi32, #tpu.memory_space<vmem>>, vector<16xi32>,
    %get3A_439 = vector.shape_cast %get3A_438 : vector<16xi32> to vector<16xi32>
    %sub3A_440 = arith.constant 1 : i32
    %sub3A_441 = vector.broadcast %sub3A_440 : i32 to vector<16xi32>
    %sub3A_442 = arith.subi %get3A_439, %sub3A_441 : vector<16xi32>
    %swap3A_443 = arith.constant 688 : index
    %swap3A_444 = tpu.vector_load %arg6[%swap3A_443] {strides = array<i32>} : memref<3136xi32, #tpu.memory_space<vmem>>, vector<16xi32>,
    %swap3A_445 = vector.shape_cast %swap3A_444 : vector<16xi32> to vector<16xi32>
    %swap3A_446 = vector.shape_cast %sub3A_442 : vector<16xi32> to vector<16xi32>
    tpu.vector_store %arg6[%swap3A_443], %swap3A_446 {strides = array<i32>} : memref<3136xi32, #tpu.memory_space<vmem>>, vector<16xi32>,
    %get3A_447 = arith.constant 704 : index
    %get3A_448 = tpu.vector_load %arg6[%get3A_447] {strides = array<i32>} : memref<3136xi32, #tpu.memory_space<vmem>>, vector<16xi32>,
    %get3A_449 = vector.shape_cast %get3A_448 : vector<16xi32> to vector<16xi32>
    %sub3A_450 = arith.constant 1 : i32
    %sub3A_451 = vector.broadcast %sub3A_450 : i32 to vector<16xi32>
    %sub3A_452 = arith.subi %get3A_449, %sub3A_451 : vector<16xi32>
    %swap3A_453 = arith.constant 704 : index
    %swap3A_454 = tpu.vector_load %arg6[%swap3A_453] {strides = array<i32>} : memref<3136xi32, #tpu.memory_space<vmem>>, vector<16xi32>,
    %swap3A_455 = vector.shape_cast %swap3A_454 : vector<16xi32> to vector<16xi32>
    %swap3A_456 = vector.shape_cast %sub3A_452 : vector<16xi32> to vector<16xi32>
    tpu.vector_store %arg6[%swap3A_453], %swap3A_456 {strides = array<i32>} : memref<3136xi32, #tpu.memory_space<vmem>>, vector<16xi32>,
    %get3A_457 = arith.constant 720 : index
    %get3A_458 = tpu.vector_load %arg6[%get3A_457] {strides = array<i32>} : memref<3136xi32, #tpu.memory_space<vmem>>, vector<16xi32>,
    %get3A_459 = vector.shape_cast %get3A_458 : vector<16xi32> to vector<16xi32>
    %sub3A_460 = arith.constant 1 : i32
    %sub3A_461 = vector.broadcast %sub3A_460 : i32 to vector<16xi32>
    %sub3A_462 = arith.subi %get3A_459, %sub3A_461 : vector<16xi32>
    %swap3A_463 = arith.constant 720 : index
    %swap3A_464 = tpu.vector_load %arg6[%swap3A_463] {strides = array<i32>} : memref<3136xi32, #tpu.memory_space<vmem>>, vector<16xi32>,
    %swap3A_465 = vector.shape_cast %swap3A_464 : vector<16xi32> to vector<16xi32>
    %swap3A_466 = vector.shape_cast %sub3A_462 : vector<16xi32> to vector<16xi32>
    tpu.vector_store %arg6[%swap3A_463], %swap3A_466 {strides = array<i32>} : memref<3136xi32, #tpu.memory_space<vmem>>, vector<16xi32>,
    %get3A_467 = arith.constant 736 : index
    %get3A_468 = tpu.vector_load %arg6[%get3A_467] {strides = array<i32>} : memref<3136xi32, #tpu.memory_space<vmem>>, vector<16xi32>,
    %get3A_469 = vector.shape_cast %get3A_468 : vector<16xi32> to vector<16xi32>
    %sub3A_470 = arith.constant 1 : i32
    %sub3A_471 = vector.broadcast %sub3A_470 : i32 to vector<16xi32>
    %sub3A_472 = arith.subi %get3A_469, %sub3A_471 : vector<16xi32>
    %swap3A_473 = arith.constant 736 : index
    %swap3A_474 = tpu.vector_load %arg6[%swap3A_473] {strides = array<i32>} : memref<3136xi32, #tpu.memory_space<vmem>>, vector<16xi32>,
    %swap3A_475 = vector.shape_cast %swap3A_474 : vector<16xi32> to vector<16xi32>
    %swap3A_476 = vector.shape_cast %sub3A_472 : vector<16xi32> to vector<16xi32>
    tpu.vector_store %arg6[%swap3A_473], %swap3A_476 {strides = array<i32>} : memref<3136xi32, #tpu.memory_space<vmem>>, vector<16xi32>,
    %get3A_477 = arith.constant 752 : index
    %get3A_478 = tpu.vector_load %arg6[%get3A_477] {strides = array<i32>} : memref<3136xi32, #tpu.memory_space<vmem>>, vector<16xi32>,
    %get3A_479 = vector.shape_cast %get3A_478 : vector<16xi32> to vector<16xi32>
    %sub3A_480 = arith.constant 1 : i32
    %sub3A_481 = vector.broadcast %sub3A_480 : i32 to vector<16xi32>
    %sub3A_482 = arith.subi %get3A_479, %sub3A_481 : vector<16xi32>
    %swap3A_483 = arith.constant 752 : index
    %swap3A_484 = tpu.vector_load %arg6[%swap3A_483] {strides = array<i32>} : memref<3136xi32, #tpu.memory_space<vmem>>, vector<16xi32>,
    %swap3A_485 = vector.shape_cast %swap3A_484 : vector<16xi32> to vector<16xi32>
    %swap3A_486 = vector.shape_cast %sub3A_482 : vector<16xi32> to vector<16xi32>
    tpu.vector_store %arg6[%swap3A_483], %swap3A_486 {strides = array<i32>} : memref<3136xi32, #tpu.memory_space<vmem>>, vector<16xi32>,
    %get3A_487 = arith.constant 768 : index
    %get3A_488 = tpu.vector_load %arg6[%get3A_487] {strides = array<i32>} : memref<3136xi32, #tpu.memory_space<vmem>>, vector<16xi32>,
    %get3A_489 = vector.shape_cast %get3A_488 : vector<16xi32> to vector<16xi32>
    %sub3A_490 = arith.constant 1 : i32
    %sub3A_491 = vector.broadcast %sub3A_490 : i32 to vector<16xi32>
    %sub3A_492 = arith.subi %get3A_489, %sub3A_491 : vector<16xi32>
    %swap3A_493 = arith.constant 768 : index
    %swap3A_494 = tpu.vector_load %arg6[%swap3A_493] {strides = array<i32>} : memref<3136xi32, #tpu.memory_space<vmem>>, vector<16xi32>,
    %swap3A_495 = vector.shape_cast %swap3A_494 : vector<16xi32> to vector<16xi32>
    %swap3A_496 = vector.shape_cast %sub3A_492 : vector<16xi32> to vector<16xi32>
    tpu.vector_store %arg6[%swap3A_493], %swap3A_496 {strides = array<i32>} : memref<3136xi32, #tpu.memory_space<vmem>>, vector<16xi32>,
    %get3A_497 = arith.constant 784 : index
    %get3A_498 = tpu.vector_load %arg6[%get3A_497] {strides = array<i32>} : memref<3136xi32, #tpu.memory_space<vmem>>, vector<16xi32>,
    %get3A_499 = vector.shape_cast %get3A_498 : vector<16xi32> to vector<16xi32>
    %sub3A_500 = arith.constant 1 : i32
    %sub3A_501 = vector.broadcast %sub3A_500 : i32 to vector<16xi32>
    %sub3A_502 = arith.subi %get3A_499, %sub3A_501 : vector<16xi32>
    %swap3A_503 = arith.constant 784 : index
    %swap3A_504 = tpu.vector_load %arg6[%swap3A_503] {strides = array<i32>} : memref<3136xi32, #tpu.memory_space<vmem>>, vector<16xi32>,
    %swap3A_505 = vector.shape_cast %swap3A_504 : vector<16xi32> to vector<16xi32>
    %swap3A_506 = vector.shape_cast %sub3A_502 : vector<16xi32> to vector<16xi32>
    tpu.vector_store %arg6[%swap3A_503], %swap3A_506 {strides = array<i32>} : memref<3136xi32, #tpu.memory_space<vmem>>, vector<16xi32>,
    %get3A_507 = arith.constant 800 : index
    %get3A_508 = tpu.vector_load %arg6[%get3A_507] {strides = array<i32>} : memref<3136xi32, #tpu.memory_space<vmem>>, vector<16xi32>,
    %get3A_509 = vector.shape_cast %get3A_508 : vector<16xi32> to vector<16xi32>
    %sub3A_510 = arith.constant 1 : i32
    %sub3A_511 = vector.broadcast %sub3A_510 : i32 to vector<16xi32>
    %sub3A_512 = arith.subi %get3A_509, %sub3A_511 : vector<16xi32>
    %swap3A_513 = arith.constant 800 : index
    %swap3A_514 = tpu.vector_load %arg6[%swap3A_513] {strides = array<i32>} : memref<3136xi32, #tpu.memory_space<vmem>>, vector<16xi32>,
    %swap3A_515 = vector.shape_cast %swap3A_514 : vector<16xi32> to vector<16xi32>
    %swap3A_516 = vector.shape_cast %sub3A_512 : vector<16xi32> to vector<16xi32>
    tpu.vector_store %arg6[%swap3A_513], %swap3A_516 {strides = array<i32>} : memref<3136xi32, #tpu.memory_space<vmem>>, vector<16xi32>,
    %get3A_517 = arith.constant 816 : index
    %get3A_518 = tpu.vector_load %arg6[%get3A_517] {strides = array<i32>} : memref<3136xi32, #tpu.memory_space<vmem>>, vector<16xi32>,
    %get3A_519 = vector.shape_cast %get3A_518 : vector<16xi32> to vector<16xi32>
    %sub3A_520 = arith.constant 1 : i32
    %sub3A_521 = vector.broadcast %sub3A_520 : i32 to vector<16xi32>
    %sub3A_522 = arith.subi %get3A_519, %sub3A_521 : vector<16xi32>
    %swap3A_523 = arith.constant 816 : index
    %swap3A_524 = tpu.vector_load %arg6[%swap3A_523] {strides = array<i32>} : memref<3136xi32, #tpu.memory_space<vmem>>, vector<16xi32>,
    %swap3A_525 = vector.shape_cast %swap3A_524 : vector<16xi32> to vector<16xi32>
    %swap3A_526 = vector.shape_cast %sub3A_522 : vector<16xi32> to vector<16xi32>
    tpu.vector_store %arg6[%swap3A_523], %swap3A_526 {strides = array<i32>} : memref<3136xi32, #tpu.memory_space<vmem>>, vector<16xi32>,
    %get3A_527 = arith.constant 832 : index
    %get3A_528 = tpu.vector_load %arg6[%get3A_527] {strides = array<i32>} : memref<3136xi32, #tpu.memory_space<vmem>>, vector<16xi32>,
    %get3A_529 = vector.shape_cast %get3A_528 : vector<16xi32> to vector<16xi32>
    %sub3A_530 = arith.constant 1 : i32
    %sub3A_531 = vector.broadcast %sub3A_530 : i32 to vector<16xi32>
    %sub3A_532 = arith.subi %get3A_529, %sub3A_531 : vector<16xi32>
    %swap3A_533 = arith.constant 832 : index
    %swap3A_534 = tpu.vector_load %arg6[%swap3A_533] {strides = array<i32>} : memref<3136xi32, #tpu.memory_space<vmem>>, vector<16xi32>,
    %swap3A_535 = vector.shape_cast %swap3A_534 : vector<16xi32> to vector<16xi32>
    %swap3A_536 = vector.shape_cast %sub3A_532 : vector<16xi32> to vector<16xi32>
    tpu.vector_store %arg6[%swap3A_533], %swap3A_536 {strides = array<i32>} : memref<3136xi32, #tpu.memory_space<vmem>>, vector<16xi32>,
    %get3A_537 = arith.constant 848 : index
    %get3A_538 = tpu.vector_load %arg6[%get3A_537] {strides = array<i32>} : memref<3136xi32, #tpu.memory_space<vmem>>, vector<16xi32>,
    %get3A_539 = vector.shape_cast %get3A_538 : vector<16xi32> to vector<16xi32>
    %sub3A_540 = arith.constant 1 : i32
    %sub3A_541 = vector.broadcast %sub3A_540 : i32 to vector<16xi32>
    %sub3A_542 = arith.subi %get3A_539, %sub3A_541 : vector<16xi32>
    %swap3A_543 = arith.constant 848 : index
    %swap3A_544 = tpu.vector_load %arg6[%swap3A_543] {strides = array<i32>} : memref<3136xi32, #tpu.memory_space<vmem>>, vector<16xi32>,
    %swap3A_545 = vector.shape_cast %swap3A_544 : vector<16xi32> to vector<16xi32>
    %swap3A_546 = vector.shape_cast %sub3A_542 : vector<16xi32> to vector<16xi32>
    tpu.vector_store %arg6[%swap3A_543], %swap3A_546 {strides = array<i32>} : memref<3136xi32, #tpu.memory_space<vmem>>, vector<16xi32>,
    %get3A_547 = arith.constant 864 : index
    %get3A_548 = tpu.vector_load %arg6[%get3A_547] {strides = array<i32>} : memref<3136xi32, #tpu.memory_space<vmem>>, vector<16xi32>,
    %get3A_549 = vector.shape_cast %get3A_548 : vector<16xi32> to vector<16xi32>
    %sub3A_550 = arith.constant 1 : i32
    %sub3A_551 = vector.broadcast %sub3A_550 : i32 to vector<16xi32>
    %sub3A_552 = arith.subi %get3A_549, %sub3A_551 : vector<16xi32>
    %swap3A_553 = arith.constant 864 : index
    %swap3A_554 = tpu.vector_load %arg6[%swap3A_553] {strides = array<i32>} : memref<3136xi32, #tpu.memory_space<vmem>>, vector<16xi32>,
    %swap3A_555 = vector.shape_cast %swap3A_554 : vector<16xi32> to vector<16xi32>
    %swap3A_556 = vector.shape_cast %sub3A_552 : vector<16xi32> to vector<16xi32>
    tpu.vector_store %arg6[%swap3A_553], %swap3A_556 {strides = array<i32>} : memref<3136xi32, #tpu.memory_space<vmem>>, vector<16xi32>,
    %get3A_557 = arith.constant 880 : index
    %get3A_558 = tpu.vector_load %arg6[%get3A_557] {strides = array<i32>} : memref<3136xi32, #tpu.memory_space<vmem>>, vector<16xi32>,
    %get3A_559 = vector.shape_cast %get3A_558 : vector<16xi32> to vector<16xi32>
    %sub3A_560 = arith.constant 1 : i32
    %sub3A_561 = vector.broadcast %sub3A_560 : i32 to vector<16xi32>
    %sub3A_562 = arith.subi %get3A_559, %sub3A_561 : vector<16xi32>
    %swap3A_563 = arith.constant 880 : index
    %swap3A_564 = tpu.vector_load %arg6[%swap3A_563] {strides = array<i32>} : memref<3136xi32, #tpu.memory_space<vmem>>, vector<16xi32>,
    %swap3A_565 = vector.shape_cast %swap3A_564 : vector<16xi32> to vector<16xi32>
    %swap3A_566 = vector.shape_cast %sub3A_562 : vector<16xi32> to vector<16xi32>
    tpu.vector_store %arg6[%swap3A_563], %swap3A_566 {strides = array<i32>} : memref<3136xi32, #tpu.memory_space<vmem>>, vector<16xi32>,
    %get3A_567 = arith.constant 896 : index
    %get3A_568 = tpu.vector_load %arg6[%get3A_567] {strides = array<i32>} : memref<3136xi32, #tpu.memory_space<vmem>>, vector<16xi32>,
    %get3A_569 = vector.shape_cast %get3A_568 : vector<16xi32> to vector<16xi32>
    %sub3A_570 = arith.constant 1 : i32
    %sub3A_571 = vector.broadcast %sub3A_570 : i32 to vector<16xi32>
    %sub3A_572 = arith.subi %get3A_569, %sub3A_571 : vector<16xi32>
    %swap3A_573 = arith.constant 896 : index
    %swap3A_574 = tpu.vector_load %arg6[%swap3A_573] {strides = array<i32>} : memref<3136xi32, #tpu.memory_space<vmem>>, vector<16xi32>,
    %swap3A_575 = vector.shape_cast %swap3A_574 : vector<16xi32> to vector<16xi32>
    %swap3A_576 = vector.shape_cast %sub3A_572 : vector<16xi32> to vector<16xi32>
    tpu.vector_store %arg6[%swap3A_573], %swap3A_576 {strides = array<i32>} : memref<3136xi32, #tpu.memory_space<vmem>>, vector<16xi32>,
    %get3A_577 = arith.constant 912 : index
    %get3A_578 = tpu.vector_load %arg6[%get3A_577] {strides = array<i32>} : memref<3136xi32, #tpu.memory_space<vmem>>, vector<16xi32>,
    %get3A_579 = vector.shape_cast %get3A_578 : vector<16xi32> to vector<16xi32>
    %sub3A_580 = arith.constant 1 : i32
    %sub3A_581 = vector.broadcast %sub3A_580 : i32 to vector<16xi32>
    %sub3A_582 = arith.subi %get3A_579, %sub3A_581 : vector<16xi32>
    %swap3A_583 = arith.constant 912 : index
    %swap3A_584 = tpu.vector_load %arg6[%swap3A_583] {strides = array<i32>} : memref<3136xi32, #tpu.memory_space<vmem>>, vector<16xi32>,
    %swap3A_585 = vector.shape_cast %swap3A_584 : vector<16xi32> to vector<16xi32>
    %swap3A_586 = vector.shape_cast %sub3A_582 : vector<16xi32> to vector<16xi32>
    tpu.vector_store %arg6[%swap3A_583], %swap3A_586 {strides = array<i32>} : memref<3136xi32, #tpu.memory_space<vmem>>, vector<16xi32>,
    %get3A_587 = arith.constant 928 : index
    %get3A_588 = tpu.vector_load %arg6[%get3A_587] {strides = array<i32>} : memref<3136xi32, #tpu.memory_space<vmem>>, vector<16xi32>,
    %get3A_589 = vector.shape_cast %get3A_588 : vector<16xi32> to vector<16xi32>
    %sub3A_590 = arith.constant 1 : i32
    %sub3A_591 = vector.broadcast %sub3A_590 : i32 to vector<16xi32>
    %sub3A_592 = arith.subi %get3A_589, %sub3A_591 : vector<16xi32>
    %swap3A_593 = arith.constant 928 : index
    %swap3A_594 = tpu.vector_load %arg6[%swap3A_593] {strides = array<i32>} : memref<3136xi32, #tpu.memory_space<vmem>>, vector<16xi32>,
    %swap3A_595 = vector.shape_cast %swap3A_594 : vector<16xi32> to vector<16xi32>
    %swap3A_596 = vector.shape_cast %sub3A_592 : vector<16xi32> to vector<16xi32>
    tpu.vector_store %arg6[%swap3A_593], %swap3A_596 {strides = array<i32>} : memref<3136xi32, #tpu.memory_space<vmem>>, vector<16xi32>,
    %get3A_597 = arith.constant 944 : index
    %get3A_598 = tpu.vector_load %arg6[%get3A_597] {strides = array<i32>} : memref<3136xi32, #tpu.memory_space<vmem>>, vector<16xi32>,
    %get3A_599 = vector.shape_cast %get3A_598 : vector<16xi32> to vector<16xi32>
    %sub3A_600 = arith.constant 1 : i32
    %sub3A_601 = vector.broadcast %sub3A_600 : i32 to vector<16xi32>
    %sub3A_602 = arith.subi %get3A_599, %sub3A_601 : vector<16xi32>
    %swap3A_603 = arith.constant 944 : index
    %swap3A_604 = tpu.vector_load %arg6[%swap3A_603] {strides = array<i32>} : memref<3136xi32, #tpu.memory_space<vmem>>, vector<16xi32>,
    %swap3A_605 = vector.shape_cast %swap3A_604 : vector<16xi32> to vector<16xi32>
    %swap3A_606 = vector.shape_cast %sub3A_602 : vector<16xi32> to vector<16xi32>
    tpu.vector_store %arg6[%swap3A_603], %swap3A_606 {strides = array<i32>} : memref<3136xi32, #tpu.memory_space<vmem>>, vector<16xi32>,
    %get3A_607 = arith.constant 960 : index
    %get3A_608 = tpu.vector_load %arg6[%get3A_607] {strides = array<i32>} : memref<3136xi32, #tpu.memory_space<vmem>>, vector<16xi32>,
    %get3A_609 = vector.shape_cast %get3A_608 : vector<16xi32> to vector<16xi32>
    %sub3A_610 = arith.constant 1 : i32
    %sub3A_611 = vector.broadcast %sub3A_610 : i32 to vector<16xi32>
    %sub3A_612 = arith.subi %get3A_609, %sub3A_611 : vector<16xi32>
    %swap3A_613 = arith.constant 960 : index
    %swap3A_614 = tpu.vector_load %arg6[%swap3A_613] {strides = array<i32>} : memref<3136xi32, #tpu.memory_space<vmem>>, vector<16xi32>,
    %swap3A_615 = vector.shape_cast %swap3A_614 : vector<16xi32> to vector<16xi32>
    %swap3A_616 = vector.shape_cast %sub3A_612 : vector<16xi32> to vector<16xi32>
    tpu.vector_store %arg6[%swap3A_613], %swap3A_616 {strides = array<i32>} : memref<3136xi32, #tpu.memory_space<vmem>>, vector<16xi32>,
    %get3A_617 = arith.constant 976 : index
    %get3A_618 = tpu.vector_load %arg6[%get3A_617] {strides = array<i32>} : memref<3136xi32, #tpu.memory_space<vmem>>, vector<16xi32>,
    %get3A_619 = vector.shape_cast %get3A_618 : vector<16xi32> to vector<16xi32>
    %sub3A_620 = arith.constant 1 : i32
    %sub3A_621 = vector.broadcast %sub3A_620 : i32 to vector<16xi32>
    %sub3A_622 = arith.subi %get3A_619, %sub3A_621 : vector<16xi32>
    %swap3A_623 = arith.constant 976 : index
    %swap3A_624 = tpu.vector_load %arg6[%swap3A_623] {strides = array<i32>} : memref<3136xi32, #tpu.memory_space<vmem>>, vector<16xi32>,
    %swap3A_625 = vector.shape_cast %swap3A_624 : vector<16xi32> to vector<16xi32>
    %swap3A_626 = vector.shape_cast %sub3A_622 : vector<16xi32> to vector<16xi32>
    tpu.vector_store %arg6[%swap3A_623], %swap3A_626 {strides = array<i32>} : memref<3136xi32, #tpu.memory_space<vmem>>, vector<16xi32>,
    %get3A_627 = arith.constant 992 : index
    %get3A_628 = tpu.vector_load %arg6[%get3A_627] {strides = array<i32>} : memref<3136xi32, #tpu.memory_space<vmem>>, vector<16xi32>,
    %get3A_629 = vector.shape_cast %get3A_628 : vector<16xi32> to vector<16xi32>
    %sub3A_630 = arith.constant 1 : i32
    %sub3A_631 = vector.broadcast %sub3A_630 : i32 to vector<16xi32>
    %sub3A_632 = arith.subi %get3A_629, %sub3A_631 : vector<16xi32>
    %swap3A_633 = arith.constant 992 : index
    %swap3A_634 = tpu.vector_load %arg6[%swap3A_633] {strides = array<i32>} : memref<3136xi32, #tpu.memory_space<vmem>>, vector<16xi32>,
    %swap3A_635 = vector.shape_cast %swap3A_634 : vector<16xi32> to vector<16xi32>
    %swap3A_636 = vector.shape_cast %sub3A_632 : vector<16xi32> to vector<16xi32>
    tpu.vector_store %arg6[%swap3A_633], %swap3A_636 {strides = array<i32>} : memref<3136xi32, #tpu.memory_space<vmem>>, vector<16xi32>,
    %get3A_637 = arith.constant 1008 : index
    %get3A_638 = tpu.vector_load %arg6[%get3A_637] {strides = array<i32>} : memref<3136xi32, #tpu.memory_space<vmem>>, vector<16xi32>,
    %get3A_639 = vector.shape_cast %get3A_638 : vector<16xi32> to vector<16xi32>
    %sub3A_640 = arith.constant 1 : i32
    %sub3A_641 = vector.broadcast %sub3A_640 : i32 to vector<16xi32>
    %sub3A_642 = arith.subi %get3A_639, %sub3A_641 : vector<16xi32>
    %swap3A_643 = arith.constant 1008 : index
    %swap3A_644 = tpu.vector_load %arg6[%swap3A_643] {strides = array<i32>} : memref<3136xi32, #tpu.memory_space<vmem>>, vector<16xi32>,
    %swap3A_645 = vector.shape_cast %swap3A_644 : vector<16xi32> to vector<16xi32>
    %swap3A_646 = vector.shape_cast %sub3A_642 : vector<16xi32> to vector<16xi32>
    tpu.vector_store %arg6[%swap3A_643], %swap3A_646 {strides = array<i32>} : memref<3136xi32, #tpu.memory_space<vmem>>, vector<16xi32>,
    %get3A_647 = arith.constant 1024 : index
    %get3A_648 = tpu.vector_load %arg6[%get3A_647] {strides = array<i32>} : memref<3136xi32, #tpu.memory_space<vmem>>, vector<16xi32>,
    %get3A_649 = vector.shape_cast %get3A_648 : vector<16xi32> to vector<16xi32>
    %sub3A_650 = arith.constant 1 : i32
    %sub3A_651 = vector.broadcast %sub3A_650 : i32 to vector<16xi32>
    %sub3A_652 = arith.subi %get3A_649, %sub3A_651 : vector<16xi32>
    %swap3A_653 = arith.constant 1024 : index
    %swap3A_654 = tpu.vector_load %arg6[%swap3A_653] {strides = array<i32>} : memref<3136xi32, #tpu.memory_space<vmem>>, vector<16xi32>,
    %swap3A_655 = vector.shape_cast %swap3A_654 : vector<16xi32> to vector<16xi32>
    %swap3A_656 = vector.shape_cast %sub3A_652 : vector<16xi32> to vector<16xi32>
    tpu.vector_store %arg6[%swap3A_653], %swap3A_656 {strides = array<i32>} : memref<3136xi32, #tpu.memory_space<vmem>>, vector<16xi32>,
    %get3A_657 = arith.constant 1040 : index
    %get3A_658 = tpu.vector_load %arg6[%get3A_657] {strides = array<i32>} : memref<3136xi32, #tpu.memory_space<vmem>>, vector<16xi32>,
    %get3A_659 = vector.shape_cast %get3A_658 : vector<16xi32> to vector<16xi32>
    %sub3A_660 = arith.constant 1 : i32
    %sub3A_661 = vector.broadcast %sub3A_660 : i32 to vector<16xi32>
    %sub3A_662 = arith.subi %get3A_659, %sub3A_661 : vector<16xi32>
    %swap3A_663 = arith.constant 1040 : index
    %swap3A_664 = tpu.vector_load %arg6[%swap3A_663] {strides = array<i32>} : memref<3136xi32, #tpu.memory_space<vmem>>, vector<16xi32>,
    %swap3A_665 = vector.shape_cast %swap3A_664 : vector<16xi32> to vector<16xi32>
    %swap3A_666 = vector.shape_cast %sub3A_662 : vector<16xi32> to vector<16xi32>
    tpu.vector_store %arg6[%swap3A_663], %swap3A_666 {strides = array<i32>} : memref<3136xi32, #tpu.memory_space<vmem>>, vector<16xi32>,
    %get3A_667 = arith.constant 1056 : index
    %get3A_668 = tpu.vector_load %arg6[%get3A_667] {strides = array<i32>} : memref<3136xi32, #tpu.memory_space<vmem>>, vector<16xi32>,
    %get3A_669 = vector.shape_cast %get3A_668 : vector<16xi32> to vector<16xi32>
    %sub3A_670 = arith.constant 1 : i32
    %sub3A_671 = vector.broadcast %sub3A_670 : i32 to vector<16xi32>
    %sub3A_672 = arith.subi %get3A_669, %sub3A_671 : vector<16xi32>
    %swap3A_673 = arith.constant 1056 : index
    %swap3A_674 = tpu.vector_load %arg6[%swap3A_673] {strides = array<i32>} : memref<3136xi32, #tpu.memory_space<vmem>>, vector<16xi32>,
    %swap3A_675 = vector.shape_cast %swap3A_674 : vector<16xi32> to vector<16xi32>
    %swap3A_676 = vector.shape_cast %sub3A_672 : vector<16xi32> to vector<16xi32>
    tpu.vector_store %arg6[%swap3A_673], %swap3A_676 {strides = array<i32>} : memref<3136xi32, #tpu.memory_space<vmem>>, vector<16xi32>,
    %get3A_677 = arith.constant 1072 : index
    %get3A_678 = tpu.vector_load %arg6[%get3A_677] {strides = array<i32>} : memref<3136xi32, #tpu.memory_space<vmem>>, vector<16xi32>,
    %get3A_679 = vector.shape_cast %get3A_678 : vector<16xi32> to vector<16xi32>
    %sub3A_680 = arith.constant 1 : i32
    %sub3A_681 = vector.broadcast %sub3A_680 : i32 to vector<16xi32>
    %sub3A_682 = arith.subi %get3A_679, %sub3A_681 : vector<16xi32>
    %swap3A_683 = arith.constant 1072 : index
    %swap3A_684 = tpu.vector_load %arg6[%swap3A_683] {strides = array<i32>} : memref<3136xi32, #tpu.memory_space<vmem>>, vector<16xi32>,
    %swap3A_685 = vector.shape_cast %swap3A_684 : vector<16xi32> to vector<16xi32>
    %swap3A_686 = vector.shape_cast %sub3A_682 : vector<16xi32> to vector<16xi32>
    tpu.vector_store %arg6[%swap3A_683], %swap3A_686 {strides = array<i32>} : memref<3136xi32, #tpu.memory_space<vmem>>, vector<16xi32>,
    %get3A_687 = arith.constant 1088 : index
    %get3A_688 = tpu.vector_load %arg6[%get3A_687] {strides = array<i32>} : memref<3136xi32, #tpu.memory_space<vmem>>, vector<16xi32>,
    %get3A_689 = vector.shape_cast %get3A_688 : vector<16xi32> to vector<16xi32>
    %sub3A_690 = arith.constant 1 : i32
    %sub3A_691 = vector.broadcast %sub3A_690 : i32 to vector<16xi32>
    %sub3A_692 = arith.subi %get3A_689, %sub3A_691 : vector<16xi32>
    %swap3A_693 = arith.constant 1088 : index
    %swap3A_694 = tpu.vector_load %arg6[%swap3A_693] {strides = array<i32>} : memref<3136xi32, #tpu.memory_space<vmem>>, vector<16xi32>,
    %swap3A_695 = vector.shape_cast %swap3A_694 : vector<16xi32> to vector<16xi32>
    %swap3A_696 = vector.shape_cast %sub3A_692 : vector<16xi32> to vector<16xi32>
    tpu.vector_store %arg6[%swap3A_693], %swap3A_696 {strides = array<i32>} : memref<3136xi32, #tpu.memory_space<vmem>>, vector<16xi32>,
    %get3A_697 = arith.constant 1104 : index
    %get3A_698 = tpu.vector_load %arg6[%get3A_697] {strides = array<i32>} : memref<3136xi32, #tpu.memory_space<vmem>>, vector<16xi32>,
    %get3A_699 = vector.shape_cast %get3A_698 : vector<16xi32> to vector<16xi32>
    %sub3A_700 = arith.constant 1 : i32
    %sub3A_701 = vector.broadcast %sub3A_700 : i32 to vector<16xi32>
    %sub3A_702 = arith.subi %get3A_699, %sub3A_701 : vector<16xi32>
    %swap3A_703 = arith.constant 1104 : index
    %swap3A_704 = tpu.vector_load %arg6[%swap3A_703] {strides = array<i32>} : memref<3136xi32, #tpu.memory_space<vmem>>, vector<16xi32>,
    %swap3A_705 = vector.shape_cast %swap3A_704 : vector<16xi32> to vector<16xi32>
    %swap3A_706 = vector.shape_cast %sub3A_702 : vector<16xi32> to vector<16xi32>
    tpu.vector_store %arg6[%swap3A_703], %swap3A_706 {strides = array<i32>} : memref<3136xi32, #tpu.memory_space<vmem>>, vector<16xi32>,
    %get3A_707 = arith.constant 1120 : index
    %get3A_708 = tpu.vector_load %arg6[%get3A_707] {strides = array<i32>} : memref<3136xi32, #tpu.memory_space<vmem>>, vector<16xi32>,
    %get3A_709 = vector.shape_cast %get3A_708 : vector<16xi32> to vector<16xi32>
    %sub3A_710 = arith.constant 1 : i32
    %sub3A_711 = vector.broadcast %sub3A_710 : i32 to vector<16xi32>
    %sub3A_712 = arith.subi %get3A_709, %sub3A_711 : vector<16xi32>
    %swap3A_713 = arith.constant 1120 : index
    %swap3A_714 = tpu.vector_load %arg6[%swap3A_713] {strides = array<i32>} : memref<3136xi32, #tpu.memory_space<vmem>>, vector<16xi32>,
    %swap3A_715 = vector.shape_cast %swap3A_714 : vector<16xi32> to vector<16xi32>
    %swap3A_716 = vector.shape_cast %sub3A_712 : vector<16xi32> to vector<16xi32>
    tpu.vector_store %arg6[%swap3A_713], %swap3A_716 {strides = array<i32>} : memref<3136xi32, #tpu.memory_space<vmem>>, vector<16xi32>,
    %get3A_717 = arith.constant 1136 : index
    %get3A_718 = tpu.vector_load %arg6[%get3A_717] {strides = array<i32>} : memref<3136xi32, #tpu.memory_space<vmem>>, vector<16xi32>,
    %get3A_719 = vector.shape_cast %get3A_718 : vector<16xi32> to vector<16xi32>
    %sub3A_720 = arith.constant 1 : i32
    %sub3A_721 = vector.broadcast %sub3A_720 : i32 to vector<16xi32>
    %sub3A_722 = arith.subi %get3A_719, %sub3A_721 : vector<16xi32>
    %swap3A_723 = arith.constant 1136 : index
    %swap3A_724 = tpu.vector_load %arg6[%swap3A_723] {strides = array<i32>} : memref<3136xi32, #tpu.memory_space<vmem>>, vector<16xi32>,
    %swap3A_725 = vector.shape_cast %swap3A_724 : vector<16xi32> to vector<16xi32>
    %swap3A_726 = vector.shape_cast %sub3A_722 : vector<16xi32> to vector<16xi32>
    tpu.vector_store %arg6[%swap3A_723], %swap3A_726 {strides = array<i32>} : memref<3136xi32, #tpu.memory_space<vmem>>, vector<16xi32>,
    %get3A_727 = arith.constant 1152 : index
    %get3A_728 = tpu.vector_load %arg6[%get3A_727] {strides = array<i32>} : memref<3136xi32, #tpu.memory_space<vmem>>, vector<16xi32>,
    %get3A_729 = vector.shape_cast %get3A_728 : vector<16xi32> to vector<16xi32>
    %sub3A_730 = arith.constant 1 : i32
    %sub3A_731 = vector.broadcast %sub3A_730 : i32 to vector<16xi32>
    %sub3A_732 = arith.subi %get3A_729, %sub3A_731 : vector<16xi32>
    %swap3A_733 = arith.constant 1152 : index
    %swap3A_734 = tpu.vector_load %arg6[%swap3A_733] {strides = array<i32>} : memref<3136xi32, #tpu.memory_space<vmem>>, vector<16xi32>,
    %swap3A_735 = vector.shape_cast %swap3A_734 : vector<16xi32> to vector<16xi32>
    %swap3A_736 = vector.shape_cast %sub3A_732 : vector<16xi32> to vector<16xi32>
    tpu.vector_store %arg6[%swap3A_733], %swap3A_736 {strides = array<i32>} : memref<3136xi32, #tpu.memory_space<vmem>>, vector<16xi32>,
    %get3A_737 = arith.constant 1168 : index
    %get3A_738 = tpu.vector_load %arg6[%get3A_737] {strides = array<i32>} : memref<3136xi32, #tpu.memory_space<vmem>>, vector<16xi32>,
    %get3A_739 = vector.shape_cast %get3A_738 : vector<16xi32> to vector<16xi32>
    %sub3A_740 = arith.constant 1 : i32
    %sub3A_741 = vector.broadcast %sub3A_740 : i32 to vector<16xi32>
    %sub3A_742 = arith.subi %get3A_739, %sub3A_741 : vector<16xi32>
    %swap3A_743 = arith.constant 1168 : index
    %swap3A_744 = tpu.vector_load %arg6[%swap3A_743] {strides = array<i32>} : memref<3136xi32, #tpu.memory_space<vmem>>, vector<16xi32>,
    %swap3A_745 = vector.shape_cast %swap3A_744 : vector<16xi32> to vector<16xi32>
    %swap3A_746 = vector.shape_cast %sub3A_742 : vector<16xi32> to vector<16xi32>
    tpu.vector_store %arg6[%swap3A_743], %swap3A_746 {strides = array<i32>} : memref<3136xi32, #tpu.memory_space<vmem>>, vector<16xi32>,
    %get3A_747 = arith.constant 1184 : index
    %get3A_748 = tpu.vector_load %arg6[%get3A_747] {strides = array<i32>} : memref<3136xi32, #tpu.memory_space<vmem>>, vector<16xi32>,
    %get3A_749 = vector.shape_cast %get3A_748 : vector<16xi32> to vector<16xi32>
    %sub3A_750 = arith.constant 1 : i32
    %sub3A_751 = vector.broadcast %sub3A_750 : i32 to vector<16xi32>
    %sub3A_752 = arith.subi %get3A_749, %sub3A_751 : vector<16xi32>
    %swap3A_753 = arith.constant 1184 : index
    %swap3A_754 = tpu.vector_load %arg6[%swap3A_753] {strides = array<i32>} : memref<3136xi32, #tpu.memory_space<vmem>>, vector<16xi32>,
    %swap3A_755 = vector.shape_cast %swap3A_754 : vector<16xi32> to vector<16xi32>
    %swap3A_756 = vector.shape_cast %sub3A_752 : vector<16xi32> to vector<16xi32>
    tpu.vector_store %arg6[%swap3A_753], %swap3A_756 {strides = array<i32>} : memref<3136xi32, #tpu.memory_space<vmem>>, vector<16xi32>,
    %get3A_757 = arith.constant 1200 : index
    %get3A_758 = tpu.vector_load %arg6[%get3A_757] {strides = array<i32>} : memref<3136xi32, #tpu.memory_space<vmem>>, vector<16xi32>,
    %get3A_759 = vector.shape_cast %get3A_758 : vector<16xi32> to vector<16xi32>
    %sub3A_760 = arith.constant 1 : i32
    %sub3A_761 = vector.broadcast %sub3A_760 : i32 to vector<16xi32>
    %sub3A_762 = arith.subi %get3A_759, %sub3A_761 : vector<16xi32>
    %swap3A_763 = arith.constant 1200 : index
    %swap3A_764 = tpu.vector_load %arg6[%swap3A_763] {strides = array<i32>} : memref<3136xi32, #tpu.memory_space<vmem>>, vector<16xi32>,
    %swap3A_765 = vector.shape_cast %swap3A_764 : vector<16xi32> to vector<16xi32>
    %swap3A_766 = vector.shape_cast %sub3A_762 : vector<16xi32> to vector<16xi32>
    tpu.vector_store %arg6[%swap3A_763], %swap3A_766 {strides = array<i32>} : memref<3136xi32, #tpu.memory_space<vmem>>, vector<16xi32>,
    %get3A_767 = arith.constant 1216 : index
    %get3A_768 = tpu.vector_load %arg6[%get3A_767] {strides = array<i32>} : memref<3136xi32, #tpu.memory_space<vmem>>, vector<16xi32>,
    %get3A_769 = vector.shape_cast %get3A_768 : vector<16xi32> to vector<16xi32>
    %sub3A_770 = arith.constant 1 : i32
    %sub3A_771 = vector.broadcast %sub3A_770 : i32 to vector<16xi32>
    %sub3A_772 = arith.subi %get3A_769, %sub3A_771 : vector<16xi32>
    %swap3A_773 = arith.constant 1216 : index
    %swap3A_774 = tpu.vector_load %arg6[%swap3A_773] {strides = array<i32>} : memref<3136xi32, #tpu.memory_space<vmem>>, vector<16xi32>,
    %swap3A_775 = vector.shape_cast %swap3A_774 : vector<16xi32> to vector<16xi32>
    %swap3A_776 = vector.shape_cast %sub3A_772 : vector<16xi32> to vector<16xi32>
    tpu.vector_store %arg6[%swap3A_773], %swap3A_776 {strides = array<i32>} : memref<3136xi32, #tpu.memory_space<vmem>>, vector<16xi32>,
    %get3A_777 = arith.constant 1232 : index
    %get3A_778 = tpu.vector_load %arg6[%get3A_777] {strides = array<i32>} : memref<3136xi32, #tpu.memory_space<vmem>>, vector<16xi32>,
    %get3A_779 = vector.shape_cast %get3A_778 : vector<16xi32> to vector<16xi32>
    %sub3A_780 = arith.constant 1 : i32
    %sub3A_781 = vector.broadcast %sub3A_780 : i32 to vector<16xi32>
    %sub3A_782 = arith.subi %get3A_779, %sub3A_781 : vector<16xi32>
    %swap3A_783 = arith.constant 1232 : index
    %swap3A_784 = tpu.vector_load %arg6[%swap3A_783] {strides = array<i32>} : memref<3136xi32, #tpu.memory_space<vmem>>, vector<16xi32>,
    %swap3A_785 = vector.shape_cast %swap3A_784 : vector<16xi32> to vector<16xi32>
    %swap3A_786 = vector.shape_cast %sub3A_782 : vector<16xi32> to vector<16xi32>
    tpu.vector_store %arg6[%swap3A_783], %swap3A_786 {strides = array<i32>} : memref<3136xi32, #tpu.memory_space<vmem>>, vector<16xi32>,
    %get3A_787 = arith.constant 1248 : index
    %get3A_788 = tpu.vector_load %arg6[%get3A_787] {strides = array<i32>} : memref<3136xi32, #tpu.memory_space<vmem>>, vector<16xi32>,
    %get3A_789 = vector.shape_cast %get3A_788 : vector<16xi32> to vector<16xi32>
    %sub3A_790 = arith.constant 1 : i32
    %sub3A_791 = vector.broadcast %sub3A_790 : i32 to vector<16xi32>
    %sub3A_792 = arith.subi %get3A_789, %sub3A_791 : vector<16xi32>
    %swap3A_793 = arith.constant 1248 : index
    %swap3A_794 = tpu.vector_load %arg6[%swap3A_793] {strides = array<i32>} : memref<3136xi32, #tpu.memory_space<vmem>>, vector<16xi32>,
    %swap3A_795 = vector.shape_cast %swap3A_794 : vector<16xi32> to vector<16xi32>
    %swap3A_796 = vector.shape_cast %sub3A_792 : vector<16xi32> to vector<16xi32>
    tpu.vector_store %arg6[%swap3A_793], %swap3A_796 {strides = array<i32>} : memref<3136xi32, #tpu.memory_space<vmem>>, vector<16xi32>,
    %get3A_797 = arith.constant 1264 : index
    %get3A_798 = tpu.vector_load %arg6[%get3A_797] {strides = array<i32>} : memref<3136xi32, #tpu.memory_space<vmem>>, vector<16xi32>,
    %get3A_799 = vector.shape_cast %get3A_798 : vector<16xi32> to vector<16xi32>
    %sub3A_800 = arith.constant 1 : i32
    %sub3A_801 = vector.broadcast %sub3A_800 : i32 to vector<16xi32>
    %sub3A_802 = arith.subi %get3A_799, %sub3A_801 : vector<16xi32>
    %swap3A_803 = arith.constant 1264 : index
    %swap3A_804 = tpu.vector_load %arg6[%swap3A_803] {strides = array<i32>} : memref<3136xi32, #tpu.memory_space<vmem>>, vector<16xi32>,
    %swap3A_805 = vector.shape_cast %swap3A_804 : vector<16xi32> to vector<16xi32>
    %swap3A_806 = vector.shape_cast %sub3A_802 : vector<16xi32> to vector<16xi32>
    tpu.vector_store %arg6[%swap3A_803], %swap3A_806 {strides = array<i32>} : memref<3136xi32, #tpu.memory_space<vmem>>, vector<16xi32>,
    %get3A_807 = arith.constant 1280 : index
    %get3A_808 = tpu.vector_load %arg6[%get3A_807] {strides = array<i32>} : memref<3136xi32, #tpu.memory_space<vmem>>, vector<16xi32>,
    %get3A_809 = vector.shape_cast %get3A_808 : vector<16xi32> to vector<16xi32>
    %sub3A_810 = arith.constant 1 : i32
    %sub3A_811 = vector.broadcast %sub3A_810 : i32 to vector<16xi32>
    %sub3A_812 = arith.subi %get3A_809, %sub3A_811 : vector<16xi32>
    %swap3A_813 = arith.constant 1280 : index
    %swap3A_814 = tpu.vector_load %arg6[%swap3A_813] {strides = array<i32>} : memref<3136xi32, #tpu.memory_space<vmem>>, vector<16xi32>,
    %swap3A_815 = vector.shape_cast %swap3A_814 : vector<16xi32> to vector<16xi32>
    %swap3A_816 = vector.shape_cast %sub3A_812 : vector<16xi32> to vector<16xi32>
    tpu.vector_store %arg6[%swap3A_813], %swap3A_816 {strides = array<i32>} : memref<3136xi32, #tpu.memory_space<vmem>>, vector<16xi32>,
    %get3A_817 = arith.constant 1296 : index
    %get3A_818 = tpu.vector_load %arg6[%get3A_817] {strides = array<i32>} : memref<3136xi32, #tpu.memory_space<vmem>>, vector<16xi32>,
    %get3A_819 = vector.shape_cast %get3A_818 : vector<16xi32> to vector<16xi32>
    %sub3A_820 = arith.constant 1 : i32
    %sub3A_821 = vector.broadcast %sub3A_820 : i32 to vector<16xi32>
    %sub3A_822 = arith.subi %get3A_819, %sub3A_821 : vector<16xi32>
    %swap3A_823 = arith.constant 1296 : index
    %swap3A_824 = tpu.vector_load %arg6[%swap3A_823] {strides = array<i32>} : memref<3136xi32, #tpu.memory_space<vmem>>, vector<16xi32>,
    %swap3A_825 = vector.shape_cast %swap3A_824 : vector<16xi32> to vector<16xi32>
    %swap3A_826 = vector.shape_cast %sub3A_822 : vector<16xi32> to vector<16xi32>
    tpu.vector_store %arg6[%swap3A_823], %swap3A_826 {strides = array<i32>} : memref<3136xi32, #tpu.memory_space<vmem>>, vector<16xi32>,
    %get3A_827 = arith.constant 1312 : index
    %get3A_828 = tpu.vector_load %arg6[%get3A_827] {strides = array<i32>} : memref<3136xi32, #tpu.memory_space<vmem>>, vector<16xi32>,
    %get3A_829 = vector.shape_cast %get3A_828 : vector<16xi32> to vector<16xi32>
    %sub3A_830 = arith.constant 1 : i32
    %sub3A_831 = vector.broadcast %sub3A_830 : i32 to vector<16xi32>
    %sub3A_832 = arith.subi %get3A_829, %sub3A_831 : vector<16xi32>
    %swap3A_833 = arith.constant 1312 : index
    %swap3A_834 = tpu.vector_load %arg6[%swap3A_833] {strides = array<i32>} : memref<3136xi32, #tpu.memory_space<vmem>>, vector<16xi32>,
    %swap3A_835 = vector.shape_cast %swap3A_834 : vector<16xi32> to vector<16xi32>
    %swap3A_836 = vector.shape_cast %sub3A_832 : vector<16xi32> to vector<16xi32>
    tpu.vector_store %arg6[%swap3A_833], %swap3A_836 {strides = array<i32>} : memref<3136xi32, #tpu.memory_space<vmem>>, vector<16xi32>,
    %get3A_837 = arith.constant 1328 : index
    %get3A_838 = tpu.vector_load %arg6[%get3A_837] {strides = array<i32>} : memref<3136xi32, #tpu.memory_space<vmem>>, vector<16xi32>,
    %get3A_839 = vector.shape_cast %get3A_838 : vector<16xi32> to vector<16xi32>
    %sub3A_840 = arith.constant 1 : i32
    %sub3A_841 = vector.broadcast %sub3A_840 : i32 to vector<16xi32>
    %sub3A_842 = arith.subi %get3A_839, %sub3A_841 : vector<16xi32>
    %swap3A_843 = arith.constant 1328 : index
    %swap3A_844 = tpu.vector_load %arg6[%swap3A_843] {strides = array<i32>} : memref<3136xi32, #tpu.memory_space<vmem>>, vector<16xi32>,
    %swap3A_845 = vector.shape_cast %swap3A_844 : vector<16xi32> to vector<16xi32>
    %swap3A_846 = vector.shape_cast %sub3A_842 : vector<16xi32> to vector<16xi32>
    tpu.vector_store %arg6[%swap3A_843], %swap3A_846 {strides = array<i32>} : memref<3136xi32, #tpu.memory_space<vmem>>, vector<16xi32>,
    %get3A_847 = arith.constant 1344 : index
    %get3A_848 = tpu.vector_load %arg6[%get3A_847] {strides = array<i32>} : memref<3136xi32, #tpu.memory_space<vmem>>, vector<16xi32>,
    %get3A_849 = vector.shape_cast %get3A_848 : vector<16xi32> to vector<16xi32>
    %sub3A_850 = arith.constant 1 : i32
    %sub3A_851 = vector.broadcast %sub3A_850 : i32 to vector<16xi32>
    %sub3A_852 = arith.subi %get3A_849, %sub3A_851 : vector<16xi32>
    %swap3A_853 = arith.constant 1344 : index
    %swap3A_854 = tpu.vector_load %arg6[%swap3A_853] {strides = array<i32>} : memref<3136xi32, #tpu.memory_space<vmem>>, vector<16xi32>,
    %swap3A_855 = vector.shape_cast %swap3A_854 : vector<16xi32> to vector<16xi32>
    %swap3A_856 = vector.shape_cast %sub3A_852 : vector<16xi32> to vector<16xi32>
    tpu.vector_store %arg6[%swap3A_853], %swap3A_856 {strides = array<i32>} : memref<3136xi32, #tpu.memory_space<vmem>>, vector<16xi32>,
    %get3A_857 = arith.constant 1360 : index
    %get3A_858 = tpu.vector_load %arg6[%get3A_857] {strides = array<i32>} : memref<3136xi32, #tpu.memory_space<vmem>>, vector<16xi32>,
    %get3A_859 = vector.shape_cast %get3A_858 : vector<16xi32> to vector<16xi32>
    %sub3A_860 = arith.constant 1 : i32
    %sub3A_861 = vector.broadcast %sub3A_860 : i32 to vector<16xi32>
    %sub3A_862 = arith.subi %get3A_859, %sub3A_861 : vector<16xi32>
    %swap3A_863 = arith.constant 1360 : index
    %swap3A_864 = tpu.vector_load %arg6[%swap3A_863] {strides = array<i32>} : memref<3136xi32, #tpu.memory_space<vmem>>, vector<16xi32>,
    %swap3A_865 = vector.shape_cast %swap3A_864 : vector<16xi32> to vector<16xi32>
    %swap3A_866 = vector.shape_cast %sub3A_862 : vector<16xi32> to vector<16xi32>
    tpu.vector_store %arg6[%swap3A_863], %swap3A_866 {strides = array<i32>} : memref<3136xi32, #tpu.memory_space<vmem>>, vector<16xi32>,
    %get3A_867 = arith.constant 1376 : index
    %get3A_868 = tpu.vector_load %arg6[%get3A_867] {strides = array<i32>} : memref<3136xi32, #tpu.memory_space<vmem>>, vector<16xi32>,
    %get3A_869 = vector.shape_cast %get3A_868 : vector<16xi32> to vector<16xi32>
    %sub3A_870 = arith.constant 1 : i32
    %sub3A_871 = vector.broadcast %sub3A_870 : i32 to vector<16xi32>
    %sub3A_872 = arith.subi %get3A_869, %sub3A_871 : vector<16xi32>
    %swap3A_873 = arith.constant 1376 : index
    %swap3A_874 = tpu.vector_load %arg6[%swap3A_873] {strides = array<i32>} : memref<3136xi32, #tpu.memory_space<vmem>>, vector<16xi32>,
    %swap3A_875 = vector.shape_cast %swap3A_874 : vector<16xi32> to vector<16xi32>
    %swap3A_876 = vector.shape_cast %sub3A_872 : vector<16xi32> to vector<16xi32>
    tpu.vector_store %arg6[%swap3A_873], %swap3A_876 {strides = array<i32>} : memref<3136xi32, #tpu.memory_space<vmem>>, vector<16xi32>,
    %get3A_877 = arith.constant 1392 : index
    %get3A_878 = tpu.vector_load %arg6[%get3A_877] {strides = array<i32>} : memref<3136xi32, #tpu.memory_space<vmem>>, vector<16xi32>,
    %get3A_879 = vector.shape_cast %get3A_878 : vector<16xi32> to vector<16xi32>
    %sub3A_880 = arith.constant 1 : i32
    %sub3A_881 = vector.broadcast %sub3A_880 : i32 to vector<16xi32>
    %sub3A_882 = arith.subi %get3A_879, %sub3A_881 : vector<16xi32>
    %swap3A_883 = arith.constant 1392 : index
    %swap3A_884 = tpu.vector_load %arg6[%swap3A_883] {strides = array<i32>} : memref<3136xi32, #tpu.memory_space<vmem>>, vector<16xi32>,
    %swap3A_885 = vector.shape_cast %swap3A_884 : vector<16xi32> to vector<16xi32>
    %swap3A_886 = vector.shape_cast %sub3A_882 : vector<16xi32> to vector<16xi32>
    tpu.vector_store %arg6[%swap3A_883], %swap3A_886 {strides = array<i32>} : memref<3136xi32, #tpu.memory_space<vmem>>, vector<16xi32>,
    %get3A_887 = arith.constant 1408 : index
    %get3A_888 = tpu.vector_load %arg6[%get3A_887] {strides = array<i32>} : memref<3136xi32, #tpu.memory_space<vmem>>, vector<16xi32>,
    %get3A_889 = vector.shape_cast %get3A_888 : vector<16xi32> to vector<16xi32>
    %sub3A_890 = arith.constant 1 : i32
    %sub3A_891 = vector.broadcast %sub3A_890 : i32 to vector<16xi32>
    %sub3A_892 = arith.subi %get3A_889, %sub3A_891 : vector<16xi32>
    %swap3A_893 = arith.constant 1408 : index
    %swap3A_894 = tpu.vector_load %arg6[%swap3A_893] {strides = array<i32>} : memref<3136xi32, #tpu.memory_space<vmem>>, vector<16xi32>,
    %swap3A_895 = vector.shape_cast %swap3A_894 : vector<16xi32> to vector<16xi32>
    %swap3A_896 = vector.shape_cast %sub3A_892 : vector<16xi32> to vector<16xi32>
    tpu.vector_store %arg6[%swap3A_893], %swap3A_896 {strides = array<i32>} : memref<3136xi32, #tpu.memory_space<vmem>>, vector<16xi32>,
    %get3A_897 = arith.constant 1424 : index
    %get3A_898 = tpu.vector_load %arg6[%get3A_897] {strides = array<i32>} : memref<3136xi32, #tpu.memory_space<vmem>>, vector<16xi32>,
    %get3A_899 = vector.shape_cast %get3A_898 : vector<16xi32> to vector<16xi32>
    %sub3A_900 = arith.constant 1 : i32
    %sub3A_901 = vector.broadcast %sub3A_900 : i32 to vector<16xi32>
    %sub3A_902 = arith.subi %get3A_899, %sub3A_901 : vector<16xi32>
    %swap3A_903 = arith.constant 1424 : index
    %swap3A_904 = tpu.vector_load %arg6[%swap3A_903] {strides = array<i32>} : memref<3136xi32, #tpu.memory_space<vmem>>, vector<16xi32>,
    %swap3A_905 = vector.shape_cast %swap3A_904 : vector<16xi32> to vector<16xi32>
    %swap3A_906 = vector.shape_cast %sub3A_902 : vector<16xi32> to vector<16xi32>
    tpu.vector_store %arg6[%swap3A_903], %swap3A_906 {strides = array<i32>} : memref<3136xi32, #tpu.memory_space<vmem>>, vector<16xi32>,
    %get3A_907 = arith.constant 1440 : index
    %get3A_908 = tpu.vector_load %arg6[%get3A_907] {strides = array<i32>} : memref<3136xi32, #tpu.memory_space<vmem>>, vector<16xi32>,
    %get3A_909 = vector.shape_cast %get3A_908 : vector<16xi32> to vector<16xi32>
    %sub3A_910 = arith.constant 1 : i32
    %sub3A_911 = vector.broadcast %sub3A_910 : i32 to vector<16xi32>
    %sub3A_912 = arith.subi %get3A_909, %sub3A_911 : vector<16xi32>
    %swap3A_913 = arith.constant 1440 : index
    %swap3A_914 = tpu.vector_load %arg6[%swap3A_913] {strides = array<i32>} : memref<3136xi32, #tpu.memory_space<vmem>>, vector<16xi32>,
    %swap3A_915 = vector.shape_cast %swap3A_914 : vector<16xi32> to vector<16xi32>
    %swap3A_916 = vector.shape_cast %sub3A_912 : vector<16xi32> to vector<16xi32>
    tpu.vector_store %arg6[%swap3A_913], %swap3A_916 {strides = array<i32>} : memref<3136xi32, #tpu.memory_space<vmem>>, vector<16xi32>,
    %get3A_917 = arith.constant 1456 : index
    %get3A_918 = tpu.vector_load %arg6[%get3A_917] {strides = array<i32>} : memref<3136xi32, #tpu.memory_space<vmem>>, vector<16xi32>,
    %get3A_919 = vector.shape_cast %get3A_918 : vector<16xi32> to vector<16xi32>
    %sub3A_920 = arith.constant 1 : i32
    %sub3A_921 = vector.broadcast %sub3A_920 : i32 to vector<16xi32>
    %sub3A_922 = arith.subi %get3A_919, %sub3A_921 : vector<16xi32>
    %swap3A_923 = arith.constant 1456 : index
    %swap3A_924 = tpu.vector_load %arg6[%swap3A_923] {strides = array<i32>} : memref<3136xi32, #tpu.memory_space<vmem>>, vector<16xi32>,
    %swap3A_925 = vector.shape_cast %swap3A_924 : vector<16xi32> to vector<16xi32>
    %swap3A_926 = vector.shape_cast %sub3A_922 : vector<16xi32> to vector<16xi32>
    tpu.vector_store %arg6[%swap3A_923], %swap3A_926 {strides = array<i32>} : memref<3136xi32, #tpu.memory_space<vmem>>, vector<16xi32>,
    %get3A_927 = arith.constant 1472 : index
    %get3A_928 = tpu.vector_load %arg6[%get3A_927] {strides = array<i32>} : memref<3136xi32, #tpu.memory_space<vmem>>, vector<16xi32>,
    %get3A_929 = vector.shape_cast %get3A_928 : vector<16xi32> to vector<16xi32>
    %sub3A_930 = arith.constant 1 : i32
    %sub3A_931 = vector.broadcast %sub3A_930 : i32 to vector<16xi32>
    %sub3A_932 = arith.subi %get3A_929, %sub3A_931 : vector<16xi32>
    %swap3A_933 = arith.constant 1472 : index
    %swap3A_934 = tpu.vector_load %arg6[%swap3A_933] {strides = array<i32>} : memref<3136xi32, #tpu.memory_space<vmem>>, vector<16xi32>,
    %swap3A_935 = vector.shape_cast %swap3A_934 : vector<16xi32> to vector<16xi32>
    %swap3A_936 = vector.shape_cast %sub3A_932 : vector<16xi32> to vector<16xi32>
    tpu.vector_store %arg6[%swap3A_933], %swap3A_936 {strides = array<i32>} : memref<3136xi32, #tpu.memory_space<vmem>>, vector<16xi32>,
    %get3A_937 = arith.constant 1488 : index
    %get3A_938 = tpu.vector_load %arg6[%get3A_937] {strides = array<i32>} : memref<3136xi32, #tpu.memory_space<vmem>>, vector<16xi32>,
    %get3A_939 = vector.shape_cast %get3A_938 : vector<16xi32> to vector<16xi32>
    %sub3A_940 = arith.constant 1 : i32
    %sub3A_941 = vector.broadcast %sub3A_940 : i32 to vector<16xi32>
    %sub3A_942 = arith.subi %get3A_939, %sub3A_941 : vector<16xi32>
    %swap3A_943 = arith.constant 1488 : index
    %swap3A_944 = tpu.vector_load %arg6[%swap3A_943] {strides = array<i32>} : memref<3136xi32, #tpu.memory_space<vmem>>, vector<16xi32>,
    %swap3A_945 = vector.shape_cast %swap3A_944 : vector<16xi32> to vector<16xi32>
    %swap3A_946 = vector.shape_cast %sub3A_942 : vector<16xi32> to vector<16xi32>
    tpu.vector_store %arg6[%swap3A_943], %swap3A_946 {strides = array<i32>} : memref<3136xi32, #tpu.memory_space<vmem>>, vector<16xi32>,
    %get3A_947 = arith.constant 1504 : index
    %get3A_948 = tpu.vector_load %arg6[%get3A_947] {strides = array<i32>} : memref<3136xi32, #tpu.memory_space<vmem>>, vector<16xi32>,
    %get3A_949 = vector.shape_cast %get3A_948 : vector<16xi32> to vector<16xi32>
    %sub3A_950 = arith.constant 1 : i32
    %sub3A_951 = vector.broadcast %sub3A_950 : i32 to vector<16xi32>
    %sub3A_952 = arith.subi %get3A_949, %sub3A_951 : vector<16xi32>
    %swap3A_953 = arith.constant 1504 : index
    %swap3A_954 = tpu.vector_load %arg6[%swap3A_953] {strides = array<i32>} : memref<3136xi32, #tpu.memory_space<vmem>>, vector<16xi32>,
    %swap3A_955 = vector.shape_cast %swap3A_954 : vector<16xi32> to vector<16xi32>
    %swap3A_956 = vector.shape_cast %sub3A_952 : vector<16xi32> to vector<16xi32>
    tpu.vector_store %arg6[%swap3A_953], %swap3A_956 {strides = array<i32>} : memref<3136xi32, #tpu.memory_space<vmem>>, vector<16xi32>,
    %get3A_957 = arith.constant 1520 : index
    %get3A_958 = tpu.vector_load %arg6[%get3A_957] {strides = array<i32>} : memref<3136xi32, #tpu.memory_space<vmem>>, vector<16xi32>,
    %get3A_959 = vector.shape_cast %get3A_958 : vector<16xi32> to vector<16xi32>
    %sub3A_960 = arith.constant 1 : i32
    %sub3A_961 = vector.broadcast %sub3A_960 : i32 to vector<16xi32>
    %sub3A_962 = arith.subi %get3A_959, %sub3A_961 : vector<16xi32>
    %swap3A_963 = arith.constant 1520 : index
    %swap3A_964 = tpu.vector_load %arg6[%swap3A_963] {strides = array<i32>} : memref<3136xi32, #tpu.memory_space<vmem>>, vector<16xi32>,
    %swap3A_965 = vector.shape_cast %swap3A_964 : vector<16xi32> to vector<16xi32>
    %swap3A_966 = vector.shape_cast %sub3A_962 : vector<16xi32> to vector<16xi32>
    tpu.vector_store %arg6[%swap3A_963], %swap3A_966 {strides = array<i32>} : memref<3136xi32, #tpu.memory_space<vmem>>, vector<16xi32>,
    %get3A_967 = arith.constant 1536 : index
    %get3A_968 = tpu.vector_load %arg6[%get3A_967] {strides = array<i32>} : memref<3136xi32, #tpu.memory_space<vmem>>, vector<16xi32>,
    %get3A_969 = vector.shape_cast %get3A_968 : vector<16xi32> to vector<16xi32>
    %sub3A_970 = arith.constant 1 : i32
    %sub3A_971 = vector.broadcast %sub3A_970 : i32 to vector<16xi32>
    %sub3A_972 = arith.subi %get3A_969, %sub3A_971 : vector<16xi32>
    %swap3A_973 = arith.constant 1536 : index
    %swap3A_974 = tpu.vector_load %arg6[%swap3A_973] {strides = array<i32>} : memref<3136xi32, #tpu.memory_space<vmem>>, vector<16xi32>,
    %swap3A_975 = vector.shape_cast %swap3A_974 : vector<16xi32> to vector<16xi32>
    %swap3A_976 = vector.shape_cast %sub3A_972 : vector<16xi32> to vector<16xi32>
    tpu.vector_store %arg6[%swap3A_973], %swap3A_976 {strides = array<i32>} : memref<3136xi32, #tpu.memory_space<vmem>>, vector<16xi32>,
    %get3A_977 = arith.constant 1552 : index
    %get3A_978 = tpu.vector_load %arg6[%get3A_977] {strides = array<i32>} : memref<3136xi32, #tpu.memory_space<vmem>>, vector<16xi32>,
    %get3A_979 = vector.shape_cast %get3A_978 : vector<16xi32> to vector<16xi32>
    %sub3A_980 = arith.constant 1 : i32
    %sub3A_981 = vector.broadcast %sub3A_980 : i32 to vector<16xi32>
    %sub3A_982 = arith.subi %get3A_979, %sub3A_981 : vector<16xi32>
    %swap3A_983 = arith.constant 1552 : index
    %swap3A_984 = tpu.vector_load %arg6[%swap3A_983] {strides = array<i32>} : memref<3136xi32, #tpu.memory_space<vmem>>, vector<16xi32>,
    %swap3A_985 = vector.shape_cast %swap3A_984 : vector<16xi32> to vector<16xi32>
    %swap3A_986 = vector.shape_cast %sub3A_982 : vector<16xi32> to vector<16xi32>
    tpu.vector_store %arg6[%swap3A_983], %swap3A_986 {strides = array<i32>} : memref<3136xi32, #tpu.memory_space<vmem>>, vector<16xi32>,
    %get3A_987 = arith.constant 1568 : index
    %get3A_988 = tpu.vector_load %arg6[%get3A_987] {strides = array<i32>} : memref<3136xi32, #tpu.memory_space<vmem>>, vector<16xi32>,
    %get3A_989 = vector.shape_cast %get3A_988 : vector<16xi32> to vector<16xi32>
    %sub3A_990 = arith.constant 1 : i32
    %sub3A_991 = vector.broadcast %sub3A_990 : i32 to vector<16xi32>
    %sub3A_992 = arith.subi %get3A_989, %sub3A_991 : vector<16xi32>
    %swap3A_993 = arith.constant 1568 : index
    %swap3A_994 = tpu.vector_load %arg6[%swap3A_993] {strides = array<i32>} : memref<3136xi32, #tpu.memory_space<vmem>>, vector<16xi32>,
    %swap3A_995 = vector.shape_cast %swap3A_994 : vector<16xi32> to vector<16xi32>
    %swap3A_996 = vector.shape_cast %sub3A_992 : vector<16xi32> to vector<16xi32>
    tpu.vector_store %arg6[%swap3A_993], %swap3A_996 {strides = array<i32>} : memref<3136xi32, #tpu.memory_space<vmem>>, vector<16xi32>,
    %get3A_997 = arith.constant 1584 : index
    %get3A_998 = tpu.vector_load %arg6[%get3A_997] {strides = array<i32>} : memref<3136xi32, #tpu.memory_space<vmem>>, vector<16xi32>,
    %get3A_999 = vector.shape_cast %get3A_998 : vector<16xi32> to vector<16xi32>
    %sub3A_1000 = arith.constant 1 : i32
    %sub3A_1001 = vector.broadcast %sub3A_1000 : i32 to vector<16xi32>
    %sub3A_1002 = arith.subi %get3A_999, %sub3A_1001 : vector<16xi32>
    %swap3A_1003 = arith.constant 1584 : index
    %swap3A_1004 = tpu.vector_load %arg6[%swap3A_1003] {strides = array<i32>} : memref<3136xi32, #tpu.memory_space<vmem>>, vector<16xi32>,
    %swap3A_1005 = vector.shape_cast %swap3A_1004 : vector<16xi32> to vector<16xi32>
    %swap3A_1006 = vector.shape_cast %sub3A_1002 : vector<16xi32> to vector<16xi32>
    tpu.vector_store %arg6[%swap3A_1003], %swap3A_1006 {strides = array<i32>} : memref<3136xi32, #tpu.memory_space<vmem>>, vector<16xi32>,
    %get3A_1007 = arith.constant 1600 : index
    %get3A_1008 = tpu.vector_load %arg6[%get3A_1007] {strides = array<i32>} : memref<3136xi32, #tpu.memory_space<vmem>>, vector<16xi32>,
    %get3A_1009 = vector.shape_cast %get3A_1008 : vector<16xi32> to vector<16xi32>
    %sub3A_1010 = arith.constant 1 : i32
    %sub3A_1011 = vector.broadcast %sub3A_1010 : i32 to vector<16xi32>
    %sub3A_1012 = arith.subi %get3A_1009, %sub3A_1011 : vector<16xi32>
    %swap3A_1013 = arith.constant 1600 : index
    %swap3A_1014 = tpu.vector_load %arg6[%swap3A_1013] {strides = array<i32>} : memref<3136xi32, #tpu.memory_space<vmem>>, vector<16xi32>,
    %swap3A_1015 = vector.shape_cast %swap3A_1014 : vector<16xi32> to vector<16xi32>
    %swap3A_1016 = vector.shape_cast %sub3A_1012 : vector<16xi32> to vector<16xi32>
    tpu.vector_store %arg6[%swap3A_1013], %swap3A_1016 {strides = array<i32>} : memref<3136xi32, #tpu.memory_space<vmem>>, vector<16xi32>,
    %get3A_1017 = arith.constant 1616 : index
    %get3A_1018 = tpu.vector_load %arg6[%get3A_1017] {strides = array<i32>} : memref<3136xi32, #tpu.memory_space<vmem>>, vector<16xi32>,
    %get3A_1019 = vector.shape_cast %get3A_1018 : vector<16xi32> to vector<16xi32>
    %sub3A_1020 = arith.constant 1 : i32
    %sub3A_1021 = vector.broadcast %sub3A_1020 : i32 to vector<16xi32>
    %sub3A_1022 = arith.subi %get3A_1019, %sub3A_1021 : vector<16xi32>
    %swap3A_1023 = arith.constant 1616 : index
    %swap3A_1024 = tpu.vector_load %arg6[%swap3A_1023] {strides = array<i32>} : memref<3136xi32, #tpu.memory_space<vmem>>, vector<16xi32>,
    %swap3A_1025 = vector.shape_cast %swap3A_1024 : vector<16xi32> to vector<16xi32>
    %swap3A_1026 = vector.shape_cast %sub3A_1022 : vector<16xi32> to vector<16xi32>
    tpu.vector_store %arg6[%swap3A_1023], %swap3A_1026 {strides = array<i32>} : memref<3136xi32, #tpu.memory_space<vmem>>, vector<16xi32>,
    %get3A_1027 = arith.constant 1632 : index
    %get3A_1028 = tpu.vector_load %arg6[%get3A_1027] {strides = array<i32>} : memref<3136xi32, #tpu.memory_space<vmem>>, vector<16xi32>,
    %get3A_1029 = vector.shape_cast %get3A_1028 : vector<16xi32> to vector<16xi32>
    %sub3A_1030 = arith.constant 1 : i32
    %sub3A_1031 = vector.broadcast %sub3A_1030 : i32 to vector<16xi32>
    %sub3A_1032 = arith.subi %get3A_1029, %sub3A_1031 : vector<16xi32>
    %swap3A_1033 = arith.constant 1632 : index
    %swap3A_1034 = tpu.vector_load %arg6[%swap3A_1033] {strides = array<i32>} : memref<3136xi32, #tpu.memory_space<vmem>>, vector<16xi32>,
    %swap3A_1035 = vector.shape_cast %swap3A_1034 : vector<16xi32> to vector<16xi32>
    %swap3A_1036 = vector.shape_cast %sub3A_1032 : vector<16xi32> to vector<16xi32>
    tpu.vector_store %arg6[%swap3A_1033], %swap3A_1036 {strides = array<i32>} : memref<3136xi32, #tpu.memory_space<vmem>>, vector<16xi32>,
    %get3A_1037 = arith.constant 1648 : index
    %get3A_1038 = tpu.vector_load %arg6[%get3A_1037] {strides = array<i32>} : memref<3136xi32, #tpu.memory_space<vmem>>, vector<16xi32>,
    %get3A_1039 = vector.shape_cast %get3A_1038 : vector<16xi32> to vector<16xi32>
    %sub3A_1040 = arith.constant 1 : i32
    %sub3A_1041 = vector.broadcast %sub3A_1040 : i32 to vector<16xi32>
    %sub3A_1042 = arith.subi %get3A_1039, %sub3A_1041 : vector<16xi32>
    %swap3A_1043 = arith.constant 1648 : index
    %swap3A_1044 = tpu.vector_load %arg6[%swap3A_1043] {strides = array<i32>} : memref<3136xi32, #tpu.memory_space<vmem>>, vector<16xi32>,
    %swap3A_1045 = vector.shape_cast %swap3A_1044 : vector<16xi32> to vector<16xi32>
    %swap3A_1046 = vector.shape_cast %sub3A_1042 : vector<16xi32> to vector<16xi32>
    tpu.vector_store %arg6[%swap3A_1043], %swap3A_1046 {strides = array<i32>} : memref<3136xi32, #tpu.memory_space<vmem>>, vector<16xi32>,
    %get3A_1047 = arith.constant 1664 : index
    %get3A_1048 = tpu.vector_load %arg6[%get3A_1047] {strides = array<i32>} : memref<3136xi32, #tpu.memory_space<vmem>>, vector<16xi32>,
    %get3A_1049 = vector.shape_cast %get3A_1048 : vector<16xi32> to vector<16xi32>
    %sub3A_1050 = arith.constant 1 : i32
    %sub3A_1051 = vector.broadcast %sub3A_1050 : i32 to vector<16xi32>
    %sub3A_1052 = arith.subi %get3A_1049, %sub3A_1051 : vector<16xi32>
    %swap3A_1053 = arith.constant 1664 : index
    %swap3A_1054 = tpu.vector_load %arg6[%swap3A_1053] {strides = array<i32>} : memref<3136xi32, #tpu.memory_space<vmem>>, vector<16xi32>,
    %swap3A_1055 = vector.shape_cast %swap3A_1054 : vector<16xi32> to vector<16xi32>
    %swap3A_1056 = vector.shape_cast %sub3A_1052 : vector<16xi32> to vector<16xi32>
    tpu.vector_store %arg6[%swap3A_1053], %swap3A_1056 {strides = array<i32>} : memref<3136xi32, #tpu.memory_space<vmem>>, vector<16xi32>,
    %get3A_1057 = arith.constant 1680 : index
    %get3A_1058 = tpu.vector_load %arg6[%get3A_1057] {strides = array<i32>} : memref<3136xi32, #tpu.memory_space<vmem>>, vector<16xi32>,
    %get3A_1059 = vector.shape_cast %get3A_1058 : vector<16xi32> to vector<16xi32>
    %sub3A_1060 = arith.constant 1 : i32
    %sub3A_1061 = vector.broadcast %sub3A_1060 : i32 to vector<16xi32>
    %sub3A_1062 = arith.subi %get3A_1059, %sub3A_1061 : vector<16xi32>
    %swap3A_1063 = arith.constant 1680 : index
    %swap3A_1064 = tpu.vector_load %arg6[%swap3A_1063] {strides = array<i32>} : memref<3136xi32, #tpu.memory_space<vmem>>, vector<16xi32>,
    %swap3A_1065 = vector.shape_cast %swap3A_1064 : vector<16xi32> to vector<16xi32>
    %swap3A_1066 = vector.shape_cast %sub3A_1062 : vector<16xi32> to vector<16xi32>
    tpu.vector_store %arg6[%swap3A_1063], %swap3A_1066 {strides = array<i32>} : memref<3136xi32, #tpu.memory_space<vmem>>, vector<16xi32>,
    %get3A_1067 = arith.constant 1696 : index
    %get3A_1068 = tpu.vector_load %arg6[%get3A_1067] {strides = array<i32>} : memref<3136xi32, #tpu.memory_space<vmem>>, vector<16xi32>,
    %get3A_1069 = vector.shape_cast %get3A_1068 : vector<16xi32> to vector<16xi32>
    %sub3A_1070 = arith.constant 1 : i32
    %sub3A_1071 = vector.broadcast %sub3A_1070 : i32 to vector<16xi32>
    %sub3A_1072 = arith.subi %get3A_1069, %sub3A_1071 : vector<16xi32>
    %swap3A_1073 = arith.constant 1696 : index
    %swap3A_1074 = tpu.vector_load %arg6[%swap3A_1073] {strides = array<i32>} : memref<3136xi32, #tpu.memory_space<vmem>>, vector<16xi32>,
    %swap3A_1075 = vector.shape_cast %swap3A_1074 : vector<16xi32> to vector<16xi32>
    %swap3A_1076 = vector.shape_cast %sub3A_1072 : vector<16xi32> to vector<16xi32>
    tpu.vector_store %arg6[%swap3A_1073], %swap3A_1076 {strides = array<i32>} : memref<3136xi32, #tpu.memory_space<vmem>>, vector<16xi32>,
    %get3A_1077 = arith.constant 1712 : index
    %get3A_1078 = tpu.vector_load %arg6[%get3A_1077] {strides = array<i32>} : memref<3136xi32, #tpu.memory_space<vmem>>, vector<16xi32>,
    %get3A_1079 = vector.shape_cast %get3A_1078 : vector<16xi32> to vector<16xi32>
    %sub3A_1080 = arith.constant 1 : i32
    %sub3A_1081 = vector.broadcast %sub3A_1080 : i32 to vector<16xi32>
    %sub3A_1082 = arith.subi %get3A_1079, %sub3A_1081 : vector<16xi32>
    %swap3A_1083 = arith.constant 1712 : index
    %swap3A_1084 = tpu.vector_load %arg6[%swap3A_1083] {strides = array<i32>} : memref<3136xi32, #tpu.memory_space<vmem>>, vector<16xi32>,
    %swap3A_1085 = vector.shape_cast %swap3A_1084 : vector<16xi32> to vector<16xi32>
    %swap3A_1086 = vector.shape_cast %sub3A_1082 : vector<16xi32> to vector<16xi32>
    tpu.vector_store %arg6[%swap3A_1083], %swap3A_1086 {strides = array<i32>} : memref<3136xi32, #tpu.memory_space<vmem>>, vector<16xi32>,
    %get3A_1087 = arith.constant 1728 : index
    %get3A_1088 = tpu.vector_load %arg6[%get3A_1087] {strides = array<i32>} : memref<3136xi32, #tpu.memory_space<vmem>>, vector<16xi32>,
    %get3A_1089 = vector.shape_cast %get3A_1088 : vector<16xi32> to vector<16xi32>
    %sub3A_1090 = arith.constant 1 : i32
    %sub3A_1091 = vector.broadcast %sub3A_1090 : i32 to vector<16xi32>
    %sub3A_1092 = arith.subi %get3A_1089, %sub3A_1091 : vector<16xi32>
    %swap3A_1093 = arith.constant 1728 : index
    %swap3A_1094 = tpu.vector_load %arg6[%swap3A_1093] {strides = array<i32>} : memref<3136xi32, #tpu.memory_space<vmem>>, vector<16xi32>,
    %swap3A_1095 = vector.shape_cast %swap3A_1094 : vector<16xi32> to vector<16xi32>
    %swap3A_1096 = vector.shape_cast %sub3A_1092 : vector<16xi32> to vector<16xi32>
    tpu.vector_store %arg6[%swap3A_1093], %swap3A_1096 {strides = array<i32>} : memref<3136xi32, #tpu.memory_space<vmem>>, vector<16xi32>,
    %get3A_1097 = arith.constant 1744 : index
    %get3A_1098 = tpu.vector_load %arg6[%get3A_1097] {strides = array<i32>} : memref<3136xi32, #tpu.memory_space<vmem>>, vector<16xi32>,
    %get3A_1099 = vector.shape_cast %get3A_1098 : vector<16xi32> to vector<16xi32>
    %sub3A_1100 = arith.constant 1 : i32
    %sub3A_1101 = vector.broadcast %sub3A_1100 : i32 to vector<16xi32>
    %sub3A_1102 = arith.subi %get3A_1099, %sub3A_1101 : vector<16xi32>
    %swap3A_1103 = arith.constant 1744 : index
    %swap3A_1104 = tpu.vector_load %arg6[%swap3A_1103] {strides = array<i32>} : memref<3136xi32, #tpu.memory_space<vmem>>, vector<16xi32>,
    %swap3A_1105 = vector.shape_cast %swap3A_1104 : vector<16xi32> to vector<16xi32>
    %swap3A_1106 = vector.shape_cast %sub3A_1102 : vector<16xi32> to vector<16xi32>
    tpu.vector_store %arg6[%swap3A_1103], %swap3A_1106 {strides = array<i32>} : memref<3136xi32, #tpu.memory_space<vmem>>, vector<16xi32>,
    %get3A_1107 = arith.constant 1760 : index
    %get3A_1108 = tpu.vector_load %arg6[%get3A_1107] {strides = array<i32>} : memref<3136xi32, #tpu.memory_space<vmem>>, vector<16xi32>,
    %get3A_1109 = vector.shape_cast %get3A_1108 : vector<16xi32> to vector<16xi32>
    %sub3A_1110 = arith.constant 1 : i32
    %sub3A_1111 = vector.broadcast %sub3A_1110 : i32 to vector<16xi32>
    %sub3A_1112 = arith.subi %get3A_1109, %sub3A_1111 : vector<16xi32>
    %swap3A_1113 = arith.constant 1760 : index
    %swap3A_1114 = tpu.vector_load %arg6[%swap3A_1113] {strides = array<i32>} : memref<3136xi32, #tpu.memory_space<vmem>>, vector<16xi32>,
    %swap3A_1115 = vector.shape_cast %swap3A_1114 : vector<16xi32> to vector<16xi32>
    %swap3A_1116 = vector.shape_cast %sub3A_1112 : vector<16xi32> to vector<16xi32>
    tpu.vector_store %arg6[%swap3A_1113], %swap3A_1116 {strides = array<i32>} : memref<3136xi32, #tpu.memory_space<vmem>>, vector<16xi32>,
    %get3A_1117 = arith.constant 1776 : index
    %get3A_1118 = tpu.vector_load %arg6[%get3A_1117] {strides = array<i32>} : memref<3136xi32, #tpu.memory_space<vmem>>, vector<16xi32>,
    %get3A_1119 = vector.shape_cast %get3A_1118 : vector<16xi32> to vector<16xi32>
    %sub3A_1120 = arith.constant 1 : i32
    %sub3A_1121 = vector.broadcast %sub3A_1120 : i32 to vector<16xi32>
    %sub3A_1122 = arith.subi %get3A_1119, %sub3A_1121 : vector<16xi32>
    %swap3A_1123 = arith.constant 1776 : index
    %swap3A_1124 = tpu.vector_load %arg6[%swap3A_1123] {strides = array<i32>} : memref<3136xi32, #tpu.memory_space<vmem>>, vector<16xi32>,
    %swap3A_1125 = vector.shape_cast %swap3A_1124 : vector<16xi32> to vector<16xi32>
    %swap3A_1126 = vector.shape_cast %sub3A_1122 : vector<16xi32> to vector<16xi32>
    tpu.vector_store %arg6[%swap3A_1123], %swap3A_1126 {strides = array<i32>} : memref<3136xi32, #tpu.memory_space<vmem>>, vector<16xi32>,
    %get3A_1127 = arith.constant 1792 : index
    %get3A_1128 = tpu.vector_load %arg6[%get3A_1127] {strides = array<i32>} : memref<3136xi32, #tpu.memory_space<vmem>>, vector<16xi32>,
    %get3A_1129 = vector.shape_cast %get3A_1128 : vector<16xi32> to vector<16xi32>
    %sub3A_1130 = arith.constant 1 : i32
    %sub3A_1131 = vector.broadcast %sub3A_1130 : i32 to vector<16xi32>
    %sub3A_1132 = arith.subi %get3A_1129, %sub3A_1131 : vector<16xi32>
    %swap3A_1133 = arith.constant 1792 : index
    %swap3A_1134 = tpu.vector_load %arg6[%swap3A_1133] {strides = array<i32>} : memref<3136xi32, #tpu.memory_space<vmem>>, vector<16xi32>,
    %swap3A_1135 = vector.shape_cast %swap3A_1134 : vector<16xi32> to vector<16xi32>
    %swap3A_1136 = vector.shape_cast %sub3A_1132 : vector<16xi32> to vector<16xi32>
    tpu.vector_store %arg6[%swap3A_1133], %swap3A_1136 {strides = array<i32>} : memref<3136xi32, #tpu.memory_space<vmem>>, vector<16xi32>,
    %get3A_1137 = arith.constant 1808 : index
    %get3A_1138 = tpu.vector_load %arg6[%get3A_1137] {strides = array<i32>} : memref<3136xi32, #tpu.memory_space<vmem>>, vector<16xi32>,
    %get3A_1139 = vector.shape_cast %get3A_1138 : vector<16xi32> to vector<16xi32>
    %sub3A_1140 = arith.constant 1 : i32
    %sub3A_1141 = vector.broadcast %sub3A_1140 : i32 to vector<16xi32>
    %sub3A_1142 = arith.subi %get3A_1139, %sub3A_1141 : vector<16xi32>
    %swap3A_1143 = arith.constant 1808 : index
    %swap3A_1144 = tpu.vector_load %arg6[%swap3A_1143] {strides = array<i32>} : memref<3136xi32, #tpu.memory_space<vmem>>, vector<16xi32>,
    %swap3A_1145 = vector.shape_cast %swap3A_1144 : vector<16xi32> to vector<16xi32>
    %swap3A_1146 = vector.shape_cast %sub3A_1142 : vector<16xi32> to vector<16xi32>
    tpu.vector_store %arg6[%swap3A_1143], %swap3A_1146 {strides = array<i32>} : memref<3136xi32, #tpu.memory_space<vmem>>, vector<16xi32>,
    %get3A_1147 = arith.constant 1824 : index
    %get3A_1148 = tpu.vector_load %arg6[%get3A_1147] {strides = array<i32>} : memref<3136xi32, #tpu.memory_space<vmem>>, vector<16xi32>,
    %get3A_1149 = vector.shape_cast %get3A_1148 : vector<16xi32> to vector<16xi32>
    %sub3A_1150 = arith.constant 1 : i32
    %sub3A_1151 = vector.broadcast %sub3A_1150 : i32 to vector<16xi32>
    %sub3A_1152 = arith.subi %get3A_1149, %sub3A_1151 : vector<16xi32>
    %swap3A_1153 = arith.constant 1824 : index
    %swap3A_1154 = tpu.vector_load %arg6[%swap3A_1153] {strides = array<i32>} : memref<3136xi32, #tpu.memory_space<vmem>>, vector<16xi32>,
    %swap3A_1155 = vector.shape_cast %swap3A_1154 : vector<16xi32> to vector<16xi32>
    %swap3A_1156 = vector.shape_cast %sub3A_1152 : vector<16xi32> to vector<16xi32>
    tpu.vector_store %arg6[%swap3A_1153], %swap3A_1156 {strides = array<i32>} : memref<3136xi32, #tpu.memory_space<vmem>>, vector<16xi32>,
    %get3A_1157 = arith.constant 1840 : index
    %get3A_1158 = tpu.vector_load %arg6[%get3A_1157] {strides = array<i32>} : memref<3136xi32, #tpu.memory_space<vmem>>, vector<16xi32>,
    %get3A_1159 = vector.shape_cast %get3A_1158 : vector<16xi32> to vector<16xi32>
    %sub3A_1160 = arith.constant 1 : i32
    %sub3A_1161 = vector.broadcast %sub3A_1160 : i32 to vector<16xi32>
    %sub3A_1162 = arith.subi %get3A_1159, %sub3A_1161 : vector<16xi32>
    %swap3A_1163 = arith.constant 1840 : index
    %swap3A_1164 = tpu.vector_load %arg6[%swap3A_1163] {strides = array<i32>} : memref<3136xi32, #tpu.memory_space<vmem>>, vector<16xi32>,
    %swap3A_1165 = vector.shape_cast %swap3A_1164 : vector<16xi32> to vector<16xi32>
    %swap3A_1166 = vector.shape_cast %sub3A_1162 : vector<16xi32> to vector<16xi32>
    tpu.vector_store %arg6[%swap3A_1163], %swap3A_1166 {strides = array<i32>} : memref<3136xi32, #tpu.memory_space<vmem>>, vector<16xi32>,
    %get3A_1167 = arith.constant 1856 : index
    %get3A_1168 = tpu.vector_load %arg6[%get3A_1167] {strides = array<i32>} : memref<3136xi32, #tpu.memory_space<vmem>>, vector<16xi32>,
    %get3A_1169 = vector.shape_cast %get3A_1168 : vector<16xi32> to vector<16xi32>
    %sub3A_1170 = arith.constant 1 : i32
    %sub3A_1171 = vector.broadcast %sub3A_1170 : i32 to vector<16xi32>
    %sub3A_1172 = arith.subi %get3A_1169, %sub3A_1171 : vector<16xi32>
    %swap3A_1173 = arith.constant 1856 : index
    %swap3A_1174 = tpu.vector_load %arg6[%swap3A_1173] {strides = array<i32>} : memref<3136xi32, #tpu.memory_space<vmem>>, vector<16xi32>,
    %swap3A_1175 = vector.shape_cast %swap3A_1174 : vector<16xi32> to vector<16xi32>
    %swap3A_1176 = vector.shape_cast %sub3A_1172 : vector<16xi32> to vector<16xi32>
    tpu.vector_store %arg6[%swap3A_1173], %swap3A_1176 {strides = array<i32>} : memref<3136xi32, #tpu.memory_space<vmem>>, vector<16xi32>,
    %get3A_1177 = arith.constant 1872 : index
    %get3A_1178 = tpu.vector_load %arg6[%get3A_1177] {strides = array<i32>} : memref<3136xi32, #tpu.memory_space<vmem>>, vector<16xi32>,
    %get3A_1179 = vector.shape_cast %get3A_1178 : vector<16xi32> to vector<16xi32>
    %sub3A_1180 = arith.constant 1 : i32
    %sub3A_1181 = vector.broadcast %sub3A_1180 : i32 to vector<16xi32>
    %sub3A_1182 = arith.subi %get3A_1179, %sub3A_1181 : vector<16xi32>
    %swap3A_1183 = arith.constant 1872 : index
    %swap3A_1184 = tpu.vector_load %arg6[%swap3A_1183] {strides = array<i32>} : memref<3136xi32, #tpu.memory_space<vmem>>, vector<16xi32>,
    %swap3A_1185 = vector.shape_cast %swap3A_1184 : vector<16xi32> to vector<16xi32>
    %swap3A_1186 = vector.shape_cast %sub3A_1182 : vector<16xi32> to vector<16xi32>
    tpu.vector_store %arg6[%swap3A_1183], %swap3A_1186 {strides = array<i32>} : memref<3136xi32, #tpu.memory_space<vmem>>, vector<16xi32>,
    %get3A_1187 = arith.constant 1888 : index
    %get3A_1188 = tpu.vector_load %arg6[%get3A_1187] {strides = array<i32>} : memref<3136xi32, #tpu.memory_space<vmem>>, vector<16xi32>,
    %get3A_1189 = vector.shape_cast %get3A_1188 : vector<16xi32> to vector<16xi32>
    %sub3A_1190 = arith.constant 1 : i32
    %sub3A_1191 = vector.broadcast %sub3A_1190 : i32 to vector<16xi32>
    %sub3A_1192 = arith.subi %get3A_1189, %sub3A_1191 : vector<16xi32>
    %swap3A_1193 = arith.constant 1888 : index
    %swap3A_1194 = tpu.vector_load %arg6[%swap3A_1193] {strides = array<i32>} : memref<3136xi32, #tpu.memory_space<vmem>>, vector<16xi32>,
    %swap3A_1195 = vector.shape_cast %swap3A_1194 : vector<16xi32> to vector<16xi32>
    %swap3A_1196 = vector.shape_cast %sub3A_1192 : vector<16xi32> to vector<16xi32>
    tpu.vector_store %arg6[%swap3A_1193], %swap3A_1196 {strides = array<i32>} : memref<3136xi32, #tpu.memory_space<vmem>>, vector<16xi32>,
    %get3A_1197 = arith.constant 1904 : index
    %get3A_1198 = tpu.vector_load %arg6[%get3A_1197] {strides = array<i32>} : memref<3136xi32, #tpu.memory_space<vmem>>, vector<16xi32>,
    %get3A_1199 = vector.shape_cast %get3A_1198 : vector<16xi32> to vector<16xi32>
    %sub3A_1200 = arith.constant 1 : i32
    %sub3A_1201 = vector.broadcast %sub3A_1200 : i32 to vector<16xi32>
    %sub3A_1202 = arith.subi %get3A_1199, %sub3A_1201 : vector<16xi32>
    %swap3A_1203 = arith.constant 1904 : index
    %swap3A_1204 = tpu.vector_load %arg6[%swap3A_1203] {strides = array<i32>} : memref<3136xi32, #tpu.memory_space<vmem>>, vector<16xi32>,
    %swap3A_1205 = vector.shape_cast %swap3A_1204 : vector<16xi32> to vector<16xi32>
    %swap3A_1206 = vector.shape_cast %sub3A_1202 : vector<16xi32> to vector<16xi32>
    tpu.vector_store %arg6[%swap3A_1203], %swap3A_1206 {strides = array<i32>} : memref<3136xi32, #tpu.memory_space<vmem>>, vector<16xi32>,
    %get3A_1207 = arith.constant 1920 : index
    %get3A_1208 = tpu.vector_load %arg6[%get3A_1207] {strides = array<i32>} : memref<3136xi32, #tpu.memory_space<vmem>>, vector<16xi32>,
    %get3A_1209 = vector.shape_cast %get3A_1208 : vector<16xi32> to vector<16xi32>
    %sub3A_1210 = arith.constant 1 : i32
    %sub3A_1211 = vector.broadcast %sub3A_1210 : i32 to vector<16xi32>
    %sub3A_1212 = arith.subi %get3A_1209, %sub3A_1211 : vector<16xi32>
    %swap3A_1213 = arith.constant 1920 : index
    %swap3A_1214 = tpu.vector_load %arg6[%swap3A_1213] {strides = array<i32>} : memref<3136xi32, #tpu.memory_space<vmem>>, vector<16xi32>,
    %swap3A_1215 = vector.shape_cast %swap3A_1214 : vector<16xi32> to vector<16xi32>
    %swap3A_1216 = vector.shape_cast %sub3A_1212 : vector<16xi32> to vector<16xi32>
    tpu.vector_store %arg6[%swap3A_1213], %swap3A_1216 {strides = array<i32>} : memref<3136xi32, #tpu.memory_space<vmem>>, vector<16xi32>,
    %get3A_1217 = arith.constant 1936 : index
    %get3A_1218 = tpu.vector_load %arg6[%get3A_1217] {strides = array<i32>} : memref<3136xi32, #tpu.memory_space<vmem>>, vector<16xi32>,
    %get3A_1219 = vector.shape_cast %get3A_1218 : vector<16xi32> to vector<16xi32>
    %sub3A_1220 = arith.constant 1 : i32
    %sub3A_1221 = vector.broadcast %sub3A_1220 : i32 to vector<16xi32>
    %sub3A_1222 = arith.subi %get3A_1219, %sub3A_1221 : vector<16xi32>
    %swap3A_1223 = arith.constant 1936 : index
    %swap3A_1224 = tpu.vector_load %arg6[%swap3A_1223] {strides = array<i32>} : memref<3136xi32, #tpu.memory_space<vmem>>, vector<16xi32>,
    %swap3A_1225 = vector.shape_cast %swap3A_1224 : vector<16xi32> to vector<16xi32>
    %swap3A_1226 = vector.shape_cast %sub3A_1222 : vector<16xi32> to vector<16xi32>
    tpu.vector_store %arg6[%swap3A_1223], %swap3A_1226 {strides = array<i32>} : memref<3136xi32, #tpu.memory_space<vmem>>, vector<16xi32>,
    %get3A_1227 = arith.constant 1952 : index
    %get3A_1228 = tpu.vector_load %arg6[%get3A_1227] {strides = array<i32>} : memref<3136xi32, #tpu.memory_space<vmem>>, vector<16xi32>,
    %get3A_1229 = vector.shape_cast %get3A_1228 : vector<16xi32> to vector<16xi32>
    %sub3A_1230 = arith.constant 1 : i32
    %sub3A_1231 = vector.broadcast %sub3A_1230 : i32 to vector<16xi32>
    %sub3A_1232 = arith.subi %get3A_1229, %sub3A_1231 : vector<16xi32>
    %swap3A_1233 = arith.constant 1952 : index
    %swap3A_1234 = tpu.vector_load %arg6[%swap3A_1233] {strides = array<i32>} : memref<3136xi32, #tpu.memory_space<vmem>>, vector<16xi32>,
    %swap3A_1235 = vector.shape_cast %swap3A_1234 : vector<16xi32> to vector<16xi32>
    %swap3A_1236 = vector.shape_cast %sub3A_1232 : vector<16xi32> to vector<16xi32>
    tpu.vector_store %arg6[%swap3A_1233], %swap3A_1236 {strides = array<i32>} : memref<3136xi32, #tpu.memory_space<vmem>>, vector<16xi32>,
    %get3A_1237 = arith.constant 1968 : index
    %get3A_1238 = tpu.vector_load %arg6[%get3A_1237] {strides = array<i32>} : memref<3136xi32, #tpu.memory_space<vmem>>, vector<16xi32>,
    %get3A_1239 = vector.shape_cast %get3A_1238 : vector<16xi32> to vector<16xi32>
    %sub3A_1240 = arith.constant 1 : i32
    %sub3A_1241 = vector.broadcast %sub3A_1240 : i32 to vector<16xi32>
    %sub3A_1242 = arith.subi %get3A_1239, %sub3A_1241 : vector<16xi32>
    %swap3A_1243 = arith.constant 1968 : index
    %swap3A_1244 = tpu.vector_load %arg6[%swap3A_1243] {strides = array<i32>} : memref<3136xi32, #tpu.memory_space<vmem>>, vector<16xi32>,
    %swap3A_1245 = vector.shape_cast %swap3A_1244 : vector<16xi32> to vector<16xi32>
    %swap3A_1246 = vector.shape_cast %sub3A_1242 : vector<16xi32> to vector<16xi32>
    tpu.vector_store %arg6[%swap3A_1243], %swap3A_1246 {strides = array<i32>} : memref<3136xi32, #tpu.memory_space<vmem>>, vector<16xi32>,
    %get3A_1247 = arith.constant 1984 : index
    %get3A_1248 = tpu.vector_load %arg6[%get3A_1247] {strides = array<i32>} : memref<3136xi32, #tpu.memory_space<vmem>>, vector<16xi32>,
    %get3A_1249 = vector.shape_cast %get3A_1248 : vector<16xi32> to vector<16xi32>
    %sub3A_1250 = arith.constant 1 : i32
    %sub3A_1251 = vector.broadcast %sub3A_1250 : i32 to vector<16xi32>
    %sub3A_1252 = arith.subi %get3A_1249, %sub3A_1251 : vector<16xi32>
    %swap3A_1253 = arith.constant 1984 : index
    %swap3A_1254 = tpu.vector_load %arg6[%swap3A_1253] {strides = array<i32>} : memref<3136xi32, #tpu.memory_space<vmem>>, vector<16xi32>,
    %swap3A_1255 = vector.shape_cast %swap3A_1254 : vector<16xi32> to vector<16xi32>
    %swap3A_1256 = vector.shape_cast %sub3A_1252 : vector<16xi32> to vector<16xi32>
    tpu.vector_store %arg6[%swap3A_1253], %swap3A_1256 {strides = array<i32>} : memref<3136xi32, #tpu.memory_space<vmem>>, vector<16xi32>,
    %get3A_1257 = arith.constant 2000 : index
    %get3A_1258 = tpu.vector_load %arg6[%get3A_1257] {strides = array<i32>} : memref<3136xi32, #tpu.memory_space<vmem>>, vector<16xi32>,
    %get3A_1259 = vector.shape_cast %get3A_1258 : vector<16xi32> to vector<16xi32>
    %sub3A_1260 = arith.constant 1 : i32
    %sub3A_1261 = vector.broadcast %sub3A_1260 : i32 to vector<16xi32>
    %sub3A_1262 = arith.subi %get3A_1259, %sub3A_1261 : vector<16xi32>
    %swap3A_1263 = arith.constant 2000 : index
    %swap3A_1264 = tpu.vector_load %arg6[%swap3A_1263] {strides = array<i32>} : memref<3136xi32, #tpu.memory_space<vmem>>, vector<16xi32>,
    %swap3A_1265 = vector.shape_cast %swap3A_1264 : vector<16xi32> to vector<16xi32>
    %swap3A_1266 = vector.shape_cast %sub3A_1262 : vector<16xi32> to vector<16xi32>
    tpu.vector_store %arg6[%swap3A_1263], %swap3A_1266 {strides = array<i32>} : memref<3136xi32, #tpu.memory_space<vmem>>, vector<16xi32>,
    %get3A_1267 = arith.constant 2016 : index
    %get3A_1268 = tpu.vector_load %arg6[%get3A_1267] {strides = array<i32>} : memref<3136xi32, #tpu.memory_space<vmem>>, vector<16xi32>,
    %get3A_1269 = vector.shape_cast %get3A_1268 : vector<16xi32> to vector<16xi32>
    %sub3A_1270 = arith.constant 1 : i32
    %sub3A_1271 = vector.broadcast %sub3A_1270 : i32 to vector<16xi32>
    %sub3A_1272 = arith.subi %get3A_1269, %sub3A_1271 : vector<16xi32>
    %swap3A_1273 = arith.constant 2016 : index
    %swap3A_1274 = tpu.vector_load %arg6[%swap3A_1273] {strides = array<i32>} : memref<3136xi32, #tpu.memory_space<vmem>>, vector<16xi32>,
    %swap3A_1275 = vector.shape_cast %swap3A_1274 : vector<16xi32> to vector<16xi32>
    %swap3A_1276 = vector.shape_cast %sub3A_1272 : vector<16xi32> to vector<16xi32>
    tpu.vector_store %arg6[%swap3A_1273], %swap3A_1276 {strides = array<i32>} : memref<3136xi32, #tpu.memory_space<vmem>>, vector<16xi32>,
    %get3A_1277 = arith.constant 2032 : index
    %get3A_1278 = tpu.vector_load %arg6[%get3A_1277] {strides = array<i32>} : memref<3136xi32, #tpu.memory_space<vmem>>, vector<16xi32>,
    %get3A_1279 = vector.shape_cast %get3A_1278 : vector<16xi32> to vector<16xi32>
    %sub3A_1280 = arith.constant 1 : i32
    %sub3A_1281 = vector.broadcast %sub3A_1280 : i32 to vector<16xi32>
    %sub3A_1282 = arith.subi %get3A_1279, %sub3A_1281 : vector<16xi32>
    %swap3A_1283 = arith.constant 2032 : index
    %swap3A_1284 = tpu.vector_load %arg6[%swap3A_1283] {strides = array<i32>} : memref<3136xi32, #tpu.memory_space<vmem>>, vector<16xi32>,
    %swap3A_1285 = vector.shape_cast %swap3A_1284 : vector<16xi32> to vector<16xi32>
    %swap3A_1286 = vector.shape_cast %sub3A_1282 : vector<16xi32> to vector<16xi32>
    tpu.vector_store %arg6[%swap3A_1283], %swap3A_1286 {strides = array<i32>} : memref<3136xi32, #tpu.memory_space<vmem>>, vector<16xi32>,
    %get3A_1287 = arith.constant 2048 : index
    %get3A_1288 = tpu.vector_load %arg6[%get3A_1287] {strides = array<i32>} : memref<3136xi32, #tpu.memory_space<vmem>>, vector<16xi32>,
    %get3A_1289 = vector.shape_cast %get3A_1288 : vector<16xi32> to vector<16xi32>
    %sub3A_1290 = arith.constant 1 : i32
    %sub3A_1291 = vector.broadcast %sub3A_1290 : i32 to vector<16xi32>
    %sub3A_1292 = arith.subi %get3A_1289, %sub3A_1291 : vector<16xi32>
    %swap3A_1293 = arith.constant 2048 : index
    %swap3A_1294 = tpu.vector_load %arg6[%swap3A_1293] {strides = array<i32>} : memref<3136xi32, #tpu.memory_space<vmem>>, vector<16xi32>,
    %swap3A_1295 = vector.shape_cast %swap3A_1294 : vector<16xi32> to vector<16xi32>
    %swap3A_1296 = vector.shape_cast %sub3A_1292 : vector<16xi32> to vector<16xi32>
    tpu.vector_store %arg6[%swap3A_1293], %swap3A_1296 {strides = array<i32>} : memref<3136xi32, #tpu.memory_space<vmem>>, vector<16xi32>,
    %get3A_1297 = arith.constant 2064 : index
    %get3A_1298 = tpu.vector_load %arg6[%get3A_1297] {strides = array<i32>} : memref<3136xi32, #tpu.memory_space<vmem>>, vector<16xi32>,
    %get3A_1299 = vector.shape_cast %get3A_1298 : vector<16xi32> to vector<16xi32>
    %sub3A_1300 = arith.constant 1 : i32
    %sub3A_1301 = vector.broadcast %sub3A_1300 : i32 to vector<16xi32>
    %sub3A_1302 = arith.subi %get3A_1299, %sub3A_1301 : vector<16xi32>
    %swap3A_1303 = arith.constant 2064 : index
    %swap3A_1304 = tpu.vector_load %arg6[%swap3A_1303] {strides = array<i32>} : memref<3136xi32, #tpu.memory_space<vmem>>, vector<16xi32>,
    %swap3A_1305 = vector.shape_cast %swap3A_1304 : vector<16xi32> to vector<16xi32>
    %swap3A_1306 = vector.shape_cast %sub3A_1302 : vector<16xi32> to vector<16xi32>
    tpu.vector_store %arg6[%swap3A_1303], %swap3A_1306 {strides = array<i32>} : memref<3136xi32, #tpu.memory_space<vmem>>, vector<16xi32>,
    %get3A_1307 = arith.constant 2080 : index
    %get3A_1308 = tpu.vector_load %arg6[%get3A_1307] {strides = array<i32>} : memref<3136xi32, #tpu.memory_space<vmem>>, vector<16xi32>,
    %get3A_1309 = vector.shape_cast %get3A_1308 : vector<16xi32> to vector<16xi32>
    %sub3A_1310 = arith.constant 1 : i32
    %sub3A_1311 = vector.broadcast %sub3A_1310 : i32 to vector<16xi32>
    %sub3A_1312 = arith.subi %get3A_1309, %sub3A_1311 : vector<16xi32>
    %swap3A_1313 = arith.constant 2080 : index
    %swap3A_1314 = tpu.vector_load %arg6[%swap3A_1313] {strides = array<i32>} : memref<3136xi32, #tpu.memory_space<vmem>>, vector<16xi32>,
    %swap3A_1315 = vector.shape_cast %swap3A_1314 : vector<16xi32> to vector<16xi32>
    %swap3A_1316 = vector.shape_cast %sub3A_1312 : vector<16xi32> to vector<16xi32>
    tpu.vector_store %arg6[%swap3A_1313], %swap3A_1316 {strides = array<i32>} : memref<3136xi32, #tpu.memory_space<vmem>>, vector<16xi32>,
    %get3A_1317 = arith.constant 2096 : index
    %get3A_1318 = tpu.vector_load %arg6[%get3A_1317] {strides = array<i32>} : memref<3136xi32, #tpu.memory_space<vmem>>, vector<16xi32>,
    %get3A_1319 = vector.shape_cast %get3A_1318 : vector<16xi32> to vector<16xi32>
    %sub3A_1320 = arith.constant 1 : i32
    %sub3A_1321 = vector.broadcast %sub3A_1320 : i32 to vector<16xi32>
    %sub3A_1322 = arith.subi %get3A_1319, %sub3A_1321 : vector<16xi32>
    %swap3A_1323 = arith.constant 2096 : index
    %swap3A_1324 = tpu.vector_load %arg6[%swap3A_1323] {strides = array<i32>} : memref<3136xi32, #tpu.memory_space<vmem>>, vector<16xi32>,
    %swap3A_1325 = vector.shape_cast %swap3A_1324 : vector<16xi32> to vector<16xi32>
    %swap3A_1326 = vector.shape_cast %sub3A_1322 : vector<16xi32> to vector<16xi32>
    tpu.vector_store %arg6[%swap3A_1323], %swap3A_1326 {strides = array<i32>} : memref<3136xi32, #tpu.memory_space<vmem>>, vector<16xi32>,
    %get3A_1327 = arith.constant 2112 : index
    %get3A_1328 = tpu.vector_load %arg6[%get3A_1327] {strides = array<i32>} : memref<3136xi32, #tpu.memory_space<vmem>>, vector<16xi32>,
    %get3A_1329 = vector.shape_cast %get3A_1328 : vector<16xi32> to vector<16xi32>
    %sub3A_1330 = arith.constant 1 : i32
    %sub3A_1331 = vector.broadcast %sub3A_1330 : i32 to vector<16xi32>
    %sub3A_1332 = arith.subi %get3A_1329, %sub3A_1331 : vector<16xi32>
    %swap3A_1333 = arith.constant 2112 : index
    %swap3A_1334 = tpu.vector_load %arg6[%swap3A_1333] {strides = array<i32>} : memref<3136xi32, #tpu.memory_space<vmem>>, vector<16xi32>,
    %swap3A_1335 = vector.shape_cast %swap3A_1334 : vector<16xi32> to vector<16xi32>
    %swap3A_1336 = vector.shape_cast %sub3A_1332 : vector<16xi32> to vector<16xi32>
    tpu.vector_store %arg6[%swap3A_1333], %swap3A_1336 {strides = array<i32>} : memref<3136xi32, #tpu.memory_space<vmem>>, vector<16xi32>,
    %get3A_1337 = arith.constant 2128 : index
    %get3A_1338 = tpu.vector_load %arg6[%get3A_1337] {strides = array<i32>} : memref<3136xi32, #tpu.memory_space<vmem>>, vector<16xi32>,
    %get3A_1339 = vector.shape_cast %get3A_1338 : vector<16xi32> to vector<16xi32>
    %sub3A_1340 = arith.constant 1 : i32
    %sub3A_1341 = vector.broadcast %sub3A_1340 : i32 to vector<16xi32>
    %sub3A_1342 = arith.subi %get3A_1339, %sub3A_1341 : vector<16xi32>
    %swap3A_1343 = arith.constant 2128 : index
    %swap3A_1344 = tpu.vector_load %arg6[%swap3A_1343] {strides = array<i32>} : memref<3136xi32, #tpu.memory_space<vmem>>, vector<16xi32>,
    %swap3A_1345 = vector.shape_cast %swap3A_1344 : vector<16xi32> to vector<16xi32>
    %swap3A_1346 = vector.shape_cast %sub3A_1342 : vector<16xi32> to vector<16xi32>
    tpu.vector_store %arg6[%swap3A_1343], %swap3A_1346 {strides = array<i32>} : memref<3136xi32, #tpu.memory_space<vmem>>, vector<16xi32>,
    %get3A_1347 = arith.constant 2144 : index
    %get3A_1348 = tpu.vector_load %arg6[%get3A_1347] {strides = array<i32>} : memref<3136xi32, #tpu.memory_space<vmem>>, vector<16xi32>,
    %get3A_1349 = vector.shape_cast %get3A_1348 : vector<16xi32> to vector<16xi32>
    %sub3A_1350 = arith.constant 1 : i32
    %sub3A_1351 = vector.broadcast %sub3A_1350 : i32 to vector<16xi32>
    %sub3A_1352 = arith.subi %get3A_1349, %sub3A_1351 : vector<16xi32>
    %swap3A_1353 = arith.constant 2144 : index
    %swap3A_1354 = tpu.vector_load %arg6[%swap3A_1353] {strides = array<i32>} : memref<3136xi32, #tpu.memory_space<vmem>>, vector<16xi32>,
    %swap3A_1355 = vector.shape_cast %swap3A_1354 : vector<16xi32> to vector<16xi32>
    %swap3A_1356 = vector.shape_cast %sub3A_1352 : vector<16xi32> to vector<16xi32>
    tpu.vector_store %arg6[%swap3A_1353], %swap3A_1356 {strides = array<i32>} : memref<3136xi32, #tpu.memory_space<vmem>>, vector<16xi32>,
    %get3A_1357 = arith.constant 2160 : index
    %get3A_1358 = tpu.vector_load %arg6[%get3A_1357] {strides = array<i32>} : memref<3136xi32, #tpu.memory_space<vmem>>, vector<16xi32>,
    %get3A_1359 = vector.shape_cast %get3A_1358 : vector<16xi32> to vector<16xi32>
    %sub3A_1360 = arith.constant 1 : i32
    %sub3A_1361 = vector.broadcast %sub3A_1360 : i32 to vector<16xi32>
    %sub3A_1362 = arith.subi %get3A_1359, %sub3A_1361 : vector<16xi32>
    %swap3A_1363 = arith.constant 2160 : index
    %swap3A_1364 = tpu.vector_load %arg6[%swap3A_1363] {strides = array<i32>} : memref<3136xi32, #tpu.memory_space<vmem>>, vector<16xi32>,
    %swap3A_1365 = vector.shape_cast %swap3A_1364 : vector<16xi32> to vector<16xi32>
    %swap3A_1366 = vector.shape_cast %sub3A_1362 : vector<16xi32> to vector<16xi32>
    tpu.vector_store %arg6[%swap3A_1363], %swap3A_1366 {strides = array<i32>} : memref<3136xi32, #tpu.memory_space<vmem>>, vector<16xi32>,
    %get3A_1367 = arith.constant 2176 : index
    %get3A_1368 = tpu.vector_load %arg6[%get3A_1367] {strides = array<i32>} : memref<3136xi32, #tpu.memory_space<vmem>>, vector<16xi32>,
    %get3A_1369 = vector.shape_cast %get3A_1368 : vector<16xi32> to vector<16xi32>
    %sub3A_1370 = arith.constant 1 : i32
    %sub3A_1371 = vector.broadcast %sub3A_1370 : i32 to vector<16xi32>
    %sub3A_1372 = arith.subi %get3A_1369, %sub3A_1371 : vector<16xi32>
    %swap3A_1373 = arith.constant 2176 : index
    %swap3A_1374 = tpu.vector_load %arg6[%swap3A_1373] {strides = array<i32>} : memref<3136xi32, #tpu.memory_space<vmem>>, vector<16xi32>,
    %swap3A_1375 = vector.shape_cast %swap3A_1374 : vector<16xi32> to vector<16xi32>
    %swap3A_1376 = vector.shape_cast %sub3A_1372 : vector<16xi32> to vector<16xi32>
    tpu.vector_store %arg6[%swap3A_1373], %swap3A_1376 {strides = array<i32>} : memref<3136xi32, #tpu.memory_space<vmem>>, vector<16xi32>,
    %get3A_1377 = arith.constant 2192 : index
    %get3A_1378 = tpu.vector_load %arg6[%get3A_1377] {strides = array<i32>} : memref<3136xi32, #tpu.memory_space<vmem>>, vector<16xi32>,
    %get3A_1379 = vector.shape_cast %get3A_1378 : vector<16xi32> to vector<16xi32>
    %sub3A_1380 = arith.constant 1 : i32
    %sub3A_1381 = vector.broadcast %sub3A_1380 : i32 to vector<16xi32>
    %sub3A_1382 = arith.subi %get3A_1379, %sub3A_1381 : vector<16xi32>
    %swap3A_1383 = arith.constant 2192 : index
    %swap3A_1384 = tpu.vector_load %arg6[%swap3A_1383] {strides = array<i32>} : memref<3136xi32, #tpu.memory_space<vmem>>, vector<16xi32>,
    %swap3A_1385 = vector.shape_cast %swap3A_1384 : vector<16xi32> to vector<16xi32>
    %swap3A_1386 = vector.shape_cast %sub3A_1382 : vector<16xi32> to vector<16xi32>
    tpu.vector_store %arg6[%swap3A_1383], %swap3A_1386 {strides = array<i32>} : memref<3136xi32, #tpu.memory_space<vmem>>, vector<16xi32>,
    %get3A_1387 = arith.constant 2208 : index
    %get3A_1388 = tpu.vector_load %arg6[%get3A_1387] {strides = array<i32>} : memref<3136xi32, #tpu.memory_space<vmem>>, vector<16xi32>,
    %get3A_1389 = vector.shape_cast %get3A_1388 : vector<16xi32> to vector<16xi32>
    %sub3A_1390 = arith.constant 1 : i32
    %sub3A_1391 = vector.broadcast %sub3A_1390 : i32 to vector<16xi32>
    %sub3A_1392 = arith.subi %get3A_1389, %sub3A_1391 : vector<16xi32>
    %swap3A_1393 = arith.constant 2208 : index
    %swap3A_1394 = tpu.vector_load %arg6[%swap3A_1393] {strides = array<i32>} : memref<3136xi32, #tpu.memory_space<vmem>>, vector<16xi32>,
    %swap3A_1395 = vector.shape_cast %swap3A_1394 : vector<16xi32> to vector<16xi32>
    %swap3A_1396 = vector.shape_cast %sub3A_1392 : vector<16xi32> to vector<16xi32>
    tpu.vector_store %arg6[%swap3A_1393], %swap3A_1396 {strides = array<i32>} : memref<3136xi32, #tpu.memory_space<vmem>>, vector<16xi32>,
    %get3A_1397 = arith.constant 2224 : index
    %get3A_1398 = tpu.vector_load %arg6[%get3A_1397] {strides = array<i32>} : memref<3136xi32, #tpu.memory_space<vmem>>, vector<16xi32>,
    %get3A_1399 = vector.shape_cast %get3A_1398 : vector<16xi32> to vector<16xi32>
    %sub3A_1400 = arith.constant 1 : i32
    %sub3A_1401 = vector.broadcast %sub3A_1400 : i32 to vector<16xi32>
    %sub3A_1402 = arith.subi %get3A_1399, %sub3A_1401 : vector<16xi32>
    %swap3A_1403 = arith.constant 2224 : index
    %swap3A_1404 = tpu.vector_load %arg6[%swap3A_1403] {strides = array<i32>} : memref<3136xi32, #tpu.memory_space<vmem>>, vector<16xi32>,
    %swap3A_1405 = vector.shape_cast %swap3A_1404 : vector<16xi32> to vector<16xi32>
    %swap3A_1406 = vector.shape_cast %sub3A_1402 : vector<16xi32> to vector<16xi32>
    tpu.vector_store %arg6[%swap3A_1403], %swap3A_1406 {strides = array<i32>} : memref<3136xi32, #tpu.memory_space<vmem>>, vector<16xi32>,
    %get3A_1407 = arith.constant 2240 : index
    %get3A_1408 = tpu.vector_load %arg6[%get3A_1407] {strides = array<i32>} : memref<3136xi32, #tpu.memory_space<vmem>>, vector<16xi32>,
    %get3A_1409 = vector.shape_cast %get3A_1408 : vector<16xi32> to vector<16xi32>
    %sub3A_1410 = arith.constant 1 : i32
    %sub3A_1411 = vector.broadcast %sub3A_1410 : i32 to vector<16xi32>
    %sub3A_1412 = arith.subi %get3A_1409, %sub3A_1411 : vector<16xi32>
    %swap3A_1413 = arith.constant 2240 : index
    %swap3A_1414 = tpu.vector_load %arg6[%swap3A_1413] {strides = array<i32>} : memref<3136xi32, #tpu.memory_space<vmem>>, vector<16xi32>,
    %swap3A_1415 = vector.shape_cast %swap3A_1414 : vector<16xi32> to vector<16xi32>
    %swap3A_1416 = vector.shape_cast %sub3A_1412 : vector<16xi32> to vector<16xi32>
    tpu.vector_store %arg6[%swap3A_1413], %swap3A_1416 {strides = array<i32>} : memref<3136xi32, #tpu.memory_space<vmem>>, vector<16xi32>,
    %get3A_1417 = arith.constant 2256 : index
    %get3A_1418 = tpu.vector_load %arg6[%get3A_1417] {strides = array<i32>} : memref<3136xi32, #tpu.memory_space<vmem>>, vector<16xi32>,
    %get3A_1419 = vector.shape_cast %get3A_1418 : vector<16xi32> to vector<16xi32>
    %sub3A_1420 = arith.constant 1 : i32
    %sub3A_1421 = vector.broadcast %sub3A_1420 : i32 to vector<16xi32>
    %sub3A_1422 = arith.subi %get3A_1419, %sub3A_1421 : vector<16xi32>
    %swap3A_1423 = arith.constant 2256 : index
    %swap3A_1424 = tpu.vector_load %arg6[%swap3A_1423] {strides = array<i32>} : memref<3136xi32, #tpu.memory_space<vmem>>, vector<16xi32>,
    %swap3A_1425 = vector.shape_cast %swap3A_1424 : vector<16xi32> to vector<16xi32>
    %swap3A_1426 = vector.shape_cast %sub3A_1422 : vector<16xi32> to vector<16xi32>
    tpu.vector_store %arg6[%swap3A_1423], %swap3A_1426 {strides = array<i32>} : memref<3136xi32, #tpu.memory_space<vmem>>, vector<16xi32>,
    %get3A_1427 = arith.constant 2272 : index
    %get3A_1428 = tpu.vector_load %arg6[%get3A_1427] {strides = array<i32>} : memref<3136xi32, #tpu.memory_space<vmem>>, vector<16xi32>,
    %get3A_1429 = vector.shape_cast %get3A_1428 : vector<16xi32> to vector<16xi32>
    %sub3A_1430 = arith.constant 1 : i32
    %sub3A_1431 = vector.broadcast %sub3A_1430 : i32 to vector<16xi32>
    %sub3A_1432 = arith.subi %get3A_1429, %sub3A_1431 : vector<16xi32>
    %swap3A_1433 = arith.constant 2272 : index
    %swap3A_1434 = tpu.vector_load %arg6[%swap3A_1433] {strides = array<i32>} : memref<3136xi32, #tpu.memory_space<vmem>>, vector<16xi32>,
    %swap3A_1435 = vector.shape_cast %swap3A_1434 : vector<16xi32> to vector<16xi32>
    %swap3A_1436 = vector.shape_cast %sub3A_1432 : vector<16xi32> to vector<16xi32>
    tpu.vector_store %arg6[%swap3A_1433], %swap3A_1436 {strides = array<i32>} : memref<3136xi32, #tpu.memory_space<vmem>>, vector<16xi32>,
    %get3A_1437 = arith.constant 2288 : index
    %get3A_1438 = tpu.vector_load %arg6[%get3A_1437] {strides = array<i32>} : memref<3136xi32, #tpu.memory_space<vmem>>, vector<16xi32>,
    %get3A_1439 = vector.shape_cast %get3A_1438 : vector<16xi32> to vector<16xi32>
    %sub3A_1440 = arith.constant 1 : i32
    %sub3A_1441 = vector.broadcast %sub3A_1440 : i32 to vector<16xi32>
    %sub3A_1442 = arith.subi %get3A_1439, %sub3A_1441 : vector<16xi32>
    %swap3A_1443 = arith.constant 2288 : index
    %swap3A_1444 = tpu.vector_load %arg6[%swap3A_1443] {strides = array<i32>} : memref<3136xi32, #tpu.memory_space<vmem>>, vector<16xi32>,
    %swap3A_1445 = vector.shape_cast %swap3A_1444 : vector<16xi32> to vector<16xi32>
    %swap3A_1446 = vector.shape_cast %sub3A_1442 : vector<16xi32> to vector<16xi32>
    tpu.vector_store %arg6[%swap3A_1443], %swap3A_1446 {strides = array<i32>} : memref<3136xi32, #tpu.memory_space<vmem>>, vector<16xi32>,
    %get3A_1447 = arith.constant 2304 : index
    %get3A_1448 = tpu.vector_load %arg6[%get3A_1447] {strides = array<i32>} : memref<3136xi32, #tpu.memory_space<vmem>>, vector<16xi32>,
    %get3A_1449 = vector.shape_cast %get3A_1448 : vector<16xi32> to vector<16xi32>
    %sub3A_1450 = arith.constant 1 : i32
    %sub3A_1451 = vector.broadcast %sub3A_1450 : i32 to vector<16xi32>
    %sub3A_1452 = arith.subi %get3A_1449, %sub3A_1451 : vector<16xi32>
    %swap3A_1453 = arith.constant 2304 : index
    %swap3A_1454 = tpu.vector_load %arg6[%swap3A_1453] {strides = array<i32>} : memref<3136xi32, #tpu.memory_space<vmem>>, vector<16xi32>,
    %swap3A_1455 = vector.shape_cast %swap3A_1454 : vector<16xi32> to vector<16xi32>
    %swap3A_1456 = vector.shape_cast %sub3A_1452 : vector<16xi32> to vector<16xi32>
    tpu.vector_store %arg6[%swap3A_1453], %swap3A_1456 {strides = array<i32>} : memref<3136xi32, #tpu.memory_space<vmem>>, vector<16xi32>,
    %get3A_1457 = arith.constant 2320 : index
    %get3A_1458 = tpu.vector_load %arg6[%get3A_1457] {strides = array<i32>} : memref<3136xi32, #tpu.memory_space<vmem>>, vector<16xi32>,
    %get3A_1459 = vector.shape_cast %get3A_1458 : vector<16xi32> to vector<16xi32>
    %sub3A_1460 = arith.constant 1 : i32
    %sub3A_1461 = vector.broadcast %sub3A_1460 : i32 to vector<16xi32>
    %sub3A_1462 = arith.subi %get3A_1459, %sub3A_1461 : vector<16xi32>
    %swap3A_1463 = arith.constant 2320 : index
    %swap3A_1464 = tpu.vector_load %arg6[%swap3A_1463] {strides = array<i32>} : memref<3136xi32, #tpu.memory_space<vmem>>, vector<16xi32>,
    %swap3A_1465 = vector.shape_cast %swap3A_1464 : vector<16xi32> to vector<16xi32>
    %swap3A_1466 = vector.shape_cast %sub3A_1462 : vector<16xi32> to vector<16xi32>
    tpu.vector_store %arg6[%swap3A_1463], %swap3A_1466 {strides = array<i32>} : memref<3136xi32, #tpu.memory_space<vmem>>, vector<16xi32>,
    %get3A_1467 = arith.constant 2336 : index
    %get3A_1468 = tpu.vector_load %arg6[%get3A_1467] {strides = array<i32>} : memref<3136xi32, #tpu.memory_space<vmem>>, vector<16xi32>,
    %get3A_1469 = vector.shape_cast %get3A_1468 : vector<16xi32> to vector<16xi32>
    %sub3A_1470 = arith.constant 1 : i32
    %sub3A_1471 = vector.broadcast %sub3A_1470 : i32 to vector<16xi32>
    %sub3A_1472 = arith.subi %get3A_1469, %sub3A_1471 : vector<16xi32>
    %swap3A_1473 = arith.constant 2336 : index
    %swap3A_1474 = tpu.vector_load %arg6[%swap3A_1473] {strides = array<i32>} : memref<3136xi32, #tpu.memory_space<vmem>>, vector<16xi32>,
    %swap3A_1475 = vector.shape_cast %swap3A_1474 : vector<16xi32> to vector<16xi32>
    %swap3A_1476 = vector.shape_cast %sub3A_1472 : vector<16xi32> to vector<16xi32>
    tpu.vector_store %arg6[%swap3A_1473], %swap3A_1476 {strides = array<i32>} : memref<3136xi32, #tpu.memory_space<vmem>>, vector<16xi32>,
    %get3A_1477 = arith.constant 2352 : index
    %get3A_1478 = tpu.vector_load %arg6[%get3A_1477] {strides = array<i32>} : memref<3136xi32, #tpu.memory_space<vmem>>, vector<16xi32>,
    %get3A_1479 = vector.shape_cast %get3A_1478 : vector<16xi32> to vector<16xi32>
    %sub3A_1480 = arith.constant 1 : i32
    %sub3A_1481 = vector.broadcast %sub3A_1480 : i32 to vector<16xi32>
    %sub3A_1482 = arith.subi %get3A_1479, %sub3A_1481 : vector<16xi32>
    %swap3A_1483 = arith.constant 2352 : index
    %swap3A_1484 = tpu.vector_load %arg6[%swap3A_1483] {strides = array<i32>} : memref<3136xi32, #tpu.memory_space<vmem>>, vector<16xi32>,
    %swap3A_1485 = vector.shape_cast %swap3A_1484 : vector<16xi32> to vector<16xi32>
    %swap3A_1486 = vector.shape_cast %sub3A_1482 : vector<16xi32> to vector<16xi32>
    tpu.vector_store %arg6[%swap3A_1483], %swap3A_1486 {strides = array<i32>} : memref<3136xi32, #tpu.memory_space<vmem>>, vector<16xi32>,
    %get3A_1487 = arith.constant 2368 : index
    %get3A_1488 = tpu.vector_load %arg6[%get3A_1487] {strides = array<i32>} : memref<3136xi32, #tpu.memory_space<vmem>>, vector<16xi32>,
    %get3A_1489 = vector.shape_cast %get3A_1488 : vector<16xi32> to vector<16xi32>
    %sub3A_1490 = arith.constant 1 : i32
    %sub3A_1491 = vector.broadcast %sub3A_1490 : i32 to vector<16xi32>
    %sub3A_1492 = arith.subi %get3A_1489, %sub3A_1491 : vector<16xi32>
    %swap3A_1493 = arith.constant 2368 : index
    %swap3A_1494 = tpu.vector_load %arg6[%swap3A_1493] {strides = array<i32>} : memref<3136xi32, #tpu.memory_space<vmem>>, vector<16xi32>,
    %swap3A_1495 = vector.shape_cast %swap3A_1494 : vector<16xi32> to vector<16xi32>
    %swap3A_1496 = vector.shape_cast %sub3A_1492 : vector<16xi32> to vector<16xi32>
    tpu.vector_store %arg6[%swap3A_1493], %swap3A_1496 {strides = array<i32>} : memref<3136xi32, #tpu.memory_space<vmem>>, vector<16xi32>,
    %get3A_1497 = arith.constant 2384 : index
    %get3A_1498 = tpu.vector_load %arg6[%get3A_1497] {strides = array<i32>} : memref<3136xi32, #tpu.memory_space<vmem>>, vector<16xi32>,
    %get3A_1499 = vector.shape_cast %get3A_1498 : vector<16xi32> to vector<16xi32>
    %sub3A_1500 = arith.constant 1 : i32
    %sub3A_1501 = vector.broadcast %sub3A_1500 : i32 to vector<16xi32>
    %sub3A_1502 = arith.subi %get3A_1499, %sub3A_1501 : vector<16xi32>
    %swap3A_1503 = arith.constant 2384 : index
    %swap3A_1504 = tpu.vector_load %arg6[%swap3A_1503] {strides = array<i32>} : memref<3136xi32, #tpu.memory_space<vmem>>, vector<16xi32>,
    %swap3A_1505 = vector.shape_cast %swap3A_1504 : vector<16xi32> to vector<16xi32>
    %swap3A_1506 = vector.shape_cast %sub3A_1502 : vector<16xi32> to vector<16xi32>
    tpu.vector_store %arg6[%swap3A_1503], %swap3A_1506 {strides = array<i32>} : memref<3136xi32, #tpu.memory_space<vmem>>, vector<16xi32>,
    %get3A_1507 = arith.constant 2400 : index
    %get3A_1508 = tpu.vector_load %arg6[%get3A_1507] {strides = array<i32>} : memref<3136xi32, #tpu.memory_space<vmem>>, vector<16xi32>,
    %get3A_1509 = vector.shape_cast %get3A_1508 : vector<16xi32> to vector<16xi32>
    %sub3A_1510 = arith.constant 1 : i32
    %sub3A_1511 = vector.broadcast %sub3A_1510 : i32 to vector<16xi32>
    %sub3A_1512 = arith.subi %get3A_1509, %sub3A_1511 : vector<16xi32>
    %swap3A_1513 = arith.constant 2400 : index
    %swap3A_1514 = tpu.vector_load %arg6[%swap3A_1513] {strides = array<i32>} : memref<3136xi32, #tpu.memory_space<vmem>>, vector<16xi32>,
    %swap3A_1515 = vector.shape_cast %swap3A_1514 : vector<16xi32> to vector<16xi32>
    %swap3A_1516 = vector.shape_cast %sub3A_1512 : vector<16xi32> to vector<16xi32>
    tpu.vector_store %arg6[%swap3A_1513], %swap3A_1516 {strides = array<i32>} : memref<3136xi32, #tpu.memory_space<vmem>>, vector<16xi32>,
    %get3A_1517 = arith.constant 2416 : index
    %get3A_1518 = tpu.vector_load %arg6[%get3A_1517] {strides = array<i32>} : memref<3136xi32, #tpu.memory_space<vmem>>, vector<16xi32>,
    %get3A_1519 = vector.shape_cast %get3A_1518 : vector<16xi32> to vector<16xi32>
    %sub3A_1520 = arith.constant 1 : i32
    %sub3A_1521 = vector.broadcast %sub3A_1520 : i32 to vector<16xi32>
    %sub3A_1522 = arith.subi %get3A_1519, %sub3A_1521 : vector<16xi32>
    %swap3A_1523 = arith.constant 2416 : index
    %swap3A_1524 = tpu.vector_load %arg6[%swap3A_1523] {strides = array<i32>} : memref<3136xi32, #tpu.memory_space<vmem>>, vector<16xi32>,
    %swap3A_1525 = vector.shape_cast %swap3A_1524 : vector<16xi32> to vector<16xi32>
    %swap3A_1526 = vector.shape_cast %sub3A_1522 : vector<16xi32> to vector<16xi32>
    tpu.vector_store %arg6[%swap3A_1523], %swap3A_1526 {strides = array<i32>} : memref<3136xi32, #tpu.memory_space<vmem>>, vector<16xi32>,
    %get3A_1527 = arith.constant 2432 : index
    %get3A_1528 = tpu.vector_load %arg6[%get3A_1527] {strides = array<i32>} : memref<3136xi32, #tpu.memory_space<vmem>>, vector<16xi32>,
    %get3A_1529 = vector.shape_cast %get3A_1528 : vector<16xi32> to vector<16xi32>
    %sub3A_1530 = arith.constant 1 : i32
    %sub3A_1531 = vector.broadcast %sub3A_1530 : i32 to vector<16xi32>
    %sub3A_1532 = arith.subi %get3A_1529, %sub3A_1531 : vector<16xi32>
    %swap3A_1533 = arith.constant 2432 : index
    %swap3A_1534 = tpu.vector_load %arg6[%swap3A_1533] {strides = array<i32>} : memref<3136xi32, #tpu.memory_space<vmem>>, vector<16xi32>,
    %swap3A_1535 = vector.shape_cast %swap3A_1534 : vector<16xi32> to vector<16xi32>
    %swap3A_1536 = vector.shape_cast %sub3A_1532 : vector<16xi32> to vector<16xi32>
    tpu.vector_store %arg6[%swap3A_1533], %swap3A_1536 {strides = array<i32>} : memref<3136xi32, #tpu.memory_space<vmem>>, vector<16xi32>,
    %get3A_1537 = arith.constant 2448 : index
    %get3A_1538 = tpu.vector_load %arg6[%get3A_1537] {strides = array<i32>} : memref<3136xi32, #tpu.memory_space<vmem>>, vector<16xi32>,
    %get3A_1539 = vector.shape_cast %get3A_1538 : vector<16xi32> to vector<16xi32>
    %sub3A_1540 = arith.constant 1 : i32
    %sub3A_1541 = vector.broadcast %sub3A_1540 : i32 to vector<16xi32>
    %sub3A_1542 = arith.subi %get3A_1539, %sub3A_1541 : vector<16xi32>
    %swap3A_1543 = arith.constant 2448 : index
    %swap3A_1544 = tpu.vector_load %arg6[%swap3A_1543] {strides = array<i32>} : memref<3136xi32, #tpu.memory_space<vmem>>, vector<16xi32>,
    %swap3A_1545 = vector.shape_cast %swap3A_1544 : vector<16xi32> to vector<16xi32>
    %swap3A_1546 = vector.shape_cast %sub3A_1542 : vector<16xi32> to vector<16xi32>
    tpu.vector_store %arg6[%swap3A_1543], %swap3A_1546 {strides = array<i32>} : memref<3136xi32, #tpu.memory_space<vmem>>, vector<16xi32>,
    %get3A_1547 = arith.constant 2464 : index
    %get3A_1548 = tpu.vector_load %arg6[%get3A_1547] {strides = array<i32>} : memref<3136xi32, #tpu.memory_space<vmem>>, vector<16xi32>,
    %get3A_1549 = vector.shape_cast %get3A_1548 : vector<16xi32> to vector<16xi32>
    %sub3A_1550 = arith.constant 1 : i32
    %sub3A_1551 = vector.broadcast %sub3A_1550 : i32 to vector<16xi32>
    %sub3A_1552 = arith.subi %get3A_1549, %sub3A_1551 : vector<16xi32>
    %swap3A_1553 = arith.constant 2464 : index
    %swap3A_1554 = tpu.vector_load %arg6[%swap3A_1553] {strides = array<i32>} : memref<3136xi32, #tpu.memory_space<vmem>>, vector<16xi32>,
    %swap3A_1555 = vector.shape_cast %swap3A_1554 : vector<16xi32> to vector<16xi32>
    %swap3A_1556 = vector.shape_cast %sub3A_1552 : vector<16xi32> to vector<16xi32>
    tpu.vector_store %arg6[%swap3A_1553], %swap3A_1556 {strides = array<i32>} : memref<3136xi32, #tpu.memory_space<vmem>>, vector<16xi32>,
    %get3A_1557 = arith.constant 2480 : index
    %get3A_1558 = tpu.vector_load %arg6[%get3A_1557] {strides = array<i32>} : memref<3136xi32, #tpu.memory_space<vmem>>, vector<16xi32>,
    %get3A_1559 = vector.shape_cast %get3A_1558 : vector<16xi32> to vector<16xi32>
    %sub3A_1560 = arith.constant 1 : i32
    %sub3A_1561 = vector.broadcast %sub3A_1560 : i32 to vector<16xi32>
    %sub3A_1562 = arith.subi %get3A_1559, %sub3A_1561 : vector<16xi32>
    %swap3A_1563 = arith.constant 2480 : index
    %swap3A_1564 = tpu.vector_load %arg6[%swap3A_1563] {strides = array<i32>} : memref<3136xi32, #tpu.memory_space<vmem>>, vector<16xi32>,
    %swap3A_1565 = vector.shape_cast %swap3A_1564 : vector<16xi32> to vector<16xi32>
    %swap3A_1566 = vector.shape_cast %sub3A_1562 : vector<16xi32> to vector<16xi32>
    tpu.vector_store %arg6[%swap3A_1563], %swap3A_1566 {strides = array<i32>} : memref<3136xi32, #tpu.memory_space<vmem>>, vector<16xi32>,
    %get3A_1567 = arith.constant 2496 : index
    %get3A_1568 = tpu.vector_load %arg6[%get3A_1567] {strides = array<i32>} : memref<3136xi32, #tpu.memory_space<vmem>>, vector<16xi32>,
    %get3A_1569 = vector.shape_cast %get3A_1568 : vector<16xi32> to vector<16xi32>
    %sub3A_1570 = arith.constant 1 : i32
    %sub3A_1571 = vector.broadcast %sub3A_1570 : i32 to vector<16xi32>
    %sub3A_1572 = arith.subi %get3A_1569, %sub3A_1571 : vector<16xi32>
    %swap3A_1573 = arith.constant 2496 : index
    %swap3A_1574 = tpu.vector_load %arg6[%swap3A_1573] {strides = array<i32>} : memref<3136xi32, #tpu.memory_space<vmem>>, vector<16xi32>,
    %swap3A_1575 = vector.shape_cast %swap3A_1574 : vector<16xi32> to vector<16xi32>
    %swap3A_1576 = vector.shape_cast %sub3A_1572 : vector<16xi32> to vector<16xi32>
    tpu.vector_store %arg6[%swap3A_1573], %swap3A_1576 {strides = array<i32>} : memref<3136xi32, #tpu.memory_space<vmem>>, vector<16xi32>,
    %get3A_1577 = arith.constant 2512 : index
    %get3A_1578 = tpu.vector_load %arg6[%get3A_1577] {strides = array<i32>} : memref<3136xi32, #tpu.memory_space<vmem>>, vector<16xi32>,
    %get3A_1579 = vector.shape_cast %get3A_1578 : vector<16xi32> to vector<16xi32>
    %sub3A_1580 = arith.constant 1 : i32
    %sub3A_1581 = vector.broadcast %sub3A_1580 : i32 to vector<16xi32>
    %sub3A_1582 = arith.subi %get3A_1579, %sub3A_1581 : vector<16xi32>
    %swap3A_1583 = arith.constant 2512 : index
    %swap3A_1584 = tpu.vector_load %arg6[%swap3A_1583] {strides = array<i32>} : memref<3136xi32, #tpu.memory_space<vmem>>, vector<16xi32>,
    %swap3A_1585 = vector.shape_cast %swap3A_1584 : vector<16xi32> to vector<16xi32>
    %swap3A_1586 = vector.shape_cast %sub3A_1582 : vector<16xi32> to vector<16xi32>
    tpu.vector_store %arg6[%swap3A_1583], %swap3A_1586 {strides = array<i32>} : memref<3136xi32, #tpu.memory_space<vmem>>, vector<16xi32>,
    %get3A_1587 = arith.constant 2528 : index
    %get3A_1588 = tpu.vector_load %arg6[%get3A_1587] {strides = array<i32>} : memref<3136xi32, #tpu.memory_space<vmem>>, vector<16xi32>,
    %get3A_1589 = vector.shape_cast %get3A_1588 : vector<16xi32> to vector<16xi32>
    %sub3A_1590 = arith.constant 1 : i32
    %sub3A_1591 = vector.broadcast %sub3A_1590 : i32 to vector<16xi32>
    %sub3A_1592 = arith.subi %get3A_1589, %sub3A_1591 : vector<16xi32>
    %swap3A_1593 = arith.constant 2528 : index
    %swap3A_1594 = tpu.vector_load %arg6[%swap3A_1593] {strides = array<i32>} : memref<3136xi32, #tpu.memory_space<vmem>>, vector<16xi32>,
    %swap3A_1595 = vector.shape_cast %swap3A_1594 : vector<16xi32> to vector<16xi32>
    %swap3A_1596 = vector.shape_cast %sub3A_1592 : vector<16xi32> to vector<16xi32>
    tpu.vector_store %arg6[%swap3A_1593], %swap3A_1596 {strides = array<i32>} : memref<3136xi32, #tpu.memory_space<vmem>>, vector<16xi32>,
    %get3A_1597 = arith.constant 2544 : index
    %get3A_1598 = tpu.vector_load %arg6[%get3A_1597] {strides = array<i32>} : memref<3136xi32, #tpu.memory_space<vmem>>, vector<16xi32>,
    %get3A_1599 = vector.shape_cast %get3A_1598 : vector<16xi32> to vector<16xi32>
    %sub3A_1600 = arith.constant 1 : i32
    %sub3A_1601 = vector.broadcast %sub3A_1600 : i32 to vector<16xi32>
    %sub3A_1602 = arith.subi %get3A_1599, %sub3A_1601 : vector<16xi32>
    %swap3A_1603 = arith.constant 2544 : index
    %swap3A_1604 = tpu.vector_load %arg6[%swap3A_1603] {strides = array<i32>} : memref<3136xi32, #tpu.memory_space<vmem>>, vector<16xi32>,
    %swap3A_1605 = vector.shape_cast %swap3A_1604 : vector<16xi32> to vector<16xi32>
    %swap3A_1606 = vector.shape_cast %sub3A_1602 : vector<16xi32> to vector<16xi32>
    tpu.vector_store %arg6[%swap3A_1603], %swap3A_1606 {strides = array<i32>} : memref<3136xi32, #tpu.memory_space<vmem>>, vector<16xi32>,
    %get3A_1607 = arith.constant 2560 : index
    %get3A_1608 = tpu.vector_load %arg6[%get3A_1607] {strides = array<i32>} : memref<3136xi32, #tpu.memory_space<vmem>>, vector<16xi32>,
    %get3A_1609 = vector.shape_cast %get3A_1608 : vector<16xi32> to vector<16xi32>
    %sub3A_1610 = arith.constant 1 : i32
    %sub3A_1611 = vector.broadcast %sub3A_1610 : i32 to vector<16xi32>
    %sub3A_1612 = arith.subi %get3A_1609, %sub3A_1611 : vector<16xi32>
    %swap3A_1613 = arith.constant 2560 : index
    %swap3A_1614 = tpu.vector_load %arg6[%swap3A_1613] {strides = array<i32>} : memref<3136xi32, #tpu.memory_space<vmem>>, vector<16xi32>,
    %swap3A_1615 = vector.shape_cast %swap3A_1614 : vector<16xi32> to vector<16xi32>
    %swap3A_1616 = vector.shape_cast %sub3A_1612 : vector<16xi32> to vector<16xi32>
    tpu.vector_store %arg6[%swap3A_1613], %swap3A_1616 {strides = array<i32>} : memref<3136xi32, #tpu.memory_space<vmem>>, vector<16xi32>,
    %get3A_1617 = arith.constant 2576 : index
    %get3A_1618 = tpu.vector_load %arg6[%get3A_1617] {strides = array<i32>} : memref<3136xi32, #tpu.memory_space<vmem>>, vector<16xi32>,
    %get3A_1619 = vector.shape_cast %get3A_1618 : vector<16xi32> to vector<16xi32>
    %sub3A_1620 = arith.constant 1 : i32
    %sub3A_1621 = vector.broadcast %sub3A_1620 : i32 to vector<16xi32>
    %sub3A_1622 = arith.subi %get3A_1619, %sub3A_1621 : vector<16xi32>
    %swap3A_1623 = arith.constant 2576 : index
    %swap3A_1624 = tpu.vector_load %arg6[%swap3A_1623] {strides = array<i32>} : memref<3136xi32, #tpu.memory_space<vmem>>, vector<16xi32>,
    %swap3A_1625 = vector.shape_cast %swap3A_1624 : vector<16xi32> to vector<16xi32>
    %swap3A_1626 = vector.shape_cast %sub3A_1622 : vector<16xi32> to vector<16xi32>
    tpu.vector_store %arg6[%swap3A_1623], %swap3A_1626 {strides = array<i32>} : memref<3136xi32, #tpu.memory_space<vmem>>, vector<16xi32>,
    %get3A_1627 = arith.constant 2592 : index
    %get3A_1628 = tpu.vector_load %arg6[%get3A_1627] {strides = array<i32>} : memref<3136xi32, #tpu.memory_space<vmem>>, vector<16xi32>,
    %get3A_1629 = vector.shape_cast %get3A_1628 : vector<16xi32> to vector<16xi32>
    %sub3A_1630 = arith.constant 1 : i32
    %sub3A_1631 = vector.broadcast %sub3A_1630 : i32 to vector<16xi32>
    %sub3A_1632 = arith.subi %get3A_1629, %sub3A_1631 : vector<16xi32>
    %swap3A_1633 = arith.constant 2592 : index
    %swap3A_1634 = tpu.vector_load %arg6[%swap3A_1633] {strides = array<i32>} : memref<3136xi32, #tpu.memory_space<vmem>>, vector<16xi32>,
    %swap3A_1635 = vector.shape_cast %swap3A_1634 : vector<16xi32> to vector<16xi32>
    %swap3A_1636 = vector.shape_cast %sub3A_1632 : vector<16xi32> to vector<16xi32>
    tpu.vector_store %arg6[%swap3A_1633], %swap3A_1636 {strides = array<i32>} : memref<3136xi32, #tpu.memory_space<vmem>>, vector<16xi32>,
    %get3A_1637 = arith.constant 2608 : index
    %get3A_1638 = tpu.vector_load %arg6[%get3A_1637] {strides = array<i32>} : memref<3136xi32, #tpu.memory_space<vmem>>, vector<16xi32>,
    %get3A_1639 = vector.shape_cast %get3A_1638 : vector<16xi32> to vector<16xi32>
    %sub3A_1640 = arith.constant 1 : i32
    %sub3A_1641 = vector.broadcast %sub3A_1640 : i32 to vector<16xi32>
    %sub3A_1642 = arith.subi %get3A_1639, %sub3A_1641 : vector<16xi32>
    %swap3A_1643 = arith.constant 2608 : index
    %swap3A_1644 = tpu.vector_load %arg6[%swap3A_1643] {strides = array<i32>} : memref<3136xi32, #tpu.memory_space<vmem>>, vector<16xi32>,
    %swap3A_1645 = vector.shape_cast %swap3A_1644 : vector<16xi32> to vector<16xi32>
    %swap3A_1646 = vector.shape_cast %sub3A_1642 : vector<16xi32> to vector<16xi32>
    tpu.vector_store %arg6[%swap3A_1643], %swap3A_1646 {strides = array<i32>} : memref<3136xi32, #tpu.memory_space<vmem>>, vector<16xi32>,
    %get3A_1647 = arith.constant 2624 : index
    %get3A_1648 = tpu.vector_load %arg6[%get3A_1647] {strides = array<i32>} : memref<3136xi32, #tpu.memory_space<vmem>>, vector<16xi32>,
    %get3A_1649 = vector.shape_cast %get3A_1648 : vector<16xi32> to vector<16xi32>
    %sub3A_1650 = arith.constant 1 : i32
    %sub3A_1651 = vector.broadcast %sub3A_1650 : i32 to vector<16xi32>
    %sub3A_1652 = arith.subi %get3A_1649, %sub3A_1651 : vector<16xi32>
    %swap3A_1653 = arith.constant 2624 : index
    %swap3A_1654 = tpu.vector_load %arg6[%swap3A_1653] {strides = array<i32>} : memref<3136xi32, #tpu.memory_space<vmem>>, vector<16xi32>,
    %swap3A_1655 = vector.shape_cast %swap3A_1654 : vector<16xi32> to vector<16xi32>
    %swap3A_1656 = vector.shape_cast %sub3A_1652 : vector<16xi32> to vector<16xi32>
    tpu.vector_store %arg6[%swap3A_1653], %swap3A_1656 {strides = array<i32>} : memref<3136xi32, #tpu.memory_space<vmem>>, vector<16xi32>,
    %get3A_1657 = arith.constant 2640 : index
    %get3A_1658 = tpu.vector_load %arg6[%get3A_1657] {strides = array<i32>} : memref<3136xi32, #tpu.memory_space<vmem>>, vector<16xi32>,
    %get3A_1659 = vector.shape_cast %get3A_1658 : vector<16xi32> to vector<16xi32>
    %sub3A_1660 = arith.constant 1 : i32
    %sub3A_1661 = vector.broadcast %sub3A_1660 : i32 to vector<16xi32>
    %sub3A_1662 = arith.subi %get3A_1659, %sub3A_1661 : vector<16xi32>
    %swap3A_1663 = arith.constant 2640 : index
    %swap3A_1664 = tpu.vector_load %arg6[%swap3A_1663] {strides = array<i32>} : memref<3136xi32, #tpu.memory_space<vmem>>, vector<16xi32>,
    %swap3A_1665 = vector.shape_cast %swap3A_1664 : vector<16xi32> to vector<16xi32>
    %swap3A_1666 = vector.shape_cast %sub3A_1662 : vector<16xi32> to vector<16xi32>
    tpu.vector_store %arg6[%swap3A_1663], %swap3A_1666 {strides = array<i32>} : memref<3136xi32, #tpu.memory_space<vmem>>, vector<16xi32>,
    %get3A_1667 = arith.constant 2656 : index
    %get3A_1668 = tpu.vector_load %arg6[%get3A_1667] {strides = array<i32>} : memref<3136xi32, #tpu.memory_space<vmem>>, vector<16xi32>,
    %get3A_1669 = vector.shape_cast %get3A_1668 : vector<16xi32> to vector<16xi32>
    %sub3A_1670 = arith.constant 1 : i32
    %sub3A_1671 = vector.broadcast %sub3A_1670 : i32 to vector<16xi32>
    %sub3A_1672 = arith.subi %get3A_1669, %sub3A_1671 : vector<16xi32>
    %swap3A_1673 = arith.constant 2656 : index
    %swap3A_1674 = tpu.vector_load %arg6[%swap3A_1673] {strides = array<i32>} : memref<3136xi32, #tpu.memory_space<vmem>>, vector<16xi32>,
    %swap3A_1675 = vector.shape_cast %swap3A_1674 : vector<16xi32> to vector<16xi32>
    %swap3A_1676 = vector.shape_cast %sub3A_1672 : vector<16xi32> to vector<16xi32>
    tpu.vector_store %arg6[%swap3A_1673], %swap3A_1676 {strides = array<i32>} : memref<3136xi32, #tpu.memory_space<vmem>>, vector<16xi32>,
    %get3A_1677 = arith.constant 2672 : index
    %get3A_1678 = tpu.vector_load %arg6[%get3A_1677] {strides = array<i32>} : memref<3136xi32, #tpu.memory_space<vmem>>, vector<16xi32>,
    %get3A_1679 = vector.shape_cast %get3A_1678 : vector<16xi32> to vector<16xi32>
    %sub3A_1680 = arith.constant 1 : i32
    %sub3A_1681 = vector.broadcast %sub3A_1680 : i32 to vector<16xi32>
    %sub3A_1682 = arith.subi %get3A_1679, %sub3A_1681 : vector<16xi32>
    %swap3A_1683 = arith.constant 2672 : index
    %swap3A_1684 = tpu.vector_load %arg6[%swap3A_1683] {strides = array<i32>} : memref<3136xi32, #tpu.memory_space<vmem>>, vector<16xi32>,
    %swap3A_1685 = vector.shape_cast %swap3A_1684 : vector<16xi32> to vector<16xi32>
    %swap3A_1686 = vector.shape_cast %sub3A_1682 : vector<16xi32> to vector<16xi32>
    tpu.vector_store %arg6[%swap3A_1683], %swap3A_1686 {strides = array<i32>} : memref<3136xi32, #tpu.memory_space<vmem>>, vector<16xi32>,
    %get3A_1687 = arith.constant 2688 : index
    %get3A_1688 = tpu.vector_load %arg6[%get3A_1687] {strides = array<i32>} : memref<3136xi32, #tpu.memory_space<vmem>>, vector<16xi32>,
    %get3A_1689 = vector.shape_cast %get3A_1688 : vector<16xi32> to vector<16xi32>
    %sub3A_1690 = arith.constant 1 : i32
    %sub3A_1691 = vector.broadcast %sub3A_1690 : i32 to vector<16xi32>
    %sub3A_1692 = arith.subi %get3A_1689, %sub3A_1691 : vector<16xi32>
    %swap3A_1693 = arith.constant 2688 : index
    %swap3A_1694 = tpu.vector_load %arg6[%swap3A_1693] {strides = array<i32>} : memref<3136xi32, #tpu.memory_space<vmem>>, vector<16xi32>,
    %swap3A_1695 = vector.shape_cast %swap3A_1694 : vector<16xi32> to vector<16xi32>
    %swap3A_1696 = vector.shape_cast %sub3A_1692 : vector<16xi32> to vector<16xi32>
    tpu.vector_store %arg6[%swap3A_1693], %swap3A_1696 {strides = array<i32>} : memref<3136xi32, #tpu.memory_space<vmem>>, vector<16xi32>,
    %get3A_1697 = arith.constant 2704 : index
    %get3A_1698 = tpu.vector_load %arg6[%get3A_1697] {strides = array<i32>} : memref<3136xi32, #tpu.memory_space<vmem>>, vector<16xi32>,
    %get3A_1699 = vector.shape_cast %get3A_1698 : vector<16xi32> to vector<16xi32>
    %sub3A_1700 = arith.constant 1 : i32
    %sub3A_1701 = vector.broadcast %sub3A_1700 : i32 to vector<16xi32>
    %sub3A_1702 = arith.subi %get3A_1699, %sub3A_1701 : vector<16xi32>
    %swap3A_1703 = arith.constant 2704 : index
    %swap3A_1704 = tpu.vector_load %arg6[%swap3A_1703] {strides = array<i32>} : memref<3136xi32, #tpu.memory_space<vmem>>, vector<16xi32>,
    %swap3A_1705 = vector.shape_cast %swap3A_1704 : vector<16xi32> to vector<16xi32>
    %swap3A_1706 = vector.shape_cast %sub3A_1702 : vector<16xi32> to vector<16xi32>
    tpu.vector_store %arg6[%swap3A_1703], %swap3A_1706 {strides = array<i32>} : memref<3136xi32, #tpu.memory_space<vmem>>, vector<16xi32>,
    %get3A_1707 = arith.constant 2720 : index
    %get3A_1708 = tpu.vector_load %arg6[%get3A_1707] {strides = array<i32>} : memref<3136xi32, #tpu.memory_space<vmem>>, vector<16xi32>,
    %get3A_1709 = vector.shape_cast %get3A_1708 : vector<16xi32> to vector<16xi32>
    %sub3A_1710 = arith.constant 1 : i32
    %sub3A_1711 = vector.broadcast %sub3A_1710 : i32 to vector<16xi32>
    %sub3A_1712 = arith.subi %get3A_1709, %sub3A_1711 : vector<16xi32>
    %swap3A_1713 = arith.constant 2720 : index
    %swap3A_1714 = tpu.vector_load %arg6[%swap3A_1713] {strides = array<i32>} : memref<3136xi32, #tpu.memory_space<vmem>>, vector<16xi32>,
    %swap3A_1715 = vector.shape_cast %swap3A_1714 : vector<16xi32> to vector<16xi32>
    %swap3A_1716 = vector.shape_cast %sub3A_1712 : vector<16xi32> to vector<16xi32>
    tpu.vector_store %arg6[%swap3A_1713], %swap3A_1716 {strides = array<i32>} : memref<3136xi32, #tpu.memory_space<vmem>>, vector<16xi32>,
    %get3A_1717 = arith.constant 2736 : index
    %get3A_1718 = tpu.vector_load %arg6[%get3A_1717] {strides = array<i32>} : memref<3136xi32, #tpu.memory_space<vmem>>, vector<16xi32>,
    %get3A_1719 = vector.shape_cast %get3A_1718 : vector<16xi32> to vector<16xi32>
    %sub3A_1720 = arith.constant 1 : i32
    %sub3A_1721 = vector.broadcast %sub3A_1720 : i32 to vector<16xi32>
    %sub3A_1722 = arith.subi %get3A_1719, %sub3A_1721 : vector<16xi32>
    %swap3A_1723 = arith.constant 2736 : index
    %swap3A_1724 = tpu.vector_load %arg6[%swap3A_1723] {strides = array<i32>} : memref<3136xi32, #tpu.memory_space<vmem>>, vector<16xi32>,
    %swap3A_1725 = vector.shape_cast %swap3A_1724 : vector<16xi32> to vector<16xi32>
    %swap3A_1726 = vector.shape_cast %sub3A_1722 : vector<16xi32> to vector<16xi32>
    tpu.vector_store %arg6[%swap3A_1723], %swap3A_1726 {strides = array<i32>} : memref<3136xi32, #tpu.memory_space<vmem>>, vector<16xi32>,
    %get3A_1727 = arith.constant 2752 : index
    %get3A_1728 = tpu.vector_load %arg6[%get3A_1727] {strides = array<i32>} : memref<3136xi32, #tpu.memory_space<vmem>>, vector<16xi32>,
    %get3A_1729 = vector.shape_cast %get3A_1728 : vector<16xi32> to vector<16xi32>
    %sub3A_1730 = arith.constant 1 : i32
    %sub3A_1731 = vector.broadcast %sub3A_1730 : i32 to vector<16xi32>
    %sub3A_1732 = arith.subi %get3A_1729, %sub3A_1731 : vector<16xi32>
    %swap3A_1733 = arith.constant 2752 : index
    %swap3A_1734 = tpu.vector_load %arg6[%swap3A_1733] {strides = array<i32>} : memref<3136xi32, #tpu.memory_space<vmem>>, vector<16xi32>,
    %swap3A_1735 = vector.shape_cast %swap3A_1734 : vector<16xi32> to vector<16xi32>
    %swap3A_1736 = vector.shape_cast %sub3A_1732 : vector<16xi32> to vector<16xi32>
    tpu.vector_store %arg6[%swap3A_1733], %swap3A_1736 {strides = array<i32>} : memref<3136xi32, #tpu.memory_space<vmem>>, vector<16xi32>,
    %get3A_1737 = arith.constant 2768 : index
    %get3A_1738 = tpu.vector_load %arg6[%get3A_1737] {strides = array<i32>} : memref<3136xi32, #tpu.memory_space<vmem>>, vector<16xi32>,
    %get3A_1739 = vector.shape_cast %get3A_1738 : vector<16xi32> to vector<16xi32>
    %sub3A_1740 = arith.constant 1 : i32
    %sub3A_1741 = vector.broadcast %sub3A_1740 : i32 to vector<16xi32>
    %sub3A_1742 = arith.subi %get3A_1739, %sub3A_1741 : vector<16xi32>
    %swap3A_1743 = arith.constant 2768 : index
    %swap3A_1744 = tpu.vector_load %arg6[%swap3A_1743] {strides = array<i32>} : memref<3136xi32, #tpu.memory_space<vmem>>, vector<16xi32>,
    %swap3A_1745 = vector.shape_cast %swap3A_1744 : vector<16xi32> to vector<16xi32>
    %swap3A_1746 = vector.shape_cast %sub3A_1742 : vector<16xi32> to vector<16xi32>
    tpu.vector_store %arg6[%swap3A_1743], %swap3A_1746 {strides = array<i32>} : memref<3136xi32, #tpu.memory_space<vmem>>, vector<16xi32>,
    %get3A_1747 = arith.constant 2784 : index
    %get3A_1748 = tpu.vector_load %arg6[%get3A_1747] {strides = array<i32>} : memref<3136xi32, #tpu.memory_space<vmem>>, vector<16xi32>,
    %get3A_1749 = vector.shape_cast %get3A_1748 : vector<16xi32> to vector<16xi32>
    %sub3A_1750 = arith.constant 1 : i32
    %sub3A_1751 = vector.broadcast %sub3A_1750 : i32 to vector<16xi32>
    %sub3A_1752 = arith.subi %get3A_1749, %sub3A_1751 : vector<16xi32>
    %swap3A_1753 = arith.constant 2784 : index
    %swap3A_1754 = tpu.vector_load %arg6[%swap3A_1753] {strides = array<i32>} : memref<3136xi32, #tpu.memory_space<vmem>>, vector<16xi32>,
    %swap3A_1755 = vector.shape_cast %swap3A_1754 : vector<16xi32> to vector<16xi32>
    %swap3A_1756 = vector.shape_cast %sub3A_1752 : vector<16xi32> to vector<16xi32>
    tpu.vector_store %arg6[%swap3A_1753], %swap3A_1756 {strides = array<i32>} : memref<3136xi32, #tpu.memory_space<vmem>>, vector<16xi32>,
    %get3A_1757 = arith.constant 2800 : index
    %get3A_1758 = tpu.vector_load %arg6[%get3A_1757] {strides = array<i32>} : memref<3136xi32, #tpu.memory_space<vmem>>, vector<16xi32>,
    %get3A_1759 = vector.shape_cast %get3A_1758 : vector<16xi32> to vector<16xi32>
    %sub3A_1760 = arith.constant 1 : i32
    %sub3A_1761 = vector.broadcast %sub3A_1760 : i32 to vector<16xi32>
    %sub3A_1762 = arith.subi %get3A_1759, %sub3A_1761 : vector<16xi32>
    %swap3A_1763 = arith.constant 2800 : index
    %swap3A_1764 = tpu.vector_load %arg6[%swap3A_1763] {strides = array<i32>} : memref<3136xi32, #tpu.memory_space<vmem>>, vector<16xi32>,
    %swap3A_1765 = vector.shape_cast %swap3A_1764 : vector<16xi32> to vector<16xi32>
    %swap3A_1766 = vector.shape_cast %sub3A_1762 : vector<16xi32> to vector<16xi32>
    tpu.vector_store %arg6[%swap3A_1763], %swap3A_1766 {strides = array<i32>} : memref<3136xi32, #tpu.memory_space<vmem>>, vector<16xi32>,
    %get3A_1767 = arith.constant 2816 : index
    %get3A_1768 = tpu.vector_load %arg6[%get3A_1767] {strides = array<i32>} : memref<3136xi32, #tpu.memory_space<vmem>>, vector<16xi32>,
    %get3A_1769 = vector.shape_cast %get3A_1768 : vector<16xi32> to vector<16xi32>
    %sub3A_1770 = arith.constant 1 : i32
    %sub3A_1771 = vector.broadcast %sub3A_1770 : i32 to vector<16xi32>
    %sub3A_1772 = arith.subi %get3A_1769, %sub3A_1771 : vector<16xi32>
    %swap3A_1773 = arith.constant 2816 : index
    %swap3A_1774 = tpu.vector_load %arg6[%swap3A_1773] {strides = array<i32>} : memref<3136xi32, #tpu.memory_space<vmem>>, vector<16xi32>,
    %swap3A_1775 = vector.shape_cast %swap3A_1774 : vector<16xi32> to vector<16xi32>
    %swap3A_1776 = vector.shape_cast %sub3A_1772 : vector<16xi32> to vector<16xi32>
    tpu.vector_store %arg6[%swap3A_1773], %swap3A_1776 {strides = array<i32>} : memref<3136xi32, #tpu.memory_space<vmem>>, vector<16xi32>,
    %get3A_1777 = arith.constant 2832 : index
    %get3A_1778 = tpu.vector_load %arg6[%get3A_1777] {strides = array<i32>} : memref<3136xi32, #tpu.memory_space<vmem>>, vector<16xi32>,
    %get3A_1779 = vector.shape_cast %get3A_1778 : vector<16xi32> to vector<16xi32>
    %sub3A_1780 = arith.constant 1 : i32
    %sub3A_1781 = vector.broadcast %sub3A_1780 : i32 to vector<16xi32>
    %sub3A_1782 = arith.subi %get3A_1779, %sub3A_1781 : vector<16xi32>
    %swap3A_1783 = arith.constant 2832 : index
    %swap3A_1784 = tpu.vector_load %arg6[%swap3A_1783] {strides = array<i32>} : memref<3136xi32, #tpu.memory_space<vmem>>, vector<16xi32>,
    %swap3A_1785 = vector.shape_cast %swap3A_1784 : vector<16xi32> to vector<16xi32>
    %swap3A_1786 = vector.shape_cast %sub3A_1782 : vector<16xi32> to vector<16xi32>
    tpu.vector_store %arg6[%swap3A_1783], %swap3A_1786 {strides = array<i32>} : memref<3136xi32, #tpu.memory_space<vmem>>, vector<16xi32>,
    %get3A_1787 = arith.constant 2848 : index
    %get3A_1788 = tpu.vector_load %arg6[%get3A_1787] {strides = array<i32>} : memref<3136xi32, #tpu.memory_space<vmem>>, vector<16xi32>,
    %get3A_1789 = vector.shape_cast %get3A_1788 : vector<16xi32> to vector<16xi32>
    %sub3A_1790 = arith.constant 1 : i32
    %sub3A_1791 = vector.broadcast %sub3A_1790 : i32 to vector<16xi32>
    %sub3A_1792 = arith.subi %get3A_1789, %sub3A_1791 : vector<16xi32>
    %swap3A_1793 = arith.constant 2848 : index
    %swap3A_1794 = tpu.vector_load %arg6[%swap3A_1793] {strides = array<i32>} : memref<3136xi32, #tpu.memory_space<vmem>>, vector<16xi32>,
    %swap3A_1795 = vector.shape_cast %swap3A_1794 : vector<16xi32> to vector<16xi32>
    %swap3A_1796 = vector.shape_cast %sub3A_1792 : vector<16xi32> to vector<16xi32>
    tpu.vector_store %arg6[%swap3A_1793], %swap3A_1796 {strides = array<i32>} : memref<3136xi32, #tpu.memory_space<vmem>>, vector<16xi32>,
    %get3A_1797 = arith.constant 2864 : index
    %get3A_1798 = tpu.vector_load %arg6[%get3A_1797] {strides = array<i32>} : memref<3136xi32, #tpu.memory_space<vmem>>, vector<16xi32>,
    %get3A_1799 = vector.shape_cast %get3A_1798 : vector<16xi32> to vector<16xi32>
    %sub3A_1800 = arith.constant 1 : i32
    %sub3A_1801 = vector.broadcast %sub3A_1800 : i32 to vector<16xi32>
    %sub3A_1802 = arith.subi %get3A_1799, %sub3A_1801 : vector<16xi32>
    %swap3A_1803 = arith.constant 2864 : index
    %swap3A_1804 = tpu.vector_load %arg6[%swap3A_1803] {strides = array<i32>} : memref<3136xi32, #tpu.memory_space<vmem>>, vector<16xi32>,
    %swap3A_1805 = vector.shape_cast %swap3A_1804 : vector<16xi32> to vector<16xi32>
    %swap3A_1806 = vector.shape_cast %sub3A_1802 : vector<16xi32> to vector<16xi32>
    tpu.vector_store %arg6[%swap3A_1803], %swap3A_1806 {strides = array<i32>} : memref<3136xi32, #tpu.memory_space<vmem>>, vector<16xi32>,
    %get3A_1807 = arith.constant 2880 : index
    %get3A_1808 = tpu.vector_load %arg6[%get3A_1807] {strides = array<i32>} : memref<3136xi32, #tpu.memory_space<vmem>>, vector<16xi32>,
    %get3A_1809 = vector.shape_cast %get3A_1808 : vector<16xi32> to vector<16xi32>
    %sub3A_1810 = arith.constant 1 : i32
    %sub3A_1811 = vector.broadcast %sub3A_1810 : i32 to vector<16xi32>
    %sub3A_1812 = arith.subi %get3A_1809, %sub3A_1811 : vector<16xi32>
    %swap3A_1813 = arith.constant 2880 : index
    %swap3A_1814 = tpu.vector_load %arg6[%swap3A_1813] {strides = array<i32>} : memref<3136xi32, #tpu.memory_space<vmem>>, vector<16xi32>,
    %swap3A_1815 = vector.shape_cast %swap3A_1814 : vector<16xi32> to vector<16xi32>
    %swap3A_1816 = vector.shape_cast %sub3A_1812 : vector<16xi32> to vector<16xi32>
    tpu.vector_store %arg6[%swap3A_1813], %swap3A_1816 {strides = array<i32>} : memref<3136xi32, #tpu.memory_space<vmem>>, vector<16xi32>,
    %get3A_1817 = arith.constant 2896 : index
    %get3A_1818 = tpu.vector_load %arg6[%get3A_1817] {strides = array<i32>} : memref<3136xi32, #tpu.memory_space<vmem>>, vector<16xi32>,
    %get3A_1819 = vector.shape_cast %get3A_1818 : vector<16xi32> to vector<16xi32>
    %sub3A_1820 = arith.constant 1 : i32
    %sub3A_1821 = vector.broadcast %sub3A_1820 : i32 to vector<16xi32>
    %sub3A_1822 = arith.subi %get3A_1819, %sub3A_1821 : vector<16xi32>
    %swap3A_1823 = arith.constant 2896 : index
    %swap3A_1824 = tpu.vector_load %arg6[%swap3A_1823] {strides = array<i32>} : memref<3136xi32, #tpu.memory_space<vmem>>, vector<16xi32>,
    %swap3A_1825 = vector.shape_cast %swap3A_1824 : vector<16xi32> to vector<16xi32>
    %swap3A_1826 = vector.shape_cast %sub3A_1822 : vector<16xi32> to vector<16xi32>
    tpu.vector_store %arg6[%swap3A_1823], %swap3A_1826 {strides = array<i32>} : memref<3136xi32, #tpu.memory_space<vmem>>, vector<16xi32>,
    %get3A_1827 = arith.constant 2912 : index
    %get3A_1828 = tpu.vector_load %arg6[%get3A_1827] {strides = array<i32>} : memref<3136xi32, #tpu.memory_space<vmem>>, vector<16xi32>,
    %get3A_1829 = vector.shape_cast %get3A_1828 : vector<16xi32> to vector<16xi32>
    %sub3A_1830 = arith.constant 1 : i32
    %sub3A_1831 = vector.broadcast %sub3A_1830 : i32 to vector<16xi32>
    %sub3A_1832 = arith.subi %get3A_1829, %sub3A_1831 : vector<16xi32>
    %swap3A_1833 = arith.constant 2912 : index
    %swap3A_1834 = tpu.vector_load %arg6[%swap3A_1833] {strides = array<i32>} : memref<3136xi32, #tpu.memory_space<vmem>>, vector<16xi32>,
    %swap3A_1835 = vector.shape_cast %swap3A_1834 : vector<16xi32> to vector<16xi32>
    %swap3A_1836 = vector.shape_cast %sub3A_1832 : vector<16xi32> to vector<16xi32>
    tpu.vector_store %arg6[%swap3A_1833], %swap3A_1836 {strides = array<i32>} : memref<3136xi32, #tpu.memory_space<vmem>>, vector<16xi32>,
    %get3A_1837 = arith.constant 2928 : index
    %get3A_1838 = tpu.vector_load %arg6[%get3A_1837] {strides = array<i32>} : memref<3136xi32, #tpu.memory_space<vmem>>, vector<16xi32>,
    %get3A_1839 = vector.shape_cast %get3A_1838 : vector<16xi32> to vector<16xi32>
    %sub3A_1840 = arith.constant 1 : i32
    %sub3A_1841 = vector.broadcast %sub3A_1840 : i32 to vector<16xi32>
    %sub3A_1842 = arith.subi %get3A_1839, %sub3A_1841 : vector<16xi32>
    %swap3A_1843 = arith.constant 2928 : index
    %swap3A_1844 = tpu.vector_load %arg6[%swap3A_1843] {strides = array<i32>} : memref<3136xi32, #tpu.memory_space<vmem>>, vector<16xi32>,
    %swap3A_1845 = vector.shape_cast %swap3A_1844 : vector<16xi32> to vector<16xi32>
    %swap3A_1846 = vector.shape_cast %sub3A_1842 : vector<16xi32> to vector<16xi32>
    tpu.vector_store %arg6[%swap3A_1843], %swap3A_1846 {strides = array<i32>} : memref<3136xi32, #tpu.memory_space<vmem>>, vector<16xi32>,
    %get3A_1847 = arith.constant 2944 : index
    %get3A_1848 = tpu.vector_load %arg6[%get3A_1847] {strides = array<i32>} : memref<3136xi32, #tpu.memory_space<vmem>>, vector<16xi32>,
    %get3A_1849 = vector.shape_cast %get3A_1848 : vector<16xi32> to vector<16xi32>
    %sub3A_1850 = arith.constant 1 : i32
    %sub3A_1851 = vector.broadcast %sub3A_1850 : i32 to vector<16xi32>
    %sub3A_1852 = arith.subi %get3A_1849, %sub3A_1851 : vector<16xi32>
    %swap3A_1853 = arith.constant 2944 : index
    %swap3A_1854 = tpu.vector_load %arg6[%swap3A_1853] {strides = array<i32>} : memref<3136xi32, #tpu.memory_space<vmem>>, vector<16xi32>,
    %swap3A_1855 = vector.shape_cast %swap3A_1854 : vector<16xi32> to vector<16xi32>
    %swap3A_1856 = vector.shape_cast %sub3A_1852 : vector<16xi32> to vector<16xi32>
    tpu.vector_store %arg6[%swap3A_1853], %swap3A_1856 {strides = array<i32>} : memref<3136xi32, #tpu.memory_space<vmem>>, vector<16xi32>,
    %get3A_1857 = arith.constant 2960 : index
    %get3A_1858 = tpu.vector_load %arg6[%get3A_1857] {strides = array<i32>} : memref<3136xi32, #tpu.memory_space<vmem>>, vector<16xi32>,
    %get3A_1859 = vector.shape_cast %get3A_1858 : vector<16xi32> to vector<16xi32>
    %sub3A_1860 = arith.constant 1 : i32
    %sub3A_1861 = vector.broadcast %sub3A_1860 : i32 to vector<16xi32>
    %sub3A_1862 = arith.subi %get3A_1859, %sub3A_1861 : vector<16xi32>
    %swap3A_1863 = arith.constant 2960 : index
    %swap3A_1864 = tpu.vector_load %arg6[%swap3A_1863] {strides = array<i32>} : memref<3136xi32, #tpu.memory_space<vmem>>, vector<16xi32>,
    %swap3A_1865 = vector.shape_cast %swap3A_1864 : vector<16xi32> to vector<16xi32>
    %swap3A_1866 = vector.shape_cast %sub3A_1862 : vector<16xi32> to vector<16xi32>
    tpu.vector_store %arg6[%swap3A_1863], %swap3A_1866 {strides = array<i32>} : memref<3136xi32, #tpu.memory_space<vmem>>, vector<16xi32>,
    %get3A_1867 = arith.constant 2976 : index
    %get3A_1868 = tpu.vector_load %arg6[%get3A_1867] {strides = array<i32>} : memref<3136xi32, #tpu.memory_space<vmem>>, vector<16xi32>,
    %get3A_1869 = vector.shape_cast %get3A_1868 : vector<16xi32> to vector<16xi32>
    %sub3A_1870 = arith.constant 1 : i32
    %sub3A_1871 = vector.broadcast %sub3A_1870 : i32 to vector<16xi32>
    %sub3A_1872 = arith.subi %get3A_1869, %sub3A_1871 : vector<16xi32>
    %swap3A_1873 = arith.constant 2976 : index
    %swap3A_1874 = tpu.vector_load %arg6[%swap3A_1873] {strides = array<i32>} : memref<3136xi32, #tpu.memory_space<vmem>>, vector<16xi32>,
    %swap3A_1875 = vector.shape_cast %swap3A_1874 : vector<16xi32> to vector<16xi32>
    %swap3A_1876 = vector.shape_cast %sub3A_1872 : vector<16xi32> to vector<16xi32>
    tpu.vector_store %arg6[%swap3A_1873], %swap3A_1876 {strides = array<i32>} : memref<3136xi32, #tpu.memory_space<vmem>>, vector<16xi32>,
    %get3A_1877 = arith.constant 2992 : index
    %get3A_1878 = tpu.vector_load %arg6[%get3A_1877] {strides = array<i32>} : memref<3136xi32, #tpu.memory_space<vmem>>, vector<16xi32>,
    %get3A_1879 = vector.shape_cast %get3A_1878 : vector<16xi32> to vector<16xi32>
    %sub3A_1880 = arith.constant 1 : i32
    %sub3A_1881 = vector.broadcast %sub3A_1880 : i32 to vector<16xi32>
    %sub3A_1882 = arith.subi %get3A_1879, %sub3A_1881 : vector<16xi32>
    %swap3A_1883 = arith.constant 2992 : index
    %swap3A_1884 = tpu.vector_load %arg6[%swap3A_1883] {strides = array<i32>} : memref<3136xi32, #tpu.memory_space<vmem>>, vector<16xi32>,
    %swap3A_1885 = vector.shape_cast %swap3A_1884 : vector<16xi32> to vector<16xi32>
    %swap3A_1886 = vector.shape_cast %sub3A_1882 : vector<16xi32> to vector<16xi32>
    tpu.vector_store %arg6[%swap3A_1883], %swap3A_1886 {strides = array<i32>} : memref<3136xi32, #tpu.memory_space<vmem>>, vector<16xi32>,
    %get3A_1887 = arith.constant 3008 : index
    %get3A_1888 = tpu.vector_load %arg6[%get3A_1887] {strides = array<i32>} : memref<3136xi32, #tpu.memory_space<vmem>>, vector<16xi32>,
    %get3A_1889 = vector.shape_cast %get3A_1888 : vector<16xi32> to vector<16xi32>
    %sub3A_1890 = arith.constant 1 : i32
    %sub3A_1891 = vector.broadcast %sub3A_1890 : i32 to vector<16xi32>
    %sub3A_1892 = arith.subi %get3A_1889, %sub3A_1891 : vector<16xi32>
    %swap3A_1893 = arith.constant 3008 : index
    %swap3A_1894 = tpu.vector_load %arg6[%swap3A_1893] {strides = array<i32>} : memref<3136xi32, #tpu.memory_space<vmem>>, vector<16xi32>,
    %swap3A_1895 = vector.shape_cast %swap3A_1894 : vector<16xi32> to vector<16xi32>
    %swap3A_1896 = vector.shape_cast %sub3A_1892 : vector<16xi32> to vector<16xi32>
    tpu.vector_store %arg6[%swap3A_1893], %swap3A_1896 {strides = array<i32>} : memref<3136xi32, #tpu.memory_space<vmem>>, vector<16xi32>,
    %get3A_1897 = arith.constant 3024 : index
    %get3A_1898 = tpu.vector_load %arg6[%get3A_1897] {strides = array<i32>} : memref<3136xi32, #tpu.memory_space<vmem>>, vector<16xi32>,
    %get3A_1899 = vector.shape_cast %get3A_1898 : vector<16xi32> to vector<16xi32>
    %sub3A_1900 = arith.constant 1 : i32
    %sub3A_1901 = vector.broadcast %sub3A_1900 : i32 to vector<16xi32>
    %sub3A_1902 = arith.subi %get3A_1899, %sub3A_1901 : vector<16xi32>
    %swap3A_1903 = arith.constant 3024 : index
    %swap3A_1904 = tpu.vector_load %arg6[%swap3A_1903] {strides = array<i32>} : memref<3136xi32, #tpu.memory_space<vmem>>, vector<16xi32>,
    %swap3A_1905 = vector.shape_cast %swap3A_1904 : vector<16xi32> to vector<16xi32>
    %swap3A_1906 = vector.shape_cast %sub3A_1902 : vector<16xi32> to vector<16xi32>
    tpu.vector_store %arg6[%swap3A_1903], %swap3A_1906 {strides = array<i32>} : memref<3136xi32, #tpu.memory_space<vmem>>, vector<16xi32>,
    %get3A_1907 = arith.constant 3040 : index
    %get3A_1908 = tpu.vector_load %arg6[%get3A_1907] {strides = array<i32>} : memref<3136xi32, #tpu.memory_space<vmem>>, vector<16xi32>,
    %get3A_1909 = vector.shape_cast %get3A_1908 : vector<16xi32> to vector<16xi32>
    %sub3A_1910 = arith.constant 1 : i32
    %sub3A_1911 = vector.broadcast %sub3A_1910 : i32 to vector<16xi32>
    %sub3A_1912 = arith.subi %get3A_1909, %sub3A_1911 : vector<16xi32>
    %swap3A_1913 = arith.constant 3040 : index
    %swap3A_1914 = tpu.vector_load %arg6[%swap3A_1913] {strides = array<i32>} : memref<3136xi32, #tpu.memory_space<vmem>>, vector<16xi32>,
    %swap3A_1915 = vector.shape_cast %swap3A_1914 : vector<16xi32> to vector<16xi32>
    %swap3A_1916 = vector.shape_cast %sub3A_1912 : vector<16xi32> to vector<16xi32>
    tpu.vector_store %arg6[%swap3A_1913], %swap3A_1916 {strides = array<i32>} : memref<3136xi32, #tpu.memory_space<vmem>>, vector<16xi32>,
    %get3A_1917 = arith.constant 3056 : index
    %get3A_1918 = tpu.vector_load %arg6[%get3A_1917] {strides = array<i32>} : memref<3136xi32, #tpu.memory_space<vmem>>, vector<16xi32>,
    %get3A_1919 = vector.shape_cast %get3A_1918 : vector<16xi32> to vector<16xi32>
    %sub3A_1920 = arith.constant 1 : i32
    %sub3A_1921 = vector.broadcast %sub3A_1920 : i32 to vector<16xi32>
    %sub3A_1922 = arith.subi %get3A_1919, %sub3A_1921 : vector<16xi32>
    %swap3A_1923 = arith.constant 3056 : index
    %swap3A_1924 = tpu.vector_load %arg6[%swap3A_1923] {strides = array<i32>} : memref<3136xi32, #tpu.memory_space<vmem>>, vector<16xi32>,
    %swap3A_1925 = vector.shape_cast %swap3A_1924 : vector<16xi32> to vector<16xi32>
    %swap3A_1926 = vector.shape_cast %sub3A_1922 : vector<16xi32> to vector<16xi32>
    tpu.vector_store %arg6[%swap3A_1923], %swap3A_1926 {strides = array<i32>} : memref<3136xi32, #tpu.memory_space<vmem>>, vector<16xi32>,
    %get3A_1927 = arith.constant 3072 : index
    %get3A_1928 = tpu.vector_load %arg6[%get3A_1927] {strides = array<i32>} : memref<3136xi32, #tpu.memory_space<vmem>>, vector<16xi32>,
    %get3A_1929 = vector.shape_cast %get3A_1928 : vector<16xi32> to vector<16xi32>
    %sub3A_1930 = arith.constant 1 : i32
    %sub3A_1931 = vector.broadcast %sub3A_1930 : i32 to vector<16xi32>
    %sub3A_1932 = arith.subi %get3A_1929, %sub3A_1931 : vector<16xi32>
    %swap3A_1933 = arith.constant 3072 : index
    %swap3A_1934 = tpu.vector_load %arg6[%swap3A_1933] {strides = array<i32>} : memref<3136xi32, #tpu.memory_space<vmem>>, vector<16xi32>,
    %swap3A_1935 = vector.shape_cast %swap3A_1934 : vector<16xi32> to vector<16xi32>
    %swap3A_1936 = vector.shape_cast %sub3A_1932 : vector<16xi32> to vector<16xi32>
    tpu.vector_store %arg6[%swap3A_1933], %swap3A_1936 {strides = array<i32>} : memref<3136xi32, #tpu.memory_space<vmem>>, vector<16xi32>,
    %get3A_1937 = arith.constant 3088 : index
    %get3A_1938 = tpu.vector_load %arg6[%get3A_1937] {strides = array<i32>} : memref<3136xi32, #tpu.memory_space<vmem>>, vector<16xi32>,
    %get3A_1939 = vector.shape_cast %get3A_1938 : vector<16xi32> to vector<16xi32>
    %sub3A_1940 = arith.constant 1 : i32
    %sub3A_1941 = vector.broadcast %sub3A_1940 : i32 to vector<16xi32>
    %sub3A_1942 = arith.subi %get3A_1939, %sub3A_1941 : vector<16xi32>
    %swap3A_1943 = arith.constant 3088 : index
    %swap3A_1944 = tpu.vector_load %arg6[%swap3A_1943] {strides = array<i32>} : memref<3136xi32, #tpu.memory_space<vmem>>, vector<16xi32>,
    %swap3A_1945 = vector.shape_cast %swap3A_1944 : vector<16xi32> to vector<16xi32>
    %swap3A_1946 = vector.shape_cast %sub3A_1942 : vector<16xi32> to vector<16xi32>
    tpu.vector_store %arg6[%swap3A_1943], %swap3A_1946 {strides = array<i32>} : memref<3136xi32, #tpu.memory_space<vmem>>, vector<16xi32>,
    %get3A_1947 = arith.constant 3104 : index
    %get3A_1948 = tpu.vector_load %arg6[%get3A_1947] {strides = array<i32>} : memref<3136xi32, #tpu.memory_space<vmem>>, vector<16xi32>,
    %get3A_1949 = vector.shape_cast %get3A_1948 : vector<16xi32> to vector<16xi32>
    %sub3A_1950 = arith.constant 1 : i32
    %sub3A_1951 = vector.broadcast %sub3A_1950 : i32 to vector<16xi32>
    %sub3A_1952 = arith.subi %get3A_1949, %sub3A_1951 : vector<16xi32>
    %swap3A_1953 = arith.constant 3104 : index
    %swap3A_1954 = tpu.vector_load %arg6[%swap3A_1953] {strides = array<i32>} : memref<3136xi32, #tpu.memory_space<vmem>>, vector<16xi32>,
    %swap3A_1955 = vector.shape_cast %swap3A_1954 : vector<16xi32> to vector<16xi32>
    %swap3A_1956 = vector.shape_cast %sub3A_1952 : vector<16xi32> to vector<16xi32>
    tpu.vector_store %arg6[%swap3A_1953], %swap3A_1956 {strides = array<i32>} : memref<3136xi32, #tpu.memory_space<vmem>>, vector<16xi32>,
    %get3A_1957 = arith.constant 3120 : index
    %get3A_1958 = tpu.vector_load %arg6[%get3A_1957] {strides = array<i32>} : memref<3136xi32, #tpu.memory_space<vmem>>, vector<16xi32>,
    %get3A_1959 = vector.shape_cast %get3A_1958 : vector<16xi32> to vector<16xi32>
    %sub3A_1960 = arith.constant 1 : i32
    %sub3A_1961 = vector.broadcast %sub3A_1960 : i32 to vector<16xi32>
    %sub3A_1962 = arith.subi %get3A_1959, %sub3A_1961 : vector<16xi32>
    %swap3A_1963 = arith.constant 3120 : index
    %swap3A_1964 = tpu.vector_load %arg6[%swap3A_1963] {strides = array<i32>} : memref<3136xi32, #tpu.memory_space<vmem>>, vector<16xi32>,
    %swap3A_1965 = vector.shape_cast %swap3A_1964 : vector<16xi32> to vector<16xi32>
    %swap3A_1966 = vector.shape_cast %sub3A_1962 : vector<16xi32> to vector<16xi32>
    tpu.vector_store %arg6[%swap3A_1963], %swap3A_1966 {strides = array<i32>} : memref<3136xi32, #tpu.memory_space<vmem>>, vector<16xi32>,
    %barrier3A = arith.constant 0 : index
    tpu.barrier barrier_id(%barrier3A)
    %add3A_1967 = arith.constant 0 : i32
    %add3A_1968 = arith.addi %mul3A_2, %add3A_1967 : i32
    %sub3A_1969 = arith.constant 128 : i32
    %sub3A_1970 = arith.subi %min3A_5, %sub3A_1969 : i32
    %min3A_1971 = arith.minsi %add3A_1968, %sub3A_1970 : i32
    %add3A_1972 = arith.constant 128 : i32
    %add3A_1973 = arith.addi %mul3A_2, %add3A_1972 : i32
    %sub3A_1974 = arith.constant 128 : i32
    %sub3A_1975 = arith.subi %min3A_5, %sub3A_1974 : i32
    %min3A_1976 = arith.minsi %add3A_1973, %sub3A_1975 : i32
    %add3A_1977 = arith.constant 256 : i32
    %add3A_1978 = arith.addi %mul3A_2, %add3A_1977 : i32
    %sub3A_1979 = arith.constant 128 : i32
    %sub3A_1980 = arith.subi %min3A_5, %sub3A_1979 : i32
    %min3A_1981 = arith.minsi %add3A_1978, %sub3A_1980 : i32
    %add3A_1982 = arith.constant 384 : i32
    %add3A_1983 = arith.addi %mul3A_2, %add3A_1982 : i32
    %sub3A_1984 = arith.constant 128 : i32
    %sub3A_1985 = arith.subi %min3A_5, %sub3A_1984 : i32
    %min3A_1986 = arith.minsi %add3A_1983, %sub3A_1985 : i32
    %add3A_1987 = arith.constant 512 : i32
    %add3A_1988 = arith.addi %mul3A_2, %add3A_1987 : i32
    %sub3A_1989 = arith.constant 128 : i32
    %sub3A_1990 = arith.subi %min3A_5, %sub3A_1989 : i32
    %min3A_1991 = arith.minsi %add3A_1988, %sub3A_1990 : i32
    %add3A_1992 = arith.constant 640 : i32
    %add3A_1993 = arith.addi %mul3A_2, %add3A_1992 : i32
    %sub3A_1994 = arith.constant 128 : i32
    %sub3A_1995 = arith.subi %min3A_5, %sub3A_1994 : i32
    %min3A_1996 = arith.minsi %add3A_1993, %sub3A_1995 : i32
    %add3A_1997 = arith.constant 768 : i32
    %add3A_1998 = arith.addi %mul3A_2, %add3A_1997 : i32
    %sub3A_1999 = arith.constant 128 : i32
    %sub3A_2000 = arith.subi %min3A_5, %sub3A_1999 : i32
    %min3A_2001 = arith.minsi %add3A_1998, %sub3A_2000 : i32
    %add3A_2002 = arith.constant 896 : i32
    %add3A_2003 = arith.addi %mul3A_2, %add3A_2002 : i32
    %sub3A_2004 = arith.constant 128 : i32
    %sub3A_2005 = arith.subi %min3A_5, %sub3A_2004 : i32
    %min3A_2006 = arith.minsi %add3A_2003, %sub3A_2005 : i32
    %add3A_2007 = arith.constant 1024 : i32
    %add3A_2008 = arith.addi %mul3A_2, %add3A_2007 : i32
    %sub3A_2009 = arith.constant 128 : i32
    %sub3A_2010 = arith.subi %min3A_5, %sub3A_2009 : i32
    %min3A_2011 = arith.minsi %add3A_2008, %sub3A_2010 : i32
    %add3A_2012 = arith.constant 1152 : i32
    %add3A_2013 = arith.addi %mul3A_2, %add3A_2012 : i32
    %sub3A_2014 = arith.constant 128 : i32
    %sub3A_2015 = arith.subi %min3A_5, %sub3A_2014 : i32
    %min3A_2016 = arith.minsi %add3A_2013, %sub3A_2015 : i32
    %add3A_2017 = arith.constant 1280 : i32
    %add3A_2018 = arith.addi %mul3A_2, %add3A_2017 : i32
    %sub3A_2019 = arith.constant 128 : i32
    %sub3A_2020 = arith.subi %min3A_5, %sub3A_2019 : i32
    %min3A_2021 = arith.minsi %add3A_2018, %sub3A_2020 : i32
    %add3A_2022 = arith.constant 1408 : i32
    %add3A_2023 = arith.addi %mul3A_2, %add3A_2022 : i32
    %sub3A_2024 = arith.constant 128 : i32
    %sub3A_2025 = arith.subi %min3A_5, %sub3A_2024 : i32
    %min3A_2026 = arith.minsi %add3A_2023, %sub3A_2025 : i32
    %add3A_2027 = arith.constant 1536 : i32
    %add3A_2028 = arith.addi %mul3A_2, %add3A_2027 : i32
    %sub3A_2029 = arith.constant 128 : i32
    %sub3A_2030 = arith.subi %min3A_5, %sub3A_2029 : i32
    %min3A_2031 = arith.minsi %add3A_2028, %sub3A_2030 : i32
    %add3A_2032 = arith.constant 1664 : i32
    %add3A_2033 = arith.addi %mul3A_2, %add3A_2032 : i32
    %sub3A_2034 = arith.constant 128 : i32
    %sub3A_2035 = arith.subi %min3A_5, %sub3A_2034 : i32
    %min3A_2036 = arith.minsi %add3A_2033, %sub3A_2035 : i32
    %add3A_2037 = arith.constant 1792 : i32
    %add3A_2038 = arith.addi %mul3A_2, %add3A_2037 : i32
    %sub3A_2039 = arith.constant 128 : i32
    %sub3A_2040 = arith.subi %min3A_5, %sub3A_2039 : i32
    %min3A_2041 = arith.minsi %add3A_2038, %sub3A_2040 : i32
    %add3A_2042 = arith.constant 1920 : i32
    %add3A_2043 = arith.addi %mul3A_2, %add3A_2042 : i32
    %sub3A_2044 = arith.constant 128 : i32
    %sub3A_2045 = arith.subi %min3A_5, %sub3A_2044 : i32
    %min3A_2046 = arith.minsi %add3A_2043, %sub3A_2045 : i32
    %add3A_2047 = arith.constant 2048 : i32
    %add3A_2048 = arith.addi %mul3A_2, %add3A_2047 : i32
    %sub3A_2049 = arith.constant 128 : i32
    %sub3A_2050 = arith.subi %min3A_5, %sub3A_2049 : i32
    %min3A_2051 = arith.minsi %add3A_2048, %sub3A_2050 : i32
    %add3A_2052 = arith.constant 2176 : i32
    %add3A_2053 = arith.addi %mul3A_2, %add3A_2052 : i32
    %sub3A_2054 = arith.constant 128 : i32
    %sub3A_2055 = arith.subi %min3A_5, %sub3A_2054 : i32
    %min3A_2056 = arith.minsi %add3A_2053, %sub3A_2055 : i32
    %add3A_2057 = arith.constant 2304 : i32
    %add3A_2058 = arith.addi %mul3A_2, %add3A_2057 : i32
    %sub3A_2059 = arith.constant 128 : i32
    %sub3A_2060 = arith.subi %min3A_5, %sub3A_2059 : i32
    %min3A_2061 = arith.minsi %add3A_2058, %sub3A_2060 : i32
    %add3A_2062 = arith.constant 2432 : i32
    %add3A_2063 = arith.addi %mul3A_2, %add3A_2062 : i32
    %sub3A_2064 = arith.constant 128 : i32
    %sub3A_2065 = arith.subi %min3A_5, %sub3A_2064 : i32
    %min3A_2066 = arith.minsi %add3A_2063, %sub3A_2065 : i32
    %add3A_2067 = arith.constant 2560 : i32
    %add3A_2068 = arith.addi %mul3A_2, %add3A_2067 : i32
    %sub3A_2069 = arith.constant 128 : i32
    %sub3A_2070 = arith.subi %min3A_5, %sub3A_2069 : i32
    %min3A_2071 = arith.minsi %add3A_2068, %sub3A_2070 : i32
    %add3A_2072 = arith.constant 2688 : i32
    %add3A_2073 = arith.addi %mul3A_2, %add3A_2072 : i32
    %sub3A_2074 = arith.constant 128 : i32
    %sub3A_2075 = arith.subi %min3A_5, %sub3A_2074 : i32
    %min3A_2076 = arith.minsi %add3A_2073, %sub3A_2075 : i32
    %add3A_2077 = arith.constant 2816 : i32
    %add3A_2078 = arith.addi %mul3A_2, %add3A_2077 : i32
    %sub3A_2079 = arith.constant 128 : i32
    %sub3A_2080 = arith.subi %min3A_5, %sub3A_2079 : i32
    %min3A_2081 = arith.minsi %add3A_2078, %sub3A_2080 : i32
    %add3A_2082 = arith.constant 2944 : i32
    %add3A_2083 = arith.addi %mul3A_2, %add3A_2082 : i32
    %sub3A_2084 = arith.constant 128 : i32
    %sub3A_2085 = arith.subi %min3A_5, %sub3A_2084 : i32
    %min3A_2086 = arith.minsi %add3A_2083, %sub3A_2085 : i32
    %add3A_2087 = arith.constant 3072 : i32
    %add3A_2088 = arith.addi %mul3A_2, %add3A_2087 : i32
    %sub3A_2089 = arith.constant 128 : i32
    %sub3A_2090 = arith.subi %min3A_5, %sub3A_2089 : i32
    %min3A_2091 = arith.minsi %add3A_2088, %sub3A_2090 : i32
    %sub3A_2092 = arith.subi %min3A_1971, %min3A_7 : i32
    %dma_start3A = arith.constant 0 : i32
    %dma_start3A_2093 = arith.constant 0 : i32
    %dma_start3A_2094 = arith.constant 0 : i32
    %dma_start3A_2095 = tpu.memref_slice %arg7[%dma_start3A, %dma_start3A_2093, %dma_start3A_2094] : memref<6x128x128xf32, #tpu.memory_space<vmem>> -> memref<1x128x128xf32, #tpu.memory_space<vmem>>
    %dma_start3A_2096 = tpu.memref_squeeze %dma_start3A_2095 : memref<1x128x128xf32, #tpu.memory_space<vmem>> -> memref<128x128xf32, #tpu.memory_space<vmem>>
    %dma_start3A_2097 = tpu.memref_slice %arg6[%sub3A_2092] : memref<3136xi32, #tpu.memory_space<vmem>> -> memref<128xi32, #tpu.memory_space<vmem>>
    %dma_start3A_2098 = arith.constant 0 : i32
    %dma_start3A_2099 = arith.constant 0 : i32
    %dma_start3A_2100 = tpu.memref_slice %arg5[%dma_start3A_2098, %dma_start3A_2099] : memref<100x128xf32, #tpu.memory_space<vmem_shared>> -> memref<100x128xf32, #tpu.memory_space<vmem_shared>>
    tpu.enqueue_indirect_dma source(%dma_start3A_2100 : memref<100x128xf32, #tpu.memory_space<vmem_shared>>) target(%dma_start3A_2096 : memref<128x128xf32, #tpu.memory_space<vmem>>) offsets(%dma_start3A_2097 : memref<128xi32, #tpu.memory_space<vmem>>) semaphore(%arg8 : memref<!tpu.dma_semaphore, #tpu.memory_space<semaphore_mem>>)
    %sub3A_2101 = arith.subi %min3A_1976, %min3A_7 : i32
    %dma_start3A_2102 = arith.constant 1 : i32
    %dma_start3A_2103 = arith.constant 0 : i32
    %dma_start3A_2104 = arith.constant 0 : i32
    %dma_start3A_2105 = tpu.memref_slice %arg7[%dma_start3A_2102, %dma_start3A_2103, %dma_start3A_2104] : memref<6x128x128xf32, #tpu.memory_space<vmem>> -> memref<1x128x128xf32, #tpu.memory_space<vmem>>
    %dma_start3A_2106 = tpu.memref_squeeze %dma_start3A_2105 : memref<1x128x128xf32, #tpu.memory_space<vmem>> -> memref<128x128xf32, #tpu.memory_space<vmem>>
    %dma_start3A_2107 = tpu.memref_slice %arg6[%sub3A_2101] : memref<3136xi32, #tpu.memory_space<vmem>> -> memref<128xi32, #tpu.memory_space<vmem>>
    %dma_start3A_2108 = arith.constant 0 : i32
    %dma_start3A_2109 = arith.constant 0 : i32
    %dma_start3A_2110 = tpu.memref_slice %arg5[%dma_start3A_2108, %dma_start3A_2109] : memref<100x128xf32, #tpu.memory_space<vmem_shared>> -> memref<100x128xf32, #tpu.memory_space<vmem_shared>>
    tpu.enqueue_indirect_dma source(%dma_start3A_2110 : memref<100x128xf32, #tpu.memory_space<vmem_shared>>) target(%dma_start3A_2106 : memref<128x128xf32, #tpu.memory_space<vmem>>) offsets(%dma_start3A_2107 : memref<128xi32, #tpu.memory_space<vmem>>) semaphore(%arg8 : memref<!tpu.dma_semaphore, #tpu.memory_space<semaphore_mem>>)
    %sub3A_2111 = arith.subi %min3A_1981, %min3A_7 : i32
    %dma_start3A_2112 = arith.constant 2 : i32
    %dma_start3A_2113 = arith.constant 0 : i32
    %dma_start3A_2114 = arith.constant 0 : i32
    %dma_start3A_2115 = tpu.memref_slice %arg7[%dma_start3A_2112, %dma_start3A_2113, %dma_start3A_2114] : memref<6x128x128xf32, #tpu.memory_space<vmem>> -> memref<1x128x128xf32, #tpu.memory_space<vmem>>
    %dma_start3A_2116 = tpu.memref_squeeze %dma_start3A_2115 : memref<1x128x128xf32, #tpu.memory_space<vmem>> -> memref<128x128xf32, #tpu.memory_space<vmem>>
    %dma_start3A_2117 = tpu.memref_slice %arg6[%sub3A_2111] : memref<3136xi32, #tpu.memory_space<vmem>> -> memref<128xi32, #tpu.memory_space<vmem>>
    %dma_start3A_2118 = arith.constant 0 : i32
    %dma_start3A_2119 = arith.constant 0 : i32
    %dma_start3A_2120 = tpu.memref_slice %arg5[%dma_start3A_2118, %dma_start3A_2119] : memref<100x128xf32, #tpu.memory_space<vmem_shared>> -> memref<100x128xf32, #tpu.memory_space<vmem_shared>>
    tpu.enqueue_indirect_dma source(%dma_start3A_2120 : memref<100x128xf32, #tpu.memory_space<vmem_shared>>) target(%dma_start3A_2116 : memref<128x128xf32, #tpu.memory_space<vmem>>) offsets(%dma_start3A_2117 : memref<128xi32, #tpu.memory_space<vmem>>) semaphore(%arg8 : memref<!tpu.dma_semaphore, #tpu.memory_space<semaphore_mem>>)
    %sub3A_2121 = arith.subi %min3A_1986, %min3A_7 : i32
    %dma_start3A_2122 = arith.constant 3 : i32
    %dma_start3A_2123 = arith.constant 0 : i32
    %dma_start3A_2124 = arith.constant 0 : i32
    %dma_start3A_2125 = tpu.memref_slice %arg7[%dma_start3A_2122, %dma_start3A_2123, %dma_start3A_2124] : memref<6x128x128xf32, #tpu.memory_space<vmem>> -> memref<1x128x128xf32, #tpu.memory_space<vmem>>
    %dma_start3A_2126 = tpu.memref_squeeze %dma_start3A_2125 : memref<1x128x128xf32, #tpu.memory_space<vmem>> -> memref<128x128xf32, #tpu.memory_space<vmem>>
    %dma_start3A_2127 = tpu.memref_slice %arg6[%sub3A_2121] : memref<3136xi32, #tpu.memory_space<vmem>> -> memref<128xi32, #tpu.memory_space<vmem>>
    %dma_start3A_2128 = arith.constant 0 : i32
    %dma_start3A_2129 = arith.constant 0 : i32
    %dma_start3A_2130 = tpu.memref_slice %arg5[%dma_start3A_2128, %dma_start3A_2129] : memref<100x128xf32, #tpu.memory_space<vmem_shared>> -> memref<100x128xf32, #tpu.memory_space<vmem_shared>>
    tpu.enqueue_indirect_dma source(%dma_start3A_2130 : memref<100x128xf32, #tpu.memory_space<vmem_shared>>) target(%dma_start3A_2126 : memref<128x128xf32, #tpu.memory_space<vmem>>) offsets(%dma_start3A_2127 : memref<128xi32, #tpu.memory_space<vmem>>) semaphore(%arg8 : memref<!tpu.dma_semaphore, #tpu.memory_space<semaphore_mem>>)
    %sub3A_2131 = arith.subi %min3A_1991, %min3A_7 : i32
    %dma_start3A_2132 = arith.constant 4 : i32
    %dma_start3A_2133 = arith.constant 0 : i32
    %dma_start3A_2134 = arith.constant 0 : i32
    %dma_start3A_2135 = tpu.memref_slice %arg7[%dma_start3A_2132, %dma_start3A_2133, %dma_start3A_2134] : memref<6x128x128xf32, #tpu.memory_space<vmem>> -> memref<1x128x128xf32, #tpu.memory_space<vmem>>
    %dma_start3A_2136 = tpu.memref_squeeze %dma_start3A_2135 : memref<1x128x128xf32, #tpu.memory_space<vmem>> -> memref<128x128xf32, #tpu.memory_space<vmem>>
    %dma_start3A_2137 = tpu.memref_slice %arg6[%sub3A_2131] : memref<3136xi32, #tpu.memory_space<vmem>> -> memref<128xi32, #tpu.memory_space<vmem>>
    %dma_start3A_2138 = arith.constant 0 : i32
    %dma_start3A_2139 = arith.constant 0 : i32
    %dma_start3A_2140 = tpu.memref_slice %arg5[%dma_start3A_2138, %dma_start3A_2139] : memref<100x128xf32, #tpu.memory_space<vmem_shared>> -> memref<100x128xf32, #tpu.memory_space<vmem_shared>>
    tpu.enqueue_indirect_dma source(%dma_start3A_2140 : memref<100x128xf32, #tpu.memory_space<vmem_shared>>) target(%dma_start3A_2136 : memref<128x128xf32, #tpu.memory_space<vmem>>) offsets(%dma_start3A_2137 : memref<128xi32, #tpu.memory_space<vmem>>) semaphore(%arg8 : memref<!tpu.dma_semaphore, #tpu.memory_space<semaphore_mem>>)
    %sub3A_2141 = arith.subi %min3A_1996, %min3A_7 : i32
    %dma_start3A_2142 = arith.constant 5 : i32
    %dma_start3A_2143 = arith.constant 0 : i32
    %dma_start3A_2144 = arith.constant 0 : i32
    %dma_start3A_2145 = tpu.memref_slice %arg7[%dma_start3A_2142, %dma_start3A_2143, %dma_start3A_2144] : memref<6x128x128xf32, #tpu.memory_space<vmem>> -> memref<1x128x128xf32, #tpu.memory_space<vmem>>
    %dma_start3A_2146 = tpu.memref_squeeze %dma_start3A_2145 : memref<1x128x128xf32, #tpu.memory_space<vmem>> -> memref<128x128xf32, #tpu.memory_space<vmem>>
    %dma_start3A_2147 = tpu.memref_slice %arg6[%sub3A_2141] : memref<3136xi32, #tpu.memory_space<vmem>> -> memref<128xi32, #tpu.memory_space<vmem>>
    %dma_start3A_2148 = arith.constant 0 : i32
    %dma_start3A_2149 = arith.constant 0 : i32
    %dma_start3A_2150 = tpu.memref_slice %arg5[%dma_start3A_2148, %dma_start3A_2149] : memref<100x128xf32, #tpu.memory_space<vmem_shared>> -> memref<100x128xf32, #tpu.memory_space<vmem_shared>>
    tpu.enqueue_indirect_dma source(%dma_start3A_2150 : memref<100x128xf32, #tpu.memory_space<vmem_shared>>) target(%dma_start3A_2146 : memref<128x128xf32, #tpu.memory_space<vmem>>) offsets(%dma_start3A_2147 : memref<128xi32, #tpu.memory_space<vmem>>) semaphore(%arg8 : memref<!tpu.dma_semaphore, #tpu.memory_space<semaphore_mem>>)
    %dma_wait3A = arith.constant 0 : i32
    %dma_wait3A_2151 = arith.constant 0 : i32
    %dma_wait3A_2152 = arith.constant 0 : i32
    %dma_wait3A_2153 = tpu.memref_slice %arg7[%dma_wait3A, %dma_wait3A_2151, %dma_wait3A_2152] : memref<6x128x128xf32, #tpu.memory_space<vmem>> -> memref<1x128x128xf32, #tpu.memory_space<vmem>>
    %dma_wait3A_2154 = tpu.memref_squeeze %dma_wait3A_2153 : memref<1x128x128xf32, #tpu.memory_space<vmem>> -> memref<128x128xf32, #tpu.memory_space<vmem>>
    %dma_wait3A_2155 = tpu.memref_slice %arg6[%sub3A_2092] : memref<3136xi32, #tpu.memory_space<vmem>> -> memref<128xi32, #tpu.memory_space<vmem>>
    %dma_wait3A_2156 = arith.constant 0 : i32
    %dma_wait3A_2157 = arith.constant 0 : i32
    %dma_wait3A_2158 = tpu.memref_slice %arg5[%dma_wait3A_2156, %dma_wait3A_2157] : memref<100x128xf32, #tpu.memory_space<vmem_shared>> -> memref<100x128xf32, #tpu.memory_space<vmem_shared>>
    tpu.wait_indirect_dma semaphore(%arg8 : memref<!tpu.dma_semaphore, #tpu.memory_space<semaphore_mem>>) src(%dma_wait3A_2158 : memref<100x128xf32, #tpu.memory_space<vmem_shared>>) dst(%dma_wait3A_2154 : memref<128x128xf32, #tpu.memory_space<vmem>>)
    %dma_start3A_2159 = arith.constant 0 : i32
    %dma_start3A_2160 = arith.constant 0 : i32
    %dma_start3A_2161 = arith.constant 0 : i32
    %dma_start3A_2162 = tpu.memref_slice %arg7[%dma_start3A_2159, %dma_start3A_2160, %dma_start3A_2161] : memref<6x128x128xf32, #tpu.memory_space<vmem>> -> memref<1x128x128xf32, #tpu.memory_space<vmem>>
    %dma_start3A_2163 = tpu.memref_squeeze %dma_start3A_2162 : memref<1x128x128xf32, #tpu.memory_space<vmem>> -> memref<128x128xf32, #tpu.memory_space<vmem>>
    %dma_start3A_2164 = arith.constant 0 : i32
    %dma_start3A_2165 = tpu.memref_slice %arg4[%min3A_1971, %dma_start3A_2164] : memref<100000x128xf32, #tpu.memory_space<hbm>> -> memref<128x128xf32, #tpu.memory_space<hbm>>
    %dma_start3A_2166 = arith.constant 0 : i32
    %dma_start3A_2167 = tpu.memref_slice %arg4[%min3A_1971, %dma_start3A_2166] : memref<100000x128xf32, #tpu.memory_space<hbm>> -> memref<128x128xf32, #tpu.memory_space<hbm>>
    %dma_start3A_2168 = arith.constant 0 : i32
    %dma_start3A_2169 = arith.constant 0 : i32
    %dma_start3A_2170 = tpu.memref_slice %arg7[%dma_start3A_2159, %dma_start3A_2168, %dma_start3A_2169] : memref<6x128x128xf32, #tpu.memory_space<vmem>> -> memref<1x128x128xf32, #tpu.memory_space<vmem>>
    %dma_start3A_2171 = tpu.memref_squeeze %dma_start3A_2170 : memref<1x128x128xf32, #tpu.memory_space<vmem>> -> memref<128x128xf32, #tpu.memory_space<vmem>>
    tpu.enqueue_dma source(%dma_start3A_2171 : memref<128x128xf32, #tpu.memory_space<vmem>>) target(%dma_start3A_2167 : memref<128x128xf32, #tpu.memory_space<hbm>>) target_semaphore(%arg9 : memref<!tpu.dma_semaphore, #tpu.memory_space<semaphore_mem>>)
    %dma_wait3A_2172 = arith.constant 0 : i32
    %dma_wait3A_2173 = arith.constant 0 : i32
    %dma_wait3A_2174 = arith.constant 0 : i32
    %dma_wait3A_2175 = tpu.memref_slice %arg7[%dma_wait3A_2172, %dma_wait3A_2173, %dma_wait3A_2174] : memref<6x128x128xf32, #tpu.memory_space<vmem>> -> memref<1x128x128xf32, #tpu.memory_space<vmem>>
    %dma_wait3A_2176 = tpu.memref_squeeze %dma_wait3A_2175 : memref<1x128x128xf32, #tpu.memory_space<vmem>> -> memref<128x128xf32, #tpu.memory_space<vmem>>
    %dma_wait3A_2177 = arith.constant 0 : i32
    %dma_wait3A_2178 = tpu.memref_slice %arg4[%min3A_1971, %dma_wait3A_2177] : memref<100000x128xf32, #tpu.memory_space<hbm>> -> memref<128x128xf32, #tpu.memory_space<hbm>>
    %dma_wait3A_2179 = arith.constant 0 : i32
    %dma_wait3A_2180 = tpu.memref_slice %arg4[%min3A_1971, %dma_wait3A_2179] : memref<100000x128xf32, #tpu.memory_space<hbm>> -> memref<128x128xf32, #tpu.memory_space<hbm>>
    %dma_wait3A_2181 = arith.constant 0 : i32
    %dma_wait3A_2182 = arith.constant 0 : i32
    %dma_wait3A_2183 = tpu.memref_slice %arg7[%dma_wait3A_2172, %dma_wait3A_2181, %dma_wait3A_2182] : memref<6x128x128xf32, #tpu.memory_space<vmem>> -> memref<1x128x128xf32, #tpu.memory_space<vmem>>
    %dma_wait3A_2184 = tpu.memref_squeeze %dma_wait3A_2183 : memref<1x128x128xf32, #tpu.memory_space<vmem>> -> memref<128x128xf32, #tpu.memory_space<vmem>>
    tpu.wait_dma2 semaphore(%arg9 : memref<!tpu.dma_semaphore, #tpu.memory_space<semaphore_mem>>) src(%dma_wait3A_2184 : memref<128x128xf32, #tpu.memory_space<vmem>>) dst(%dma_wait3A_2180 : memref<128x128xf32, #tpu.memory_space<hbm>>)
    %sub3A_2185 = arith.subi %min3A_2001, %min3A_7 : i32
    %dma_start3A_2186 = arith.constant 0 : i32
    %dma_start3A_2187 = arith.constant 0 : i32
    %dma_start3A_2188 = arith.constant 0 : i32
    %dma_start3A_2189 = tpu.memref_slice %arg7[%dma_start3A_2186, %dma_start3A_2187, %dma_start3A_2188] : memref<6x128x128xf32, #tpu.memory_space<vmem>> -> memref<1x128x128xf32, #tpu.memory_space<vmem>>
    %dma_start3A_2190 = tpu.memref_squeeze %dma_start3A_2189 : memref<1x128x128xf32, #tpu.memory_space<vmem>> -> memref<128x128xf32, #tpu.memory_space<vmem>>
    %dma_start3A_2191 = tpu.memref_slice %arg6[%sub3A_2185] : memref<3136xi32, #tpu.memory_space<vmem>> -> memref<128xi32, #tpu.memory_space<vmem>>
    %dma_start3A_2192 = arith.constant 0 : i32
    %dma_start3A_2193 = arith.constant 0 : i32
    %dma_start3A_2194 = tpu.memref_slice %arg5[%dma_start3A_2192, %dma_start3A_2193] : memref<100x128xf32, #tpu.memory_space<vmem_shared>> -> memref<100x128xf32, #tpu.memory_space<vmem_shared>>
    tpu.enqueue_indirect_dma source(%dma_start3A_2194 : memref<100x128xf32, #tpu.memory_space<vmem_shared>>) target(%dma_start3A_2190 : memref<128x128xf32, #tpu.memory_space<vmem>>) offsets(%dma_start3A_2191 : memref<128xi32, #tpu.memory_space<vmem>>) semaphore(%arg8 : memref<!tpu.dma_semaphore, #tpu.memory_space<semaphore_mem>>)
    %dma_wait3A_2195 = arith.constant 1 : i32
    %dma_wait3A_2196 = arith.constant 0 : i32
    %dma_wait3A_2197 = arith.constant 0 : i32
    %dma_wait3A_2198 = tpu.memref_slice %arg7[%dma_wait3A_2195, %dma_wait3A_2196, %dma_wait3A_2197] : memref<6x128x128xf32, #tpu.memory_space<vmem>> -> memref<1x128x128xf32, #tpu.memory_space<vmem>>
    %dma_wait3A_2199 = tpu.memref_squeeze %dma_wait3A_2198 : memref<1x128x128xf32, #tpu.memory_space<vmem>> -> memref<128x128xf32, #tpu.memory_space<vmem>>
    %dma_wait3A_2200 = tpu.memref_slice %arg6[%sub3A_2101] : memref<3136xi32, #tpu.memory_space<vmem>> -> memref<128xi32, #tpu.memory_space<vmem>>
    %dma_wait3A_2201 = arith.constant 0 : i32
    %dma_wait3A_2202 = arith.constant 0 : i32
    %dma_wait3A_2203 = tpu.memref_slice %arg5[%dma_wait3A_2201, %dma_wait3A_2202] : memref<100x128xf32, #tpu.memory_space<vmem_shared>> -> memref<100x128xf32, #tpu.memory_space<vmem_shared>>
    tpu.wait_indirect_dma semaphore(%arg8 : memref<!tpu.dma_semaphore, #tpu.memory_space<semaphore_mem>>) src(%dma_wait3A_2203 : memref<100x128xf32, #tpu.memory_space<vmem_shared>>) dst(%dma_wait3A_2199 : memref<128x128xf32, #tpu.memory_space<vmem>>)
    %dma_start3A_2204 = arith.constant 1 : i32
    %dma_start3A_2205 = arith.constant 0 : i32
    %dma_start3A_2206 = arith.constant 0 : i32
    %dma_start3A_2207 = tpu.memref_slice %arg7[%dma_start3A_2204, %dma_start3A_2205, %dma_start3A_2206] : memref<6x128x128xf32, #tpu.memory_space<vmem>> -> memref<1x128x128xf32, #tpu.memory_space<vmem>>
    %dma_start3A_2208 = tpu.memref_squeeze %dma_start3A_2207 : memref<1x128x128xf32, #tpu.memory_space<vmem>> -> memref<128x128xf32, #tpu.memory_space<vmem>>
    %dma_start3A_2209 = arith.constant 0 : i32
    %dma_start3A_2210 = tpu.memref_slice %arg4[%min3A_1976, %dma_start3A_2209] : memref<100000x128xf32, #tpu.memory_space<hbm>> -> memref<128x128xf32, #tpu.memory_space<hbm>>
    %dma_start3A_2211 = arith.constant 0 : i32
    %dma_start3A_2212 = tpu.memref_slice %arg4[%min3A_1976, %dma_start3A_2211] : memref<100000x128xf32, #tpu.memory_space<hbm>> -> memref<128x128xf32, #tpu.memory_space<hbm>>
    %dma_start3A_2213 = arith.constant 0 : i32
    %dma_start3A_2214 = arith.constant 0 : i32
    %dma_start3A_2215 = tpu.memref_slice %arg7[%dma_start3A_2204, %dma_start3A_2213, %dma_start3A_2214] : memref<6x128x128xf32, #tpu.memory_space<vmem>> -> memref<1x128x128xf32, #tpu.memory_space<vmem>>
    %dma_start3A_2216 = tpu.memref_squeeze %dma_start3A_2215 : memref<1x128x128xf32, #tpu.memory_space<vmem>> -> memref<128x128xf32, #tpu.memory_space<vmem>>
    tpu.enqueue_dma source(%dma_start3A_2216 : memref<128x128xf32, #tpu.memory_space<vmem>>) target(%dma_start3A_2212 : memref<128x128xf32, #tpu.memory_space<hbm>>) target_semaphore(%arg9 : memref<!tpu.dma_semaphore, #tpu.memory_space<semaphore_mem>>)
    %dma_wait3A_2217 = arith.constant 1 : i32
    %dma_wait3A_2218 = arith.constant 0 : i32
    %dma_wait3A_2219 = arith.constant 0 : i32
    %dma_wait3A_2220 = tpu.memref_slice %arg7[%dma_wait3A_2217, %dma_wait3A_2218, %dma_wait3A_2219] : memref<6x128x128xf32, #tpu.memory_space<vmem>> -> memref<1x128x128xf32, #tpu.memory_space<vmem>>
    %dma_wait3A_2221 = tpu.memref_squeeze %dma_wait3A_2220 : memref<1x128x128xf32, #tpu.memory_space<vmem>> -> memref<128x128xf32, #tpu.memory_space<vmem>>
    %dma_wait3A_2222 = arith.constant 0 : i32
    %dma_wait3A_2223 = tpu.memref_slice %arg4[%min3A_1976, %dma_wait3A_2222] : memref<100000x128xf32, #tpu.memory_space<hbm>> -> memref<128x128xf32, #tpu.memory_space<hbm>>
    %dma_wait3A_2224 = arith.constant 0 : i32
    %dma_wait3A_2225 = tpu.memref_slice %arg4[%min3A_1976, %dma_wait3A_2224] : memref<100000x128xf32, #tpu.memory_space<hbm>> -> memref<128x128xf32, #tpu.memory_space<hbm>>
    %dma_wait3A_2226 = arith.constant 0 : i32
    %dma_wait3A_2227 = arith.constant 0 : i32
    %dma_wait3A_2228 = tpu.memref_slice %arg7[%dma_wait3A_2217, %dma_wait3A_2226, %dma_wait3A_2227] : memref<6x128x128xf32, #tpu.memory_space<vmem>> -> memref<1x128x128xf32, #tpu.memory_space<vmem>>
    %dma_wait3A_2229 = tpu.memref_squeeze %dma_wait3A_2228 : memref<1x128x128xf32, #tpu.memory_space<vmem>> -> memref<128x128xf32, #tpu.memory_space<vmem>>
    tpu.wait_dma2 semaphore(%arg9 : memref<!tpu.dma_semaphore, #tpu.memory_space<semaphore_mem>>) src(%dma_wait3A_2229 : memref<128x128xf32, #tpu.memory_space<vmem>>) dst(%dma_wait3A_2225 : memref<128x128xf32, #tpu.memory_space<hbm>>)
    %sub3A_2230 = arith.subi %min3A_2006, %min3A_7 : i32
    %dma_start3A_2231 = arith.constant 1 : i32
    %dma_start3A_2232 = arith.constant 0 : i32
    %dma_start3A_2233 = arith.constant 0 : i32
    %dma_start3A_2234 = tpu.memref_slice %arg7[%dma_start3A_2231, %dma_start3A_2232, %dma_start3A_2233] : memref<6x128x128xf32, #tpu.memory_space<vmem>> -> memref<1x128x128xf32, #tpu.memory_space<vmem>>
    %dma_start3A_2235 = tpu.memref_squeeze %dma_start3A_2234 : memref<1x128x128xf32, #tpu.memory_space<vmem>> -> memref<128x128xf32, #tpu.memory_space<vmem>>
    %dma_start3A_2236 = tpu.memref_slice %arg6[%sub3A_2230] : memref<3136xi32, #tpu.memory_space<vmem>> -> memref<128xi32, #tpu.memory_space<vmem>>
    %dma_start3A_2237 = arith.constant 0 : i32
    %dma_start3A_2238 = arith.constant 0 : i32
    %dma_start3A_2239 = tpu.memref_slice %arg5[%dma_start3A_2237, %dma_start3A_2238] : memref<100x128xf32, #tpu.memory_space<vmem_shared>> -> memref<100x128xf32, #tpu.memory_space<vmem_shared>>
    tpu.enqueue_indirect_dma source(%dma_start3A_2239 : memref<100x128xf32, #tpu.memory_space<vmem_shared>>) target(%dma_start3A_2235 : memref<128x128xf32, #tpu.memory_space<vmem>>) offsets(%dma_start3A_2236 : memref<128xi32, #tpu.memory_space<vmem>>) semaphore(%arg8 : memref<!tpu.dma_semaphore, #tpu.memory_space<semaphore_mem>>)
    %dma_wait3A_2240 = arith.constant 2 : i32
    %dma_wait3A_2241 = arith.constant 0 : i32
    %dma_wait3A_2242 = arith.constant 0 : i32
    %dma_wait3A_2243 = tpu.memref_slice %arg7[%dma_wait3A_2240, %dma_wait3A_2241, %dma_wait3A_2242] : memref<6x128x128xf32, #tpu.memory_space<vmem>> -> memref<1x128x128xf32, #tpu.memory_space<vmem>>
    %dma_wait3A_2244 = tpu.memref_squeeze %dma_wait3A_2243 : memref<1x128x128xf32, #tpu.memory_space<vmem>> -> memref<128x128xf32, #tpu.memory_space<vmem>>
    %dma_wait3A_2245 = tpu.memref_slice %arg6[%sub3A_2111] : memref<3136xi32, #tpu.memory_space<vmem>> -> memref<128xi32, #tpu.memory_space<vmem>>
    %dma_wait3A_2246 = arith.constant 0 : i32
    %dma_wait3A_2247 = arith.constant 0 : i32
    %dma_wait3A_2248 = tpu.memref_slice %arg5[%dma_wait3A_2246, %dma_wait3A_2247] : memref<100x128xf32, #tpu.memory_space<vmem_shared>> -> memref<100x128xf32, #tpu.memory_space<vmem_shared>>
    tpu.wait_indirect_dma semaphore(%arg8 : memref<!tpu.dma_semaphore, #tpu.memory_space<semaphore_mem>>) src(%dma_wait3A_2248 : memref<100x128xf32, #tpu.memory_space<vmem_shared>>) dst(%dma_wait3A_2244 : memref<128x128xf32, #tpu.memory_space<vmem>>)
    %dma_start3A_2249 = arith.constant 2 : i32
    %dma_start3A_2250 = arith.constant 0 : i32
    %dma_start3A_2251 = arith.constant 0 : i32
    %dma_start3A_2252 = tpu.memref_slice %arg7[%dma_start3A_2249, %dma_start3A_2250, %dma_start3A_2251] : memref<6x128x128xf32, #tpu.memory_space<vmem>> -> memref<1x128x128xf32, #tpu.memory_space<vmem>>
    %dma_start3A_2253 = tpu.memref_squeeze %dma_start3A_2252 : memref<1x128x128xf32, #tpu.memory_space<vmem>> -> memref<128x128xf32, #tpu.memory_space<vmem>>
    %dma_start3A_2254 = arith.constant 0 : i32
    %dma_start3A_2255 = tpu.memref_slice %arg4[%min3A_1981, %dma_start3A_2254] : memref<100000x128xf32, #tpu.memory_space<hbm>> -> memref<128x128xf32, #tpu.memory_space<hbm>>
    %dma_start3A_2256 = arith.constant 0 : i32
    %dma_start3A_2257 = tpu.memref_slice %arg4[%min3A_1981, %dma_start3A_2256] : memref<100000x128xf32, #tpu.memory_space<hbm>> -> memref<128x128xf32, #tpu.memory_space<hbm>>
    %dma_start3A_2258 = arith.constant 0 : i32
    %dma_start3A_2259 = arith.constant 0 : i32
    %dma_start3A_2260 = tpu.memref_slice %arg7[%dma_start3A_2249, %dma_start3A_2258, %dma_start3A_2259] : memref<6x128x128xf32, #tpu.memory_space<vmem>> -> memref<1x128x128xf32, #tpu.memory_space<vmem>>
    %dma_start3A_2261 = tpu.memref_squeeze %dma_start3A_2260 : memref<1x128x128xf32, #tpu.memory_space<vmem>> -> memref<128x128xf32, #tpu.memory_space<vmem>>
    tpu.enqueue_dma source(%dma_start3A_2261 : memref<128x128xf32, #tpu.memory_space<vmem>>) target(%dma_start3A_2257 : memref<128x128xf32, #tpu.memory_space<hbm>>) target_semaphore(%arg9 : memref<!tpu.dma_semaphore, #tpu.memory_space<semaphore_mem>>)
    %dma_wait3A_2262 = arith.constant 2 : i32
    %dma_wait3A_2263 = arith.constant 0 : i32
    %dma_wait3A_2264 = arith.constant 0 : i32
    %dma_wait3A_2265 = tpu.memref_slice %arg7[%dma_wait3A_2262, %dma_wait3A_2263, %dma_wait3A_2264] : memref<6x128x128xf32, #tpu.memory_space<vmem>> -> memref<1x128x128xf32, #tpu.memory_space<vmem>>
    %dma_wait3A_2266 = tpu.memref_squeeze %dma_wait3A_2265 : memref<1x128x128xf32, #tpu.memory_space<vmem>> -> memref<128x128xf32, #tpu.memory_space<vmem>>
    %dma_wait3A_2267 = arith.constant 0 : i32
    %dma_wait3A_2268 = tpu.memref_slice %arg4[%min3A_1981, %dma_wait3A_2267] : memref<100000x128xf32, #tpu.memory_space<hbm>> -> memref<128x128xf32, #tpu.memory_space<hbm>>
    %dma_wait3A_2269 = arith.constant 0 : i32
    %dma_wait3A_2270 = tpu.memref_slice %arg4[%min3A_1981, %dma_wait3A_2269] : memref<100000x128xf32, #tpu.memory_space<hbm>> -> memref<128x128xf32, #tpu.memory_space<hbm>>
    %dma_wait3A_2271 = arith.constant 0 : i32
    %dma_wait3A_2272 = arith.constant 0 : i32
    %dma_wait3A_2273 = tpu.memref_slice %arg7[%dma_wait3A_2262, %dma_wait3A_2271, %dma_wait3A_2272] : memref<6x128x128xf32, #tpu.memory_space<vmem>> -> memref<1x128x128xf32, #tpu.memory_space<vmem>>
    %dma_wait3A_2274 = tpu.memref_squeeze %dma_wait3A_2273 : memref<1x128x128xf32, #tpu.memory_space<vmem>> -> memref<128x128xf32, #tpu.memory_space<vmem>>
    tpu.wait_dma2 semaphore(%arg9 : memref<!tpu.dma_semaphore, #tpu.memory_space<semaphore_mem>>) src(%dma_wait3A_2274 : memref<128x128xf32, #tpu.memory_space<vmem>>) dst(%dma_wait3A_2270 : memref<128x128xf32, #tpu.memory_space<hbm>>)
    %sub3A_2275 = arith.subi %min3A_2011, %min3A_7 : i32
    %dma_start3A_2276 = arith.constant 2 : i32
    %dma_start3A_2277 = arith.constant 0 : i32
    %dma_start3A_2278 = arith.constant 0 : i32
    %dma_start3A_2279 = tpu.memref_slice %arg7[%dma_start3A_2276, %dma_start3A_2277, %dma_start3A_2278] : memref<6x128x128xf32, #tpu.memory_space<vmem>> -> memref<1x128x128xf32, #tpu.memory_space<vmem>>
    %dma_start3A_2280 = tpu.memref_squeeze %dma_start3A_2279 : memref<1x128x128xf32, #tpu.memory_space<vmem>> -> memref<128x128xf32, #tpu.memory_space<vmem>>
    %dma_start3A_2281 = tpu.memref_slice %arg6[%sub3A_2275] : memref<3136xi32, #tpu.memory_space<vmem>> -> memref<128xi32, #tpu.memory_space<vmem>>
    %dma_start3A_2282 = arith.constant 0 : i32
    %dma_start3A_2283 = arith.constant 0 : i32
    %dma_start3A_2284 = tpu.memref_slice %arg5[%dma_start3A_2282, %dma_start3A_2283] : memref<100x128xf32, #tpu.memory_space<vmem_shared>> -> memref<100x128xf32, #tpu.memory_space<vmem_shared>>
    tpu.enqueue_indirect_dma source(%dma_start3A_2284 : memref<100x128xf32, #tpu.memory_space<vmem_shared>>) target(%dma_start3A_2280 : memref<128x128xf32, #tpu.memory_space<vmem>>) offsets(%dma_start3A_2281 : memref<128xi32, #tpu.memory_space<vmem>>) semaphore(%arg8 : memref<!tpu.dma_semaphore, #tpu.memory_space<semaphore_mem>>)
    %dma_wait3A_2285 = arith.constant 3 : i32
    %dma_wait3A_2286 = arith.constant 0 : i32
    %dma_wait3A_2287 = arith.constant 0 : i32
    %dma_wait3A_2288 = tpu.memref_slice %arg7[%dma_wait3A_2285, %dma_wait3A_2286, %dma_wait3A_2287] : memref<6x128x128xf32, #tpu.memory_space<vmem>> -> memref<1x128x128xf32, #tpu.memory_space<vmem>>
    %dma_wait3A_2289 = tpu.memref_squeeze %dma_wait3A_2288 : memref<1x128x128xf32, #tpu.memory_space<vmem>> -> memref<128x128xf32, #tpu.memory_space<vmem>>
    %dma_wait3A_2290 = tpu.memref_slice %arg6[%sub3A_2121] : memref<3136xi32, #tpu.memory_space<vmem>> -> memref<128xi32, #tpu.memory_space<vmem>>
    %dma_wait3A_2291 = arith.constant 0 : i32
    %dma_wait3A_2292 = arith.constant 0 : i32
    %dma_wait3A_2293 = tpu.memref_slice %arg5[%dma_wait3A_2291, %dma_wait3A_2292] : memref<100x128xf32, #tpu.memory_space<vmem_shared>> -> memref<100x128xf32, #tpu.memory_space<vmem_shared>>
    tpu.wait_indirect_dma semaphore(%arg8 : memref<!tpu.dma_semaphore, #tpu.memory_space<semaphore_mem>>) src(%dma_wait3A_2293 : memref<100x128xf32, #tpu.memory_space<vmem_shared>>) dst(%dma_wait3A_2289 : memref<128x128xf32, #tpu.memory_space<vmem>>)
    %dma_start3A_2294 = arith.constant 3 : i32
    %dma_start3A_2295 = arith.constant 0 : i32
    %dma_start3A_2296 = arith.constant 0 : i32
    %dma_start3A_2297 = tpu.memref_slice %arg7[%dma_start3A_2294, %dma_start3A_2295, %dma_start3A_2296] : memref<6x128x128xf32, #tpu.memory_space<vmem>> -> memref<1x128x128xf32, #tpu.memory_space<vmem>>
    %dma_start3A_2298 = tpu.memref_squeeze %dma_start3A_2297 : memref<1x128x128xf32, #tpu.memory_space<vmem>> -> memref<128x128xf32, #tpu.memory_space<vmem>>
    %dma_start3A_2299 = arith.constant 0 : i32
    %dma_start3A_2300 = tpu.memref_slice %arg4[%min3A_1986, %dma_start3A_2299] : memref<100000x128xf32, #tpu.memory_space<hbm>> -> memref<128x128xf32, #tpu.memory_space<hbm>>
    %dma_start3A_2301 = arith.constant 0 : i32
    %dma_start3A_2302 = tpu.memref_slice %arg4[%min3A_1986, %dma_start3A_2301] : memref<100000x128xf32, #tpu.memory_space<hbm>> -> memref<128x128xf32, #tpu.memory_space<hbm>>
    %dma_start3A_2303 = arith.constant 0 : i32
    %dma_start3A_2304 = arith.constant 0 : i32
    %dma_start3A_2305 = tpu.memref_slice %arg7[%dma_start3A_2294, %dma_start3A_2303, %dma_start3A_2304] : memref<6x128x128xf32, #tpu.memory_space<vmem>> -> memref<1x128x128xf32, #tpu.memory_space<vmem>>
    %dma_start3A_2306 = tpu.memref_squeeze %dma_start3A_2305 : memref<1x128x128xf32, #tpu.memory_space<vmem>> -> memref<128x128xf32, #tpu.memory_space<vmem>>
    tpu.enqueue_dma source(%dma_start3A_2306 : memref<128x128xf32, #tpu.memory_space<vmem>>) target(%dma_start3A_2302 : memref<128x128xf32, #tpu.memory_space<hbm>>) target_semaphore(%arg9 : memref<!tpu.dma_semaphore, #tpu.memory_space<semaphore_mem>>)
    %dma_wait3A_2307 = arith.constant 3 : i32
    %dma_wait3A_2308 = arith.constant 0 : i32
    %dma_wait3A_2309 = arith.constant 0 : i32
    %dma_wait3A_2310 = tpu.memref_slice %arg7[%dma_wait3A_2307, %dma_wait3A_2308, %dma_wait3A_2309] : memref<6x128x128xf32, #tpu.memory_space<vmem>> -> memref<1x128x128xf32, #tpu.memory_space<vmem>>
    %dma_wait3A_2311 = tpu.memref_squeeze %dma_wait3A_2310 : memref<1x128x128xf32, #tpu.memory_space<vmem>> -> memref<128x128xf32, #tpu.memory_space<vmem>>
    %dma_wait3A_2312 = arith.constant 0 : i32
    %dma_wait3A_2313 = tpu.memref_slice %arg4[%min3A_1986, %dma_wait3A_2312] : memref<100000x128xf32, #tpu.memory_space<hbm>> -> memref<128x128xf32, #tpu.memory_space<hbm>>
    %dma_wait3A_2314 = arith.constant 0 : i32
    %dma_wait3A_2315 = tpu.memref_slice %arg4[%min3A_1986, %dma_wait3A_2314] : memref<100000x128xf32, #tpu.memory_space<hbm>> -> memref<128x128xf32, #tpu.memory_space<hbm>>
    %dma_wait3A_2316 = arith.constant 0 : i32
    %dma_wait3A_2317 = arith.constant 0 : i32
    %dma_wait3A_2318 = tpu.memref_slice %arg7[%dma_wait3A_2307, %dma_wait3A_2316, %dma_wait3A_2317] : memref<6x128x128xf32, #tpu.memory_space<vmem>> -> memref<1x128x128xf32, #tpu.memory_space<vmem>>
    %dma_wait3A_2319 = tpu.memref_squeeze %dma_wait3A_2318 : memref<1x128x128xf32, #tpu.memory_space<vmem>> -> memref<128x128xf32, #tpu.memory_space<vmem>>
    tpu.wait_dma2 semaphore(%arg9 : memref<!tpu.dma_semaphore, #tpu.memory_space<semaphore_mem>>) src(%dma_wait3A_2319 : memref<128x128xf32, #tpu.memory_space<vmem>>) dst(%dma_wait3A_2315 : memref<128x128xf32, #tpu.memory_space<hbm>>)
    %sub3A_2320 = arith.subi %min3A_2016, %min3A_7 : i32
    %dma_start3A_2321 = arith.constant 3 : i32
    %dma_start3A_2322 = arith.constant 0 : i32
    %dma_start3A_2323 = arith.constant 0 : i32
    %dma_start3A_2324 = tpu.memref_slice %arg7[%dma_start3A_2321, %dma_start3A_2322, %dma_start3A_2323] : memref<6x128x128xf32, #tpu.memory_space<vmem>> -> memref<1x128x128xf32, #tpu.memory_space<vmem>>
    %dma_start3A_2325 = tpu.memref_squeeze %dma_start3A_2324 : memref<1x128x128xf32, #tpu.memory_space<vmem>> -> memref<128x128xf32, #tpu.memory_space<vmem>>
    %dma_start3A_2326 = tpu.memref_slice %arg6[%sub3A_2320] : memref<3136xi32, #tpu.memory_space<vmem>> -> memref<128xi32, #tpu.memory_space<vmem>>
    %dma_start3A_2327 = arith.constant 0 : i32
    %dma_start3A_2328 = arith.constant 0 : i32
    %dma_start3A_2329 = tpu.memref_slice %arg5[%dma_start3A_2327, %dma_start3A_2328] : memref<100x128xf32, #tpu.memory_space<vmem_shared>> -> memref<100x128xf32, #tpu.memory_space<vmem_shared>>
    tpu.enqueue_indirect_dma source(%dma_start3A_2329 : memref<100x128xf32, #tpu.memory_space<vmem_shared>>) target(%dma_start3A_2325 : memref<128x128xf32, #tpu.memory_space<vmem>>) offsets(%dma_start3A_2326 : memref<128xi32, #tpu.memory_space<vmem>>) semaphore(%arg8 : memref<!tpu.dma_semaphore, #tpu.memory_space<semaphore_mem>>)
    %dma_wait3A_2330 = arith.constant 4 : i32
    %dma_wait3A_2331 = arith.constant 0 : i32
    %dma_wait3A_2332 = arith.constant 0 : i32
    %dma_wait3A_2333 = tpu.memref_slice %arg7[%dma_wait3A_2330, %dma_wait3A_2331, %dma_wait3A_2332] : memref<6x128x128xf32, #tpu.memory_space<vmem>> -> memref<1x128x128xf32, #tpu.memory_space<vmem>>
    %dma_wait3A_2334 = tpu.memref_squeeze %dma_wait3A_2333 : memref<1x128x128xf32, #tpu.memory_space<vmem>> -> memref<128x128xf32, #tpu.memory_space<vmem>>
    %dma_wait3A_2335 = tpu.memref_slice %arg6[%sub3A_2131] : memref<3136xi32, #tpu.memory_space<vmem>> -> memref<128xi32, #tpu.memory_space<vmem>>
    %dma_wait3A_2336 = arith.constant 0 : i32
    %dma_wait3A_2337 = arith.constant 0 : i32
    %dma_wait3A_2338 = tpu.memref_slice %arg5[%dma_wait3A_2336, %dma_wait3A_2337] : memref<100x128xf32, #tpu.memory_space<vmem_shared>> -> memref<100x128xf32, #tpu.memory_space<vmem_shared>>
    tpu.wait_indirect_dma semaphore(%arg8 : memref<!tpu.dma_semaphore, #tpu.memory_space<semaphore_mem>>) src(%dma_wait3A_2338 : memref<100x128xf32, #tpu.memory_space<vmem_shared>>) dst(%dma_wait3A_2334 : memref<128x128xf32, #tpu.memory_space<vmem>>)
    %dma_start3A_2339 = arith.constant 4 : i32
    %dma_start3A_2340 = arith.constant 0 : i32
    %dma_start3A_2341 = arith.constant 0 : i32
    %dma_start3A_2342 = tpu.memref_slice %arg7[%dma_start3A_2339, %dma_start3A_2340, %dma_start3A_2341] : memref<6x128x128xf32, #tpu.memory_space<vmem>> -> memref<1x128x128xf32, #tpu.memory_space<vmem>>
    %dma_start3A_2343 = tpu.memref_squeeze %dma_start3A_2342 : memref<1x128x128xf32, #tpu.memory_space<vmem>> -> memref<128x128xf32, #tpu.memory_space<vmem>>
    %dma_start3A_2344 = arith.constant 0 : i32
    %dma_start3A_2345 = tpu.memref_slice %arg4[%min3A_1991, %dma_start3A_2344] : memref<100000x128xf32, #tpu.memory_space<hbm>> -> memref<128x128xf32, #tpu.memory_space<hbm>>
    %dma_start3A_2346 = arith.constant 0 : i32
    %dma_start3A_2347 = tpu.memref_slice %arg4[%min3A_1991, %dma_start3A_2346] : memref<100000x128xf32, #tpu.memory_space<hbm>> -> memref<128x128xf32, #tpu.memory_space<hbm>>
    %dma_start3A_2348 = arith.constant 0 : i32
    %dma_start3A_2349 = arith.constant 0 : i32
    %dma_start3A_2350 = tpu.memref_slice %arg7[%dma_start3A_2339, %dma_start3A_2348, %dma_start3A_2349] : memref<6x128x128xf32, #tpu.memory_space<vmem>> -> memref<1x128x128xf32, #tpu.memory_space<vmem>>
    %dma_start3A_2351 = tpu.memref_squeeze %dma_start3A_2350 : memref<1x128x128xf32, #tpu.memory_space<vmem>> -> memref<128x128xf32, #tpu.memory_space<vmem>>
    tpu.enqueue_dma source(%dma_start3A_2351 : memref<128x128xf32, #tpu.memory_space<vmem>>) target(%dma_start3A_2347 : memref<128x128xf32, #tpu.memory_space<hbm>>) target_semaphore(%arg9 : memref<!tpu.dma_semaphore, #tpu.memory_space<semaphore_mem>>)
    %dma_wait3A_2352 = arith.constant 4 : i32
    %dma_wait3A_2353 = arith.constant 0 : i32
    %dma_wait3A_2354 = arith.constant 0 : i32
    %dma_wait3A_2355 = tpu.memref_slice %arg7[%dma_wait3A_2352, %dma_wait3A_2353, %dma_wait3A_2354] : memref<6x128x128xf32, #tpu.memory_space<vmem>> -> memref<1x128x128xf32, #tpu.memory_space<vmem>>
    %dma_wait3A_2356 = tpu.memref_squeeze %dma_wait3A_2355 : memref<1x128x128xf32, #tpu.memory_space<vmem>> -> memref<128x128xf32, #tpu.memory_space<vmem>>
    %dma_wait3A_2357 = arith.constant 0 : i32
    %dma_wait3A_2358 = tpu.memref_slice %arg4[%min3A_1991, %dma_wait3A_2357] : memref<100000x128xf32, #tpu.memory_space<hbm>> -> memref<128x128xf32, #tpu.memory_space<hbm>>
    %dma_wait3A_2359 = arith.constant 0 : i32
    %dma_wait3A_2360 = tpu.memref_slice %arg4[%min3A_1991, %dma_wait3A_2359] : memref<100000x128xf32, #tpu.memory_space<hbm>> -> memref<128x128xf32, #tpu.memory_space<hbm>>
    %dma_wait3A_2361 = arith.constant 0 : i32
    %dma_wait3A_2362 = arith.constant 0 : i32
    %dma_wait3A_2363 = tpu.memref_slice %arg7[%dma_wait3A_2352, %dma_wait3A_2361, %dma_wait3A_2362] : memref<6x128x128xf32, #tpu.memory_space<vmem>> -> memref<1x128x128xf32, #tpu.memory_space<vmem>>
    %dma_wait3A_2364 = tpu.memref_squeeze %dma_wait3A_2363 : memref<1x128x128xf32, #tpu.memory_space<vmem>> -> memref<128x128xf32, #tpu.memory_space<vmem>>
    tpu.wait_dma2 semaphore(%arg9 : memref<!tpu.dma_semaphore, #tpu.memory_space<semaphore_mem>>) src(%dma_wait3A_2364 : memref<128x128xf32, #tpu.memory_space<vmem>>) dst(%dma_wait3A_2360 : memref<128x128xf32, #tpu.memory_space<hbm>>)
    %sub3A_2365 = arith.subi %min3A_2021, %min3A_7 : i32
    %dma_start3A_2366 = arith.constant 4 : i32
    %dma_start3A_2367 = arith.constant 0 : i32
    %dma_start3A_2368 = arith.constant 0 : i32
    %dma_start3A_2369 = tpu.memref_slice %arg7[%dma_start3A_2366, %dma_start3A_2367, %dma_start3A_2368] : memref<6x128x128xf32, #tpu.memory_space<vmem>> -> memref<1x128x128xf32, #tpu.memory_space<vmem>>
    %dma_start3A_2370 = tpu.memref_squeeze %dma_start3A_2369 : memref<1x128x128xf32, #tpu.memory_space<vmem>> -> memref<128x128xf32, #tpu.memory_space<vmem>>
    %dma_start3A_2371 = tpu.memref_slice %arg6[%sub3A_2365] : memref<3136xi32, #tpu.memory_space<vmem>> -> memref<128xi32, #tpu.memory_space<vmem>>
    %dma_start3A_2372 = arith.constant 0 : i32
    %dma_start3A_2373 = arith.constant 0 : i32
    %dma_start3A_2374 = tpu.memref_slice %arg5[%dma_start3A_2372, %dma_start3A_2373] : memref<100x128xf32, #tpu.memory_space<vmem_shared>> -> memref<100x128xf32, #tpu.memory_space<vmem_shared>>
    tpu.enqueue_indirect_dma source(%dma_start3A_2374 : memref<100x128xf32, #tpu.memory_space<vmem_shared>>) target(%dma_start3A_2370 : memref<128x128xf32, #tpu.memory_space<vmem>>) offsets(%dma_start3A_2371 : memref<128xi32, #tpu.memory_space<vmem>>) semaphore(%arg8 : memref<!tpu.dma_semaphore, #tpu.memory_space<semaphore_mem>>)
    %dma_wait3A_2375 = arith.constant 5 : i32
    %dma_wait3A_2376 = arith.constant 0 : i32
    %dma_wait3A_2377 = arith.constant 0 : i32
    %dma_wait3A_2378 = tpu.memref_slice %arg7[%dma_wait3A_2375, %dma_wait3A_2376, %dma_wait3A_2377] : memref<6x128x128xf32, #tpu.memory_space<vmem>> -> memref<1x128x128xf32, #tpu.memory_space<vmem>>
    %dma_wait3A_2379 = tpu.memref_squeeze %dma_wait3A_2378 : memref<1x128x128xf32, #tpu.memory_space<vmem>> -> memref<128x128xf32, #tpu.memory_space<vmem>>
    %dma_wait3A_2380 = tpu.memref_slice %arg6[%sub3A_2141] : memref<3136xi32, #tpu.memory_space<vmem>> -> memref<128xi32, #tpu.memory_space<vmem>>
    %dma_wait3A_2381 = arith.constant 0 : i32
    %dma_wait3A_2382 = arith.constant 0 : i32
    %dma_wait3A_2383 = tpu.memref_slice %arg5[%dma_wait3A_2381, %dma_wait3A_2382] : memref<100x128xf32, #tpu.memory_space<vmem_shared>> -> memref<100x128xf32, #tpu.memory_space<vmem_shared>>
    tpu.wait_indirect_dma semaphore(%arg8 : memref<!tpu.dma_semaphore, #tpu.memory_space<semaphore_mem>>) src(%dma_wait3A_2383 : memref<100x128xf32, #tpu.memory_space<vmem_shared>>) dst(%dma_wait3A_2379 : memref<128x128xf32, #tpu.memory_space<vmem>>)
    %dma_start3A_2384 = arith.constant 5 : i32
    %dma_start3A_2385 = arith.constant 0 : i32
    %dma_start3A_2386 = arith.constant 0 : i32
    %dma_start3A_2387 = tpu.memref_slice %arg7[%dma_start3A_2384, %dma_start3A_2385, %dma_start3A_2386] : memref<6x128x128xf32, #tpu.memory_space<vmem>> -> memref<1x128x128xf32, #tpu.memory_space<vmem>>
    %dma_start3A_2388 = tpu.memref_squeeze %dma_start3A_2387 : memref<1x128x128xf32, #tpu.memory_space<vmem>> -> memref<128x128xf32, #tpu.memory_space<vmem>>
    %dma_start3A_2389 = arith.constant 0 : i32
    %dma_start3A_2390 = tpu.memref_slice %arg4[%min3A_1996, %dma_start3A_2389] : memref<100000x128xf32, #tpu.memory_space<hbm>> -> memref<128x128xf32, #tpu.memory_space<hbm>>
    %dma_start3A_2391 = arith.constant 0 : i32
    %dma_start3A_2392 = tpu.memref_slice %arg4[%min3A_1996, %dma_start3A_2391] : memref<100000x128xf32, #tpu.memory_space<hbm>> -> memref<128x128xf32, #tpu.memory_space<hbm>>
    %dma_start3A_2393 = arith.constant 0 : i32
    %dma_start3A_2394 = arith.constant 0 : i32
    %dma_start3A_2395 = tpu.memref_slice %arg7[%dma_start3A_2384, %dma_start3A_2393, %dma_start3A_2394] : memref<6x128x128xf32, #tpu.memory_space<vmem>> -> memref<1x128x128xf32, #tpu.memory_space<vmem>>
    %dma_start3A_2396 = tpu.memref_squeeze %dma_start3A_2395 : memref<1x128x128xf32, #tpu.memory_space<vmem>> -> memref<128x128xf32, #tpu.memory_space<vmem>>
    tpu.enqueue_dma source(%dma_start3A_2396 : memref<128x128xf32, #tpu.memory_space<vmem>>) target(%dma_start3A_2392 : memref<128x128xf32, #tpu.memory_space<hbm>>) target_semaphore(%arg9 : memref<!tpu.dma_semaphore, #tpu.memory_space<semaphore_mem>>)
    %dma_wait3A_2397 = arith.constant 5 : i32
    %dma_wait3A_2398 = arith.constant 0 : i32
    %dma_wait3A_2399 = arith.constant 0 : i32
    %dma_wait3A_2400 = tpu.memref_slice %arg7[%dma_wait3A_2397, %dma_wait3A_2398, %dma_wait3A_2399] : memref<6x128x128xf32, #tpu.memory_space<vmem>> -> memref<1x128x128xf32, #tpu.memory_space<vmem>>
    %dma_wait3A_2401 = tpu.memref_squeeze %dma_wait3A_2400 : memref<1x128x128xf32, #tpu.memory_space<vmem>> -> memref<128x128xf32, #tpu.memory_space<vmem>>
    %dma_wait3A_2402 = arith.constant 0 : i32
    %dma_wait3A_2403 = tpu.memref_slice %arg4[%min3A_1996, %dma_wait3A_2402] : memref<100000x128xf32, #tpu.memory_space<hbm>> -> memref<128x128xf32, #tpu.memory_space<hbm>>
    %dma_wait3A_2404 = arith.constant 0 : i32
    %dma_wait3A_2405 = tpu.memref_slice %arg4[%min3A_1996, %dma_wait3A_2404] : memref<100000x128xf32, #tpu.memory_space<hbm>> -> memref<128x128xf32, #tpu.memory_space<hbm>>
    %dma_wait3A_2406 = arith.constant 0 : i32
    %dma_wait3A_2407 = arith.constant 0 : i32
    %dma_wait3A_2408 = tpu.memref_slice %arg7[%dma_wait3A_2397, %dma_wait3A_2406, %dma_wait3A_2407] : memref<6x128x128xf32, #tpu.memory_space<vmem>> -> memref<1x128x128xf32, #tpu.memory_space<vmem>>
    %dma_wait3A_2409 = tpu.memref_squeeze %dma_wait3A_2408 : memref<1x128x128xf32, #tpu.memory_space<vmem>> -> memref<128x128xf32, #tpu.memory_space<vmem>>
    tpu.wait_dma2 semaphore(%arg9 : memref<!tpu.dma_semaphore, #tpu.memory_space<semaphore_mem>>) src(%dma_wait3A_2409 : memref<128x128xf32, #tpu.memory_space<vmem>>) dst(%dma_wait3A_2405 : memref<128x128xf32, #tpu.memory_space<hbm>>)
    %sub3A_2410 = arith.subi %min3A_2026, %min3A_7 : i32
    %dma_start3A_2411 = arith.constant 5 : i32
    %dma_start3A_2412 = arith.constant 0 : i32
    %dma_start3A_2413 = arith.constant 0 : i32
    %dma_start3A_2414 = tpu.memref_slice %arg7[%dma_start3A_2411, %dma_start3A_2412, %dma_start3A_2413] : memref<6x128x128xf32, #tpu.memory_space<vmem>> -> memref<1x128x128xf32, #tpu.memory_space<vmem>>
    %dma_start3A_2415 = tpu.memref_squeeze %dma_start3A_2414 : memref<1x128x128xf32, #tpu.memory_space<vmem>> -> memref<128x128xf32, #tpu.memory_space<vmem>>
    %dma_start3A_2416 = tpu.memref_slice %arg6[%sub3A_2410] : memref<3136xi32, #tpu.memory_space<vmem>> -> memref<128xi32, #tpu.memory_space<vmem>>
    %dma_start3A_2417 = arith.constant 0 : i32
    %dma_start3A_2418 = arith.constant 0 : i32
    %dma_start3A_2419 = tpu.memref_slice %arg5[%dma_start3A_2417, %dma_start3A_2418] : memref<100x128xf32, #tpu.memory_space<vmem_shared>> -> memref<100x128xf32, #tpu.memory_space<vmem_shared>>
    tpu.enqueue_indirect_dma source(%dma_start3A_2419 : memref<100x128xf32, #tpu.memory_space<vmem_shared>>) target(%dma_start3A_2415 : memref<128x128xf32, #tpu.memory_space<vmem>>) offsets(%dma_start3A_2416 : memref<128xi32, #tpu.memory_space<vmem>>) semaphore(%arg8 : memref<!tpu.dma_semaphore, #tpu.memory_space<semaphore_mem>>)
    %dma_wait3A_2420 = arith.constant 0 : i32
    %dma_wait3A_2421 = arith.constant 0 : i32
    %dma_wait3A_2422 = arith.constant 0 : i32
    %dma_wait3A_2423 = tpu.memref_slice %arg7[%dma_wait3A_2420, %dma_wait3A_2421, %dma_wait3A_2422] : memref<6x128x128xf32, #tpu.memory_space<vmem>> -> memref<1x128x128xf32, #tpu.memory_space<vmem>>
    %dma_wait3A_2424 = tpu.memref_squeeze %dma_wait3A_2423 : memref<1x128x128xf32, #tpu.memory_space<vmem>> -> memref<128x128xf32, #tpu.memory_space<vmem>>
    %dma_wait3A_2425 = tpu.memref_slice %arg6[%sub3A_2185] : memref<3136xi32, #tpu.memory_space<vmem>> -> memref<128xi32, #tpu.memory_space<vmem>>
    %dma_wait3A_2426 = arith.constant 0 : i32
    %dma_wait3A_2427 = arith.constant 0 : i32
    %dma_wait3A_2428 = tpu.memref_slice %arg5[%dma_wait3A_2426, %dma_wait3A_2427] : memref<100x128xf32, #tpu.memory_space<vmem_shared>> -> memref<100x128xf32, #tpu.memory_space<vmem_shared>>
    tpu.wait_indirect_dma semaphore(%arg8 : memref<!tpu.dma_semaphore, #tpu.memory_space<semaphore_mem>>) src(%dma_wait3A_2428 : memref<100x128xf32, #tpu.memory_space<vmem_shared>>) dst(%dma_wait3A_2424 : memref<128x128xf32, #tpu.memory_space<vmem>>)
    %dma_start3A_2429 = arith.constant 0 : i32
    %dma_start3A_2430 = arith.constant 0 : i32
    %dma_start3A_2431 = arith.constant 0 : i32
    %dma_start3A_2432 = tpu.memref_slice %arg7[%dma_start3A_2429, %dma_start3A_2430, %dma_start3A_2431] : memref<6x128x128xf32, #tpu.memory_space<vmem>> -> memref<1x128x128xf32, #tpu.memory_space<vmem>>
    %dma_start3A_2433 = tpu.memref_squeeze %dma_start3A_2432 : memref<1x128x128xf32, #tpu.memory_space<vmem>> -> memref<128x128xf32, #tpu.memory_space<vmem>>
    %dma_start3A_2434 = arith.constant 0 : i32
    %dma_start3A_2435 = tpu.memref_slice %arg4[%min3A_2001, %dma_start3A_2434] : memref<100000x128xf32, #tpu.memory_space<hbm>> -> memref<128x128xf32, #tpu.memory_space<hbm>>
    %dma_start3A_2436 = arith.constant 0 : i32
    %dma_start3A_2437 = tpu.memref_slice %arg4[%min3A_2001, %dma_start3A_2436] : memref<100000x128xf32, #tpu.memory_space<hbm>> -> memref<128x128xf32, #tpu.memory_space<hbm>>
    %dma_start3A_2438 = arith.constant 0 : i32
    %dma_start3A_2439 = arith.constant 0 : i32
    %dma_start3A_2440 = tpu.memref_slice %arg7[%dma_start3A_2429, %dma_start3A_2438, %dma_start3A_2439] : memref<6x128x128xf32, #tpu.memory_space<vmem>> -> memref<1x128x128xf32, #tpu.memory_space<vmem>>
    %dma_start3A_2441 = tpu.memref_squeeze %dma_start3A_2440 : memref<1x128x128xf32, #tpu.memory_space<vmem>> -> memref<128x128xf32, #tpu.memory_space<vmem>>
    tpu.enqueue_dma source(%dma_start3A_2441 : memref<128x128xf32, #tpu.memory_space<vmem>>) target(%dma_start3A_2437 : memref<128x128xf32, #tpu.memory_space<hbm>>) target_semaphore(%arg9 : memref<!tpu.dma_semaphore, #tpu.memory_space<semaphore_mem>>)
    %dma_wait3A_2442 = arith.constant 0 : i32
    %dma_wait3A_2443 = arith.constant 0 : i32
    %dma_wait3A_2444 = arith.constant 0 : i32
    %dma_wait3A_2445 = tpu.memref_slice %arg7[%dma_wait3A_2442, %dma_wait3A_2443, %dma_wait3A_2444] : memref<6x128x128xf32, #tpu.memory_space<vmem>> -> memref<1x128x128xf32, #tpu.memory_space<vmem>>
    %dma_wait3A_2446 = tpu.memref_squeeze %dma_wait3A_2445 : memref<1x128x128xf32, #tpu.memory_space<vmem>> -> memref<128x128xf32, #tpu.memory_space<vmem>>
    %dma_wait3A_2447 = arith.constant 0 : i32
    %dma_wait3A_2448 = tpu.memref_slice %arg4[%min3A_2001, %dma_wait3A_2447] : memref<100000x128xf32, #tpu.memory_space<hbm>> -> memref<128x128xf32, #tpu.memory_space<hbm>>
    %dma_wait3A_2449 = arith.constant 0 : i32
    %dma_wait3A_2450 = tpu.memref_slice %arg4[%min3A_2001, %dma_wait3A_2449] : memref<100000x128xf32, #tpu.memory_space<hbm>> -> memref<128x128xf32, #tpu.memory_space<hbm>>
    %dma_wait3A_2451 = arith.constant 0 : i32
    %dma_wait3A_2452 = arith.constant 0 : i32
    %dma_wait3A_2453 = tpu.memref_slice %arg7[%dma_wait3A_2442, %dma_wait3A_2451, %dma_wait3A_2452] : memref<6x128x128xf32, #tpu.memory_space<vmem>> -> memref<1x128x128xf32, #tpu.memory_space<vmem>>
    %dma_wait3A_2454 = tpu.memref_squeeze %dma_wait3A_2453 : memref<1x128x128xf32, #tpu.memory_space<vmem>> -> memref<128x128xf32, #tpu.memory_space<vmem>>
    tpu.wait_dma2 semaphore(%arg9 : memref<!tpu.dma_semaphore, #tpu.memory_space<semaphore_mem>>) src(%dma_wait3A_2454 : memref<128x128xf32, #tpu.memory_space<vmem>>) dst(%dma_wait3A_2450 : memref<128x128xf32, #tpu.memory_space<hbm>>)
    %sub3A_2455 = arith.subi %min3A_2031, %min3A_7 : i32
    %dma_start3A_2456 = arith.constant 0 : i32
    %dma_start3A_2457 = arith.constant 0 : i32
    %dma_start3A_2458 = arith.constant 0 : i32
    %dma_start3A_2459 = tpu.memref_slice %arg7[%dma_start3A_2456, %dma_start3A_2457, %dma_start3A_2458] : memref<6x128x128xf32, #tpu.memory_space<vmem>> -> memref<1x128x128xf32, #tpu.memory_space<vmem>>
    %dma_start3A_2460 = tpu.memref_squeeze %dma_start3A_2459 : memref<1x128x128xf32, #tpu.memory_space<vmem>> -> memref<128x128xf32, #tpu.memory_space<vmem>>
    %dma_start3A_2461 = tpu.memref_slice %arg6[%sub3A_2455] : memref<3136xi32, #tpu.memory_space<vmem>> -> memref<128xi32, #tpu.memory_space<vmem>>
    %dma_start3A_2462 = arith.constant 0 : i32
    %dma_start3A_2463 = arith.constant 0 : i32
    %dma_start3A_2464 = tpu.memref_slice %arg5[%dma_start3A_2462, %dma_start3A_2463] : memref<100x128xf32, #tpu.memory_space<vmem_shared>> -> memref<100x128xf32, #tpu.memory_space<vmem_shared>>
    tpu.enqueue_indirect_dma source(%dma_start3A_2464 : memref<100x128xf32, #tpu.memory_space<vmem_shared>>) target(%dma_start3A_2460 : memref<128x128xf32, #tpu.memory_space<vmem>>) offsets(%dma_start3A_2461 : memref<128xi32, #tpu.memory_space<vmem>>) semaphore(%arg8 : memref<!tpu.dma_semaphore, #tpu.memory_space<semaphore_mem>>)
    %dma_wait3A_2465 = arith.constant 1 : i32
    %dma_wait3A_2466 = arith.constant 0 : i32
    %dma_wait3A_2467 = arith.constant 0 : i32
    %dma_wait3A_2468 = tpu.memref_slice %arg7[%dma_wait3A_2465, %dma_wait3A_2466, %dma_wait3A_2467] : memref<6x128x128xf32, #tpu.memory_space<vmem>> -> memref<1x128x128xf32, #tpu.memory_space<vmem>>
    %dma_wait3A_2469 = tpu.memref_squeeze %dma_wait3A_2468 : memref<1x128x128xf32, #tpu.memory_space<vmem>> -> memref<128x128xf32, #tpu.memory_space<vmem>>
    %dma_wait3A_2470 = tpu.memref_slice %arg6[%sub3A_2230] : memref<3136xi32, #tpu.memory_space<vmem>> -> memref<128xi32, #tpu.memory_space<vmem>>
    %dma_wait3A_2471 = arith.constant 0 : i32
    %dma_wait3A_2472 = arith.constant 0 : i32
    %dma_wait3A_2473 = tpu.memref_slice %arg5[%dma_wait3A_2471, %dma_wait3A_2472] : memref<100x128xf32, #tpu.memory_space<vmem_shared>> -> memref<100x128xf32, #tpu.memory_space<vmem_shared>>
    tpu.wait_indirect_dma semaphore(%arg8 : memref<!tpu.dma_semaphore, #tpu.memory_space<semaphore_mem>>) src(%dma_wait3A_2473 : memref<100x128xf32, #tpu.memory_space<vmem_shared>>) dst(%dma_wait3A_2469 : memref<128x128xf32, #tpu.memory_space<vmem>>)
    %dma_start3A_2474 = arith.constant 1 : i32
    %dma_start3A_2475 = arith.constant 0 : i32
    %dma_start3A_2476 = arith.constant 0 : i32
    %dma_start3A_2477 = tpu.memref_slice %arg7[%dma_start3A_2474, %dma_start3A_2475, %dma_start3A_2476] : memref<6x128x128xf32, #tpu.memory_space<vmem>> -> memref<1x128x128xf32, #tpu.memory_space<vmem>>
    %dma_start3A_2478 = tpu.memref_squeeze %dma_start3A_2477 : memref<1x128x128xf32, #tpu.memory_space<vmem>> -> memref<128x128xf32, #tpu.memory_space<vmem>>
    %dma_start3A_2479 = arith.constant 0 : i32
    %dma_start3A_2480 = tpu.memref_slice %arg4[%min3A_2006, %dma_start3A_2479] : memref<100000x128xf32, #tpu.memory_space<hbm>> -> memref<128x128xf32, #tpu.memory_space<hbm>>
    %dma_start3A_2481 = arith.constant 0 : i32
    %dma_start3A_2482 = tpu.memref_slice %arg4[%min3A_2006, %dma_start3A_2481] : memref<100000x128xf32, #tpu.memory_space<hbm>> -> memref<128x128xf32, #tpu.memory_space<hbm>>
    %dma_start3A_2483 = arith.constant 0 : i32
    %dma_start3A_2484 = arith.constant 0 : i32
    %dma_start3A_2485 = tpu.memref_slice %arg7[%dma_start3A_2474, %dma_start3A_2483, %dma_start3A_2484] : memref<6x128x128xf32, #tpu.memory_space<vmem>> -> memref<1x128x128xf32, #tpu.memory_space<vmem>>
    %dma_start3A_2486 = tpu.memref_squeeze %dma_start3A_2485 : memref<1x128x128xf32, #tpu.memory_space<vmem>> -> memref<128x128xf32, #tpu.memory_space<vmem>>
    tpu.enqueue_dma source(%dma_start3A_2486 : memref<128x128xf32, #tpu.memory_space<vmem>>) target(%dma_start3A_2482 : memref<128x128xf32, #tpu.memory_space<hbm>>) target_semaphore(%arg9 : memref<!tpu.dma_semaphore, #tpu.memory_space<semaphore_mem>>)
    %dma_wait3A_2487 = arith.constant 1 : i32
    %dma_wait3A_2488 = arith.constant 0 : i32
    %dma_wait3A_2489 = arith.constant 0 : i32
    %dma_wait3A_2490 = tpu.memref_slice %arg7[%dma_wait3A_2487, %dma_wait3A_2488, %dma_wait3A_2489] : memref<6x128x128xf32, #tpu.memory_space<vmem>> -> memref<1x128x128xf32, #tpu.memory_space<vmem>>
    %dma_wait3A_2491 = tpu.memref_squeeze %dma_wait3A_2490 : memref<1x128x128xf32, #tpu.memory_space<vmem>> -> memref<128x128xf32, #tpu.memory_space<vmem>>
    %dma_wait3A_2492 = arith.constant 0 : i32
    %dma_wait3A_2493 = tpu.memref_slice %arg4[%min3A_2006, %dma_wait3A_2492] : memref<100000x128xf32, #tpu.memory_space<hbm>> -> memref<128x128xf32, #tpu.memory_space<hbm>>
    %dma_wait3A_2494 = arith.constant 0 : i32
    %dma_wait3A_2495 = tpu.memref_slice %arg4[%min3A_2006, %dma_wait3A_2494] : memref<100000x128xf32, #tpu.memory_space<hbm>> -> memref<128x128xf32, #tpu.memory_space<hbm>>
    %dma_wait3A_2496 = arith.constant 0 : i32
    %dma_wait3A_2497 = arith.constant 0 : i32
    %dma_wait3A_2498 = tpu.memref_slice %arg7[%dma_wait3A_2487, %dma_wait3A_2496, %dma_wait3A_2497] : memref<6x128x128xf32, #tpu.memory_space<vmem>> -> memref<1x128x128xf32, #tpu.memory_space<vmem>>
    %dma_wait3A_2499 = tpu.memref_squeeze %dma_wait3A_2498 : memref<1x128x128xf32, #tpu.memory_space<vmem>> -> memref<128x128xf32, #tpu.memory_space<vmem>>
    tpu.wait_dma2 semaphore(%arg9 : memref<!tpu.dma_semaphore, #tpu.memory_space<semaphore_mem>>) src(%dma_wait3A_2499 : memref<128x128xf32, #tpu.memory_space<vmem>>) dst(%dma_wait3A_2495 : memref<128x128xf32, #tpu.memory_space<hbm>>)
    %sub3A_2500 = arith.subi %min3A_2036, %min3A_7 : i32
    %dma_start3A_2501 = arith.constant 1 : i32
    %dma_start3A_2502 = arith.constant 0 : i32
    %dma_start3A_2503 = arith.constant 0 : i32
    %dma_start3A_2504 = tpu.memref_slice %arg7[%dma_start3A_2501, %dma_start3A_2502, %dma_start3A_2503] : memref<6x128x128xf32, #tpu.memory_space<vmem>> -> memref<1x128x128xf32, #tpu.memory_space<vmem>>
    %dma_start3A_2505 = tpu.memref_squeeze %dma_start3A_2504 : memref<1x128x128xf32, #tpu.memory_space<vmem>> -> memref<128x128xf32, #tpu.memory_space<vmem>>
    %dma_start3A_2506 = tpu.memref_slice %arg6[%sub3A_2500] : memref<3136xi32, #tpu.memory_space<vmem>> -> memref<128xi32, #tpu.memory_space<vmem>>
    %dma_start3A_2507 = arith.constant 0 : i32
    %dma_start3A_2508 = arith.constant 0 : i32
    %dma_start3A_2509 = tpu.memref_slice %arg5[%dma_start3A_2507, %dma_start3A_2508] : memref<100x128xf32, #tpu.memory_space<vmem_shared>> -> memref<100x128xf32, #tpu.memory_space<vmem_shared>>
    tpu.enqueue_indirect_dma source(%dma_start3A_2509 : memref<100x128xf32, #tpu.memory_space<vmem_shared>>) target(%dma_start3A_2505 : memref<128x128xf32, #tpu.memory_space<vmem>>) offsets(%dma_start3A_2506 : memref<128xi32, #tpu.memory_space<vmem>>) semaphore(%arg8 : memref<!tpu.dma_semaphore, #tpu.memory_space<semaphore_mem>>)
    %dma_wait3A_2510 = arith.constant 2 : i32
    %dma_wait3A_2511 = arith.constant 0 : i32
    %dma_wait3A_2512 = arith.constant 0 : i32
    %dma_wait3A_2513 = tpu.memref_slice %arg7[%dma_wait3A_2510, %dma_wait3A_2511, %dma_wait3A_2512] : memref<6x128x128xf32, #tpu.memory_space<vmem>> -> memref<1x128x128xf32, #tpu.memory_space<vmem>>
    %dma_wait3A_2514 = tpu.memref_squeeze %dma_wait3A_2513 : memref<1x128x128xf32, #tpu.memory_space<vmem>> -> memref<128x128xf32, #tpu.memory_space<vmem>>
    %dma_wait3A_2515 = tpu.memref_slice %arg6[%sub3A_2275] : memref<3136xi32, #tpu.memory_space<vmem>> -> memref<128xi32, #tpu.memory_space<vmem>>
    %dma_wait3A_2516 = arith.constant 0 : i32
    %dma_wait3A_2517 = arith.constant 0 : i32
    %dma_wait3A_2518 = tpu.memref_slice %arg5[%dma_wait3A_2516, %dma_wait3A_2517] : memref<100x128xf32, #tpu.memory_space<vmem_shared>> -> memref<100x128xf32, #tpu.memory_space<vmem_shared>>
    tpu.wait_indirect_dma semaphore(%arg8 : memref<!tpu.dma_semaphore, #tpu.memory_space<semaphore_mem>>) src(%dma_wait3A_2518 : memref<100x128xf32, #tpu.memory_space<vmem_shared>>) dst(%dma_wait3A_2514 : memref<128x128xf32, #tpu.memory_space<vmem>>)
    %dma_start3A_2519 = arith.constant 2 : i32
    %dma_start3A_2520 = arith.constant 0 : i32
    %dma_start3A_2521 = arith.constant 0 : i32
    %dma_start3A_2522 = tpu.memref_slice %arg7[%dma_start3A_2519, %dma_start3A_2520, %dma_start3A_2521] : memref<6x128x128xf32, #tpu.memory_space<vmem>> -> memref<1x128x128xf32, #tpu.memory_space<vmem>>
    %dma_start3A_2523 = tpu.memref_squeeze %dma_start3A_2522 : memref<1x128x128xf32, #tpu.memory_space<vmem>> -> memref<128x128xf32, #tpu.memory_space<vmem>>
    %dma_start3A_2524 = arith.constant 0 : i32
    %dma_start3A_2525 = tpu.memref_slice %arg4[%min3A_2011, %dma_start3A_2524] : memref<100000x128xf32, #tpu.memory_space<hbm>> -> memref<128x128xf32, #tpu.memory_space<hbm>>
    %dma_start3A_2526 = arith.constant 0 : i32
    %dma_start3A_2527 = tpu.memref_slice %arg4[%min3A_2011, %dma_start3A_2526] : memref<100000x128xf32, #tpu.memory_space<hbm>> -> memref<128x128xf32, #tpu.memory_space<hbm>>
    %dma_start3A_2528 = arith.constant 0 : i32
    %dma_start3A_2529 = arith.constant 0 : i32
    %dma_start3A_2530 = tpu.memref_slice %arg7[%dma_start3A_2519, %dma_start3A_2528, %dma_start3A_2529] : memref<6x128x128xf32, #tpu.memory_space<vmem>> -> memref<1x128x128xf32, #tpu.memory_space<vmem>>
    %dma_start3A_2531 = tpu.memref_squeeze %dma_start3A_2530 : memref<1x128x128xf32, #tpu.memory_space<vmem>> -> memref<128x128xf32, #tpu.memory_space<vmem>>
    tpu.enqueue_dma source(%dma_start3A_2531 : memref<128x128xf32, #tpu.memory_space<vmem>>) target(%dma_start3A_2527 : memref<128x128xf32, #tpu.memory_space<hbm>>) target_semaphore(%arg9 : memref<!tpu.dma_semaphore, #tpu.memory_space<semaphore_mem>>)
    %dma_wait3A_2532 = arith.constant 2 : i32
    %dma_wait3A_2533 = arith.constant 0 : i32
    %dma_wait3A_2534 = arith.constant 0 : i32
    %dma_wait3A_2535 = tpu.memref_slice %arg7[%dma_wait3A_2532, %dma_wait3A_2533, %dma_wait3A_2534] : memref<6x128x128xf32, #tpu.memory_space<vmem>> -> memref<1x128x128xf32, #tpu.memory_space<vmem>>
    %dma_wait3A_2536 = tpu.memref_squeeze %dma_wait3A_2535 : memref<1x128x128xf32, #tpu.memory_space<vmem>> -> memref<128x128xf32, #tpu.memory_space<vmem>>
    %dma_wait3A_2537 = arith.constant 0 : i32
    %dma_wait3A_2538 = tpu.memref_slice %arg4[%min3A_2011, %dma_wait3A_2537] : memref<100000x128xf32, #tpu.memory_space<hbm>> -> memref<128x128xf32, #tpu.memory_space<hbm>>
    %dma_wait3A_2539 = arith.constant 0 : i32
    %dma_wait3A_2540 = tpu.memref_slice %arg4[%min3A_2011, %dma_wait3A_2539] : memref<100000x128xf32, #tpu.memory_space<hbm>> -> memref<128x128xf32, #tpu.memory_space<hbm>>
    %dma_wait3A_2541 = arith.constant 0 : i32
    %dma_wait3A_2542 = arith.constant 0 : i32
    %dma_wait3A_2543 = tpu.memref_slice %arg7[%dma_wait3A_2532, %dma_wait3A_2541, %dma_wait3A_2542] : memref<6x128x128xf32, #tpu.memory_space<vmem>> -> memref<1x128x128xf32, #tpu.memory_space<vmem>>
    %dma_wait3A_2544 = tpu.memref_squeeze %dma_wait3A_2543 : memref<1x128x128xf32, #tpu.memory_space<vmem>> -> memref<128x128xf32, #tpu.memory_space<vmem>>
    tpu.wait_dma2 semaphore(%arg9 : memref<!tpu.dma_semaphore, #tpu.memory_space<semaphore_mem>>) src(%dma_wait3A_2544 : memref<128x128xf32, #tpu.memory_space<vmem>>) dst(%dma_wait3A_2540 : memref<128x128xf32, #tpu.memory_space<hbm>>)
    %sub3A_2545 = arith.subi %min3A_2041, %min3A_7 : i32
    %dma_start3A_2546 = arith.constant 2 : i32
    %dma_start3A_2547 = arith.constant 0 : i32
    %dma_start3A_2548 = arith.constant 0 : i32
    %dma_start3A_2549 = tpu.memref_slice %arg7[%dma_start3A_2546, %dma_start3A_2547, %dma_start3A_2548] : memref<6x128x128xf32, #tpu.memory_space<vmem>> -> memref<1x128x128xf32, #tpu.memory_space<vmem>>
    %dma_start3A_2550 = tpu.memref_squeeze %dma_start3A_2549 : memref<1x128x128xf32, #tpu.memory_space<vmem>> -> memref<128x128xf32, #tpu.memory_space<vmem>>
    %dma_start3A_2551 = tpu.memref_slice %arg6[%sub3A_2545] : memref<3136xi32, #tpu.memory_space<vmem>> -> memref<128xi32, #tpu.memory_space<vmem>>
    %dma_start3A_2552 = arith.constant 0 : i32
    %dma_start3A_2553 = arith.constant 0 : i32
    %dma_start3A_2554 = tpu.memref_slice %arg5[%dma_start3A_2552, %dma_start3A_2553] : memref<100x128xf32, #tpu.memory_space<vmem_shared>> -> memref<100x128xf32, #tpu.memory_space<vmem_shared>>
    tpu.enqueue_indirect_dma source(%dma_start3A_2554 : memref<100x128xf32, #tpu.memory_space<vmem_shared>>) target(%dma_start3A_2550 : memref<128x128xf32, #tpu.memory_space<vmem>>) offsets(%dma_start3A_2551 : memref<128xi32, #tpu.memory_space<vmem>>) semaphore(%arg8 : memref<!tpu.dma_semaphore, #tpu.memory_space<semaphore_mem>>)
    %dma_wait3A_2555 = arith.constant 3 : i32
    %dma_wait3A_2556 = arith.constant 0 : i32
    %dma_wait3A_2557 = arith.constant 0 : i32
    %dma_wait3A_2558 = tpu.memref_slice %arg7[%dma_wait3A_2555, %dma_wait3A_2556, %dma_wait3A_2557] : memref<6x128x128xf32, #tpu.memory_space<vmem>> -> memref<1x128x128xf32, #tpu.memory_space<vmem>>
    %dma_wait3A_2559 = tpu.memref_squeeze %dma_wait3A_2558 : memref<1x128x128xf32, #tpu.memory_space<vmem>> -> memref<128x128xf32, #tpu.memory_space<vmem>>
    %dma_wait3A_2560 = tpu.memref_slice %arg6[%sub3A_2320] : memref<3136xi32, #tpu.memory_space<vmem>> -> memref<128xi32, #tpu.memory_space<vmem>>
    %dma_wait3A_2561 = arith.constant 0 : i32
    %dma_wait3A_2562 = arith.constant 0 : i32
    %dma_wait3A_2563 = tpu.memref_slice %arg5[%dma_wait3A_2561, %dma_wait3A_2562] : memref<100x128xf32, #tpu.memory_space<vmem_shared>> -> memref<100x128xf32, #tpu.memory_space<vmem_shared>>
    tpu.wait_indirect_dma semaphore(%arg8 : memref<!tpu.dma_semaphore, #tpu.memory_space<semaphore_mem>>) src(%dma_wait3A_2563 : memref<100x128xf32, #tpu.memory_space<vmem_shared>>) dst(%dma_wait3A_2559 : memref<128x128xf32, #tpu.memory_space<vmem>>)
    %dma_start3A_2564 = arith.constant 3 : i32
    %dma_start3A_2565 = arith.constant 0 : i32
    %dma_start3A_2566 = arith.constant 0 : i32
    %dma_start3A_2567 = tpu.memref_slice %arg7[%dma_start3A_2564, %dma_start3A_2565, %dma_start3A_2566] : memref<6x128x128xf32, #tpu.memory_space<vmem>> -> memref<1x128x128xf32, #tpu.memory_space<vmem>>
    %dma_start3A_2568 = tpu.memref_squeeze %dma_start3A_2567 : memref<1x128x128xf32, #tpu.memory_space<vmem>> -> memref<128x128xf32, #tpu.memory_space<vmem>>
    %dma_start3A_2569 = arith.constant 0 : i32
    %dma_start3A_2570 = tpu.memref_slice %arg4[%min3A_2016, %dma_start3A_2569] : memref<100000x128xf32, #tpu.memory_space<hbm>> -> memref<128x128xf32, #tpu.memory_space<hbm>>
    %dma_start3A_2571 = arith.constant 0 : i32
    %dma_start3A_2572 = tpu.memref_slice %arg4[%min3A_2016, %dma_start3A_2571] : memref<100000x128xf32, #tpu.memory_space<hbm>> -> memref<128x128xf32, #tpu.memory_space<hbm>>
    %dma_start3A_2573 = arith.constant 0 : i32
    %dma_start3A_2574 = arith.constant 0 : i32
    %dma_start3A_2575 = tpu.memref_slice %arg7[%dma_start3A_2564, %dma_start3A_2573, %dma_start3A_2574] : memref<6x128x128xf32, #tpu.memory_space<vmem>> -> memref<1x128x128xf32, #tpu.memory_space<vmem>>
    %dma_start3A_2576 = tpu.memref_squeeze %dma_start3A_2575 : memref<1x128x128xf32, #tpu.memory_space<vmem>> -> memref<128x128xf32, #tpu.memory_space<vmem>>
    tpu.enqueue_dma source(%dma_start3A_2576 : memref<128x128xf32, #tpu.memory_space<vmem>>) target(%dma_start3A_2572 : memref<128x128xf32, #tpu.memory_space<hbm>>) target_semaphore(%arg9 : memref<!tpu.dma_semaphore, #tpu.memory_space<semaphore_mem>>)
    %dma_wait3A_2577 = arith.constant 3 : i32
    %dma_wait3A_2578 = arith.constant 0 : i32
    %dma_wait3A_2579 = arith.constant 0 : i32
    %dma_wait3A_2580 = tpu.memref_slice %arg7[%dma_wait3A_2577, %dma_wait3A_2578, %dma_wait3A_2579] : memref<6x128x128xf32, #tpu.memory_space<vmem>> -> memref<1x128x128xf32, #tpu.memory_space<vmem>>
    %dma_wait3A_2581 = tpu.memref_squeeze %dma_wait3A_2580 : memref<1x128x128xf32, #tpu.memory_space<vmem>> -> memref<128x128xf32, #tpu.memory_space<vmem>>
    %dma_wait3A_2582 = arith.constant 0 : i32
    %dma_wait3A_2583 = tpu.memref_slice %arg4[%min3A_2016, %dma_wait3A_2582] : memref<100000x128xf32, #tpu.memory_space<hbm>> -> memref<128x128xf32, #tpu.memory_space<hbm>>
    %dma_wait3A_2584 = arith.constant 0 : i32
    %dma_wait3A_2585 = tpu.memref_slice %arg4[%min3A_2016, %dma_wait3A_2584] : memref<100000x128xf32, #tpu.memory_space<hbm>> -> memref<128x128xf32, #tpu.memory_space<hbm>>
    %dma_wait3A_2586 = arith.constant 0 : i32
    %dma_wait3A_2587 = arith.constant 0 : i32
    %dma_wait3A_2588 = tpu.memref_slice %arg7[%dma_wait3A_2577, %dma_wait3A_2586, %dma_wait3A_2587] : memref<6x128x128xf32, #tpu.memory_space<vmem>> -> memref<1x128x128xf32, #tpu.memory_space<vmem>>
    %dma_wait3A_2589 = tpu.memref_squeeze %dma_wait3A_2588 : memref<1x128x128xf32, #tpu.memory_space<vmem>> -> memref<128x128xf32, #tpu.memory_space<vmem>>
    tpu.wait_dma2 semaphore(%arg9 : memref<!tpu.dma_semaphore, #tpu.memory_space<semaphore_mem>>) src(%dma_wait3A_2589 : memref<128x128xf32, #tpu.memory_space<vmem>>) dst(%dma_wait3A_2585 : memref<128x128xf32, #tpu.memory_space<hbm>>)
    %sub3A_2590 = arith.subi %min3A_2046, %min3A_7 : i32
    %dma_start3A_2591 = arith.constant 3 : i32
    %dma_start3A_2592 = arith.constant 0 : i32
    %dma_start3A_2593 = arith.constant 0 : i32
    %dma_start3A_2594 = tpu.memref_slice %arg7[%dma_start3A_2591, %dma_start3A_2592, %dma_start3A_2593] : memref<6x128x128xf32, #tpu.memory_space<vmem>> -> memref<1x128x128xf32, #tpu.memory_space<vmem>>
    %dma_start3A_2595 = tpu.memref_squeeze %dma_start3A_2594 : memref<1x128x128xf32, #tpu.memory_space<vmem>> -> memref<128x128xf32, #tpu.memory_space<vmem>>
    %dma_start3A_2596 = tpu.memref_slice %arg6[%sub3A_2590] : memref<3136xi32, #tpu.memory_space<vmem>> -> memref<128xi32, #tpu.memory_space<vmem>>
    %dma_start3A_2597 = arith.constant 0 : i32
    %dma_start3A_2598 = arith.constant 0 : i32
    %dma_start3A_2599 = tpu.memref_slice %arg5[%dma_start3A_2597, %dma_start3A_2598] : memref<100x128xf32, #tpu.memory_space<vmem_shared>> -> memref<100x128xf32, #tpu.memory_space<vmem_shared>>
    tpu.enqueue_indirect_dma source(%dma_start3A_2599 : memref<100x128xf32, #tpu.memory_space<vmem_shared>>) target(%dma_start3A_2595 : memref<128x128xf32, #tpu.memory_space<vmem>>) offsets(%dma_start3A_2596 : memref<128xi32, #tpu.memory_space<vmem>>) semaphore(%arg8 : memref<!tpu.dma_semaphore, #tpu.memory_space<semaphore_mem>>)
    %dma_wait3A_2600 = arith.constant 4 : i32
    %dma_wait3A_2601 = arith.constant 0 : i32
    %dma_wait3A_2602 = arith.constant 0 : i32
    %dma_wait3A_2603 = tpu.memref_slice %arg7[%dma_wait3A_2600, %dma_wait3A_2601, %dma_wait3A_2602] : memref<6x128x128xf32, #tpu.memory_space<vmem>> -> memref<1x128x128xf32, #tpu.memory_space<vmem>>
    %dma_wait3A_2604 = tpu.memref_squeeze %dma_wait3A_2603 : memref<1x128x128xf32, #tpu.memory_space<vmem>> -> memref<128x128xf32, #tpu.memory_space<vmem>>
    %dma_wait3A_2605 = tpu.memref_slice %arg6[%sub3A_2365] : memref<3136xi32, #tpu.memory_space<vmem>> -> memref<128xi32, #tpu.memory_space<vmem>>
    %dma_wait3A_2606 = arith.constant 0 : i32
    %dma_wait3A_2607 = arith.constant 0 : i32
    %dma_wait3A_2608 = tpu.memref_slice %arg5[%dma_wait3A_2606, %dma_wait3A_2607] : memref<100x128xf32, #tpu.memory_space<vmem_shared>> -> memref<100x128xf32, #tpu.memory_space<vmem_shared>>
    tpu.wait_indirect_dma semaphore(%arg8 : memref<!tpu.dma_semaphore, #tpu.memory_space<semaphore_mem>>) src(%dma_wait3A_2608 : memref<100x128xf32, #tpu.memory_space<vmem_shared>>) dst(%dma_wait3A_2604 : memref<128x128xf32, #tpu.memory_space<vmem>>)
    %dma_start3A_2609 = arith.constant 4 : i32
    %dma_start3A_2610 = arith.constant 0 : i32
    %dma_start3A_2611 = arith.constant 0 : i32
    %dma_start3A_2612 = tpu.memref_slice %arg7[%dma_start3A_2609, %dma_start3A_2610, %dma_start3A_2611] : memref<6x128x128xf32, #tpu.memory_space<vmem>> -> memref<1x128x128xf32, #tpu.memory_space<vmem>>
    %dma_start3A_2613 = tpu.memref_squeeze %dma_start3A_2612 : memref<1x128x128xf32, #tpu.memory_space<vmem>> -> memref<128x128xf32, #tpu.memory_space<vmem>>
    %dma_start3A_2614 = arith.constant 0 : i32
    %dma_start3A_2615 = tpu.memref_slice %arg4[%min3A_2021, %dma_start3A_2614] : memref<100000x128xf32, #tpu.memory_space<hbm>> -> memref<128x128xf32, #tpu.memory_space<hbm>>
    %dma_start3A_2616 = arith.constant 0 : i32
    %dma_start3A_2617 = tpu.memref_slice %arg4[%min3A_2021, %dma_start3A_2616] : memref<100000x128xf32, #tpu.memory_space<hbm>> -> memref<128x128xf32, #tpu.memory_space<hbm>>
    %dma_start3A_2618 = arith.constant 0 : i32
    %dma_start3A_2619 = arith.constant 0 : i32
    %dma_start3A_2620 = tpu.memref_slice %arg7[%dma_start3A_2609, %dma_start3A_2618, %dma_start3A_2619] : memref<6x128x128xf32, #tpu.memory_space<vmem>> -> memref<1x128x128xf32, #tpu.memory_space<vmem>>
    %dma_start3A_2621 = tpu.memref_squeeze %dma_start3A_2620 : memref<1x128x128xf32, #tpu.memory_space<vmem>> -> memref<128x128xf32, #tpu.memory_space<vmem>>
    tpu.enqueue_dma source(%dma_start3A_2621 : memref<128x128xf32, #tpu.memory_space<vmem>>) target(%dma_start3A_2617 : memref<128x128xf32, #tpu.memory_space<hbm>>) target_semaphore(%arg9 : memref<!tpu.dma_semaphore, #tpu.memory_space<semaphore_mem>>)
    %dma_wait3A_2622 = arith.constant 4 : i32
    %dma_wait3A_2623 = arith.constant 0 : i32
    %dma_wait3A_2624 = arith.constant 0 : i32
    %dma_wait3A_2625 = tpu.memref_slice %arg7[%dma_wait3A_2622, %dma_wait3A_2623, %dma_wait3A_2624] : memref<6x128x128xf32, #tpu.memory_space<vmem>> -> memref<1x128x128xf32, #tpu.memory_space<vmem>>
    %dma_wait3A_2626 = tpu.memref_squeeze %dma_wait3A_2625 : memref<1x128x128xf32, #tpu.memory_space<vmem>> -> memref<128x128xf32, #tpu.memory_space<vmem>>
    %dma_wait3A_2627 = arith.constant 0 : i32
    %dma_wait3A_2628 = tpu.memref_slice %arg4[%min3A_2021, %dma_wait3A_2627] : memref<100000x128xf32, #tpu.memory_space<hbm>> -> memref<128x128xf32, #tpu.memory_space<hbm>>
    %dma_wait3A_2629 = arith.constant 0 : i32
    %dma_wait3A_2630 = tpu.memref_slice %arg4[%min3A_2021, %dma_wait3A_2629] : memref<100000x128xf32, #tpu.memory_space<hbm>> -> memref<128x128xf32, #tpu.memory_space<hbm>>
    %dma_wait3A_2631 = arith.constant 0 : i32
    %dma_wait3A_2632 = arith.constant 0 : i32
    %dma_wait3A_2633 = tpu.memref_slice %arg7[%dma_wait3A_2622, %dma_wait3A_2631, %dma_wait3A_2632] : memref<6x128x128xf32, #tpu.memory_space<vmem>> -> memref<1x128x128xf32, #tpu.memory_space<vmem>>
    %dma_wait3A_2634 = tpu.memref_squeeze %dma_wait3A_2633 : memref<1x128x128xf32, #tpu.memory_space<vmem>> -> memref<128x128xf32, #tpu.memory_space<vmem>>
    tpu.wait_dma2 semaphore(%arg9 : memref<!tpu.dma_semaphore, #tpu.memory_space<semaphore_mem>>) src(%dma_wait3A_2634 : memref<128x128xf32, #tpu.memory_space<vmem>>) dst(%dma_wait3A_2630 : memref<128x128xf32, #tpu.memory_space<hbm>>)
    %sub3A_2635 = arith.subi %min3A_2051, %min3A_7 : i32
    %dma_start3A_2636 = arith.constant 4 : i32
    %dma_start3A_2637 = arith.constant 0 : i32
    %dma_start3A_2638 = arith.constant 0 : i32
    %dma_start3A_2639 = tpu.memref_slice %arg7[%dma_start3A_2636, %dma_start3A_2637, %dma_start3A_2638] : memref<6x128x128xf32, #tpu.memory_space<vmem>> -> memref<1x128x128xf32, #tpu.memory_space<vmem>>
    %dma_start3A_2640 = tpu.memref_squeeze %dma_start3A_2639 : memref<1x128x128xf32, #tpu.memory_space<vmem>> -> memref<128x128xf32, #tpu.memory_space<vmem>>
    %dma_start3A_2641 = tpu.memref_slice %arg6[%sub3A_2635] : memref<3136xi32, #tpu.memory_space<vmem>> -> memref<128xi32, #tpu.memory_space<vmem>>
    %dma_start3A_2642 = arith.constant 0 : i32
    %dma_start3A_2643 = arith.constant 0 : i32
    %dma_start3A_2644 = tpu.memref_slice %arg5[%dma_start3A_2642, %dma_start3A_2643] : memref<100x128xf32, #tpu.memory_space<vmem_shared>> -> memref<100x128xf32, #tpu.memory_space<vmem_shared>>
    tpu.enqueue_indirect_dma source(%dma_start3A_2644 : memref<100x128xf32, #tpu.memory_space<vmem_shared>>) target(%dma_start3A_2640 : memref<128x128xf32, #tpu.memory_space<vmem>>) offsets(%dma_start3A_2641 : memref<128xi32, #tpu.memory_space<vmem>>) semaphore(%arg8 : memref<!tpu.dma_semaphore, #tpu.memory_space<semaphore_mem>>)
    %dma_wait3A_2645 = arith.constant 5 : i32
    %dma_wait3A_2646 = arith.constant 0 : i32
    %dma_wait3A_2647 = arith.constant 0 : i32
    %dma_wait3A_2648 = tpu.memref_slice %arg7[%dma_wait3A_2645, %dma_wait3A_2646, %dma_wait3A_2647] : memref<6x128x128xf32, #tpu.memory_space<vmem>> -> memref<1x128x128xf32, #tpu.memory_space<vmem>>
    %dma_wait3A_2649 = tpu.memref_squeeze %dma_wait3A_2648 : memref<1x128x128xf32, #tpu.memory_space<vmem>> -> memref<128x128xf32, #tpu.memory_space<vmem>>
    %dma_wait3A_2650 = tpu.memref_slice %arg6[%sub3A_2410] : memref<3136xi32, #tpu.memory_space<vmem>> -> memref<128xi32, #tpu.memory_space<vmem>>
    %dma_wait3A_2651 = arith.constant 0 : i32
    %dma_wait3A_2652 = arith.constant 0 : i32
    %dma_wait3A_2653 = tpu.memref_slice %arg5[%dma_wait3A_2651, %dma_wait3A_2652] : memref<100x128xf32, #tpu.memory_space<vmem_shared>> -> memref<100x128xf32, #tpu.memory_space<vmem_shared>>
    tpu.wait_indirect_dma semaphore(%arg8 : memref<!tpu.dma_semaphore, #tpu.memory_space<semaphore_mem>>) src(%dma_wait3A_2653 : memref<100x128xf32, #tpu.memory_space<vmem_shared>>) dst(%dma_wait3A_2649 : memref<128x128xf32, #tpu.memory_space<vmem>>)
    %dma_start3A_2654 = arith.constant 5 : i32
    %dma_start3A_2655 = arith.constant 0 : i32
    %dma_start3A_2656 = arith.constant 0 : i32
    %dma_start3A_2657 = tpu.memref_slice %arg7[%dma_start3A_2654, %dma_start3A_2655, %dma_start3A_2656] : memref<6x128x128xf32, #tpu.memory_space<vmem>> -> memref<1x128x128xf32, #tpu.memory_space<vmem>>
    %dma_start3A_2658 = tpu.memref_squeeze %dma_start3A_2657 : memref<1x128x128xf32, #tpu.memory_space<vmem>> -> memref<128x128xf32, #tpu.memory_space<vmem>>
    %dma_start3A_2659 = arith.constant 0 : i32
    %dma_start3A_2660 = tpu.memref_slice %arg4[%min3A_2026, %dma_start3A_2659] : memref<100000x128xf32, #tpu.memory_space<hbm>> -> memref<128x128xf32, #tpu.memory_space<hbm>>
    %dma_start3A_2661 = arith.constant 0 : i32
    %dma_start3A_2662 = tpu.memref_slice %arg4[%min3A_2026, %dma_start3A_2661] : memref<100000x128xf32, #tpu.memory_space<hbm>> -> memref<128x128xf32, #tpu.memory_space<hbm>>
    %dma_start3A_2663 = arith.constant 0 : i32
    %dma_start3A_2664 = arith.constant 0 : i32
    %dma_start3A_2665 = tpu.memref_slice %arg7[%dma_start3A_2654, %dma_start3A_2663, %dma_start3A_2664] : memref<6x128x128xf32, #tpu.memory_space<vmem>> -> memref<1x128x128xf32, #tpu.memory_space<vmem>>
    %dma_start3A_2666 = tpu.memref_squeeze %dma_start3A_2665 : memref<1x128x128xf32, #tpu.memory_space<vmem>> -> memref<128x128xf32, #tpu.memory_space<vmem>>
    tpu.enqueue_dma source(%dma_start3A_2666 : memref<128x128xf32, #tpu.memory_space<vmem>>) target(%dma_start3A_2662 : memref<128x128xf32, #tpu.memory_space<hbm>>) target_semaphore(%arg9 : memref<!tpu.dma_semaphore, #tpu.memory_space<semaphore_mem>>)
    %dma_wait3A_2667 = arith.constant 5 : i32
    %dma_wait3A_2668 = arith.constant 0 : i32
    %dma_wait3A_2669 = arith.constant 0 : i32
    %dma_wait3A_2670 = tpu.memref_slice %arg7[%dma_wait3A_2667, %dma_wait3A_2668, %dma_wait3A_2669] : memref<6x128x128xf32, #tpu.memory_space<vmem>> -> memref<1x128x128xf32, #tpu.memory_space<vmem>>
    %dma_wait3A_2671 = tpu.memref_squeeze %dma_wait3A_2670 : memref<1x128x128xf32, #tpu.memory_space<vmem>> -> memref<128x128xf32, #tpu.memory_space<vmem>>
    %dma_wait3A_2672 = arith.constant 0 : i32
    %dma_wait3A_2673 = tpu.memref_slice %arg4[%min3A_2026, %dma_wait3A_2672] : memref<100000x128xf32, #tpu.memory_space<hbm>> -> memref<128x128xf32, #tpu.memory_space<hbm>>
    %dma_wait3A_2674 = arith.constant 0 : i32
    %dma_wait3A_2675 = tpu.memref_slice %arg4[%min3A_2026, %dma_wait3A_2674] : memref<100000x128xf32, #tpu.memory_space<hbm>> -> memref<128x128xf32, #tpu.memory_space<hbm>>
    %dma_wait3A_2676 = arith.constant 0 : i32
    %dma_wait3A_2677 = arith.constant 0 : i32
    %dma_wait3A_2678 = tpu.memref_slice %arg7[%dma_wait3A_2667, %dma_wait3A_2676, %dma_wait3A_2677] : memref<6x128x128xf32, #tpu.memory_space<vmem>> -> memref<1x128x128xf32, #tpu.memory_space<vmem>>
    %dma_wait3A_2679 = tpu.memref_squeeze %dma_wait3A_2678 : memref<1x128x128xf32, #tpu.memory_space<vmem>> -> memref<128x128xf32, #tpu.memory_space<vmem>>
    tpu.wait_dma2 semaphore(%arg9 : memref<!tpu.dma_semaphore, #tpu.memory_space<semaphore_mem>>) src(%dma_wait3A_2679 : memref<128x128xf32, #tpu.memory_space<vmem>>) dst(%dma_wait3A_2675 : memref<128x128xf32, #tpu.memory_space<hbm>>)
    %sub3A_2680 = arith.subi %min3A_2056, %min3A_7 : i32
    %dma_start3A_2681 = arith.constant 5 : i32
    %dma_start3A_2682 = arith.constant 0 : i32
    %dma_start3A_2683 = arith.constant 0 : i32
    %dma_start3A_2684 = tpu.memref_slice %arg7[%dma_start3A_2681, %dma_start3A_2682, %dma_start3A_2683] : memref<6x128x128xf32, #tpu.memory_space<vmem>> -> memref<1x128x128xf32, #tpu.memory_space<vmem>>
    %dma_start3A_2685 = tpu.memref_squeeze %dma_start3A_2684 : memref<1x128x128xf32, #tpu.memory_space<vmem>> -> memref<128x128xf32, #tpu.memory_space<vmem>>
    %dma_start3A_2686 = tpu.memref_slice %arg6[%sub3A_2680] : memref<3136xi32, #tpu.memory_space<vmem>> -> memref<128xi32, #tpu.memory_space<vmem>>
    %dma_start3A_2687 = arith.constant 0 : i32
    %dma_start3A_2688 = arith.constant 0 : i32
    %dma_start3A_2689 = tpu.memref_slice %arg5[%dma_start3A_2687, %dma_start3A_2688] : memref<100x128xf32, #tpu.memory_space<vmem_shared>> -> memref<100x128xf32, #tpu.memory_space<vmem_shared>>
    tpu.enqueue_indirect_dma source(%dma_start3A_2689 : memref<100x128xf32, #tpu.memory_space<vmem_shared>>) target(%dma_start3A_2685 : memref<128x128xf32, #tpu.memory_space<vmem>>) offsets(%dma_start3A_2686 : memref<128xi32, #tpu.memory_space<vmem>>) semaphore(%arg8 : memref<!tpu.dma_semaphore, #tpu.memory_space<semaphore_mem>>)
    %dma_wait3A_2690 = arith.constant 0 : i32
    %dma_wait3A_2691 = arith.constant 0 : i32
    %dma_wait3A_2692 = arith.constant 0 : i32
    %dma_wait3A_2693 = tpu.memref_slice %arg7[%dma_wait3A_2690, %dma_wait3A_2691, %dma_wait3A_2692] : memref<6x128x128xf32, #tpu.memory_space<vmem>> -> memref<1x128x128xf32, #tpu.memory_space<vmem>>
    %dma_wait3A_2694 = tpu.memref_squeeze %dma_wait3A_2693 : memref<1x128x128xf32, #tpu.memory_space<vmem>> -> memref<128x128xf32, #tpu.memory_space<vmem>>
    %dma_wait3A_2695 = tpu.memref_slice %arg6[%sub3A_2455] : memref<3136xi32, #tpu.memory_space<vmem>> -> memref<128xi32, #tpu.memory_space<vmem>>
    %dma_wait3A_2696 = arith.constant 0 : i32
    %dma_wait3A_2697 = arith.constant 0 : i32
    %dma_wait3A_2698 = tpu.memref_slice %arg5[%dma_wait3A_2696, %dma_wait3A_2697] : memref<100x128xf32, #tpu.memory_space<vmem_shared>> -> memref<100x128xf32, #tpu.memory_space<vmem_shared>>
    tpu.wait_indirect_dma semaphore(%arg8 : memref<!tpu.dma_semaphore, #tpu.memory_space<semaphore_mem>>) src(%dma_wait3A_2698 : memref<100x128xf32, #tpu.memory_space<vmem_shared>>) dst(%dma_wait3A_2694 : memref<128x128xf32, #tpu.memory_space<vmem>>)
    %dma_start3A_2699 = arith.constant 0 : i32
    %dma_start3A_2700 = arith.constant 0 : i32
    %dma_start3A_2701 = arith.constant 0 : i32
    %dma_start3A_2702 = tpu.memref_slice %arg7[%dma_start3A_2699, %dma_start3A_2700, %dma_start3A_2701] : memref<6x128x128xf32, #tpu.memory_space<vmem>> -> memref<1x128x128xf32, #tpu.memory_space<vmem>>
    %dma_start3A_2703 = tpu.memref_squeeze %dma_start3A_2702 : memref<1x128x128xf32, #tpu.memory_space<vmem>> -> memref<128x128xf32, #tpu.memory_space<vmem>>
    %dma_start3A_2704 = arith.constant 0 : i32
    %dma_start3A_2705 = tpu.memref_slice %arg4[%min3A_2031, %dma_start3A_2704] : memref<100000x128xf32, #tpu.memory_space<hbm>> -> memref<128x128xf32, #tpu.memory_space<hbm>>
    %dma_start3A_2706 = arith.constant 0 : i32
    %dma_start3A_2707 = tpu.memref_slice %arg4[%min3A_2031, %dma_start3A_2706] : memref<100000x128xf32, #tpu.memory_space<hbm>> -> memref<128x128xf32, #tpu.memory_space<hbm>>
    %dma_start3A_2708 = arith.constant 0 : i32
    %dma_start3A_2709 = arith.constant 0 : i32
    %dma_start3A_2710 = tpu.memref_slice %arg7[%dma_start3A_2699, %dma_start3A_2708, %dma_start3A_2709] : memref<6x128x128xf32, #tpu.memory_space<vmem>> -> memref<1x128x128xf32, #tpu.memory_space<vmem>>
    %dma_start3A_2711 = tpu.memref_squeeze %dma_start3A_2710 : memref<1x128x128xf32, #tpu.memory_space<vmem>> -> memref<128x128xf32, #tpu.memory_space<vmem>>
    tpu.enqueue_dma source(%dma_start3A_2711 : memref<128x128xf32, #tpu.memory_space<vmem>>) target(%dma_start3A_2707 : memref<128x128xf32, #tpu.memory_space<hbm>>) target_semaphore(%arg9 : memref<!tpu.dma_semaphore, #tpu.memory_space<semaphore_mem>>)
    %dma_wait3A_2712 = arith.constant 0 : i32
    %dma_wait3A_2713 = arith.constant 0 : i32
    %dma_wait3A_2714 = arith.constant 0 : i32
    %dma_wait3A_2715 = tpu.memref_slice %arg7[%dma_wait3A_2712, %dma_wait3A_2713, %dma_wait3A_2714] : memref<6x128x128xf32, #tpu.memory_space<vmem>> -> memref<1x128x128xf32, #tpu.memory_space<vmem>>
    %dma_wait3A_2716 = tpu.memref_squeeze %dma_wait3A_2715 : memref<1x128x128xf32, #tpu.memory_space<vmem>> -> memref<128x128xf32, #tpu.memory_space<vmem>>
    %dma_wait3A_2717 = arith.constant 0 : i32
    %dma_wait3A_2718 = tpu.memref_slice %arg4[%min3A_2031, %dma_wait3A_2717] : memref<100000x128xf32, #tpu.memory_space<hbm>> -> memref<128x128xf32, #tpu.memory_space<hbm>>
    %dma_wait3A_2719 = arith.constant 0 : i32
    %dma_wait3A_2720 = tpu.memref_slice %arg4[%min3A_2031, %dma_wait3A_2719] : memref<100000x128xf32, #tpu.memory_space<hbm>> -> memref<128x128xf32, #tpu.memory_space<hbm>>
    %dma_wait3A_2721 = arith.constant 0 : i32
    %dma_wait3A_2722 = arith.constant 0 : i32
    %dma_wait3A_2723 = tpu.memref_slice %arg7[%dma_wait3A_2712, %dma_wait3A_2721, %dma_wait3A_2722] : memref<6x128x128xf32, #tpu.memory_space<vmem>> -> memref<1x128x128xf32, #tpu.memory_space<vmem>>
    %dma_wait3A_2724 = tpu.memref_squeeze %dma_wait3A_2723 : memref<1x128x128xf32, #tpu.memory_space<vmem>> -> memref<128x128xf32, #tpu.memory_space<vmem>>
    tpu.wait_dma2 semaphore(%arg9 : memref<!tpu.dma_semaphore, #tpu.memory_space<semaphore_mem>>) src(%dma_wait3A_2724 : memref<128x128xf32, #tpu.memory_space<vmem>>) dst(%dma_wait3A_2720 : memref<128x128xf32, #tpu.memory_space<hbm>>)
    %sub3A_2725 = arith.subi %min3A_2061, %min3A_7 : i32
    %dma_start3A_2726 = arith.constant 0 : i32
    %dma_start3A_2727 = arith.constant 0 : i32
    %dma_start3A_2728 = arith.constant 0 : i32
    %dma_start3A_2729 = tpu.memref_slice %arg7[%dma_start3A_2726, %dma_start3A_2727, %dma_start3A_2728] : memref<6x128x128xf32, #tpu.memory_space<vmem>> -> memref<1x128x128xf32, #tpu.memory_space<vmem>>
    %dma_start3A_2730 = tpu.memref_squeeze %dma_start3A_2729 : memref<1x128x128xf32, #tpu.memory_space<vmem>> -> memref<128x128xf32, #tpu.memory_space<vmem>>
    %dma_start3A_2731 = tpu.memref_slice %arg6[%sub3A_2725] : memref<3136xi32, #tpu.memory_space<vmem>> -> memref<128xi32, #tpu.memory_space<vmem>>
    %dma_start3A_2732 = arith.constant 0 : i32
    %dma_start3A_2733 = arith.constant 0 : i32
    %dma_start3A_2734 = tpu.memref_slice %arg5[%dma_start3A_2732, %dma_start3A_2733] : memref<100x128xf32, #tpu.memory_space<vmem_shared>> -> memref<100x128xf32, #tpu.memory_space<vmem_shared>>
    tpu.enqueue_indirect_dma source(%dma_start3A_2734 : memref<100x128xf32, #tpu.memory_space<vmem_shared>>) target(%dma_start3A_2730 : memref<128x128xf32, #tpu.memory_space<vmem>>) offsets(%dma_start3A_2731 : memref<128xi32, #tpu.memory_space<vmem>>) semaphore(%arg8 : memref<!tpu.dma_semaphore, #tpu.memory_space<semaphore_mem>>)
    %dma_wait3A_2735 = arith.constant 1 : i32
    %dma_wait3A_2736 = arith.constant 0 : i32
    %dma_wait3A_2737 = arith.constant 0 : i32
    %dma_wait3A_2738 = tpu.memref_slice %arg7[%dma_wait3A_2735, %dma_wait3A_2736, %dma_wait3A_2737] : memref<6x128x128xf32, #tpu.memory_space<vmem>> -> memref<1x128x128xf32, #tpu.memory_space<vmem>>
    %dma_wait3A_2739 = tpu.memref_squeeze %dma_wait3A_2738 : memref<1x128x128xf32, #tpu.memory_space<vmem>> -> memref<128x128xf32, #tpu.memory_space<vmem>>
    %dma_wait3A_2740 = tpu.memref_slice %arg6[%sub3A_2500] : memref<3136xi32, #tpu.memory_space<vmem>> -> memref<128xi32, #tpu.memory_space<vmem>>
    %dma_wait3A_2741 = arith.constant 0 : i32
    %dma_wait3A_2742 = arith.constant 0 : i32
    %dma_wait3A_2743 = tpu.memref_slice %arg5[%dma_wait3A_2741, %dma_wait3A_2742] : memref<100x128xf32, #tpu.memory_space<vmem_shared>> -> memref<100x128xf32, #tpu.memory_space<vmem_shared>>
    tpu.wait_indirect_dma semaphore(%arg8 : memref<!tpu.dma_semaphore, #tpu.memory_space<semaphore_mem>>) src(%dma_wait3A_2743 : memref<100x128xf32, #tpu.memory_space<vmem_shared>>) dst(%dma_wait3A_2739 : memref<128x128xf32, #tpu.memory_space<vmem>>)
    %dma_start3A_2744 = arith.constant 1 : i32
    %dma_start3A_2745 = arith.constant 0 : i32
    %dma_start3A_2746 = arith.constant 0 : i32
    %dma_start3A_2747 = tpu.memref_slice %arg7[%dma_start3A_2744, %dma_start3A_2745, %dma_start3A_2746] : memref<6x128x128xf32, #tpu.memory_space<vmem>> -> memref<1x128x128xf32, #tpu.memory_space<vmem>>
    %dma_start3A_2748 = tpu.memref_squeeze %dma_start3A_2747 : memref<1x128x128xf32, #tpu.memory_space<vmem>> -> memref<128x128xf32, #tpu.memory_space<vmem>>
    %dma_start3A_2749 = arith.constant 0 : i32
    %dma_start3A_2750 = tpu.memref_slice %arg4[%min3A_2036, %dma_start3A_2749] : memref<100000x128xf32, #tpu.memory_space<hbm>> -> memref<128x128xf32, #tpu.memory_space<hbm>>
    %dma_start3A_2751 = arith.constant 0 : i32
    %dma_start3A_2752 = tpu.memref_slice %arg4[%min3A_2036, %dma_start3A_2751] : memref<100000x128xf32, #tpu.memory_space<hbm>> -> memref<128x128xf32, #tpu.memory_space<hbm>>
    %dma_start3A_2753 = arith.constant 0 : i32
    %dma_start3A_2754 = arith.constant 0 : i32
    %dma_start3A_2755 = tpu.memref_slice %arg7[%dma_start3A_2744, %dma_start3A_2753, %dma_start3A_2754] : memref<6x128x128xf32, #tpu.memory_space<vmem>> -> memref<1x128x128xf32, #tpu.memory_space<vmem>>
    %dma_start3A_2756 = tpu.memref_squeeze %dma_start3A_2755 : memref<1x128x128xf32, #tpu.memory_space<vmem>> -> memref<128x128xf32, #tpu.memory_space<vmem>>
    tpu.enqueue_dma source(%dma_start3A_2756 : memref<128x128xf32, #tpu.memory_space<vmem>>) target(%dma_start3A_2752 : memref<128x128xf32, #tpu.memory_space<hbm>>) target_semaphore(%arg9 : memref<!tpu.dma_semaphore, #tpu.memory_space<semaphore_mem>>)
    %dma_wait3A_2757 = arith.constant 1 : i32
    %dma_wait3A_2758 = arith.constant 0 : i32
    %dma_wait3A_2759 = arith.constant 0 : i32
    %dma_wait3A_2760 = tpu.memref_slice %arg7[%dma_wait3A_2757, %dma_wait3A_2758, %dma_wait3A_2759] : memref<6x128x128xf32, #tpu.memory_space<vmem>> -> memref<1x128x128xf32, #tpu.memory_space<vmem>>
    %dma_wait3A_2761 = tpu.memref_squeeze %dma_wait3A_2760 : memref<1x128x128xf32, #tpu.memory_space<vmem>> -> memref<128x128xf32, #tpu.memory_space<vmem>>
    %dma_wait3A_2762 = arith.constant 0 : i32
    %dma_wait3A_2763 = tpu.memref_slice %arg4[%min3A_2036, %dma_wait3A_2762] : memref<100000x128xf32, #tpu.memory_space<hbm>> -> memref<128x128xf32, #tpu.memory_space<hbm>>
    %dma_wait3A_2764 = arith.constant 0 : i32
    %dma_wait3A_2765 = tpu.memref_slice %arg4[%min3A_2036, %dma_wait3A_2764] : memref<100000x128xf32, #tpu.memory_space<hbm>> -> memref<128x128xf32, #tpu.memory_space<hbm>>
    %dma_wait3A_2766 = arith.constant 0 : i32
    %dma_wait3A_2767 = arith.constant 0 : i32
    %dma_wait3A_2768 = tpu.memref_slice %arg7[%dma_wait3A_2757, %dma_wait3A_2766, %dma_wait3A_2767] : memref<6x128x128xf32, #tpu.memory_space<vmem>> -> memref<1x128x128xf32, #tpu.memory_space<vmem>>
    %dma_wait3A_2769 = tpu.memref_squeeze %dma_wait3A_2768 : memref<1x128x128xf32, #tpu.memory_space<vmem>> -> memref<128x128xf32, #tpu.memory_space<vmem>>
    tpu.wait_dma2 semaphore(%arg9 : memref<!tpu.dma_semaphore, #tpu.memory_space<semaphore_mem>>) src(%dma_wait3A_2769 : memref<128x128xf32, #tpu.memory_space<vmem>>) dst(%dma_wait3A_2765 : memref<128x128xf32, #tpu.memory_space<hbm>>)
    %sub3A_2770 = arith.subi %min3A_2066, %min3A_7 : i32
    %dma_start3A_2771 = arith.constant 1 : i32
    %dma_start3A_2772 = arith.constant 0 : i32
    %dma_start3A_2773 = arith.constant 0 : i32
    %dma_start3A_2774 = tpu.memref_slice %arg7[%dma_start3A_2771, %dma_start3A_2772, %dma_start3A_2773] : memref<6x128x128xf32, #tpu.memory_space<vmem>> -> memref<1x128x128xf32, #tpu.memory_space<vmem>>
    %dma_start3A_2775 = tpu.memref_squeeze %dma_start3A_2774 : memref<1x128x128xf32, #tpu.memory_space<vmem>> -> memref<128x128xf32, #tpu.memory_space<vmem>>
    %dma_start3A_2776 = tpu.memref_slice %arg6[%sub3A_2770] : memref<3136xi32, #tpu.memory_space<vmem>> -> memref<128xi32, #tpu.memory_space<vmem>>
    %dma_start3A_2777 = arith.constant 0 : i32
    %dma_start3A_2778 = arith.constant 0 : i32
    %dma_start3A_2779 = tpu.memref_slice %arg5[%dma_start3A_2777, %dma_start3A_2778] : memref<100x128xf32, #tpu.memory_space<vmem_shared>> -> memref<100x128xf32, #tpu.memory_space<vmem_shared>>
    tpu.enqueue_indirect_dma source(%dma_start3A_2779 : memref<100x128xf32, #tpu.memory_space<vmem_shared>>) target(%dma_start3A_2775 : memref<128x128xf32, #tpu.memory_space<vmem>>) offsets(%dma_start3A_2776 : memref<128xi32, #tpu.memory_space<vmem>>) semaphore(%arg8 : memref<!tpu.dma_semaphore, #tpu.memory_space<semaphore_mem>>)
    %dma_wait3A_2780 = arith.constant 2 : i32
    %dma_wait3A_2781 = arith.constant 0 : i32
    %dma_wait3A_2782 = arith.constant 0 : i32
    %dma_wait3A_2783 = tpu.memref_slice %arg7[%dma_wait3A_2780, %dma_wait3A_2781, %dma_wait3A_2782] : memref<6x128x128xf32, #tpu.memory_space<vmem>> -> memref<1x128x128xf32, #tpu.memory_space<vmem>>
    %dma_wait3A_2784 = tpu.memref_squeeze %dma_wait3A_2783 : memref<1x128x128xf32, #tpu.memory_space<vmem>> -> memref<128x128xf32, #tpu.memory_space<vmem>>
    %dma_wait3A_2785 = tpu.memref_slice %arg6[%sub3A_2545] : memref<3136xi32, #tpu.memory_space<vmem>> -> memref<128xi32, #tpu.memory_space<vmem>>
    %dma_wait3A_2786 = arith.constant 0 : i32
    %dma_wait3A_2787 = arith.constant 0 : i32
    %dma_wait3A_2788 = tpu.memref_slice %arg5[%dma_wait3A_2786, %dma_wait3A_2787] : memref<100x128xf32, #tpu.memory_space<vmem_shared>> -> memref<100x128xf32, #tpu.memory_space<vmem_shared>>
    tpu.wait_indirect_dma semaphore(%arg8 : memref<!tpu.dma_semaphore, #tpu.memory_space<semaphore_mem>>) src(%dma_wait3A_2788 : memref<100x128xf32, #tpu.memory_space<vmem_shared>>) dst(%dma_wait3A_2784 : memref<128x128xf32, #tpu.memory_space<vmem>>)
    %dma_start3A_2789 = arith.constant 2 : i32
    %dma_start3A_2790 = arith.constant 0 : i32
    %dma_start3A_2791 = arith.constant 0 : i32
    %dma_start3A_2792 = tpu.memref_slice %arg7[%dma_start3A_2789, %dma_start3A_2790, %dma_start3A_2791] : memref<6x128x128xf32, #tpu.memory_space<vmem>> -> memref<1x128x128xf32, #tpu.memory_space<vmem>>
    %dma_start3A_2793 = tpu.memref_squeeze %dma_start3A_2792 : memref<1x128x128xf32, #tpu.memory_space<vmem>> -> memref<128x128xf32, #tpu.memory_space<vmem>>
    %dma_start3A_2794 = arith.constant 0 : i32
    %dma_start3A_2795 = tpu.memref_slice %arg4[%min3A_2041, %dma_start3A_2794] : memref<100000x128xf32, #tpu.memory_space<hbm>> -> memref<128x128xf32, #tpu.memory_space<hbm>>
    %dma_start3A_2796 = arith.constant 0 : i32
    %dma_start3A_2797 = tpu.memref_slice %arg4[%min3A_2041, %dma_start3A_2796] : memref<100000x128xf32, #tpu.memory_space<hbm>> -> memref<128x128xf32, #tpu.memory_space<hbm>>
    %dma_start3A_2798 = arith.constant 0 : i32
    %dma_start3A_2799 = arith.constant 0 : i32
    %dma_start3A_2800 = tpu.memref_slice %arg7[%dma_start3A_2789, %dma_start3A_2798, %dma_start3A_2799] : memref<6x128x128xf32, #tpu.memory_space<vmem>> -> memref<1x128x128xf32, #tpu.memory_space<vmem>>
    %dma_start3A_2801 = tpu.memref_squeeze %dma_start3A_2800 : memref<1x128x128xf32, #tpu.memory_space<vmem>> -> memref<128x128xf32, #tpu.memory_space<vmem>>
    tpu.enqueue_dma source(%dma_start3A_2801 : memref<128x128xf32, #tpu.memory_space<vmem>>) target(%dma_start3A_2797 : memref<128x128xf32, #tpu.memory_space<hbm>>) target_semaphore(%arg9 : memref<!tpu.dma_semaphore, #tpu.memory_space<semaphore_mem>>)
    %dma_wait3A_2802 = arith.constant 2 : i32
    %dma_wait3A_2803 = arith.constant 0 : i32
    %dma_wait3A_2804 = arith.constant 0 : i32
    %dma_wait3A_2805 = tpu.memref_slice %arg7[%dma_wait3A_2802, %dma_wait3A_2803, %dma_wait3A_2804] : memref<6x128x128xf32, #tpu.memory_space<vmem>> -> memref<1x128x128xf32, #tpu.memory_space<vmem>>
    %dma_wait3A_2806 = tpu.memref_squeeze %dma_wait3A_2805 : memref<1x128x128xf32, #tpu.memory_space<vmem>> -> memref<128x128xf32, #tpu.memory_space<vmem>>
    %dma_wait3A_2807 = arith.constant 0 : i32
    %dma_wait3A_2808 = tpu.memref_slice %arg4[%min3A_2041, %dma_wait3A_2807] : memref<100000x128xf32, #tpu.memory_space<hbm>> -> memref<128x128xf32, #tpu.memory_space<hbm>>
    %dma_wait3A_2809 = arith.constant 0 : i32
    %dma_wait3A_2810 = tpu.memref_slice %arg4[%min3A_2041, %dma_wait3A_2809] : memref<100000x128xf32, #tpu.memory_space<hbm>> -> memref<128x128xf32, #tpu.memory_space<hbm>>
    %dma_wait3A_2811 = arith.constant 0 : i32
    %dma_wait3A_2812 = arith.constant 0 : i32
    %dma_wait3A_2813 = tpu.memref_slice %arg7[%dma_wait3A_2802, %dma_wait3A_2811, %dma_wait3A_2812] : memref<6x128x128xf32, #tpu.memory_space<vmem>> -> memref<1x128x128xf32, #tpu.memory_space<vmem>>
    %dma_wait3A_2814 = tpu.memref_squeeze %dma_wait3A_2813 : memref<1x128x128xf32, #tpu.memory_space<vmem>> -> memref<128x128xf32, #tpu.memory_space<vmem>>
    tpu.wait_dma2 semaphore(%arg9 : memref<!tpu.dma_semaphore, #tpu.memory_space<semaphore_mem>>) src(%dma_wait3A_2814 : memref<128x128xf32, #tpu.memory_space<vmem>>) dst(%dma_wait3A_2810 : memref<128x128xf32, #tpu.memory_space<hbm>>)
    %sub3A_2815 = arith.subi %min3A_2071, %min3A_7 : i32
    %dma_start3A_2816 = arith.constant 2 : i32
    %dma_start3A_2817 = arith.constant 0 : i32
    %dma_start3A_2818 = arith.constant 0 : i32
    %dma_start3A_2819 = tpu.memref_slice %arg7[%dma_start3A_2816, %dma_start3A_2817, %dma_start3A_2818] : memref<6x128x128xf32, #tpu.memory_space<vmem>> -> memref<1x128x128xf32, #tpu.memory_space<vmem>>
    %dma_start3A_2820 = tpu.memref_squeeze %dma_start3A_2819 : memref<1x128x128xf32, #tpu.memory_space<vmem>> -> memref<128x128xf32, #tpu.memory_space<vmem>>
    %dma_start3A_2821 = tpu.memref_slice %arg6[%sub3A_2815] : memref<3136xi32, #tpu.memory_space<vmem>> -> memref<128xi32, #tpu.memory_space<vmem>>
    %dma_start3A_2822 = arith.constant 0 : i32
    %dma_start3A_2823 = arith.constant 0 : i32
    %dma_start3A_2824 = tpu.memref_slice %arg5[%dma_start3A_2822, %dma_start3A_2823] : memref<100x128xf32, #tpu.memory_space<vmem_shared>> -> memref<100x128xf32, #tpu.memory_space<vmem_shared>>
    tpu.enqueue_indirect_dma source(%dma_start3A_2824 : memref<100x128xf32, #tpu.memory_space<vmem_shared>>) target(%dma_start3A_2820 : memref<128x128xf32, #tpu.memory_space<vmem>>) offsets(%dma_start3A_2821 : memref<128xi32, #tpu.memory_space<vmem>>) semaphore(%arg8 : memref<!tpu.dma_semaphore, #tpu.memory_space<semaphore_mem>>)
    %dma_wait3A_2825 = arith.constant 3 : i32
    %dma_wait3A_2826 = arith.constant 0 : i32
    %dma_wait3A_2827 = arith.constant 0 : i32
    %dma_wait3A_2828 = tpu.memref_slice %arg7[%dma_wait3A_2825, %dma_wait3A_2826, %dma_wait3A_2827] : memref<6x128x128xf32, #tpu.memory_space<vmem>> -> memref<1x128x128xf32, #tpu.memory_space<vmem>>
    %dma_wait3A_2829 = tpu.memref_squeeze %dma_wait3A_2828 : memref<1x128x128xf32, #tpu.memory_space<vmem>> -> memref<128x128xf32, #tpu.memory_space<vmem>>
    %dma_wait3A_2830 = tpu.memref_slice %arg6[%sub3A_2590] : memref<3136xi32, #tpu.memory_space<vmem>> -> memref<128xi32, #tpu.memory_space<vmem>>
    %dma_wait3A_2831 = arith.constant 0 : i32
    %dma_wait3A_2832 = arith.constant 0 : i32
    %dma_wait3A_2833 = tpu.memref_slice %arg5[%dma_wait3A_2831, %dma_wait3A_2832] : memref<100x128xf32, #tpu.memory_space<vmem_shared>> -> memref<100x128xf32, #tpu.memory_space<vmem_shared>>
    tpu.wait_indirect_dma semaphore(%arg8 : memref<!tpu.dma_semaphore, #tpu.memory_space<semaphore_mem>>) src(%dma_wait3A_2833 : memref<100x128xf32, #tpu.memory_space<vmem_shared>>) dst(%dma_wait3A_2829 : memref<128x128xf32, #tpu.memory_space<vmem>>)
    %dma_start3A_2834 = arith.constant 3 : i32
    %dma_start3A_2835 = arith.constant 0 : i32
    %dma_start3A_2836 = arith.constant 0 : i32
    %dma_start3A_2837 = tpu.memref_slice %arg7[%dma_start3A_2834, %dma_start3A_2835, %dma_start3A_2836] : memref<6x128x128xf32, #tpu.memory_space<vmem>> -> memref<1x128x128xf32, #tpu.memory_space<vmem>>
    %dma_start3A_2838 = tpu.memref_squeeze %dma_start3A_2837 : memref<1x128x128xf32, #tpu.memory_space<vmem>> -> memref<128x128xf32, #tpu.memory_space<vmem>>
    %dma_start3A_2839 = arith.constant 0 : i32
    %dma_start3A_2840 = tpu.memref_slice %arg4[%min3A_2046, %dma_start3A_2839] : memref<100000x128xf32, #tpu.memory_space<hbm>> -> memref<128x128xf32, #tpu.memory_space<hbm>>
    %dma_start3A_2841 = arith.constant 0 : i32
    %dma_start3A_2842 = tpu.memref_slice %arg4[%min3A_2046, %dma_start3A_2841] : memref<100000x128xf32, #tpu.memory_space<hbm>> -> memref<128x128xf32, #tpu.memory_space<hbm>>
    %dma_start3A_2843 = arith.constant 0 : i32
    %dma_start3A_2844 = arith.constant 0 : i32
    %dma_start3A_2845 = tpu.memref_slice %arg7[%dma_start3A_2834, %dma_start3A_2843, %dma_start3A_2844] : memref<6x128x128xf32, #tpu.memory_space<vmem>> -> memref<1x128x128xf32, #tpu.memory_space<vmem>>
    %dma_start3A_2846 = tpu.memref_squeeze %dma_start3A_2845 : memref<1x128x128xf32, #tpu.memory_space<vmem>> -> memref<128x128xf32, #tpu.memory_space<vmem>>
    tpu.enqueue_dma source(%dma_start3A_2846 : memref<128x128xf32, #tpu.memory_space<vmem>>) target(%dma_start3A_2842 : memref<128x128xf32, #tpu.memory_space<hbm>>) target_semaphore(%arg9 : memref<!tpu.dma_semaphore, #tpu.memory_space<semaphore_mem>>)
    %dma_wait3A_2847 = arith.constant 3 : i32
    %dma_wait3A_2848 = arith.constant 0 : i32
    %dma_wait3A_2849 = arith.constant 0 : i32
    %dma_wait3A_2850 = tpu.memref_slice %arg7[%dma_wait3A_2847, %dma_wait3A_2848, %dma_wait3A_2849] : memref<6x128x128xf32, #tpu.memory_space<vmem>> -> memref<1x128x128xf32, #tpu.memory_space<vmem>>
    %dma_wait3A_2851 = tpu.memref_squeeze %dma_wait3A_2850 : memref<1x128x128xf32, #tpu.memory_space<vmem>> -> memref<128x128xf32, #tpu.memory_space<vmem>>
    %dma_wait3A_2852 = arith.constant 0 : i32
    %dma_wait3A_2853 = tpu.memref_slice %arg4[%min3A_2046, %dma_wait3A_2852] : memref<100000x128xf32, #tpu.memory_space<hbm>> -> memref<128x128xf32, #tpu.memory_space<hbm>>
    %dma_wait3A_2854 = arith.constant 0 : i32
    %dma_wait3A_2855 = tpu.memref_slice %arg4[%min3A_2046, %dma_wait3A_2854] : memref<100000x128xf32, #tpu.memory_space<hbm>> -> memref<128x128xf32, #tpu.memory_space<hbm>>
    %dma_wait3A_2856 = arith.constant 0 : i32
    %dma_wait3A_2857 = arith.constant 0 : i32
    %dma_wait3A_2858 = tpu.memref_slice %arg7[%dma_wait3A_2847, %dma_wait3A_2856, %dma_wait3A_2857] : memref<6x128x128xf32, #tpu.memory_space<vmem>> -> memref<1x128x128xf32, #tpu.memory_space<vmem>>
    %dma_wait3A_2859 = tpu.memref_squeeze %dma_wait3A_2858 : memref<1x128x128xf32, #tpu.memory_space<vmem>> -> memref<128x128xf32, #tpu.memory_space<vmem>>
    tpu.wait_dma2 semaphore(%arg9 : memref<!tpu.dma_semaphore, #tpu.memory_space<semaphore_mem>>) src(%dma_wait3A_2859 : memref<128x128xf32, #tpu.memory_space<vmem>>) dst(%dma_wait3A_2855 : memref<128x128xf32, #tpu.memory_space<hbm>>)
    %sub3A_2860 = arith.subi %min3A_2076, %min3A_7 : i32
    %dma_start3A_2861 = arith.constant 3 : i32
    %dma_start3A_2862 = arith.constant 0 : i32
    %dma_start3A_2863 = arith.constant 0 : i32
    %dma_start3A_2864 = tpu.memref_slice %arg7[%dma_start3A_2861, %dma_start3A_2862, %dma_start3A_2863] : memref<6x128x128xf32, #tpu.memory_space<vmem>> -> memref<1x128x128xf32, #tpu.memory_space<vmem>>
    %dma_start3A_2865 = tpu.memref_squeeze %dma_start3A_2864 : memref<1x128x128xf32, #tpu.memory_space<vmem>> -> memref<128x128xf32, #tpu.memory_space<vmem>>
    %dma_start3A_2866 = tpu.memref_slice %arg6[%sub3A_2860] : memref<3136xi32, #tpu.memory_space<vmem>> -> memref<128xi32, #tpu.memory_space<vmem>>
    %dma_start3A_2867 = arith.constant 0 : i32
    %dma_start3A_2868 = arith.constant 0 : i32
    %dma_start3A_2869 = tpu.memref_slice %arg5[%dma_start3A_2867, %dma_start3A_2868] : memref<100x128xf32, #tpu.memory_space<vmem_shared>> -> memref<100x128xf32, #tpu.memory_space<vmem_shared>>
    tpu.enqueue_indirect_dma source(%dma_start3A_2869 : memref<100x128xf32, #tpu.memory_space<vmem_shared>>) target(%dma_start3A_2865 : memref<128x128xf32, #tpu.memory_space<vmem>>) offsets(%dma_start3A_2866 : memref<128xi32, #tpu.memory_space<vmem>>) semaphore(%arg8 : memref<!tpu.dma_semaphore, #tpu.memory_space<semaphore_mem>>)
    %dma_wait3A_2870 = arith.constant 4 : i32
    %dma_wait3A_2871 = arith.constant 0 : i32
    %dma_wait3A_2872 = arith.constant 0 : i32
    %dma_wait3A_2873 = tpu.memref_slice %arg7[%dma_wait3A_2870, %dma_wait3A_2871, %dma_wait3A_2872] : memref<6x128x128xf32, #tpu.memory_space<vmem>> -> memref<1x128x128xf32, #tpu.memory_space<vmem>>
    %dma_wait3A_2874 = tpu.memref_squeeze %dma_wait3A_2873 : memref<1x128x128xf32, #tpu.memory_space<vmem>> -> memref<128x128xf32, #tpu.memory_space<vmem>>
    %dma_wait3A_2875 = tpu.memref_slice %arg6[%sub3A_2635] : memref<3136xi32, #tpu.memory_space<vmem>> -> memref<128xi32, #tpu.memory_space<vmem>>
    %dma_wait3A_2876 = arith.constant 0 : i32
    %dma_wait3A_2877 = arith.constant 0 : i32
    %dma_wait3A_2878 = tpu.memref_slice %arg5[%dma_wait3A_2876, %dma_wait3A_2877] : memref<100x128xf32, #tpu.memory_space<vmem_shared>> -> memref<100x128xf32, #tpu.memory_space<vmem_shared>>
    tpu.wait_indirect_dma semaphore(%arg8 : memref<!tpu.dma_semaphore, #tpu.memory_space<semaphore_mem>>) src(%dma_wait3A_2878 : memref<100x128xf32, #tpu.memory_space<vmem_shared>>) dst(%dma_wait3A_2874 : memref<128x128xf32, #tpu.memory_space<vmem>>)
    %dma_start3A_2879 = arith.constant 4 : i32
    %dma_start3A_2880 = arith.constant 0 : i32
    %dma_start3A_2881 = arith.constant 0 : i32
    %dma_start3A_2882 = tpu.memref_slice %arg7[%dma_start3A_2879, %dma_start3A_2880, %dma_start3A_2881] : memref<6x128x128xf32, #tpu.memory_space<vmem>> -> memref<1x128x128xf32, #tpu.memory_space<vmem>>
    %dma_start3A_2883 = tpu.memref_squeeze %dma_start3A_2882 : memref<1x128x128xf32, #tpu.memory_space<vmem>> -> memref<128x128xf32, #tpu.memory_space<vmem>>
    %dma_start3A_2884 = arith.constant 0 : i32
    %dma_start3A_2885 = tpu.memref_slice %arg4[%min3A_2051, %dma_start3A_2884] : memref<100000x128xf32, #tpu.memory_space<hbm>> -> memref<128x128xf32, #tpu.memory_space<hbm>>
    %dma_start3A_2886 = arith.constant 0 : i32
    %dma_start3A_2887 = tpu.memref_slice %arg4[%min3A_2051, %dma_start3A_2886] : memref<100000x128xf32, #tpu.memory_space<hbm>> -> memref<128x128xf32, #tpu.memory_space<hbm>>
    %dma_start3A_2888 = arith.constant 0 : i32
    %dma_start3A_2889 = arith.constant 0 : i32
    %dma_start3A_2890 = tpu.memref_slice %arg7[%dma_start3A_2879, %dma_start3A_2888, %dma_start3A_2889] : memref<6x128x128xf32, #tpu.memory_space<vmem>> -> memref<1x128x128xf32, #tpu.memory_space<vmem>>
    %dma_start3A_2891 = tpu.memref_squeeze %dma_start3A_2890 : memref<1x128x128xf32, #tpu.memory_space<vmem>> -> memref<128x128xf32, #tpu.memory_space<vmem>>
    tpu.enqueue_dma source(%dma_start3A_2891 : memref<128x128xf32, #tpu.memory_space<vmem>>) target(%dma_start3A_2887 : memref<128x128xf32, #tpu.memory_space<hbm>>) target_semaphore(%arg9 : memref<!tpu.dma_semaphore, #tpu.memory_space<semaphore_mem>>)
    %dma_wait3A_2892 = arith.constant 4 : i32
    %dma_wait3A_2893 = arith.constant 0 : i32
    %dma_wait3A_2894 = arith.constant 0 : i32
    %dma_wait3A_2895 = tpu.memref_slice %arg7[%dma_wait3A_2892, %dma_wait3A_2893, %dma_wait3A_2894] : memref<6x128x128xf32, #tpu.memory_space<vmem>> -> memref<1x128x128xf32, #tpu.memory_space<vmem>>
    %dma_wait3A_2896 = tpu.memref_squeeze %dma_wait3A_2895 : memref<1x128x128xf32, #tpu.memory_space<vmem>> -> memref<128x128xf32, #tpu.memory_space<vmem>>
    %dma_wait3A_2897 = arith.constant 0 : i32
    %dma_wait3A_2898 = tpu.memref_slice %arg4[%min3A_2051, %dma_wait3A_2897] : memref<100000x128xf32, #tpu.memory_space<hbm>> -> memref<128x128xf32, #tpu.memory_space<hbm>>
    %dma_wait3A_2899 = arith.constant 0 : i32
    %dma_wait3A_2900 = tpu.memref_slice %arg4[%min3A_2051, %dma_wait3A_2899] : memref<100000x128xf32, #tpu.memory_space<hbm>> -> memref<128x128xf32, #tpu.memory_space<hbm>>
    %dma_wait3A_2901 = arith.constant 0 : i32
    %dma_wait3A_2902 = arith.constant 0 : i32
    %dma_wait3A_2903 = tpu.memref_slice %arg7[%dma_wait3A_2892, %dma_wait3A_2901, %dma_wait3A_2902] : memref<6x128x128xf32, #tpu.memory_space<vmem>> -> memref<1x128x128xf32, #tpu.memory_space<vmem>>
    %dma_wait3A_2904 = tpu.memref_squeeze %dma_wait3A_2903 : memref<1x128x128xf32, #tpu.memory_space<vmem>> -> memref<128x128xf32, #tpu.memory_space<vmem>>
    tpu.wait_dma2 semaphore(%arg9 : memref<!tpu.dma_semaphore, #tpu.memory_space<semaphore_mem>>) src(%dma_wait3A_2904 : memref<128x128xf32, #tpu.memory_space<vmem>>) dst(%dma_wait3A_2900 : memref<128x128xf32, #tpu.memory_space<hbm>>)
    %sub3A_2905 = arith.subi %min3A_2081, %min3A_7 : i32
    %dma_start3A_2906 = arith.constant 4 : i32
    %dma_start3A_2907 = arith.constant 0 : i32
    %dma_start3A_2908 = arith.constant 0 : i32
    %dma_start3A_2909 = tpu.memref_slice %arg7[%dma_start3A_2906, %dma_start3A_2907, %dma_start3A_2908] : memref<6x128x128xf32, #tpu.memory_space<vmem>> -> memref<1x128x128xf32, #tpu.memory_space<vmem>>
    %dma_start3A_2910 = tpu.memref_squeeze %dma_start3A_2909 : memref<1x128x128xf32, #tpu.memory_space<vmem>> -> memref<128x128xf32, #tpu.memory_space<vmem>>
    %dma_start3A_2911 = tpu.memref_slice %arg6[%sub3A_2905] : memref<3136xi32, #tpu.memory_space<vmem>> -> memref<128xi32, #tpu.memory_space<vmem>>
    %dma_start3A_2912 = arith.constant 0 : i32
    %dma_start3A_2913 = arith.constant 0 : i32
    %dma_start3A_2914 = tpu.memref_slice %arg5[%dma_start3A_2912, %dma_start3A_2913] : memref<100x128xf32, #tpu.memory_space<vmem_shared>> -> memref<100x128xf32, #tpu.memory_space<vmem_shared>>
    tpu.enqueue_indirect_dma source(%dma_start3A_2914 : memref<100x128xf32, #tpu.memory_space<vmem_shared>>) target(%dma_start3A_2910 : memref<128x128xf32, #tpu.memory_space<vmem>>) offsets(%dma_start3A_2911 : memref<128xi32, #tpu.memory_space<vmem>>) semaphore(%arg8 : memref<!tpu.dma_semaphore, #tpu.memory_space<semaphore_mem>>)
    %dma_wait3A_2915 = arith.constant 5 : i32
    %dma_wait3A_2916 = arith.constant 0 : i32
    %dma_wait3A_2917 = arith.constant 0 : i32
    %dma_wait3A_2918 = tpu.memref_slice %arg7[%dma_wait3A_2915, %dma_wait3A_2916, %dma_wait3A_2917] : memref<6x128x128xf32, #tpu.memory_space<vmem>> -> memref<1x128x128xf32, #tpu.memory_space<vmem>>
    %dma_wait3A_2919 = tpu.memref_squeeze %dma_wait3A_2918 : memref<1x128x128xf32, #tpu.memory_space<vmem>> -> memref<128x128xf32, #tpu.memory_space<vmem>>
    %dma_wait3A_2920 = tpu.memref_slice %arg6[%sub3A_2680] : memref<3136xi32, #tpu.memory_space<vmem>> -> memref<128xi32, #tpu.memory_space<vmem>>
    %dma_wait3A_2921 = arith.constant 0 : i32
    %dma_wait3A_2922 = arith.constant 0 : i32
    %dma_wait3A_2923 = tpu.memref_slice %arg5[%dma_wait3A_2921, %dma_wait3A_2922] : memref<100x128xf32, #tpu.memory_space<vmem_shared>> -> memref<100x128xf32, #tpu.memory_space<vmem_shared>>
    tpu.wait_indirect_dma semaphore(%arg8 : memref<!tpu.dma_semaphore, #tpu.memory_space<semaphore_mem>>) src(%dma_wait3A_2923 : memref<100x128xf32, #tpu.memory_space<vmem_shared>>) dst(%dma_wait3A_2919 : memref<128x128xf32, #tpu.memory_space<vmem>>)
    %dma_start3A_2924 = arith.constant 5 : i32
    %dma_start3A_2925 = arith.constant 0 : i32
    %dma_start3A_2926 = arith.constant 0 : i32
    %dma_start3A_2927 = tpu.memref_slice %arg7[%dma_start3A_2924, %dma_start3A_2925, %dma_start3A_2926] : memref<6x128x128xf32, #tpu.memory_space<vmem>> -> memref<1x128x128xf32, #tpu.memory_space<vmem>>
    %dma_start3A_2928 = tpu.memref_squeeze %dma_start3A_2927 : memref<1x128x128xf32, #tpu.memory_space<vmem>> -> memref<128x128xf32, #tpu.memory_space<vmem>>
    %dma_start3A_2929 = arith.constant 0 : i32
    %dma_start3A_2930 = tpu.memref_slice %arg4[%min3A_2056, %dma_start3A_2929] : memref<100000x128xf32, #tpu.memory_space<hbm>> -> memref<128x128xf32, #tpu.memory_space<hbm>>
    %dma_start3A_2931 = arith.constant 0 : i32
    %dma_start3A_2932 = tpu.memref_slice %arg4[%min3A_2056, %dma_start3A_2931] : memref<100000x128xf32, #tpu.memory_space<hbm>> -> memref<128x128xf32, #tpu.memory_space<hbm>>
    %dma_start3A_2933 = arith.constant 0 : i32
    %dma_start3A_2934 = arith.constant 0 : i32
    %dma_start3A_2935 = tpu.memref_slice %arg7[%dma_start3A_2924, %dma_start3A_2933, %dma_start3A_2934] : memref<6x128x128xf32, #tpu.memory_space<vmem>> -> memref<1x128x128xf32, #tpu.memory_space<vmem>>
    %dma_start3A_2936 = tpu.memref_squeeze %dma_start3A_2935 : memref<1x128x128xf32, #tpu.memory_space<vmem>> -> memref<128x128xf32, #tpu.memory_space<vmem>>
    tpu.enqueue_dma source(%dma_start3A_2936 : memref<128x128xf32, #tpu.memory_space<vmem>>) target(%dma_start3A_2932 : memref<128x128xf32, #tpu.memory_space<hbm>>) target_semaphore(%arg9 : memref<!tpu.dma_semaphore, #tpu.memory_space<semaphore_mem>>)
    %dma_wait3A_2937 = arith.constant 5 : i32
    %dma_wait3A_2938 = arith.constant 0 : i32
    %dma_wait3A_2939 = arith.constant 0 : i32
    %dma_wait3A_2940 = tpu.memref_slice %arg7[%dma_wait3A_2937, %dma_wait3A_2938, %dma_wait3A_2939] : memref<6x128x128xf32, #tpu.memory_space<vmem>> -> memref<1x128x128xf32, #tpu.memory_space<vmem>>
    %dma_wait3A_2941 = tpu.memref_squeeze %dma_wait3A_2940 : memref<1x128x128xf32, #tpu.memory_space<vmem>> -> memref<128x128xf32, #tpu.memory_space<vmem>>
    %dma_wait3A_2942 = arith.constant 0 : i32
    %dma_wait3A_2943 = tpu.memref_slice %arg4[%min3A_2056, %dma_wait3A_2942] : memref<100000x128xf32, #tpu.memory_space<hbm>> -> memref<128x128xf32, #tpu.memory_space<hbm>>
    %dma_wait3A_2944 = arith.constant 0 : i32
    %dma_wait3A_2945 = tpu.memref_slice %arg4[%min3A_2056, %dma_wait3A_2944] : memref<100000x128xf32, #tpu.memory_space<hbm>> -> memref<128x128xf32, #tpu.memory_space<hbm>>
    %dma_wait3A_2946 = arith.constant 0 : i32
    %dma_wait3A_2947 = arith.constant 0 : i32
    %dma_wait3A_2948 = tpu.memref_slice %arg7[%dma_wait3A_2937, %dma_wait3A_2946, %dma_wait3A_2947] : memref<6x128x128xf32, #tpu.memory_space<vmem>> -> memref<1x128x128xf32, #tpu.memory_space<vmem>>
    %dma_wait3A_2949 = tpu.memref_squeeze %dma_wait3A_2948 : memref<1x128x128xf32, #tpu.memory_space<vmem>> -> memref<128x128xf32, #tpu.memory_space<vmem>>
    tpu.wait_dma2 semaphore(%arg9 : memref<!tpu.dma_semaphore, #tpu.memory_space<semaphore_mem>>) src(%dma_wait3A_2949 : memref<128x128xf32, #tpu.memory_space<vmem>>) dst(%dma_wait3A_2945 : memref<128x128xf32, #tpu.memory_space<hbm>>)
    %sub3A_2950 = arith.subi %min3A_2086, %min3A_7 : i32
    %dma_start3A_2951 = arith.constant 5 : i32
    %dma_start3A_2952 = arith.constant 0 : i32
    %dma_start3A_2953 = arith.constant 0 : i32
    %dma_start3A_2954 = tpu.memref_slice %arg7[%dma_start3A_2951, %dma_start3A_2952, %dma_start3A_2953] : memref<6x128x128xf32, #tpu.memory_space<vmem>> -> memref<1x128x128xf32, #tpu.memory_space<vmem>>
    %dma_start3A_2955 = tpu.memref_squeeze %dma_start3A_2954 : memref<1x128x128xf32, #tpu.memory_space<vmem>> -> memref<128x128xf32, #tpu.memory_space<vmem>>
    %dma_start3A_2956 = tpu.memref_slice %arg6[%sub3A_2950] : memref<3136xi32, #tpu.memory_space<vmem>> -> memref<128xi32, #tpu.memory_space<vmem>>
    %dma_start3A_2957 = arith.constant 0 : i32
    %dma_start3A_2958 = arith.constant 0 : i32
    %dma_start3A_2959 = tpu.memref_slice %arg5[%dma_start3A_2957, %dma_start3A_2958] : memref<100x128xf32, #tpu.memory_space<vmem_shared>> -> memref<100x128xf32, #tpu.memory_space<vmem_shared>>
    tpu.enqueue_indirect_dma source(%dma_start3A_2959 : memref<100x128xf32, #tpu.memory_space<vmem_shared>>) target(%dma_start3A_2955 : memref<128x128xf32, #tpu.memory_space<vmem>>) offsets(%dma_start3A_2956 : memref<128xi32, #tpu.memory_space<vmem>>) semaphore(%arg8 : memref<!tpu.dma_semaphore, #tpu.memory_space<semaphore_mem>>)
    %dma_wait3A_2960 = arith.constant 0 : i32
    %dma_wait3A_2961 = arith.constant 0 : i32
    %dma_wait3A_2962 = arith.constant 0 : i32
    %dma_wait3A_2963 = tpu.memref_slice %arg7[%dma_wait3A_2960, %dma_wait3A_2961, %dma_wait3A_2962] : memref<6x128x128xf32, #tpu.memory_space<vmem>> -> memref<1x128x128xf32, #tpu.memory_space<vmem>>
    %dma_wait3A_2964 = tpu.memref_squeeze %dma_wait3A_2963 : memref<1x128x128xf32, #tpu.memory_space<vmem>> -> memref<128x128xf32, #tpu.memory_space<vmem>>
    %dma_wait3A_2965 = tpu.memref_slice %arg6[%sub3A_2725] : memref<3136xi32, #tpu.memory_space<vmem>> -> memref<128xi32, #tpu.memory_space<vmem>>
    %dma_wait3A_2966 = arith.constant 0 : i32
    %dma_wait3A_2967 = arith.constant 0 : i32
    %dma_wait3A_2968 = tpu.memref_slice %arg5[%dma_wait3A_2966, %dma_wait3A_2967] : memref<100x128xf32, #tpu.memory_space<vmem_shared>> -> memref<100x128xf32, #tpu.memory_space<vmem_shared>>
    tpu.wait_indirect_dma semaphore(%arg8 : memref<!tpu.dma_semaphore, #tpu.memory_space<semaphore_mem>>) src(%dma_wait3A_2968 : memref<100x128xf32, #tpu.memory_space<vmem_shared>>) dst(%dma_wait3A_2964 : memref<128x128xf32, #tpu.memory_space<vmem>>)
    %dma_start3A_2969 = arith.constant 0 : i32
    %dma_start3A_2970 = arith.constant 0 : i32
    %dma_start3A_2971 = arith.constant 0 : i32
    %dma_start3A_2972 = tpu.memref_slice %arg7[%dma_start3A_2969, %dma_start3A_2970, %dma_start3A_2971] : memref<6x128x128xf32, #tpu.memory_space<vmem>> -> memref<1x128x128xf32, #tpu.memory_space<vmem>>
    %dma_start3A_2973 = tpu.memref_squeeze %dma_start3A_2972 : memref<1x128x128xf32, #tpu.memory_space<vmem>> -> memref<128x128xf32, #tpu.memory_space<vmem>>
    %dma_start3A_2974 = arith.constant 0 : i32
    %dma_start3A_2975 = tpu.memref_slice %arg4[%min3A_2061, %dma_start3A_2974] : memref<100000x128xf32, #tpu.memory_space<hbm>> -> memref<128x128xf32, #tpu.memory_space<hbm>>
    %dma_start3A_2976 = arith.constant 0 : i32
    %dma_start3A_2977 = tpu.memref_slice %arg4[%min3A_2061, %dma_start3A_2976] : memref<100000x128xf32, #tpu.memory_space<hbm>> -> memref<128x128xf32, #tpu.memory_space<hbm>>
    %dma_start3A_2978 = arith.constant 0 : i32
    %dma_start3A_2979 = arith.constant 0 : i32
    %dma_start3A_2980 = tpu.memref_slice %arg7[%dma_start3A_2969, %dma_start3A_2978, %dma_start3A_2979] : memref<6x128x128xf32, #tpu.memory_space<vmem>> -> memref<1x128x128xf32, #tpu.memory_space<vmem>>
    %dma_start3A_2981 = tpu.memref_squeeze %dma_start3A_2980 : memref<1x128x128xf32, #tpu.memory_space<vmem>> -> memref<128x128xf32, #tpu.memory_space<vmem>>
    tpu.enqueue_dma source(%dma_start3A_2981 : memref<128x128xf32, #tpu.memory_space<vmem>>) target(%dma_start3A_2977 : memref<128x128xf32, #tpu.memory_space<hbm>>) target_semaphore(%arg9 : memref<!tpu.dma_semaphore, #tpu.memory_space<semaphore_mem>>)
    %dma_wait3A_2982 = arith.constant 0 : i32
    %dma_wait3A_2983 = arith.constant 0 : i32
    %dma_wait3A_2984 = arith.constant 0 : i32
    %dma_wait3A_2985 = tpu.memref_slice %arg7[%dma_wait3A_2982, %dma_wait3A_2983, %dma_wait3A_2984] : memref<6x128x128xf32, #tpu.memory_space<vmem>> -> memref<1x128x128xf32, #tpu.memory_space<vmem>>
    %dma_wait3A_2986 = tpu.memref_squeeze %dma_wait3A_2985 : memref<1x128x128xf32, #tpu.memory_space<vmem>> -> memref<128x128xf32, #tpu.memory_space<vmem>>
    %dma_wait3A_2987 = arith.constant 0 : i32
    %dma_wait3A_2988 = tpu.memref_slice %arg4[%min3A_2061, %dma_wait3A_2987] : memref<100000x128xf32, #tpu.memory_space<hbm>> -> memref<128x128xf32, #tpu.memory_space<hbm>>
    %dma_wait3A_2989 = arith.constant 0 : i32
    %dma_wait3A_2990 = tpu.memref_slice %arg4[%min3A_2061, %dma_wait3A_2989] : memref<100000x128xf32, #tpu.memory_space<hbm>> -> memref<128x128xf32, #tpu.memory_space<hbm>>
    %dma_wait3A_2991 = arith.constant 0 : i32
    %dma_wait3A_2992 = arith.constant 0 : i32
    %dma_wait3A_2993 = tpu.memref_slice %arg7[%dma_wait3A_2982, %dma_wait3A_2991, %dma_wait3A_2992] : memref<6x128x128xf32, #tpu.memory_space<vmem>> -> memref<1x128x128xf32, #tpu.memory_space<vmem>>
    %dma_wait3A_2994 = tpu.memref_squeeze %dma_wait3A_2993 : memref<1x128x128xf32, #tpu.memory_space<vmem>> -> memref<128x128xf32, #tpu.memory_space<vmem>>
    tpu.wait_dma2 semaphore(%arg9 : memref<!tpu.dma_semaphore, #tpu.memory_space<semaphore_mem>>) src(%dma_wait3A_2994 : memref<128x128xf32, #tpu.memory_space<vmem>>) dst(%dma_wait3A_2990 : memref<128x128xf32, #tpu.memory_space<hbm>>)
    %sub3A_2995 = arith.subi %min3A_2091, %min3A_7 : i32
    %dma_start3A_2996 = arith.constant 0 : i32
    %dma_start3A_2997 = arith.constant 0 : i32
    %dma_start3A_2998 = arith.constant 0 : i32
    %dma_start3A_2999 = tpu.memref_slice %arg7[%dma_start3A_2996, %dma_start3A_2997, %dma_start3A_2998] : memref<6x128x128xf32, #tpu.memory_space<vmem>> -> memref<1x128x128xf32, #tpu.memory_space<vmem>>
    %dma_start3A_3000 = tpu.memref_squeeze %dma_start3A_2999 : memref<1x128x128xf32, #tpu.memory_space<vmem>> -> memref<128x128xf32, #tpu.memory_space<vmem>>
    %dma_start3A_3001 = tpu.memref_slice %arg6[%sub3A_2995] : memref<3136xi32, #tpu.memory_space<vmem>> -> memref<128xi32, #tpu.memory_space<vmem>>
    %dma_start3A_3002 = arith.constant 0 : i32
    %dma_start3A_3003 = arith.constant 0 : i32
    %dma_start3A_3004 = tpu.memref_slice %arg5[%dma_start3A_3002, %dma_start3A_3003] : memref<100x128xf32, #tpu.memory_space<vmem_shared>> -> memref<100x128xf32, #tpu.memory_space<vmem_shared>>
    tpu.enqueue_indirect_dma source(%dma_start3A_3004 : memref<100x128xf32, #tpu.memory_space<vmem_shared>>) target(%dma_start3A_3000 : memref<128x128xf32, #tpu.memory_space<vmem>>) offsets(%dma_start3A_3001 : memref<128xi32, #tpu.memory_space<vmem>>) semaphore(%arg8 : memref<!tpu.dma_semaphore, #tpu.memory_space<semaphore_mem>>)
    %dma_wait3A_3005 = arith.constant 1 : i32
    %dma_wait3A_3006 = arith.constant 0 : i32
    %dma_wait3A_3007 = arith.constant 0 : i32
    %dma_wait3A_3008 = tpu.memref_slice %arg7[%dma_wait3A_3005, %dma_wait3A_3006, %dma_wait3A_3007] : memref<6x128x128xf32, #tpu.memory_space<vmem>> -> memref<1x128x128xf32, #tpu.memory_space<vmem>>
    %dma_wait3A_3009 = tpu.memref_squeeze %dma_wait3A_3008 : memref<1x128x128xf32, #tpu.memory_space<vmem>> -> memref<128x128xf32, #tpu.memory_space<vmem>>
    %dma_wait3A_3010 = tpu.memref_slice %arg6[%sub3A_2770] : memref<3136xi32, #tpu.memory_space<vmem>> -> memref<128xi32, #tpu.memory_space<vmem>>
    %dma_wait3A_3011 = arith.constant 0 : i32
    %dma_wait3A_3012 = arith.constant 0 : i32
    %dma_wait3A_3013 = tpu.memref_slice %arg5[%dma_wait3A_3011, %dma_wait3A_3012] : memref<100x128xf32, #tpu.memory_space<vmem_shared>> -> memref<100x128xf32, #tpu.memory_space<vmem_shared>>
    tpu.wait_indirect_dma semaphore(%arg8 : memref<!tpu.dma_semaphore, #tpu.memory_space<semaphore_mem>>) src(%dma_wait3A_3013 : memref<100x128xf32, #tpu.memory_space<vmem_shared>>) dst(%dma_wait3A_3009 : memref<128x128xf32, #tpu.memory_space<vmem>>)
    %dma_start3A_3014 = arith.constant 1 : i32
    %dma_start3A_3015 = arith.constant 0 : i32
    %dma_start3A_3016 = arith.constant 0 : i32
    %dma_start3A_3017 = tpu.memref_slice %arg7[%dma_start3A_3014, %dma_start3A_3015, %dma_start3A_3016] : memref<6x128x128xf32, #tpu.memory_space<vmem>> -> memref<1x128x128xf32, #tpu.memory_space<vmem>>
    %dma_start3A_3018 = tpu.memref_squeeze %dma_start3A_3017 : memref<1x128x128xf32, #tpu.memory_space<vmem>> -> memref<128x128xf32, #tpu.memory_space<vmem>>
    %dma_start3A_3019 = arith.constant 0 : i32
    %dma_start3A_3020 = tpu.memref_slice %arg4[%min3A_2066, %dma_start3A_3019] : memref<100000x128xf32, #tpu.memory_space<hbm>> -> memref<128x128xf32, #tpu.memory_space<hbm>>
    %dma_start3A_3021 = arith.constant 0 : i32
    %dma_start3A_3022 = tpu.memref_slice %arg4[%min3A_2066, %dma_start3A_3021] : memref<100000x128xf32, #tpu.memory_space<hbm>> -> memref<128x128xf32, #tpu.memory_space<hbm>>
    %dma_start3A_3023 = arith.constant 0 : i32
    %dma_start3A_3024 = arith.constant 0 : i32
    %dma_start3A_3025 = tpu.memref_slice %arg7[%dma_start3A_3014, %dma_start3A_3023, %dma_start3A_3024] : memref<6x128x128xf32, #tpu.memory_space<vmem>> -> memref<1x128x128xf32, #tpu.memory_space<vmem>>
    %dma_start3A_3026 = tpu.memref_squeeze %dma_start3A_3025 : memref<1x128x128xf32, #tpu.memory_space<vmem>> -> memref<128x128xf32, #tpu.memory_space<vmem>>
    tpu.enqueue_dma source(%dma_start3A_3026 : memref<128x128xf32, #tpu.memory_space<vmem>>) target(%dma_start3A_3022 : memref<128x128xf32, #tpu.memory_space<hbm>>) target_semaphore(%arg9 : memref<!tpu.dma_semaphore, #tpu.memory_space<semaphore_mem>>)
    %dma_wait3A_3027 = arith.constant 2 : i32
    %dma_wait3A_3028 = arith.constant 0 : i32
    %dma_wait3A_3029 = arith.constant 0 : i32
    %dma_wait3A_3030 = tpu.memref_slice %arg7[%dma_wait3A_3027, %dma_wait3A_3028, %dma_wait3A_3029] : memref<6x128x128xf32, #tpu.memory_space<vmem>> -> memref<1x128x128xf32, #tpu.memory_space<vmem>>
    %dma_wait3A_3031 = tpu.memref_squeeze %dma_wait3A_3030 : memref<1x128x128xf32, #tpu.memory_space<vmem>> -> memref<128x128xf32, #tpu.memory_space<vmem>>
    %dma_wait3A_3032 = tpu.memref_slice %arg6[%sub3A_2815] : memref<3136xi32, #tpu.memory_space<vmem>> -> memref<128xi32, #tpu.memory_space<vmem>>
    %dma_wait3A_3033 = arith.constant 0 : i32
    %dma_wait3A_3034 = arith.constant 0 : i32
    %dma_wait3A_3035 = tpu.memref_slice %arg5[%dma_wait3A_3033, %dma_wait3A_3034] : memref<100x128xf32, #tpu.memory_space<vmem_shared>> -> memref<100x128xf32, #tpu.memory_space<vmem_shared>>
    tpu.wait_indirect_dma semaphore(%arg8 : memref<!tpu.dma_semaphore, #tpu.memory_space<semaphore_mem>>) src(%dma_wait3A_3035 : memref<100x128xf32, #tpu.memory_space<vmem_shared>>) dst(%dma_wait3A_3031 : memref<128x128xf32, #tpu.memory_space<vmem>>)
    %dma_start3A_3036 = arith.constant 2 : i32
    %dma_start3A_3037 = arith.constant 0 : i32
    %dma_start3A_3038 = arith.constant 0 : i32
    %dma_start3A_3039 = tpu.memref_slice %arg7[%dma_start3A_3036, %dma_start3A_3037, %dma_start3A_3038] : memref<6x128x128xf32, #tpu.memory_space<vmem>> -> memref<1x128x128xf32, #tpu.memory_space<vmem>>
    %dma_start3A_3040 = tpu.memref_squeeze %dma_start3A_3039 : memref<1x128x128xf32, #tpu.memory_space<vmem>> -> memref<128x128xf32, #tpu.memory_space<vmem>>
    %dma_start3A_3041 = arith.constant 0 : i32
    %dma_start3A_3042 = tpu.memref_slice %arg4[%min3A_2071, %dma_start3A_3041] : memref<100000x128xf32, #tpu.memory_space<hbm>> -> memref<128x128xf32, #tpu.memory_space<hbm>>
    %dma_start3A_3043 = arith.constant 0 : i32
    %dma_start3A_3044 = tpu.memref_slice %arg4[%min3A_2071, %dma_start3A_3043] : memref<100000x128xf32, #tpu.memory_space<hbm>> -> memref<128x128xf32, #tpu.memory_space<hbm>>
    %dma_start3A_3045 = arith.constant 0 : i32
    %dma_start3A_3046 = arith.constant 0 : i32
    %dma_start3A_3047 = tpu.memref_slice %arg7[%dma_start3A_3036, %dma_start3A_3045, %dma_start3A_3046] : memref<6x128x128xf32, #tpu.memory_space<vmem>> -> memref<1x128x128xf32, #tpu.memory_space<vmem>>
    %dma_start3A_3048 = tpu.memref_squeeze %dma_start3A_3047 : memref<1x128x128xf32, #tpu.memory_space<vmem>> -> memref<128x128xf32, #tpu.memory_space<vmem>>
    tpu.enqueue_dma source(%dma_start3A_3048 : memref<128x128xf32, #tpu.memory_space<vmem>>) target(%dma_start3A_3044 : memref<128x128xf32, #tpu.memory_space<hbm>>) target_semaphore(%arg9 : memref<!tpu.dma_semaphore, #tpu.memory_space<semaphore_mem>>)
    %dma_wait3A_3049 = arith.constant 3 : i32
    %dma_wait3A_3050 = arith.constant 0 : i32
    %dma_wait3A_3051 = arith.constant 0 : i32
    %dma_wait3A_3052 = tpu.memref_slice %arg7[%dma_wait3A_3049, %dma_wait3A_3050, %dma_wait3A_3051] : memref<6x128x128xf32, #tpu.memory_space<vmem>> -> memref<1x128x128xf32, #tpu.memory_space<vmem>>
    %dma_wait3A_3053 = tpu.memref_squeeze %dma_wait3A_3052 : memref<1x128x128xf32, #tpu.memory_space<vmem>> -> memref<128x128xf32, #tpu.memory_space<vmem>>
    %dma_wait3A_3054 = tpu.memref_slice %arg6[%sub3A_2860] : memref<3136xi32, #tpu.memory_space<vmem>> -> memref<128xi32, #tpu.memory_space<vmem>>
    %dma_wait3A_3055 = arith.constant 0 : i32
    %dma_wait3A_3056 = arith.constant 0 : i32
    %dma_wait3A_3057 = tpu.memref_slice %arg5[%dma_wait3A_3055, %dma_wait3A_3056] : memref<100x128xf32, #tpu.memory_space<vmem_shared>> -> memref<100x128xf32, #tpu.memory_space<vmem_shared>>
    tpu.wait_indirect_dma semaphore(%arg8 : memref<!tpu.dma_semaphore, #tpu.memory_space<semaphore_mem>>) src(%dma_wait3A_3057 : memref<100x128xf32, #tpu.memory_space<vmem_shared>>) dst(%dma_wait3A_3053 : memref<128x128xf32, #tpu.memory_space<vmem>>)
    %dma_start3A_3058 = arith.constant 3 : i32
    %dma_start3A_3059 = arith.constant 0 : i32
    %dma_start3A_3060 = arith.constant 0 : i32
    %dma_start3A_3061 = tpu.memref_slice %arg7[%dma_start3A_3058, %dma_start3A_3059, %dma_start3A_3060] : memref<6x128x128xf32, #tpu.memory_space<vmem>> -> memref<1x128x128xf32, #tpu.memory_space<vmem>>
    %dma_start3A_3062 = tpu.memref_squeeze %dma_start3A_3061 : memref<1x128x128xf32, #tpu.memory_space<vmem>> -> memref<128x128xf32, #tpu.memory_space<vmem>>
    %dma_start3A_3063 = arith.constant 0 : i32
    %dma_start3A_3064 = tpu.memref_slice %arg4[%min3A_2076, %dma_start3A_3063] : memref<100000x128xf32, #tpu.memory_space<hbm>> -> memref<128x128xf32, #tpu.memory_space<hbm>>
    %dma_start3A_3065 = arith.constant 0 : i32
    %dma_start3A_3066 = tpu.memref_slice %arg4[%min3A_2076, %dma_start3A_3065] : memref<100000x128xf32, #tpu.memory_space<hbm>> -> memref<128x128xf32, #tpu.memory_space<hbm>>
    %dma_start3A_3067 = arith.constant 0 : i32
    %dma_start3A_3068 = arith.constant 0 : i32
    %dma_start3A_3069 = tpu.memref_slice %arg7[%dma_start3A_3058, %dma_start3A_3067, %dma_start3A_3068] : memref<6x128x128xf32, #tpu.memory_space<vmem>> -> memref<1x128x128xf32, #tpu.memory_space<vmem>>
    %dma_start3A_3070 = tpu.memref_squeeze %dma_start3A_3069 : memref<1x128x128xf32, #tpu.memory_space<vmem>> -> memref<128x128xf32, #tpu.memory_space<vmem>>
    tpu.enqueue_dma source(%dma_start3A_3070 : memref<128x128xf32, #tpu.memory_space<vmem>>) target(%dma_start3A_3066 : memref<128x128xf32, #tpu.memory_space<hbm>>) target_semaphore(%arg9 : memref<!tpu.dma_semaphore, #tpu.memory_space<semaphore_mem>>)
    %dma_wait3A_3071 = arith.constant 4 : i32
    %dma_wait3A_3072 = arith.constant 0 : i32
    %dma_wait3A_3073 = arith.constant 0 : i32
    %dma_wait3A_3074 = tpu.memref_slice %arg7[%dma_wait3A_3071, %dma_wait3A_3072, %dma_wait3A_3073] : memref<6x128x128xf32, #tpu.memory_space<vmem>> -> memref<1x128x128xf32, #tpu.memory_space<vmem>>
    %dma_wait3A_3075 = tpu.memref_squeeze %dma_wait3A_3074 : memref<1x128x128xf32, #tpu.memory_space<vmem>> -> memref<128x128xf32, #tpu.memory_space<vmem>>
    %dma_wait3A_3076 = tpu.memref_slice %arg6[%sub3A_2905] : memref<3136xi32, #tpu.memory_space<vmem>> -> memref<128xi32, #tpu.memory_space<vmem>>
    %dma_wait3A_3077 = arith.constant 0 : i32
    %dma_wait3A_3078 = arith.constant 0 : i32
    %dma_wait3A_3079 = tpu.memref_slice %arg5[%dma_wait3A_3077, %dma_wait3A_3078] : memref<100x128xf32, #tpu.memory_space<vmem_shared>> -> memref<100x128xf32, #tpu.memory_space<vmem_shared>>
    tpu.wait_indirect_dma semaphore(%arg8 : memref<!tpu.dma_semaphore, #tpu.memory_space<semaphore_mem>>) src(%dma_wait3A_3079 : memref<100x128xf32, #tpu.memory_space<vmem_shared>>) dst(%dma_wait3A_3075 : memref<128x128xf32, #tpu.memory_space<vmem>>)
    %dma_start3A_3080 = arith.constant 4 : i32
    %dma_start3A_3081 = arith.constant 0 : i32
    %dma_start3A_3082 = arith.constant 0 : i32
    %dma_start3A_3083 = tpu.memref_slice %arg7[%dma_start3A_3080, %dma_start3A_3081, %dma_start3A_3082] : memref<6x128x128xf32, #tpu.memory_space<vmem>> -> memref<1x128x128xf32, #tpu.memory_space<vmem>>
    %dma_start3A_3084 = tpu.memref_squeeze %dma_start3A_3083 : memref<1x128x128xf32, #tpu.memory_space<vmem>> -> memref<128x128xf32, #tpu.memory_space<vmem>>
    %dma_start3A_3085 = arith.constant 0 : i32
    %dma_start3A_3086 = tpu.memref_slice %arg4[%min3A_2081, %dma_start3A_3085] : memref<100000x128xf32, #tpu.memory_space<hbm>> -> memref<128x128xf32, #tpu.memory_space<hbm>>
    %dma_start3A_3087 = arith.constant 0 : i32
    %dma_start3A_3088 = tpu.memref_slice %arg4[%min3A_2081, %dma_start3A_3087] : memref<100000x128xf32, #tpu.memory_space<hbm>> -> memref<128x128xf32, #tpu.memory_space<hbm>>
    %dma_start3A_3089 = arith.constant 0 : i32
    %dma_start3A_3090 = arith.constant 0 : i32
    %dma_start3A_3091 = tpu.memref_slice %arg7[%dma_start3A_3080, %dma_start3A_3089, %dma_start3A_3090] : memref<6x128x128xf32, #tpu.memory_space<vmem>> -> memref<1x128x128xf32, #tpu.memory_space<vmem>>
    %dma_start3A_3092 = tpu.memref_squeeze %dma_start3A_3091 : memref<1x128x128xf32, #tpu.memory_space<vmem>> -> memref<128x128xf32, #tpu.memory_space<vmem>>
    tpu.enqueue_dma source(%dma_start3A_3092 : memref<128x128xf32, #tpu.memory_space<vmem>>) target(%dma_start3A_3088 : memref<128x128xf32, #tpu.memory_space<hbm>>) target_semaphore(%arg9 : memref<!tpu.dma_semaphore, #tpu.memory_space<semaphore_mem>>)
    %dma_wait3A_3093 = arith.constant 5 : i32
    %dma_wait3A_3094 = arith.constant 0 : i32
    %dma_wait3A_3095 = arith.constant 0 : i32
    %dma_wait3A_3096 = tpu.memref_slice %arg7[%dma_wait3A_3093, %dma_wait3A_3094, %dma_wait3A_3095] : memref<6x128x128xf32, #tpu.memory_space<vmem>> -> memref<1x128x128xf32, #tpu.memory_space<vmem>>
    %dma_wait3A_3097 = tpu.memref_squeeze %dma_wait3A_3096 : memref<1x128x128xf32, #tpu.memory_space<vmem>> -> memref<128x128xf32, #tpu.memory_space<vmem>>
    %dma_wait3A_3098 = tpu.memref_slice %arg6[%sub3A_2950] : memref<3136xi32, #tpu.memory_space<vmem>> -> memref<128xi32, #tpu.memory_space<vmem>>
    %dma_wait3A_3099 = arith.constant 0 : i32
    %dma_wait3A_3100 = arith.constant 0 : i32
    %dma_wait3A_3101 = tpu.memref_slice %arg5[%dma_wait3A_3099, %dma_wait3A_3100] : memref<100x128xf32, #tpu.memory_space<vmem_shared>> -> memref<100x128xf32, #tpu.memory_space<vmem_shared>>
    tpu.wait_indirect_dma semaphore(%arg8 : memref<!tpu.dma_semaphore, #tpu.memory_space<semaphore_mem>>) src(%dma_wait3A_3101 : memref<100x128xf32, #tpu.memory_space<vmem_shared>>) dst(%dma_wait3A_3097 : memref<128x128xf32, #tpu.memory_space<vmem>>)
    %dma_start3A_3102 = arith.constant 5 : i32
    %dma_start3A_3103 = arith.constant 0 : i32
    %dma_start3A_3104 = arith.constant 0 : i32
    %dma_start3A_3105 = tpu.memref_slice %arg7[%dma_start3A_3102, %dma_start3A_3103, %dma_start3A_3104] : memref<6x128x128xf32, #tpu.memory_space<vmem>> -> memref<1x128x128xf32, #tpu.memory_space<vmem>>
    %dma_start3A_3106 = tpu.memref_squeeze %dma_start3A_3105 : memref<1x128x128xf32, #tpu.memory_space<vmem>> -> memref<128x128xf32, #tpu.memory_space<vmem>>
    %dma_start3A_3107 = arith.constant 0 : i32
    %dma_start3A_3108 = tpu.memref_slice %arg4[%min3A_2086, %dma_start3A_3107] : memref<100000x128xf32, #tpu.memory_space<hbm>> -> memref<128x128xf32, #tpu.memory_space<hbm>>
    %dma_start3A_3109 = arith.constant 0 : i32
    %dma_start3A_3110 = tpu.memref_slice %arg4[%min3A_2086, %dma_start3A_3109] : memref<100000x128xf32, #tpu.memory_space<hbm>> -> memref<128x128xf32, #tpu.memory_space<hbm>>
    %dma_start3A_3111 = arith.constant 0 : i32
    %dma_start3A_3112 = arith.constant 0 : i32
    %dma_start3A_3113 = tpu.memref_slice %arg7[%dma_start3A_3102, %dma_start3A_3111, %dma_start3A_3112] : memref<6x128x128xf32, #tpu.memory_space<vmem>> -> memref<1x128x128xf32, #tpu.memory_space<vmem>>
    %dma_start3A_3114 = tpu.memref_squeeze %dma_start3A_3113 : memref<1x128x128xf32, #tpu.memory_space<vmem>> -> memref<128x128xf32, #tpu.memory_space<vmem>>
    tpu.enqueue_dma source(%dma_start3A_3114 : memref<128x128xf32, #tpu.memory_space<vmem>>) target(%dma_start3A_3110 : memref<128x128xf32, #tpu.memory_space<hbm>>) target_semaphore(%arg9 : memref<!tpu.dma_semaphore, #tpu.memory_space<semaphore_mem>>)
    %dma_wait3A_3115 = arith.constant 0 : i32
    %dma_wait3A_3116 = arith.constant 0 : i32
    %dma_wait3A_3117 = arith.constant 0 : i32
    %dma_wait3A_3118 = tpu.memref_slice %arg7[%dma_wait3A_3115, %dma_wait3A_3116, %dma_wait3A_3117] : memref<6x128x128xf32, #tpu.memory_space<vmem>> -> memref<1x128x128xf32, #tpu.memory_space<vmem>>
    %dma_wait3A_3119 = tpu.memref_squeeze %dma_wait3A_3118 : memref<1x128x128xf32, #tpu.memory_space<vmem>> -> memref<128x128xf32, #tpu.memory_space<vmem>>
    %dma_wait3A_3120 = tpu.memref_slice %arg6[%sub3A_2995] : memref<3136xi32, #tpu.memory_space<vmem>> -> memref<128xi32, #tpu.memory_space<vmem>>
    %dma_wait3A_3121 = arith.constant 0 : i32
    %dma_wait3A_3122 = arith.constant 0 : i32
    %dma_wait3A_3123 = tpu.memref_slice %arg5[%dma_wait3A_3121, %dma_wait3A_3122] : memref<100x128xf32, #tpu.memory_space<vmem_shared>> -> memref<100x128xf32, #tpu.memory_space<vmem_shared>>
    tpu.wait_indirect_dma semaphore(%arg8 : memref<!tpu.dma_semaphore, #tpu.memory_space<semaphore_mem>>) src(%dma_wait3A_3123 : memref<100x128xf32, #tpu.memory_space<vmem_shared>>) dst(%dma_wait3A_3119 : memref<128x128xf32, #tpu.memory_space<vmem>>)
    %dma_start3A_3124 = arith.constant 0 : i32
    %dma_start3A_3125 = arith.constant 0 : i32
    %dma_start3A_3126 = arith.constant 0 : i32
    %dma_start3A_3127 = tpu.memref_slice %arg7[%dma_start3A_3124, %dma_start3A_3125, %dma_start3A_3126] : memref<6x128x128xf32, #tpu.memory_space<vmem>> -> memref<1x128x128xf32, #tpu.memory_space<vmem>>
    %dma_start3A_3128 = tpu.memref_squeeze %dma_start3A_3127 : memref<1x128x128xf32, #tpu.memory_space<vmem>> -> memref<128x128xf32, #tpu.memory_space<vmem>>
    %dma_start3A_3129 = arith.constant 0 : i32
    %dma_start3A_3130 = tpu.memref_slice %arg4[%min3A_2091, %dma_start3A_3129] : memref<100000x128xf32, #tpu.memory_space<hbm>> -> memref<128x128xf32, #tpu.memory_space<hbm>>
    %dma_start3A_3131 = arith.constant 0 : i32
    %dma_start3A_3132 = tpu.memref_slice %arg4[%min3A_2091, %dma_start3A_3131] : memref<100000x128xf32, #tpu.memory_space<hbm>> -> memref<128x128xf32, #tpu.memory_space<hbm>>
    %dma_start3A_3133 = arith.constant 0 : i32
    %dma_start3A_3134 = arith.constant 0 : i32
    %dma_start3A_3135 = tpu.memref_slice %arg7[%dma_start3A_3124, %dma_start3A_3133, %dma_start3A_3134] : memref<6x128x128xf32, #tpu.memory_space<vmem>> -> memref<1x128x128xf32, #tpu.memory_space<vmem>>
    %dma_start3A_3136 = tpu.memref_squeeze %dma_start3A_3135 : memref<1x128x128xf32, #tpu.memory_space<vmem>> -> memref<128x128xf32, #tpu.memory_space<vmem>>
    tpu.enqueue_dma source(%dma_start3A_3136 : memref<128x128xf32, #tpu.memory_space<vmem>>) target(%dma_start3A_3132 : memref<128x128xf32, #tpu.memory_space<hbm>>) target_semaphore(%arg9 : memref<!tpu.dma_semaphore, #tpu.memory_space<semaphore_mem>>)
    %dma_wait3A_3137 = arith.constant 0 : i32
    %dma_wait3A_3138 = arith.constant 0 : i32
    %dma_wait3A_3139 = arith.constant 0 : i32
    %dma_wait3A_3140 = tpu.memref_slice %arg7[%dma_wait3A_3137, %dma_wait3A_3138, %dma_wait3A_3139] : memref<6x128x128xf32, #tpu.memory_space<vmem>> -> memref<1x128x128xf32, #tpu.memory_space<vmem>>
    %dma_wait3A_3141 = tpu.memref_squeeze %dma_wait3A_3140 : memref<1x128x128xf32, #tpu.memory_space<vmem>> -> memref<128x128xf32, #tpu.memory_space<vmem>>
    %dma_wait3A_3142 = arith.constant 0 : i32
    %dma_wait3A_3143 = tpu.memref_slice %arg4[%min3A_2091, %dma_wait3A_3142] : memref<100000x128xf32, #tpu.memory_space<hbm>> -> memref<128x128xf32, #tpu.memory_space<hbm>>
    %dma_wait3A_3144 = arith.constant 0 : i32
    %dma_wait3A_3145 = tpu.memref_slice %arg4[%min3A_2091, %dma_wait3A_3144] : memref<100000x128xf32, #tpu.memory_space<hbm>> -> memref<128x128xf32, #tpu.memory_space<hbm>>
    %dma_wait3A_3146 = arith.constant 0 : i32
    %dma_wait3A_3147 = arith.constant 0 : i32
    %dma_wait3A_3148 = tpu.memref_slice %arg7[%dma_wait3A_3137, %dma_wait3A_3146, %dma_wait3A_3147] : memref<6x128x128xf32, #tpu.memory_space<vmem>> -> memref<1x128x128xf32, #tpu.memory_space<vmem>>
    %dma_wait3A_3149 = tpu.memref_squeeze %dma_wait3A_3148 : memref<1x128x128xf32, #tpu.memory_space<vmem>> -> memref<128x128xf32, #tpu.memory_space<vmem>>
    tpu.wait_dma2 semaphore(%arg9 : memref<!tpu.dma_semaphore, #tpu.memory_space<semaphore_mem>>) src(%dma_wait3A_3149 : memref<128x128xf32, #tpu.memory_space<vmem>>) dst(%dma_wait3A_3145 : memref<128x128xf32, #tpu.memory_space<hbm>>)
    %dma_wait3A_3150 = arith.constant 1 : i32
    %dma_wait3A_3151 = arith.constant 0 : i32
    %dma_wait3A_3152 = arith.constant 0 : i32
    %dma_wait3A_3153 = tpu.memref_slice %arg7[%dma_wait3A_3150, %dma_wait3A_3151, %dma_wait3A_3152] : memref<6x128x128xf32, #tpu.memory_space<vmem>> -> memref<1x128x128xf32, #tpu.memory_space<vmem>>
    %dma_wait3A_3154 = tpu.memref_squeeze %dma_wait3A_3153 : memref<1x128x128xf32, #tpu.memory_space<vmem>> -> memref<128x128xf32, #tpu.memory_space<vmem>>
    %dma_wait3A_3155 = arith.constant 0 : i32
    %dma_wait3A_3156 = tpu.memref_slice %arg4[%min3A_2066, %dma_wait3A_3155] : memref<100000x128xf32, #tpu.memory_space<hbm>> -> memref<128x128xf32, #tpu.memory_space<hbm>>
    %dma_wait3A_3157 = arith.constant 0 : i32
    %dma_wait3A_3158 = tpu.memref_slice %arg4[%min3A_2066, %dma_wait3A_3157] : memref<100000x128xf32, #tpu.memory_space<hbm>> -> memref<128x128xf32, #tpu.memory_space<hbm>>
    %dma_wait3A_3159 = arith.constant 0 : i32
    %dma_wait3A_3160 = arith.constant 0 : i32
    %dma_wait3A_3161 = tpu.memref_slice %arg7[%dma_wait3A_3150, %dma_wait3A_3159, %dma_wait3A_3160] : memref<6x128x128xf32, #tpu.memory_space<vmem>> -> memref<1x128x128xf32, #tpu.memory_space<vmem>>
    %dma_wait3A_3162 = tpu.memref_squeeze %dma_wait3A_3161 : memref<1x128x128xf32, #tpu.memory_space<vmem>> -> memref<128x128xf32, #tpu.memory_space<vmem>>
    tpu.wait_dma2 semaphore(%arg9 : memref<!tpu.dma_semaphore, #tpu.memory_space<semaphore_mem>>) src(%dma_wait3A_3162 : memref<128x128xf32, #tpu.memory_space<vmem>>) dst(%dma_wait3A_3158 : memref<128x128xf32, #tpu.memory_space<hbm>>)
    %dma_wait3A_3163 = arith.constant 2 : i32
    %dma_wait3A_3164 = arith.constant 0 : i32
    %dma_wait3A_3165 = arith.constant 0 : i32
    %dma_wait3A_3166 = tpu.memref_slice %arg7[%dma_wait3A_3163, %dma_wait3A_3164, %dma_wait3A_3165] : memref<6x128x128xf32, #tpu.memory_space<vmem>> -> memref<1x128x128xf32, #tpu.memory_space<vmem>>
    %dma_wait3A_3167 = tpu.memref_squeeze %dma_wait3A_3166 : memref<1x128x128xf32, #tpu.memory_space<vmem>> -> memref<128x128xf32, #tpu.memory_space<vmem>>
    %dma_wait3A_3168 = arith.constant 0 : i32
    %dma_wait3A_3169 = tpu.memref_slice %arg4[%min3A_2071, %dma_wait3A_3168] : memref<100000x128xf32, #tpu.memory_space<hbm>> -> memref<128x128xf32, #tpu.memory_space<hbm>>
    %dma_wait3A_3170 = arith.constant 0 : i32
    %dma_wait3A_3171 = tpu.memref_slice %arg4[%min3A_2071, %dma_wait3A_3170] : memref<100000x128xf32, #tpu.memory_space<hbm>> -> memref<128x128xf32, #tpu.memory_space<hbm>>
    %dma_wait3A_3172 = arith.constant 0 : i32
    %dma_wait3A_3173 = arith.constant 0 : i32
    %dma_wait3A_3174 = tpu.memref_slice %arg7[%dma_wait3A_3163, %dma_wait3A_3172, %dma_wait3A_3173] : memref<6x128x128xf32, #tpu.memory_space<vmem>> -> memref<1x128x128xf32, #tpu.memory_space<vmem>>
    %dma_wait3A_3175 = tpu.memref_squeeze %dma_wait3A_3174 : memref<1x128x128xf32, #tpu.memory_space<vmem>> -> memref<128x128xf32, #tpu.memory_space<vmem>>
    tpu.wait_dma2 semaphore(%arg9 : memref<!tpu.dma_semaphore, #tpu.memory_space<semaphore_mem>>) src(%dma_wait3A_3175 : memref<128x128xf32, #tpu.memory_space<vmem>>) dst(%dma_wait3A_3171 : memref<128x128xf32, #tpu.memory_space<hbm>>)
    %dma_wait3A_3176 = arith.constant 3 : i32
    %dma_wait3A_3177 = arith.constant 0 : i32
    %dma_wait3A_3178 = arith.constant 0 : i32
    %dma_wait3A_3179 = tpu.memref_slice %arg7[%dma_wait3A_3176, %dma_wait3A_3177, %dma_wait3A_3178] : memref<6x128x128xf32, #tpu.memory_space<vmem>> -> memref<1x128x128xf32, #tpu.memory_space<vmem>>
    %dma_wait3A_3180 = tpu.memref_squeeze %dma_wait3A_3179 : memref<1x128x128xf32, #tpu.memory_space<vmem>> -> memref<128x128xf32, #tpu.memory_space<vmem>>
    %dma_wait3A_3181 = arith.constant 0 : i32
    %dma_wait3A_3182 = tpu.memref_slice %arg4[%min3A_2076, %dma_wait3A_3181] : memref<100000x128xf32, #tpu.memory_space<hbm>> -> memref<128x128xf32, #tpu.memory_space<hbm>>
    %dma_wait3A_3183 = arith.constant 0 : i32
    %dma_wait3A_3184 = tpu.memref_slice %arg4[%min3A_2076, %dma_wait3A_3183] : memref<100000x128xf32, #tpu.memory_space<hbm>> -> memref<128x128xf32, #tpu.memory_space<hbm>>
    %dma_wait3A_3185 = arith.constant 0 : i32
    %dma_wait3A_3186 = arith.constant 0 : i32
    %dma_wait3A_3187 = tpu.memref_slice %arg7[%dma_wait3A_3176, %dma_wait3A_3185, %dma_wait3A_3186] : memref<6x128x128xf32, #tpu.memory_space<vmem>> -> memref<1x128x128xf32, #tpu.memory_space<vmem>>
    %dma_wait3A_3188 = tpu.memref_squeeze %dma_wait3A_3187 : memref<1x128x128xf32, #tpu.memory_space<vmem>> -> memref<128x128xf32, #tpu.memory_space<vmem>>
    tpu.wait_dma2 semaphore(%arg9 : memref<!tpu.dma_semaphore, #tpu.memory_space<semaphore_mem>>) src(%dma_wait3A_3188 : memref<128x128xf32, #tpu.memory_space<vmem>>) dst(%dma_wait3A_3184 : memref<128x128xf32, #tpu.memory_space<hbm>>)
    %dma_wait3A_3189 = arith.constant 4 : i32
    %dma_wait3A_3190 = arith.constant 0 : i32
    %dma_wait3A_3191 = arith.constant 0 : i32
    %dma_wait3A_3192 = tpu.memref_slice %arg7[%dma_wait3A_3189, %dma_wait3A_3190, %dma_wait3A_3191] : memref<6x128x128xf32, #tpu.memory_space<vmem>> -> memref<1x128x128xf32, #tpu.memory_space<vmem>>
    %dma_wait3A_3193 = tpu.memref_squeeze %dma_wait3A_3192 : memref<1x128x128xf32, #tpu.memory_space<vmem>> -> memref<128x128xf32, #tpu.memory_space<vmem>>
    %dma_wait3A_3194 = arith.constant 0 : i32
    %dma_wait3A_3195 = tpu.memref_slice %arg4[%min3A_2081, %dma_wait3A_3194] : memref<100000x128xf32, #tpu.memory_space<hbm>> -> memref<128x128xf32, #tpu.memory_space<hbm>>
    %dma_wait3A_3196 = arith.constant 0 : i32
    %dma_wait3A_3197 = tpu.memref_slice %arg4[%min3A_2081, %dma_wait3A_3196] : memref<100000x128xf32, #tpu.memory_space<hbm>> -> memref<128x128xf32, #tpu.memory_space<hbm>>
    %dma_wait3A_3198 = arith.constant 0 : i32
    %dma_wait3A_3199 = arith.constant 0 : i32
    %dma_wait3A_3200 = tpu.memref_slice %arg7[%dma_wait3A_3189, %dma_wait3A_3198, %dma_wait3A_3199] : memref<6x128x128xf32, #tpu.memory_space<vmem>> -> memref<1x128x128xf32, #tpu.memory_space<vmem>>
    %dma_wait3A_3201 = tpu.memref_squeeze %dma_wait3A_3200 : memref<1x128x128xf32, #tpu.memory_space<vmem>> -> memref<128x128xf32, #tpu.memory_space<vmem>>
    tpu.wait_dma2 semaphore(%arg9 : memref<!tpu.dma_semaphore, #tpu.memory_space<semaphore_mem>>) src(%dma_wait3A_3201 : memref<128x128xf32, #tpu.memory_space<vmem>>) dst(%dma_wait3A_3197 : memref<128x128xf32, #tpu.memory_space<hbm>>)
    %dma_wait3A_3202 = arith.constant 5 : i32
    %dma_wait3A_3203 = arith.constant 0 : i32
    %dma_wait3A_3204 = arith.constant 0 : i32
    %dma_wait3A_3205 = tpu.memref_slice %arg7[%dma_wait3A_3202, %dma_wait3A_3203, %dma_wait3A_3204] : memref<6x128x128xf32, #tpu.memory_space<vmem>> -> memref<1x128x128xf32, #tpu.memory_space<vmem>>
    %dma_wait3A_3206 = tpu.memref_squeeze %dma_wait3A_3205 : memref<1x128x128xf32, #tpu.memory_space<vmem>> -> memref<128x128xf32, #tpu.memory_space<vmem>>
    %dma_wait3A_3207 = arith.constant 0 : i32
    %dma_wait3A_3208 = tpu.memref_slice %arg4[%min3A_2086, %dma_wait3A_3207] : memref<100000x128xf32, #tpu.memory_space<hbm>> -> memref<128x128xf32, #tpu.memory_space<hbm>>
    %dma_wait3A_3209 = arith.constant 0 : i32
    %dma_wait3A_3210 = tpu.memref_slice %arg4[%min3A_2086, %dma_wait3A_3209] : memref<100000x128xf32, #tpu.memory_space<hbm>> -> memref<128x128xf32, #tpu.memory_space<hbm>>
    %dma_wait3A_3211 = arith.constant 0 : i32
    %dma_wait3A_3212 = arith.constant 0 : i32
    %dma_wait3A_3213 = tpu.memref_slice %arg7[%dma_wait3A_3202, %dma_wait3A_3211, %dma_wait3A_3212] : memref<6x128x128xf32, #tpu.memory_space<vmem>> -> memref<1x128x128xf32, #tpu.memory_space<vmem>>
    %dma_wait3A_3214 = tpu.memref_squeeze %dma_wait3A_3213 : memref<1x128x128xf32, #tpu.memory_space<vmem>> -> memref<128x128xf32, #tpu.memory_space<vmem>>
    tpu.wait_dma2 semaphore(%arg9 : memref<!tpu.dma_semaphore, #tpu.memory_space<semaphore_mem>>) src(%dma_wait3A_3214 : memref<128x128xf32, #tpu.memory_space<vmem>>) dst(%dma_wait3A_3210 : memref<128x128xf32, #tpu.memory_space<hbm>>)
    return
  }
}

</mosaic_0001>

<sc_bundles>
// kernel: kernel.3.cloned.1.call-start
scs
__scs_entry_jumppad:
0x0: {  	(pc) =	sbr.rel $0x88, $3  }
0x1: {  	(tag) =	ssettag $0x0;
	lr =	simm.s32 $0x1  }
0x2: {  	[smem:$0x3F9F] =	sst lr;
	_ =	strace $0xD0000000  }
0x3: {  	_ = 	snop  }
0x4: {  	_ = 	snop  }
0x5: {  	_ = 	snop  }
0x6: {  	_ = 	snop  }
0x7: {  	_ = 	snop  }
__scs_overlays_trampoline_lowered:
0x8: {  	[smem:$0x3FAE] =	sst s0  }
0x9: {  	[smem:$0x3FAF] =	sst s1  }
0xa: {  	[smem:$0x3FB0] =	sst s2  }
0xb: {  	[smem:$0x3FB1] =	sst s3  }
0xc: {  	[smem:$0x3FB2] =	sst s4  }
0xd: {  	[smem:$0x3FB3] =	sst s5  }
0xe: {  	[smem:$0x3FB4] =	sst s6  }
0xf: {  	[smem:$0x3FB5] =	sst s7  }
0x10: {  	[smem:$0x3FB6] =	sst s8  }
0x11: {  	[smem:$0x3FB7] =	sst s9;
	s0 =	simm.s32 @!p0 $0x0  }
0x12: {  	s1 =	sld [smem:$0x3F9D];
	s0 =	simm.s32 @p0 $0x1  }
0x13: {  	[smem:$0x3FB8] =	sst s0;
	s0 =	simm.s32 @!p1 $0x0  }
0x14: {  	s2 =	sld [smem:$0x3F9C];
	s0 =	simm.s32 @p1 $0x1  }
0x15: {  	[smem:$0x3FB9] =	sst s0;
	s0 =	simm.s32 @!p2 $0x0  }
0x16: {  	s3 =	sld [smem:$0x3FDB];
	s0 =	simm.s32 @p2 $0x1  }
0x17: {  	s4 =	simm.s32 $0x1BF5;
	[smem:$0x3FBB] =	sst s0  }
0x18: {  	s0 =	sld [smem:$0x3F9E];
	_ =	swait.ge [sflag:s4], $0x0  }
0x19: {  	s7 =	sld [smem:$0x3F9F]  }
0x1a: {  	s8 =	sadd.s32 $0xFFFFE003, lr  }
0x1b: {  	s9 =	sadd.s32 $0xFFFFFEF7, lr;
	s5 =	simm.s32 $0xFFFFFFFF;
	p2 =	slt.u32 s8, $0xFFFFF086  }
0x1c: {  	p1 =	slt.u32 s9, $0xF7A;
	s5 =	simm.s32 @!p2 $0x0  }
0x1d: {  	s5 =	simm.s32 @p1 $0x1;
	p0 =	seq.s32 s7, s2  }
0x1e: {  	s7 =	smul.u32 @!p0 $0xF7A, s2;
	p2 =	seq.s32 @!p0 s5, $0x0  }
0x1f: {  	s9 =	smul.u32 $0xF7A, s1;
	s8 =	simm.s32 @!p0 $0x1BF5;
	p2 =	por !p2, p0  }
0x20: {  	[sflag:s8] =	ssyncset.s32 @!p0 $0xFFFFF086;
	s6 =	sadd.s32 @!p0 s3, s7;
	s7 =	simm.s32 @!p0 $0x108  }
0x21: {  	s3 =	sadd.s32 s3, s9;
	s6 =	sadd.s32 @!p0 $0x88, s6;
	s7 =	simm.s32 @p2 $0x1082  }
0x22: {  	[simem:s7], [sflag:s8] =	dma.local @!p0 [hbm:s6], $0xF7A  }
0x23: {  	s9 =	sor.u32 $0xD0000000, s2;
	s6 =	simm.s32 $0x108;
	_ =	swait.ge @!p0 [sflag:s8], $0x0  }
0x24: {  	s3 =	sadd.s32 $0x88, s3;
	s6 =	simm.s32 @!p1 $0x1082;
	[sflag:s4] =	ssyncset.s32 $0xFFFFF086  }
0x25: {  	[simem:s6], [sflag:s4] =	dma.local [hbm:s3], $0xF7A  }
0x26: {  	[smem:$0x3F9F] =	sst s1;
	(tag) =	ssettag s2;
	_ =	strace s9  }
0x27: {  	s1 =	sld [smem:$0x3FAF]  }
0x28: {  	s2 =	sld [smem:$0x3FB0]  }
0x29: {  	s4 =	sld [smem:$0x3FB2]  }
0x2a: {  	p0 =	seq.s32 s5, $0x0;
	s5 =	sld [smem:$0x3FB3]  }
0x2b: {  	s6 =	sld [smem:$0x3FB4]  }
0x2c: {  	s7 =	sld [smem:$0x3FB5]  }
0x2d: {  	s3 =	simm.s32 $0x108;
	s8 =	sld [smem:$0x3FB6]  }
0x2e: {  	s3 =	simm.s32 @!p0 $0x1082;
	s9 =	sld [smem:$0x3FB7]  }
0x2f: {  	lr =	sadd.s32 s0, s3;
	s0 =	sld [smem:$0x3FAE]  }
0x30: {  	s3 =	sld [smem:$0x3FB1]  }
0x31: {  	[smem:$0x3FBA] =	sst s10  }
0x32: {  	s10 =	sld [smem:$0x3FB8];
	_ =	sdelay $0x3  }
0x33: {  	p0 =	seq.s32 s10, $0x1;
	s10 =	sld [smem:$0x3FBA];
	_ =	sdelay $0x3  }
0x34: {  	[smem:$0x3FBA] =	sst s10  }
0x35: {  	s10 =	sld [smem:$0x3FB9];
	_ =	sdelay $0x3  }
0x36: {  	p1 =	seq.s32 s10, $0x1;
	s10 =	sld [smem:$0x3FBA];
	_ =	sdelay $0x3  }
0x37: {  	[smem:$0x3FBA] =	sst s10  }
0x38: {  	s10 =	sld [smem:$0x3FBB]  }
0x39: {  	_ = 	snop;
	(pc) =	sbr.ind lr, $3  }
0x3a: {  	_ = 	snop  }
0x3b: {  	_ = 	snop  }
0x3c: {  	p2 =	seq.s32 s10, $0x1;
	s10 =	sld [smem:$0x3FBA]  }
0x3d: {  	_ =	shalt  }
0x3e: {  	_ =	shalt  }
0x3f: {  	_ =	shalt  }
0x40: {  	_ =	shalt  }
0x41: {  	_ =	shalt  }
0x42: {  	_ =	shalt  }
0x43: {  	_ =	shalt  }
0x44: {  	_ =	shalt  }
0x45: {  	_ =	shalt  }
0x46: {  	_ =	shalt  }
0x47: {  	_ =	shalt  }
0x48: {  	_ =	shalt  }
0x49: {  	_ =	shalt  }
0x4a: {  	_ =	shalt  }
0x4b: {  	_ =	shalt  }
0x4c: {  	_ =	shalt  }
0x4d: {  	_ =	shalt  }
0x4e: {  	_ =	shalt  }
0x4f: {  	_ =	shalt  }
0x50: {  	_ =	shalt  }
0x51: {  	_ =	shalt  }
0x52: {  	_ =	shalt  }
0x53: {  	_ =	shalt  }
0x54: {  	_ =	shalt  }
0x55: {  	_ =	shalt  }
0x56: {  	_ =	shalt  }
0x57: {  	_ =	shalt  }
0x58: {  	_ =	shalt  }
0x59: {  	_ =	shalt  }
0x5a: {  	_ =	shalt  }
0x5b: {  	_ =	shalt  }
0x5c: {  	_ =	shalt  }
0x5d: {  	_ =	shalt  }
0x5e: {  	_ =	shalt  }
0x5f: {  	_ =	shalt  }
0x60: {  	_ =	shalt  }
0x61: {  	_ =	shalt  }
0x62: {  	_ =	shalt  }
0x63: {  	_ =	shalt  }
0x64: {  	_ =	shalt  }
0x65: {  	_ =	shalt  }
0x66: {  	_ =	shalt  }
0x67: {  	_ =	shalt  }
0x68: {  	_ =	shalt  }
0x69: {  	_ =	shalt  }
0x6a: {  	_ =	shalt  }
0x6b: {  	_ =	shalt  }
0x6c: {  	_ =	shalt  }
0x6d: {  	_ =	shalt  }
0x6e: {  	_ =	shalt  }
0x6f: {  	_ =	shalt  }
0x70: {  	_ =	shalt  }
0x71: {  	_ =	shalt  }
0x72: {  	_ =	shalt  }
0x73: {  	_ =	shalt  }
0x74: {  	_ =	shalt  }
0x75: {  	_ =	shalt  }
0x76: {  	_ =	shalt  }
0x77: {  	_ =	shalt  }
0x78: {  	_ =	shalt  }
0x79: {  	_ =	shalt  }
0x7a: {  	_ =	shalt  }
0x7b: {  	_ =	shalt  }
0x7c: {  	_ =	shalt  }
0x7d: {  	_ =	shalt  }
0x7e: {  	_ =	shalt  }
0x7f: {  	_ =	shalt  }
0x80: {  	_ =	shalt  }
0x81: {  	_ =	shalt  }
0x82: {  	_ =	shalt  }
0x83: {  	_ =	shalt  }
0x84: {  	_ =	shalt  }
0x85: {  	_ =	shalt  }
0x86: {  	_ =	shalt  }
0x87: {  	_ =	shalt  }
.Lfunc_end0:
.L_simem_size_0:
called_computation_lowered:
.L_overlay_start_0:
0x88: {  	s2 =	sld [smem:$0x3FD9]  }
0x89: {  	s3 =	sld [smem:$0x3FFE];
	_ =	sdelay $0x1  }
0x8a: {  	s1 =	srdreg.scid  }
0x8b: {  	s0 =	sand.u32 $0x1, s1  }
0x8c: {  	s18 =	sshll.u32 s0, $0xA;
	s2 =	sadd.s32 s3, s2  }
0x8d: {  	s2 =	sadd.s32 s2, s18  }
0x8e: {  	[smem:$0x3FC6] =	sst s2  }
0x8f: {  	_ = 	snop  }
0x90: {  	s2 =	sld [smem:$0x3FC9]  }
0x91: {  	s19 =	sld [smem:$0x3FC8]  }
0x92: {  	s4 =	sld [smem:$0x3FD0];
	(tm) =	ssettm $0x1  }
0x93: {  	s5 =	sld [smem:$0x3FFB];
	_ =	sdelay $0x3  }
0x94: {  	_ =	strace s5  }
0x95: {  	s5 =	sld [smem:$0x3FFC];
	_ =	sdelay $0x3  }
0x96: {  	_ =	strace s5  }
0x97: {  	s5 =	sld [smem:$0x3FFD];
	_ =	sdelay $0x3  }
0x98: {  	_ =	strace s5  }
0x99: {  	_ =	strace $0x8FFFFFFF  }
0x9a: {  	s20 =	sld [smem:$0x3FDB];
	_ =	sdelay $0x1  }
0x9b: {  	s6 =	simm.s32 $_scs_section_size  }
0x9c: {  	s7 =	simm.s32 $_size__tile_overlayer_lowered;
	s8 =	simm.s32 $_tile_overlayer_lowered  }
0x9d: {  	s23 =	simm.s32 $0x1BFF;
	s22 =	sshll.u32 s8, $0x1;
	s5 =	sadd.s32 s6, s20  }
0x9e: {  	s9 =	simm.s32 $0x0;
	s21 =	sshll.u32 s7, $0x1;
	s7 =	sadd.s32 s22, s5  }
0x9f: {  	[timem:s9], [sflag:s23] =	dma.local [hbm:s7], s21  }
0xa0: {  	_ =	swait.ge [sflag:s23], s21  }
0xa1: {  	s6 =	ssub.s32 $0x0, s21;
	[sflag:s23] =	ssyncset.done $0x0  }
0xa2: {  	[sflag:s23] =	ssyncadd.s32 s6;
	_ =	sdelay $0x1  }
0xa3: {  	s24 =	simm.s32 $0x1B8B  }
0xa4: {  	_ =	swait.ge [sflag:s24], $0x1  }
0xa5: {  	[sflag:s24] =	ssyncset.done $0x0  }
0xa6: {  	s25 =	simm.s32 $0x1B8E;
	[sflag:s24] =	ssyncadd.s32 $0xFFFFFFFF  }
0xa7: {  	s26 =	simm.s32 $execute0_lowered;
	[smem:$0x3FD2] =	sst s25  }
0xa8: {  	s6 =	sshll.u32 s26, $0x1;
	_ =	strace $0x80000046;
	[dreg:$0x1] =	wrdreg $0xFFFFFFFF  }
0xa9: {  	s28 =	simm.s32 $_size_execute0_lowered;
	s5 =	sadd.s32 s5, s6;
	[dreg:$0x0] =	wrdreg $0x0  }
0xaa: {  	s6 =	sshll.u32 s28, $0x1;
	[dreg:$0x2] =	wrdreg s5  }
0xab: {  	[dreg:$0x3] =	wrdreg s6  }
0xac: {  	[dreg:$0x4] =	wrdreg $0xC0  }
0xad: {  	_ =	task [dreg:s9], $0x5FFFF  }
0xae: {  	[dreg:$0x1] =	wrdreg $0xFFFFFFFF  }
0xaf: {  	[dreg:$0x0] =	wrdreg $0x60  }
0xb0: {  	[dreg:$0x2] =	wrdreg s2  }
0xb1: {  	[dreg:$0x3] =	wrdreg s19  }
0xb2: {  	[dreg:$0x4] =	wrdreg s4  }
0xb3: {  	[dreg:$0x5] =	wrdreg $0x0  }
0xb4: {  	[dreg:$0x6] =	wrdreg $0x9  }
0xb5: {  	_ =	task.clear_ibuf [dreg:s9], $0x7FFFF;
	_ =	strace $0x90000046  }
0xb6: {  	s29 =	simm.s32 $0x9;
	_ =	strace $0x80000048  }
0xb7: {  	_ =	swait.ge [sflag:s29], $0x1  }
0xb8: {  	[sflag:s29] =	ssyncadd.s32 $0xFFFFFFFF  }
0xb9: {  	_ =	strace $0x90000048  }
0xba: {  	_ =	sfence  }
0xbb: {  	s30 =	sld [smem:$0x0];
	_ =	sdelay $0x2  }
0xbc: {  	s31 =	sshll.u32 s1, $0xD;
	s1 =	sshrl.u32 s1, $0x2  }
0xbd: {  	s3 =	sand.u32 $0x4000, s31;
	s1 =	sadd.s32 s1, s30  }
0xbe: {  	s0 =	sor.u32 s3, s0;
	s1 =	sshll.u32 s1, $0x11  }
0xbf: {  	s0 =	sor.u32 s1, s0  }
0xc0: {  	s0 =	sadd.s32 $0x8F2B, s0  }
0xc1: {  	[sflag:s0] =	ssyncadd.remote.s32 $0x1  }
0xc2: {  	_ =	sfence.sel $0xFFFF  }
0xc3: {  	[dreg:$0x0] =	wrdreg $0xFFFFFFFF;
	(pc) =	sbr.abs _section_cstart, $3  }
0xc4: {  	[dreg:$0x1] =	wrdreg $0xFFFFFFFF  }
0xc5: {  	_ =	task.clear_ibuf [dreg:s9], $0x2FFFF;
	_ =	strace $0x9FFFFFFF  }
0xc6: {  	(tm) =	ssettm $0x7FFFFFFF  }
0xc7: {  	_ =	shalt  }
tec
execute0_lowered:
.L_overlay_start_1:
0x0: {  	(tag) =	ssettag $0x1  }
0x1: {  	s3 =	rddreg [dreg:$0x0]  }
0x2: {  	s0 =	rddreg [dreg:$0x1];
	s1 =	srdreg.scid  }
0x3: {  	s2 =	stileid.u32;
	s15 =	rddreg [dreg:$0x2]  }
0x4: {  	[dreg:$0x5] =	wrdreg s0;
	s4 =	sand.u32 $0x1, s1;
	s13 =	sshll.u32 s2, $0x1  }
0x5: {  	s1 =	rddreg [dreg:$0x3];
	s0 =	sor.u32 s4, s13  }
0x6: {  	s2 =	simm.s32 $0x0;
	s4 =	ssub.s32 $0x2, s4;
	s18 =	smul.u32 $0xC38, s0  }
0x7: {  	[smem:$0x7FF] =	sst s2;
	s5 =	sshrl.u32 s4, $0x1  }
0x8: {  	_ =	strace $0x80000047;
	s14 =	ssub.s32 s4, s5;
	s8 =	smin.u32 s18, $0x17A60  }
0x9: {  	[smem:$0x7FD] =	sst s14;
	s16 =	smin.u32 s18, $0x17A68;
	s17 =	sadd.s32 $0x80, s18  }
0xa: {  	s19 =	sadd.s32 $0x100, s18;
	s20 =	sadd.s32 $0x180, s18;
	s21 =	sadd.s32 $0x200, s18  }
0xb: {  	s22 =	sadd.s32 $0x280, s18;
	s23 =	sadd.s32 $0x300, s18;
	s24 =	sadd.s32 $0x380, s18  }
0xc: {  	s4 =	sadd.s32 $0x400, s18;
	s5 =	sadd.s32 $0x480, s18;
	s7 =	sadd.s32 $0x580, s18  }
0xd: {  	s9 =	sadd.s32 $0x600, s18;
	s10 =	sadd.s32 $0x680, s18;
	s11 =	sadd.s32 $0x700, s18  }
0xe: {  	s12 =	sadd.s32 $0x780, s18;
	s13 =	sadd.s32 $0x800, s18;
	s6 =	sshrl.u32 s8, $0x3  }
0xf: {  	s0 =	sadd.s32 $0xBB8, s16;
	s16 =	sadd.s32 $0x880, s18;
	s3 =	sadd.s32 s3, s6  }
0x10: {  	s31 =	smin.u32 s17, s0;
	s30 =	smin.u32 s19, s0;
	s29 =	smin.u32 s20, s0  }
0x11: {  	s28 =	smin.u32 s21, s0;
	s26 =	smin.u32 s22, s0;
	s25 =	smin.u32 s23, s0  }
0x12: {  	s24 =	smin.u32 s24, s0;
	s23 =	smin.u32 s4, s0;
	s22 =	smin.u32 s5, s0  }
0x13: {  	s6 =	sadd.s32 $0x500, s18;
	s20 =	smin.u32 s7, s0;
	s19 =	smin.u32 s9, s0  }
0x14: {  	s7 =	smin.u32 s10, s0;
	s14 =	smin.u32 s12, s0;
	s17 =	smin.u32 s13, s0  }
0x15: {  	s9 =	sadd.s32 $0x900, s18;
	s5 =	smin.u32 s16, s0;
	s10 =	sadd.s32 $0x980, s18  }
0x16: {  	s12 =	sadd.s32 $0xA80, s18;
	s13 =	sadd.s32 $0xB00, s18;
	s4 =	smin.u32 s18, s0  }
0x17: {  	s16 =	sadd.s32 $0xB80, s18;
	[dreg:$0x6] =	wrdreg s3;
	s21 =	smin.u32 s6, s0  }
0x18: {  	s6 =	smin.u32 s11, s0;
	s9 =	smin.u32 s9, s0;
	s10 =	smin.u32 s10, s0  }
0x19: {  	s11 =	sadd.s32 $0xA00, s18;
	s12 =	smin.u32 s12, s0;
	s13 =	smin.u32 s13, s0  }
0x1a: {  	s16 =	smin.u32 s16, s0;
	s18 =	sadd.s32 $0xC00, s18;
	s3 =	ssub.s32 s4, s8  }
0x1b: {  	s4 =	sshll.u32 s4, $0x4;
	s11 =	smin.u32 s11, s0;
	s18 =	smin.u32 s18, s0  }
0x1c: {  	s0 =	sadd.s32 $0x320, s3;
	s3 =	ssub.s32 s31, s8;
	s31 =	sshll.u32 s31, $0x4  }
0x1d: {  	[dreg:$0x7] =	wrdreg s0;
	s0 =	sadd.s32 $0x320, s3;
	s3 =	ssub.s32 s30, s8  }
0x1e: {  	[dreg:$0x8] =	wrdreg s0;
	s0 =	sadd.s32 $0x320, s3;
	s3 =	ssub.s32 s29, s8  }
0x1f: {  	[dreg:$0x9] =	wrdreg s0;
	s0 =	sadd.s32 $0x320, s3;
	s3 =	ssub.s32 s28, s8  }
0x20: {  	[dreg:$0xa] =	wrdreg s0;
	s0 =	sadd.s32 $0x320, s3;
	s3 =	ssub.s32 s26, s8  }
0x21: {  	s29 =	sshll.u32 s29, $0x4;
	[dreg:$0xb] =	wrdreg s0;
	s3 =	sadd.s32 $0x320, s3  }
0x22: {  	[dreg:$0xc] =	wrdreg s3;
	s3 =	sadd.s32 s15, s4;
	s4 =	ssub.s32 s25, s8  }
0x23: {  	s25 =	sshll.u32 s25, $0x4;
	[dreg:$0xd] =	wrdreg s3;
	s4 =	sadd.s32 $0x320, s4  }
0x24: {  	[dreg:$0xe] =	wrdreg s4;
	s4 =	sadd.s32 s15, s31;
	s31 =	ssub.s32 s24, s8  }
0x25: {  	[dreg:$0xf] =	wrdreg s4;
	s3 =	sadd.s32 $0x320, s31;
	s4 =	sshll.u32 s30, $0x4  }
0x26: {  	s31 =	ssub.s32 s23, s8;
	[dreg:$0x10] =	wrdreg s3;
	s30 =	sadd.s32 s15, s4  }
0x27: {  	s4 =	sadd.s32 $0x320, s31;
	s31 =	ssub.s32 s22, s8;
	[dreg:$0x11] =	wrdreg s30  }
0x28: {  	[dreg:$0x12] =	wrdreg s4;
	s30 =	sadd.s32 s15, s29;
	s4 =	sadd.s32 $0x320, s31  }
0x29: {  	s29 =	sshll.u32 s28, $0x4;
	s31 =	ssub.s32 s21, s8;
	[dreg:$0x13] =	wrdreg s30  }
0x2a: {  	s28 =	simm.s32 $0x2;
	[dreg:$0x14] =	wrdreg s4;
	s30 =	sadd.s32 s15, s29  }
0x2b: {  	s4 =	sadd.s32 $0x320, s31;
	s29 =	sshll.u32 s26, $0x4;
	s31 =	ssub.s32 s20, s8  }
0x2c: {  	s26 =	sadd.s32 s15, s25;
	s25 =	sshll.u32 s23, $0x4;
	[dreg:$0x15] =	wrdreg s30  }
0x2d: {  	s23 =	sshll.u32 s21, $0x4;
	s21 =	ssub.s32 s9, s8;
	[dreg:$0x16] =	wrdreg s4  }
0x2e: {  	s30 =	sadd.s32 s15, s29;
	s4 =	sadd.s32 $0x320, s31;
	s29 =	ssub.s32 s19, s8  }
0x2f: {  	[dreg:$0x19] =	wrdreg s26;
	s31 =	sshll.u32 s24, $0x4;
	s26 =	sadd.s32 s15, s25  }
0x30: {  	s25 =	ssub.s32 s17, s8;
	s19 =	sshll.u32 s19, $0x4;
	[dreg:$0x17] =	wrdreg s30  }
0x31: {  	[dreg:$0x18] =	wrdreg s4;
	s30 =	sadd.s32 $0x320, s29;
	s3 =	sadd.s32 s15, s31  }
0x32: {  	s4 =	ssub.s32 s7, s8;
	s29 =	ssub.s32 s6, s8;
	[dreg:$0x1d] =	wrdreg s26  }
0x33: {  	s31 =	sshll.u32 s22, $0x4;
	s26 =	sadd.s32 $0x320, s25;
	[dreg:$0x1a] =	wrdreg s30  }
0x34: {  	s25 =	ssub.s32 s10, s8;
	[dreg:$0x1b] =	wrdreg s3;
	s24 =	sadd.s32 $0x320, s4  }
0x35: {  	s30 =	sadd.s32 $0x320, s29;
	s3 =	sadd.s32 s15, s31;
	[smem:$0x7F3] =	sst s26  }
0x36: {  	s4 =	ssub.s32 s14, s8;
	s29 =	sshll.u32 s20, $0x4;
	[dreg:$0x1c] =	wrdreg s24  }
0x37: {  	s31 =	ssub.s32 s5, s8;
	s20 =	sadd.s32 s15, s19;
	[dreg:$0x1e] =	wrdreg s30  }
0x38: {  	s26 =	sadd.s32 $0x320, s25;
	s19 =	sshll.u32 s5, $0x4;
	[dreg:$0x1f] =	wrdreg s3  }
0x39: {  	s25 =	sshll.u32 s13, $0x4;
	s22 =	sadd.s32 $0x320, s4;
	[smem:$0x7F6] =	sst s20  }
0x3a: {  	s24 =	sadd.s32 s15, s23;
	s30 =	sadd.s32 s15, s29;
	[smem:$0x7F9] =	sst s26  }
0x3b: {  	s4 =	sadd.s32 $0x320, s31;
	s23 =	sshll.u32 s7, $0x4;
	[smem:$0x7F1] =	sst s22  }
0x3c: {  	s29 =	sshll.u32 s6, $0x4;
	s31 =	ssub.s32 s11, s8;
	[smem:$0x7F2] =	sst s24  }
0x3d: {  	s7 =	ssub.s32 s12, s8;
	s20 =	ssub.s32 s16, s8;
	[smem:$0x7F4] =	sst s30  }
0x3e: {  	s12 =	sshll.u32 s12, $0x4;
	s26 =	sshll.u32 s16, $0x4;
	[smem:$0x7F5] =	sst s4  }
0x3f: {  	s22 =	sadd.s32 $0x320, s21;
	s24 =	sadd.s32 s15, s23;
	s30 =	sadd.s32 s15, s29  }
0x40: {  	s3 =	sadd.s32 $0x320, s31;
	s4 =	sshll.u32 s14, $0x4;
	s14 =	sshll.u32 s17, $0x4  }
0x41: {  	s17 =	ssub.s32 s13, s8;
	s21 =	sshll.u32 s9, $0x4;
	[smem:$0x7F7] =	sst s22  }
0x42: {  	s23 =	sshll.u32 s10, $0x4;
	s12 =	sadd.s32 s15, s12;
	[smem:$0x7F8] =	sst s24  }
0x43: {  	s13 =	sadd.s32 s15, s25;
	s29 =	sshll.u32 s18, $0x4;
	[smem:$0x7FA] =	sst s30  }
0x44: {  	s31 =	stileid.u32;
	s25 =	simm.s32 $0x14FA0;
	[smem:$0x7FB] =	sst s3  }
0x45: {  	s6 =	sadd.s32 s15, s4;
	s3 =	sadd.s32 $0x320, s7;
	s4 =	sadd.s32 s15, s14  }
0x46: {  	s5 =	sadd.s32 $0x320, s17;
	s7 =	sadd.s32 $0x320, s20;
	s22 =	ssub.s32 s18, s8  }
0x47: {  	s8 =	sadd.s32 s15, s21;
	s10 =	sadd.s32 s15, s23;
	s24 =	sshll.u32 s11, $0x4  }
0x48: {  	s14 =	sadd.s32 s15, s26;
	s30 =	sld [smem:$0x7FD];
	p0 =	sne.s32 s31, $0x0  }
0x49: {  	s17 =	simm.s32 $0x320;
	s18 =	simm.s32 $0x3;
	s20 =	simm.s32 $0xFA0  }
0x4a: {  	s21 =	simm.s32 $0x4FA0;
	s23 =	simm.s32 $0xCFA0;
	s26 =	simm.s32 $0x1  }
0x4b: {  	[smem:$0x7FC] =	sst s6;
	s6 =	sadd.s32 s15, s19;
	s9 =	sadd.s32 $0x320, s22  }
0x4c: {  	s11 =	sadd.s32 s15, s24;
	s15 =	sadd.s32 s15, s29;
	s19 =	simm.s32 $0x80  }
0x4d: {  	s22 =	simm.s32 $0x8FA0;
	s24 =	simm.s32 $0x10FA0;
	s16 =	smax.u32 s30, $0x1  }
.LBB2_1:
0x4e: {  	s0 =	rddreg [dreg:$0x5];
	s29 =	sshrl.u32 @!p0 s1, $0x3;
	s30 =	simm.s32 @!p0 $0x1C03  }
0x4f: {  	[spmem:s29], [sflag:s30] =	dma.local @!p0 [hbm:s0], $0x640  }
0x50: {  	s0 =	simm.s32 @!p0 $0x3  }
0x51: {  	_ =	swait.ge @!p0 [sflag:s0], $0x640  }
0x52: {  	[sflag:s0] =	ssyncset.done @!p0 $0x0  }
0x53: {  	s30 =	rddreg [dreg:$0x6];
	[sflag:s0] =	ssyncadd.s32 @!p0 $0xFFFFF9C0  }
0x54: {  	[tilespmem:s17], [sflag:$0x3] =	stream.linear.gather [hbm4b:s30+s2], $0xC40, $0x38;
	[tilespmem:$0x18FA0] =	vst v63  }
0x55: {  	_ =	swait.ge [sflag:s18], $0xC40  }
0x56: {  	[sflag:s18] =	ssyncset.done $0x0  }
0x57: {  	[sflag:s18] =	ssyncadd.s32 $0xFFFFF3C0  }
0x58: {  	v0 =	vld [tilespmem:$0x320]  }
0x59: {  	v1 =	vld [tilespmem:$0x330]  }
0x5a: {  	v2 =	vld [tilespmem:$0x340]  }
0x5b: {  	v3 =	vld [tilespmem:$0x350]  }
0x5c: {  	v4 =	vld [tilespmem:$0x360]  }
0x5d: {  	v5 =	vld [tilespmem:$0x370];
	v0 =	vadd.s32 $0xFFFFFFFF, v0  }
0x5e: {  	v19 =	vld [tilespmem:$0x380];
	v18 =	vadd.s32 $0xFFFFFFFF, v1;
	[tilespmem:$0x320] =	vst v0  }
0x5f: {  	v21 =	vld [tilespmem:$0x390];
	v20 =	vadd.s32 $0xFFFFFFFF, v2;
	[tilespmem:$0x330] =	vst v18  }
0x60: {  	v23 =	vld [tilespmem:$0x3A0];
	v22 =	vadd.s32 $0xFFFFFFFF, v3;
	[tilespmem:$0x340] =	vst v20  }
0x61: {  	v25 =	vld [tilespmem:$0x3B0];
	v24 =	vadd.s32 $0xFFFFFFFF, v4;
	[tilespmem:$0x350] =	vst v22  }
0x62: {  	v27 =	vld [tilespmem:$0x3C0];
	v26 =	vadd.s32 $0xFFFFFFFF, v5;
	[tilespmem:$0x360] =	vst v24  }
0x63: {  	v29 =	vld [tilespmem:$0x3D0];
	v28 =	vadd.s32 $0xFFFFFFFF, v19;
	[tilespmem:$0x370] =	vst v26  }
0x64: {  	v31 =	vld [tilespmem:$0x3E0];
	v30 =	vadd.s32 $0xFFFFFFFF, v21;
	[tilespmem:$0x380] =	vst v28  }
0x65: {  	v33 =	vld [tilespmem:$0x3F0];
	v32 =	vadd.s32 $0xFFFFFFFF, v23;
	[tilespmem:$0x390] =	vst v30  }
0x66: {  	v35 =	vld [tilespmem:$0x400];
	v34 =	vadd.s32 $0xFFFFFFFF, v25;
	[tilespmem:$0x3A0] =	vst v32  }
0x67: {  	v37 =	vld [tilespmem:$0x410];
	v36 =	vadd.s32 $0xFFFFFFFF, v27;
	[tilespmem:$0x3B0] =	vst v34  }
0x68: {  	v39 =	vld [tilespmem:$0x420];
	v38 =	vadd.s32 $0xFFFFFFFF, v29;
	[tilespmem:$0x3C0] =	vst v36  }
0x69: {  	v41 =	vld [tilespmem:$0x430];
	v40 =	vadd.s32 $0xFFFFFFFF, v31;
	[tilespmem:$0x3D0] =	vst v38  }
0x6a: {  	v43 =	vld [tilespmem:$0x440];
	v42 =	vadd.s32 $0xFFFFFFFF, v33;
	[tilespmem:$0x3E0] =	vst v40  }
0x6b: {  	v45 =	vld [tilespmem:$0x450];
	v44 =	vadd.s32 $0xFFFFFFFF, v35;
	[tilespmem:$0x3F0] =	vst v42  }
0x6c: {  	v47 =	vld [tilespmem:$0x460];
	v46 =	vadd.s32 $0xFFFFFFFF, v37;
	[tilespmem:$0x400] =	vst v44  }
0x6d: {  	v49 =	vld [tilespmem:$0x470];
	v48 =	vadd.s32 $0xFFFFFFFF, v39;
	[tilespmem:$0x410] =	vst v46  }
0x6e: {  	v51 =	vld [tilespmem:$0x480];
	v50 =	vadd.s32 $0xFFFFFFFF, v41;
	[tilespmem:$0x420] =	vst v48  }
0x6f: {  	v53 =	vld [tilespmem:$0x490];
	v52 =	vadd.s32 $0xFFFFFFFF, v43;
	[tilespmem:$0x430] =	vst v50  }
0x70: {  	v55 =	vld [tilespmem:$0x4A0];
	v54 =	vadd.s32 $0xFFFFFFFF, v45;
	[tilespmem:$0x440] =	vst v52  }
0x71: {  	v57 =	vld [tilespmem:$0x4B0];
	v56 =	vadd.s32 $0xFFFFFFFF, v47;
	[tilespmem:$0x450] =	vst v54  }
0x72: {  	v59 =	vld [tilespmem:$0x4C0];
	v58 =	vadd.s32 $0xFFFFFFFF, v49;
	[tilespmem:$0x460] =	vst v56  }
0x73: {  	v61 =	vld [tilespmem:$0x4D0];
	v60 =	vadd.s32 $0xFFFFFFFF, v51;
	[tilespmem:$0x470] =	vst v58  }
0x74: {  	v63 =	vld [tilespmem:$0x4E0];
	v62 =	vadd.s32 $0xFFFFFFFF, v53;
	[tilespmem:$0x480] =	vst v60  }
0x75: {  	v9 =	vld [tilespmem:$0x4F0];
	v8 =	vadd.s32 $0xFFFFFFFF, v55;
	[tilespmem:$0x490] =	vst v62  }
0x76: {  	v11 =	vld [tilespmem:$0x500];
	v10 =	vadd.s32 $0xFFFFFFFF, v57;
	[tilespmem:$0x4A0] =	vst v8  }
0x77: {  	v13 =	vld [tilespmem:$0x510];
	v12 =	vadd.s32 $0xFFFFFFFF, v59;
	[tilespmem:$0x4B0] =	vst v10  }
0x78: {  	v15 =	vld [tilespmem:$0x520];
	v14 =	vadd.s32 $0xFFFFFFFF, v61;
	[tilespmem:$0x4C0] =	vst v12  }
0x79: {  	v17 =	vld [tilespmem:$0x530];
	v16 =	vadd.s32 $0xFFFFFFFF, v63;
	[tilespmem:$0x4D0] =	vst v14  }
0x7a: {  	v19 =	vld [tilespmem:$0x540];
	[tilespmem:$0x4E0] =	vst v16;
	v18 =	vadd.s32 $0xFFFFFFFF, v9  }
0x7b: {  	v21 =	vld [tilespmem:$0x550];
	v20 =	vadd.s32 $0xFFFFFFFF, v11;
	[tilespmem:$0x4F0] =	vst v18  }
0x7c: {  	v23 =	vld [tilespmem:$0x560];
	v22 =	vadd.s32 $0xFFFFFFFF, v13;
	[tilespmem:$0x500] =	vst v20  }
0x7d: {  	v25 =	vld [tilespmem:$0x570];
	v24 =	vadd.s32 $0xFFFFFFFF, v15;
	[tilespmem:$0x510] =	vst v22  }
0x7e: {  	v27 =	vld [tilespmem:$0x580];
	v26 =	vadd.s32 $0xFFFFFFFF, v17;
	[tilespmem:$0x520] =	vst v24  }
0x7f: {  	v29 =	vld [tilespmem:$0x590];
	[tilespmem:$0x530] =	vst v26;
	v28 =	vadd.s32 $0xFFFFFFFF, v19  }
0x80: {  	v30 =	vadd.s32 $0xFFFFFFFF, v21;
	[tilespmem:$0x540] =	vst v28  }
0x81: {  	v31 =	vadd.s32 $0xFFFFFFFF, v23;
	[tilespmem:$0x550] =	vst v30  }
0x82: {  	v32 =	vadd.s32 $0xFFFFFFFF, v25;
	[tilespmem:$0x560] =	vst v31  }
0x83: {  	v33 =	vadd.s32 $0xFFFFFFFF, v27;
	[tilespmem:$0x570] =	vst v32  }
0x84: {  	v34 =	vadd.s32 $0xFFFFFFFF, v29;
	[tilespmem:$0x580] =	vst v33  }
0x85: {  	[tilespmem:$0x590] =	vst v34  }
0x86: {  	v0 =	vld [tilespmem:$0x5A0]  }
0x87: {  	v35 =	vld [tilespmem:$0x5B0]  }
0x88: {  	v36 =	vld [tilespmem:$0x5C0]  }
0x89: {  	v37 =	vld [tilespmem:$0x5D0]  }
0x8a: {  	v38 =	vld [tilespmem:$0x5E0]  }
0x8b: {  	v39 =	vld [tilespmem:$0x5F0];
	v0 =	vadd.s32 $0xFFFFFFFF, v0  }
0x8c: {  	v41 =	vld [tilespmem:$0x600];
	v40 =	vadd.s32 $0xFFFFFFFF, v35;
	[tilespmem:$0x5A0] =	vst v0  }
0x8d: {  	v43 =	vld [tilespmem:$0x610];
	v42 =	vadd.s32 $0xFFFFFFFF, v36;
	[tilespmem:$0x5B0] =	vst v40  }
0x8e: {  	v45 =	vld [tilespmem:$0x620];
	v44 =	vadd.s32 $0xFFFFFFFF, v37;
	[tilespmem:$0x5C0] =	vst v42  }
0x8f: {  	v47 =	vld [tilespmem:$0x630];
	v46 =	vadd.s32 $0xFFFFFFFF, v38;
	[tilespmem:$0x5D0] =	vst v44  }
0x90: {  	v49 =	vld [tilespmem:$0x640];
	v48 =	vadd.s32 $0xFFFFFFFF, v39;
	[tilespmem:$0x5E0] =	vst v46  }
0x91: {  	v51 =	vld [tilespmem:$0x650];
	v50 =	vadd.s32 $0xFFFFFFFF, v41;
	[tilespmem:$0x5F0] =	vst v48  }
0x92: {  	v53 =	vld [tilespmem:$0x660];
	v52 =	vadd.s32 $0xFFFFFFFF, v43;
	[tilespmem:$0x600] =	vst v50  }
0x93: {  	v55 =	vld [tilespmem:$0x670];
	v54 =	vadd.s32 $0xFFFFFFFF, v45;
	[tilespmem:$0x610] =	vst v52  }
0x94: {  	v57 =	vld [tilespmem:$0x680];
	v56 =	vadd.s32 $0xFFFFFFFF, v47;
	[tilespmem:$0x620] =	vst v54  }
0x95: {  	v59 =	vld [tilespmem:$0x690];
	v58 =	vadd.s32 $0xFFFFFFFF, v49;
	[tilespmem:$0x630] =	vst v56  }
0x96: {  	v61 =	vld [tilespmem:$0x6A0];
	v60 =	vadd.s32 $0xFFFFFFFF, v51;
	[tilespmem:$0x640] =	vst v58  }
0x97: {  	v63 =	vld [tilespmem:$0x6B0];
	v62 =	vadd.s32 $0xFFFFFFFF, v53;
	[tilespmem:$0x650] =	vst v60  }
0x98: {  	v9 =	vld [tilespmem:$0x6C0];
	v8 =	vadd.s32 $0xFFFFFFFF, v55;
	[tilespmem:$0x660] =	vst v62  }
0x99: {  	v11 =	vld [tilespmem:$0x6D0];
	v10 =	vadd.s32 $0xFFFFFFFF, v57;
	[tilespmem:$0x670] =	vst v8  }
0x9a: {  	v13 =	vld [tilespmem:$0x6E0];
	v12 =	vadd.s32 $0xFFFFFFFF, v59;
	[tilespmem:$0x680] =	vst v10  }
0x9b: {  	v15 =	vld [tilespmem:$0x6F0];
	v14 =	vadd.s32 $0xFFFFFFFF, v61;
	[tilespmem:$0x690] =	vst v12  }
0x9c: {  	v17 =	vld [tilespmem:$0x700];
	v16 =	vadd.s32 $0xFFFFFFFF, v63;
	[tilespmem:$0x6A0] =	vst v14  }
0x9d: {  	v19 =	vld [tilespmem:$0x710];
	v18 =	vadd.s32 $0xFFFFFFFF, v9;
	[tilespmem:$0x6B0] =	vst v16  }
0x9e: {  	v21 =	vld [tilespmem:$0x720];
	v20 =	vadd.s32 $0xFFFFFFFF, v11;
	[tilespmem:$0x6C0] =	vst v18  }
0x9f: {  	v23 =	vld [tilespmem:$0x730];
	v22 =	vadd.s32 $0xFFFFFFFF, v13;
	[tilespmem:$0x6D0] =	vst v20  }
0xa0: {  	v25 =	vld [tilespmem:$0x740];
	v24 =	vadd.s32 $0xFFFFFFFF, v15;
	[tilespmem:$0x6E0] =	vst v22  }
0xa1: {  	v27 =	vld [tilespmem:$0x750];
	v26 =	vadd.s32 $0xFFFFFFFF, v17;
	[tilespmem:$0x6F0] =	vst v24  }
0xa2: {  	v29 =	vld [tilespmem:$0x760];
	v28 =	vadd.s32 $0xFFFFFFFF, v19;
	[tilespmem:$0x700] =	vst v26  }
0xa3: {  	v31 =	vld [tilespmem:$0x770];
	v30 =	vadd.s32 $0xFFFFFFFF, v21;
	[tilespmem:$0x710] =	vst v28  }
0xa4: {  	v33 =	vld [tilespmem:$0x780];
	v32 =	vadd.s32 $0xFFFFFFFF, v23;
	[tilespmem:$0x720] =	vst v30  }
0xa5: {  	v34 =	vadd.s32 $0xFFFFFFFF, v25;
	v35 =	vld [tilespmem:$0x790];
	[tilespmem:$0x730] =	vst v32  }
0xa6: {  	v36 =	vadd.s32 $0xFFFFFFFF, v27;
	v37 =	vld [tilespmem:$0x7A0];
	[tilespmem:$0x740] =	vst v34  }
0xa7: {  	v38 =	vadd.s32 $0xFFFFFFFF, v29;
	v39 =	vld [tilespmem:$0x7B0];
	[tilespmem:$0x750] =	vst v36  }
0xa8: {  	v41 =	vld [tilespmem:$0x7C0];
	[tilespmem:$0x760] =	vst v38;
	v40 =	vadd.s32 $0xFFFFFFFF, v31  }
0xa9: {  	v43 =	vld [tilespmem:$0x7D0];
	v42 =	vadd.s32 $0xFFFFFFFF, v33;
	[tilespmem:$0x770] =	vst v40  }
0xaa: {  	v45 =	vld [tilespmem:$0x7E0];
	[tilespmem:$0x780] =	vst v42;
	v44 =	vadd.s32 $0xFFFFFFFF, v35  }
0xab: {  	v47 =	vld [tilespmem:$0x7F0];
	v46 =	vadd.s32 $0xFFFFFFFF, v37;
	[tilespmem:$0x790] =	vst v44  }
0xac: {  	v49 =	vld [tilespmem:$0x800];
	v48 =	vadd.s32 $0xFFFFFFFF, v39;
	[tilespmem:$0x7A0] =	vst v46  }
0xad: {  	v51 =	vld [tilespmem:$0x810];
	v50 =	vadd.s32 $0xFFFFFFFF, v41;
	[tilespmem:$0x7B0] =	vst v48  }
0xae: {  	v53 =	vld [tilespmem:$0x820];
	v52 =	vadd.s32 $0xFFFFFFFF, v43;
	[tilespmem:$0x7C0] =	vst v50  }
0xaf: {  	v55 =	vld [tilespmem:$0x830];
	v54 =	vadd.s32 $0xFFFFFFFF, v45;
	[tilespmem:$0x7D0] =	vst v52  }
0xb0: {  	v57 =	vld [tilespmem:$0x840];
	v56 =	vadd.s32 $0xFFFFFFFF, v47;
	[tilespmem:$0x7E0] =	vst v54  }
0xb1: {  	v59 =	vld [tilespmem:$0x850];
	v58 =	vadd.s32 $0xFFFFFFFF, v49;
	[tilespmem:$0x7F0] =	vst v56  }
0xb2: {  	v61 =	vld [tilespmem:$0x860];
	v60 =	vadd.s32 $0xFFFFFFFF, v51;
	[tilespmem:$0x800] =	vst v58  }
0xb3: {  	v63 =	vld [tilespmem:$0x870];
	v62 =	vadd.s32 $0xFFFFFFFF, v53;
	[tilespmem:$0x810] =	vst v60  }
0xb4: {  	v9 =	vld [tilespmem:$0x880];
	v8 =	vadd.s32 $0xFFFFFFFF, v55;
	[tilespmem:$0x820] =	vst v62  }
0xb5: {  	v11 =	vld [tilespmem:$0x890];
	v10 =	vadd.s32 $0xFFFFFFFF, v57;
	[tilespmem:$0x830] =	vst v8  }
0xb6: {  	v13 =	vld [tilespmem:$0x8A0];
	v12 =	vadd.s32 $0xFFFFFFFF, v59;
	[tilespmem:$0x840] =	vst v10  }
0xb7: {  	v15 =	vld [tilespmem:$0x8B0];
	v14 =	vadd.s32 $0xFFFFFFFF, v61;
	[tilespmem:$0x850] =	vst v12  }
0xb8: {  	v17 =	vld [tilespmem:$0x8C0];
	v16 =	vadd.s32 $0xFFFFFFFF, v63;
	[tilespmem:$0x860] =	vst v14  }
0xb9: {  	v19 =	vld [tilespmem:$0x8D0];
	v18 =	vadd.s32 $0xFFFFFFFF, v9;
	[tilespmem:$0x870] =	vst v16  }
0xba: {  	v21 =	vld [tilespmem:$0x8E0];
	v20 =	vadd.s32 $0xFFFFFFFF, v11;
	[tilespmem:$0x880] =	vst v18  }
0xbb: {  	v23 =	vld [tilespmem:$0x8F0];
	v22 =	vadd.s32 $0xFFFFFFFF, v13;
	[tilespmem:$0x890] =	vst v20  }
0xbc: {  	v25 =	vld [tilespmem:$0x900];
	v24 =	vadd.s32 $0xFFFFFFFF, v15;
	[tilespmem:$0x8A0] =	vst v22  }
0xbd: {  	v27 =	vld [tilespmem:$0x910];
	v26 =	vadd.s32 $0xFFFFFFFF, v17;
	[tilespmem:$0x8B0] =	vst v24  }
0xbe: {  	v29 =	vld [tilespmem:$0x920];
	v28 =	vadd.s32 $0xFFFFFFFF, v19;
	[tilespmem:$0x8C0] =	vst v26  }
0xbf: {  	v31 =	vld [tilespmem:$0x930];
	v30 =	vadd.s32 $0xFFFFFFFF, v21;
	[tilespmem:$0x8D0] =	vst v28  }
0xc0: {  	v33 =	vld [tilespmem:$0x940];
	v32 =	vadd.s32 $0xFFFFFFFF, v23;
	[tilespmem:$0x8E0] =	vst v30  }
0xc1: {  	v34 =	vadd.s32 $0xFFFFFFFF, v25;
	v35 =	vld [tilespmem:$0x950];
	[tilespmem:$0x8F0] =	vst v32  }
0xc2: {  	v36 =	vadd.s32 $0xFFFFFFFF, v27;
	v37 =	vld [tilespmem:$0x960];
	[tilespmem:$0x900] =	vst v34  }
0xc3: {  	v38 =	vadd.s32 $0xFFFFFFFF, v29;
	v39 =	vld [tilespmem:$0x970];
	[tilespmem:$0x910] =	vst v36  }
0xc4: {  	v41 =	vld [tilespmem:$0x980];
	[tilespmem:$0x920] =	vst v38;
	v40 =	vadd.s32 $0xFFFFFFFF, v31  }
0xc5: {  	v43 =	vld [tilespmem:$0x990];
	v42 =	vadd.s32 $0xFFFFFFFF, v33;
	[tilespmem:$0x930] =	vst v40  }
0xc6: {  	v45 =	vld [tilespmem:$0x9A0];
	[tilespmem:$0x940] =	vst v42;
	v44 =	vadd.s32 $0xFFFFFFFF, v35  }
0xc7: {  	v47 =	vld [tilespmem:$0x9B0];
	v46 =	vadd.s32 $0xFFFFFFFF, v37;
	[tilespmem:$0x950] =	vst v44  }
0xc8: {  	v49 =	vld [tilespmem:$0x9C0];
	v48 =	vadd.s32 $0xFFFFFFFF, v39;
	[tilespmem:$0x960] =	vst v46  }
0xc9: {  	v51 =	vld [tilespmem:$0x9D0];
	v50 =	vadd.s32 $0xFFFFFFFF, v41;
	[tilespmem:$0x970] =	vst v48  }
0xca: {  	v53 =	vld [tilespmem:$0x9E0];
	v52 =	vadd.s32 $0xFFFFFFFF, v43;
	[tilespmem:$0x980] =	vst v50  }
0xcb: {  	v55 =	vld [tilespmem:$0x9F0];
	v54 =	vadd.s32 $0xFFFFFFFF, v45;
	[tilespmem:$0x990] =	vst v52  }
0xcc: {  	v57 =	vld [tilespmem:$0xA00];
	v56 =	vadd.s32 $0xFFFFFFFF, v47;
	[tilespmem:$0x9A0] =	vst v54  }
0xcd: {  	v59 =	vld [tilespmem:$0xA10];
	v58 =	vadd.s32 $0xFFFFFFFF, v49;
	[tilespmem:$0x9B0] =	vst v56  }
0xce: {  	v61 =	vld [tilespmem:$0xA20];
	v60 =	vadd.s32 $0xFFFFFFFF, v51;
	[tilespmem:$0x9C0] =	vst v58  }
0xcf: {  	v63 =	vld [tilespmem:$0xA30];
	v62 =	vadd.s32 $0xFFFFFFFF, v53;
	[tilespmem:$0x9D0] =	vst v60  }
0xd0: {  	v9 =	vld [tilespmem:$0xA40];
	v8 =	vadd.s32 $0xFFFFFFFF, v55;
	[tilespmem:$0x9E0] =	vst v62  }
0xd1: {  	v11 =	vld [tilespmem:$0xA50];
	v10 =	vadd.s32 $0xFFFFFFFF, v57;
	[tilespmem:$0x9F0] =	vst v8  }
0xd2: {  	v13 =	vld [tilespmem:$0xA60];
	v12 =	vadd.s32 $0xFFFFFFFF, v59;
	[tilespmem:$0xA00] =	vst v10  }
0xd3: {  	v15 =	vld [tilespmem:$0xA70];
	v14 =	vadd.s32 $0xFFFFFFFF, v61;
	[tilespmem:$0xA10] =	vst v12  }
0xd4: {  	v17 =	vld [tilespmem:$0xA80];
	v16 =	vadd.s32 $0xFFFFFFFF, v63;
	[tilespmem:$0xA20] =	vst v14  }
0xd5: {  	v19 =	vld [tilespmem:$0xA90];
	v18 =	vadd.s32 $0xFFFFFFFF, v9;
	[tilespmem:$0xA30] =	vst v16  }
0xd6: {  	v21 =	vld [tilespmem:$0xAA0];
	v20 =	vadd.s32 $0xFFFFFFFF, v11;
	[tilespmem:$0xA40] =	vst v18  }
0xd7: {  	v23 =	vld [tilespmem:$0xAB0];
	v22 =	vadd.s32 $0xFFFFFFFF, v13;
	[tilespmem:$0xA50] =	vst v20  }
0xd8: {  	v25 =	vld [tilespmem:$0xAC0];
	v24 =	vadd.s32 $0xFFFFFFFF, v15;
	[tilespmem:$0xA60] =	vst v22  }
0xd9: {  	v27 =	vld [tilespmem:$0xAD0];
	v26 =	vadd.s32 $0xFFFFFFFF, v17;
	[tilespmem:$0xA70] =	vst v24  }
0xda: {  	v29 =	vld [tilespmem:$0xAE0];
	v28 =	vadd.s32 $0xFFFFFFFF, v19;
	[tilespmem:$0xA80] =	vst v26  }
0xdb: {  	v31 =	vld [tilespmem:$0xAF0];
	v30 =	vadd.s32 $0xFFFFFFFF, v21;
	[tilespmem:$0xA90] =	vst v28  }
0xdc: {  	v33 =	vld [tilespmem:$0xB00];
	v32 =	vadd.s32 $0xFFFFFFFF, v23;
	[tilespmem:$0xAA0] =	vst v30  }
0xdd: {  	v34 =	vadd.s32 $0xFFFFFFFF, v25;
	v35 =	vld [tilespmem:$0xB10];
	[tilespmem:$0xAB0] =	vst v32  }
0xde: {  	v36 =	vadd.s32 $0xFFFFFFFF, v27;
	v37 =	vld [tilespmem:$0xB20];
	[tilespmem:$0xAC0] =	vst v34  }
0xdf: {  	v38 =	vadd.s32 $0xFFFFFFFF, v29;
	v39 =	vld [tilespmem:$0xB30];
	[tilespmem:$0xAD0] =	vst v36  }
0xe0: {  	v41 =	vld [tilespmem:$0xB40];
	[tilespmem:$0xAE0] =	vst v38;
	v40 =	vadd.s32 $0xFFFFFFFF, v31  }
0xe1: {  	v43 =	vld [tilespmem:$0xB50];
	v42 =	vadd.s32 $0xFFFFFFFF, v33;
	[tilespmem:$0xAF0] =	vst v40  }
0xe2: {  	v45 =	vld [tilespmem:$0xB60];
	[tilespmem:$0xB00] =	vst v42;
	v44 =	vadd.s32 $0xFFFFFFFF, v35  }
0xe3: {  	v47 =	vld [tilespmem:$0xB70];
	v46 =	vadd.s32 $0xFFFFFFFF, v37;
	[tilespmem:$0xB10] =	vst v44  }
0xe4: {  	v49 =	vld [tilespmem:$0xB80];
	v48 =	vadd.s32 $0xFFFFFFFF, v39;
	[tilespmem:$0xB20] =	vst v46  }
0xe5: {  	v51 =	vld [tilespmem:$0xB90];
	v50 =	vadd.s32 $0xFFFFFFFF, v41;
	[tilespmem:$0xB30] =	vst v48  }
0xe6: {  	v53 =	vld [tilespmem:$0xBA0];
	v52 =	vadd.s32 $0xFFFFFFFF, v43;
	[tilespmem:$0xB40] =	vst v50  }
0xe7: {  	v55 =	vld [tilespmem:$0xBB0];
	v54 =	vadd.s32 $0xFFFFFFFF, v45;
	[tilespmem:$0xB50] =	vst v52  }
0xe8: {  	v57 =	vld [tilespmem:$0xBC0];
	v56 =	vadd.s32 $0xFFFFFFFF, v47;
	[tilespmem:$0xB60] =	vst v54  }
0xe9: {  	v59 =	vld [tilespmem:$0xBD0];
	v58 =	vadd.s32 $0xFFFFFFFF, v49;
	[tilespmem:$0xB70] =	vst v56  }
0xea: {  	v61 =	vld [tilespmem:$0xBE0];
	v60 =	vadd.s32 $0xFFFFFFFF, v51;
	[tilespmem:$0xB80] =	vst v58  }
0xeb: {  	v63 =	vld [tilespmem:$0xBF0];
	v62 =	vadd.s32 $0xFFFFFFFF, v53;
	[tilespmem:$0xB90] =	vst v60  }
0xec: {  	v8 =	vld [tilespmem:$0xC00];
	v7 =	vadd.s32 $0xFFFFFFFF, v55;
	[tilespmem:$0xBA0] =	vst v62  }
0xed: {  	v10 =	vld [tilespmem:$0xC10];
	v9 =	vadd.s32 $0xFFFFFFFF, v57;
	[tilespmem:$0xBB0] =	vst v7  }
0xee: {  	v12 =	vld [tilespmem:$0xC20];
	v11 =	vadd.s32 $0xFFFFFFFF, v59;
	[tilespmem:$0xBC0] =	vst v9  }
0xef: {  	v14 =	vld [tilespmem:$0xC30];
	v13 =	vadd.s32 $0xFFFFFFFF, v61;
	[tilespmem:$0xBD0] =	vst v11  }
0xf0: {  	v16 =	vld [tilespmem:$0xC40];
	v15 =	vadd.s32 $0xFFFFFFFF, v63;
	[tilespmem:$0xBE0] =	vst v13  }
0xf1: {  	v18 =	vld [tilespmem:$0xC50];
	[tilespmem:$0xBF0] =	vst v15;
	v17 =	vadd.s32 $0xFFFFFFFF, v8  }
0xf2: {  	v20 =	vld [tilespmem:$0xC60];
	v19 =	vadd.s32 $0xFFFFFFFF, v10;
	[tilespmem:$0xC00] =	vst v17  }
0xf3: {  	v22 =	vld [tilespmem:$0xC70];
	v21 =	vadd.s32 $0xFFFFFFFF, v12;
	[tilespmem:$0xC10] =	vst v19  }
0xf4: {  	v24 =	vld [tilespmem:$0xC80];
	v23 =	vadd.s32 $0xFFFFFFFF, v14;
	[tilespmem:$0xC20] =	vst v21  }
0xf5: {  	v26 =	vld [tilespmem:$0xC90];
	v25 =	vadd.s32 $0xFFFFFFFF, v16;
	[tilespmem:$0xC30] =	vst v23  }
0xf6: {  	v28 =	vld [tilespmem:$0xCA0];
	v27 =	vadd.s32 $0xFFFFFFFF, v18;
	[tilespmem:$0xC40] =	vst v25  }
0xf7: {  	v30 =	vld [tilespmem:$0xCB0];
	v29 =	vadd.s32 $0xFFFFFFFF, v20;
	[tilespmem:$0xC50] =	vst v27  }
0xf8: {  	v32 =	vld [tilespmem:$0xCC0];
	v31 =	vadd.s32 $0xFFFFFFFF, v22;
	[tilespmem:$0xC60] =	vst v29  }
0xf9: {  	v34 =	vld [tilespmem:$0xCD0];
	v33 =	vadd.s32 $0xFFFFFFFF, v24;
	[tilespmem:$0xC70] =	vst v31  }
0xfa: {  	v36 =	vld [tilespmem:$0xCE0];
	v35 =	vadd.s32 $0xFFFFFFFF, v26;
	[tilespmem:$0xC80] =	vst v33  }
0xfb: {  	v38 =	vld [tilespmem:$0xCF0];
	v37 =	vadd.s32 $0xFFFFFFFF, v28;
	[tilespmem:$0xC90] =	vst v35  }
0xfc: {  	v40 =	vld [tilespmem:$0xD00];
	v39 =	vadd.s32 $0xFFFFFFFF, v30;
	[tilespmem:$0xCA0] =	vst v37  }
0xfd: {  	v42 =	vld [tilespmem:$0xD10];
	v41 =	vadd.s32 $0xFFFFFFFF, v32;
	[tilespmem:$0xCB0] =	vst v39  }
0xfe: {  	v43 =	vadd.s32 $0xFFFFFFFF, v34;
	v44 =	vld [tilespmem:$0xD20];
	[tilespmem:$0xCC0] =	vst v41  }
0xff: {  	v45 =	vadd.s32 $0xFFFFFFFF, v36;
	v46 =	vld [tilespmem:$0xD30];
	[tilespmem:$0xCD0] =	vst v43  }
0x100: {  	v47 =	vadd.s32 $0xFFFFFFFF, v38;
	v48 =	vld [tilespmem:$0xD40];
	[tilespmem:$0xCE0] =	vst v45  }
0x101: {  	v50 =	vld [tilespmem:$0xD50];
	[tilespmem:$0xCF0] =	vst v47;
	v49 =	vadd.s32 $0xFFFFFFFF, v40  }
0x102: {  	v52 =	vld [tilespmem:$0xD60];
	v51 =	vadd.s32 $0xFFFFFFFF, v42;
	[tilespmem:$0xD00] =	vst v49  }
0x103: {  	v54 =	vld [tilespmem:$0xD70];
	[tilespmem:$0xD10] =	vst v51;
	v53 =	vadd.s32 $0xFFFFFFFF, v44  }
0x104: {  	v56 =	vld [tilespmem:$0xD80];
	v55 =	vadd.s32 $0xFFFFFFFF, v46;
	[tilespmem:$0xD20] =	vst v53  }
0x105: {  	v58 =	vld [tilespmem:$0xD90];
	v57 =	vadd.s32 $0xFFFFFFFF, v48;
	[tilespmem:$0xD30] =	vst v55  }
0x106: {  	v60 =	vld [tilespmem:$0xDA0];
	v59 =	vadd.s32 $0xFFFFFFFF, v50;
	[tilespmem:$0xD40] =	vst v57  }
0x107: {  	v62 =	vld [tilespmem:$0xDB0];
	v61 =	vadd.s32 $0xFFFFFFFF, v52;
	[tilespmem:$0xD50] =	vst v59  }
0x108: {  	v8 =	vld [tilespmem:$0xDC0];
	v63 =	vadd.s32 $0xFFFFFFFF, v54;
	[tilespmem:$0xD60] =	vst v61  }
0x109: {  	v10 =	vld [tilespmem:$0xDD0];
	v9 =	vadd.s32 $0xFFFFFFFF, v56;
	[tilespmem:$0xD70] =	vst v63  }
0x10a: {  	v12 =	vld [tilespmem:$0xDE0];
	v11 =	vadd.s32 $0xFFFFFFFF, v58;
	[tilespmem:$0xD80] =	vst v9  }
0x10b: {  	v14 =	vld [tilespmem:$0xDF0];
	v13 =	vadd.s32 $0xFFFFFFFF, v60;
	[tilespmem:$0xD90] =	vst v11  }
0x10c: {  	v16 =	vld [tilespmem:$0xE00];
	v15 =	vadd.s32 $0xFFFFFFFF, v62;
	[tilespmem:$0xDA0] =	vst v13  }
0x10d: {  	v18 =	vld [tilespmem:$0xE10];
	v17 =	vadd.s32 $0xFFFFFFFF, v8;
	[tilespmem:$0xDB0] =	vst v15  }
0x10e: {  	v20 =	vld [tilespmem:$0xE20];
	v19 =	vadd.s32 $0xFFFFFFFF, v10;
	[tilespmem:$0xDC0] =	vst v17  }
0x10f: {  	v22 =	vld [tilespmem:$0xE30];
	v21 =	vadd.s32 $0xFFFFFFFF, v12;
	[tilespmem:$0xDD0] =	vst v19  }
0x110: {  	v24 =	vld [tilespmem:$0xE40];
	v23 =	vadd.s32 $0xFFFFFFFF, v14;
	[tilespmem:$0xDE0] =	vst v21  }
0x111: {  	v26 =	vld [tilespmem:$0xE50];
	v25 =	vadd.s32 $0xFFFFFFFF, v16;
	[tilespmem:$0xDF0] =	vst v23  }
0x112: {  	v28 =	vld [tilespmem:$0xE60];
	v27 =	vadd.s32 $0xFFFFFFFF, v18;
	[tilespmem:$0xE00] =	vst v25  }
0x113: {  	v30 =	vld [tilespmem:$0xE70];
	v29 =	vadd.s32 $0xFFFFFFFF, v20;
	[tilespmem:$0xE10] =	vst v27  }
0x114: {  	v32 =	vld [tilespmem:$0xE80];
	v31 =	vadd.s32 $0xFFFFFFFF, v22;
	[tilespmem:$0xE20] =	vst v29  }
0x115: {  	v34 =	vld [tilespmem:$0xE90];
	v33 =	vadd.s32 $0xFFFFFFFF, v24;
	[tilespmem:$0xE30] =	vst v31  }
0x116: {  	v36 =	vld [tilespmem:$0xEA0];
	v35 =	vadd.s32 $0xFFFFFFFF, v26;
	[tilespmem:$0xE40] =	vst v33  }
0x117: {  	v38 =	vld [tilespmem:$0xEB0];
	v37 =	vadd.s32 $0xFFFFFFFF, v28;
	[tilespmem:$0xE50] =	vst v35  }
0x118: {  	v40 =	vld [tilespmem:$0xEC0];
	v39 =	vadd.s32 $0xFFFFFFFF, v30;
	[tilespmem:$0xE60] =	vst v37  }
0x119: {  	v42 =	vld [tilespmem:$0xED0];
	v41 =	vadd.s32 $0xFFFFFFFF, v32;
	[tilespmem:$0xE70] =	vst v39  }
0x11a: {  	v43 =	vadd.s32 $0xFFFFFFFF, v34;
	v44 =	vld [tilespmem:$0xEE0];
	[tilespmem:$0xE80] =	vst v41  }
0x11b: {  	v45 =	vadd.s32 $0xFFFFFFFF, v36;
	v46 =	vld [tilespmem:$0xEF0];
	[tilespmem:$0xE90] =	vst v43  }
0x11c: {  	v47 =	vadd.s32 $0xFFFFFFFF, v38;
	v48 =	vld [tilespmem:$0xF00];
	[tilespmem:$0xEA0] =	vst v45  }
0x11d: {  	v50 =	vld [tilespmem:$0xF10];
	[tilespmem:$0xEB0] =	vst v47;
	v49 =	vadd.s32 $0xFFFFFFFF, v40  }
0x11e: {  	v52 =	vld [tilespmem:$0xF20];
	v51 =	vadd.s32 $0xFFFFFFFF, v42;
	[tilespmem:$0xEC0] =	vst v49  }
0x11f: {  	v54 =	vld [tilespmem:$0xF30];
	[tilespmem:$0xED0] =	vst v51;
	v53 =	vadd.s32 $0xFFFFFFFF, v44  }
0x120: {  	v56 =	vld [tilespmem:$0xF40];
	v55 =	vadd.s32 $0xFFFFFFFF, v46;
	[tilespmem:$0xEE0] =	vst v53  }
0x121: {  	v58 =	vld [tilespmem:$0xF50];
	v57 =	vadd.s32 $0xFFFFFFFF, v48;
	[tilespmem:$0xEF0] =	vst v55  }
0x122: {  	v59 =	vadd.s32 $0xFFFFFFFF, v50;
	[tilespmem:$0xF00] =	vst v57  }
0x123: {  	v60 =	vadd.s32 $0xFFFFFFFF, v52;
	[tilespmem:$0xF10] =	vst v59  }
0x124: {  	v61 =	vadd.s32 $0xFFFFFFFF, v54;
	[tilespmem:$0xF20] =	vst v60  }
0x125: {  	v62 =	vadd.s32 $0xFFFFFFFF, v56;
	[tilespmem:$0xF30] =	vst v61  }
0x126: {  	v63 =	vadd.s32 $0xFFFFFFFF, v58;
	[tilespmem:$0xF40] =	vst v62  }
0x127: {  	[tilespmem:$0xF50] =	vst v63  }
0x128: {  	[bflag:$0x0] =	sbarrier.arrive $0xFFFF  }
0x129: {  	s31 =	rddreg [dreg:$0x7]  }
0x12a: {  	[tilespmem:s20], [sflag:$0x1] =	stream.indirect.gather [spmem:s1], $0x80, s31, s19, $0xb8;
	[tilespmem:$0x18FA0] =	vst v63  }
0x12b: {  	s30 =	rddreg [dreg:$0x8]  }
0x12c: {  	[tilespmem:s21], [sflag:$0x1] =	stream.indirect.gather [spmem:s1], $0x80, s30, s19, $0xb8;
	[tilespmem:$0x18FA0] =	vst v63  }
0x12d: {  	s31 =	rddreg [dreg:$0x9]  }
0x12e: {  	[tilespmem:s22], [sflag:$0x1] =	stream.indirect.gather [spmem:s1], $0x80, s31, s19, $0xb8;
	[tilespmem:$0x18FA0] =	vst v63  }
0x12f: {  	s30 =	rddreg [dreg:$0xa]  }
0x130: {  	[tilespmem:s23], [sflag:$0x1] =	stream.indirect.gather [spmem:s1], $0x80, s30, s19, $0xb8;
	[tilespmem:$0x18FA0] =	vst v63  }
0x131: {  	s31 =	rddreg [dreg:$0xb]  }
0x132: {  	[tilespmem:s24], [sflag:$0x1] =	stream.indirect.gather [spmem:s1], $0x80, s31, s19, $0xb8;
	[tilespmem:$0x18FA0] =	vst v63  }
0x133: {  	s30 =	rddreg [dreg:$0xc]  }
0x134: {  	[tilespmem:s25], [sflag:$0x1] =	stream.indirect.gather [spmem:s1], $0x80, s30, s19, $0xb8;
	[tilespmem:$0x18FA0] =	vst v63  }
0x135: {  	_ =	swait.ge [sflag:s26], $0x4000  }
0x136: {  	[sflag:s26] =	ssyncset.done $0x0  }
0x137: {  	s31 =	rddreg [dreg:$0xd];
	[sflag:s26] =	ssyncadd.s32 $0xFFFFC000  }
0x138: {  	[hbm4b:s31+s2] =	stream.linear.scatter [tilespmem:s20], [sflag:$0x2], $0x4000, $0x38;
	[tilespmem:$0x18FA0] =	vst v63  }
0x139: {  	_ =	swait.ge [sflag:s28], $0x4000  }
0x13a: {  	[sflag:s28] =	ssyncset.done $0x0  }
0x13b: {  	s29 =	rddreg [dreg:$0xe];
	[sflag:s28] =	ssyncadd.s32 $0xFFFFC000  }
0x13c: {  	[tilespmem:s20], [sflag:$0x1] =	stream.indirect.gather [spmem:s1], $0x80, s29, s19, $0xb8;
	[tilespmem:$0x18FA0] =	vst v63  }
0x13d: {  	_ =	swait.ge [sflag:s26], $0x4000  }
0x13e: {  	[sflag:s26] =	ssyncset.done $0x0  }
0x13f: {  	s30 =	rddreg [dreg:$0xf];
	[sflag:s26] =	ssyncadd.s32 $0xFFFFC000  }
0x140: {  	[hbm4b:s30+s2] =	stream.linear.scatter [tilespmem:s21], [sflag:$0x2], $0x4000, $0x38;
	[tilespmem:$0x18FA0] =	vst v63  }
0x141: {  	_ =	swait.ge [sflag:s28], $0x4000  }
0x142: {  	[sflag:s28] =	ssyncset.done $0x0  }
0x143: {  	s31 =	rddreg [dreg:$0x10];
	[sflag:s28] =	ssyncadd.s32 $0xFFFFC000  }
0x144: {  	[tilespmem:s21], [sflag:$0x1] =	stream.indirect.gather [spmem:s1], $0x80, s31, s19, $0xb8;
	[tilespmem:$0x18FA0] =	vst v63  }
0x145: {  	_ =	swait.ge [sflag:s26], $0x4000  }
0x146: {  	[sflag:s26] =	ssyncset.done $0x0  }
0x147: {  	s29 =	rddreg [dreg:$0x11];
	[sflag:s26] =	ssyncadd.s32 $0xFFFFC000  }
0x148: {  	[hbm4b:s29+s2] =	stream.linear.scatter [tilespmem:s22], [sflag:$0x2], $0x4000, $0x38;
	[tilespmem:$0x18FA0] =	vst v63  }
0x149: {  	_ =	swait.ge [sflag:s28], $0x4000  }
0x14a: {  	[sflag:s28] =	ssyncset.done $0x0  }
0x14b: {  	s30 =	rddreg [dreg:$0x12];
	[sflag:s28] =	ssyncadd.s32 $0xFFFFC000  }
0x14c: {  	[tilespmem:s22], [sflag:$0x1] =	stream.indirect.gather [spmem:s1], $0x80, s30, s19, $0xb8;
	[tilespmem:$0x18FA0] =	vst v63  }
0x14d: {  	_ =	swait.ge [sflag:s26], $0x4000  }
0x14e: {  	[sflag:s26] =	ssyncset.done $0x0  }
0x14f: {  	s31 =	rddreg [dreg:$0x13];
	[sflag:s26] =	ssyncadd.s32 $0xFFFFC000  }
0x150: {  	[hbm4b:s31+s2] =	stream.linear.scatter [tilespmem:s23], [sflag:$0x2], $0x4000, $0x38;
	[tilespmem:$0x18FA0] =	vst v63  }
0x151: {  	_ =	swait.ge [sflag:s28], $0x4000  }
0x152: {  	[sflag:s28] =	ssyncset.done $0x0  }
0x153: {  	s29 =	rddreg [dreg:$0x14];
	[sflag:s28] =	ssyncadd.s32 $0xFFFFC000  }
0x154: {  	[tilespmem:s23], [sflag:$0x1] =	stream.indirect.gather [spmem:s1], $0x80, s29, s19, $0xb8;
	[tilespmem:$0x18FA0] =	vst v63  }
0x155: {  	_ =	swait.ge [sflag:s26], $0x4000  }
0x156: {  	[sflag:s26] =	ssyncset.done $0x0  }
0x157: {  	s30 =	rddreg [dreg:$0x15];
	[sflag:s26] =	ssyncadd.s32 $0xFFFFC000  }
0x158: {  	[hbm4b:s30+s2] =	stream.linear.scatter [tilespmem:s24], [sflag:$0x2], $0x4000, $0x38;
	[tilespmem:$0x18FA0] =	vst v63  }
0x159: {  	_ =	swait.ge [sflag:s28], $0x4000  }
0x15a: {  	[sflag:s28] =	ssyncset.done $0x0  }
0x15b: {  	s31 =	rddreg [dreg:$0x16];
	[sflag:s28] =	ssyncadd.s32 $0xFFFFC000  }
0x15c: {  	[tilespmem:s24], [sflag:$0x1] =	stream.indirect.gather [spmem:s1], $0x80, s31, s19, $0xb8;
	[tilespmem:$0x18FA0] =	vst v63  }
0x15d: {  	_ =	swait.ge [sflag:s26], $0x4000  }
0x15e: {  	[sflag:s26] =	ssyncset.done $0x0  }
0x15f: {  	s29 =	rddreg [dreg:$0x17];
	[sflag:s26] =	ssyncadd.s32 $0xFFFFC000  }
0x160: {  	[hbm4b:s29+s2] =	stream.linear.scatter [tilespmem:s25], [sflag:$0x2], $0x4000, $0x38;
	[tilespmem:$0x18FA0] =	vst v63  }
0x161: {  	_ =	swait.ge [sflag:s28], $0x4000  }
0x162: {  	[sflag:s28] =	ssyncset.done $0x0  }
0x163: {  	s30 =	rddreg [dreg:$0x18];
	[sflag:s28] =	ssyncadd.s32 $0xFFFFC000  }
0x164: {  	[tilespmem:s25], [sflag:$0x1] =	stream.indirect.gather [spmem:s1], $0x80, s30, s19, $0xb8;
	[tilespmem:$0x18FA0] =	vst v63  }
0x165: {  	_ =	swait.ge [sflag:s26], $0x4000  }
0x166: {  	[sflag:s26] =	ssyncset.done $0x0  }
0x167: {  	s31 =	rddreg [dreg:$0x19];
	[sflag:s26] =	ssyncadd.s32 $0xFFFFC000  }
0x168: {  	[hbm4b:s31+s2] =	stream.linear.scatter [tilespmem:s20], [sflag:$0x2], $0x4000, $0x38;
	[tilespmem:$0x18FA0] =	vst v63  }
0x169: {  	_ =	swait.ge [sflag:s28], $0x4000  }
0x16a: {  	[sflag:s28] =	ssyncset.done $0x0  }
0x16b: {  	s29 =	rddreg [dreg:$0x1a];
	[sflag:s28] =	ssyncadd.s32 $0xFFFFC000  }
0x16c: {  	[tilespmem:s20], [sflag:$0x1] =	stream.indirect.gather [spmem:s1], $0x80, s29, s19, $0xb8;
	[tilespmem:$0x18FA0] =	vst v63  }
0x16d: {  	_ =	swait.ge [sflag:s26], $0x4000  }
0x16e: {  	[sflag:s26] =	ssyncset.done $0x0  }
0x16f: {  	s30 =	rddreg [dreg:$0x1b];
	[sflag:s26] =	ssyncadd.s32 $0xFFFFC000  }
0x170: {  	[hbm4b:s30+s2] =	stream.linear.scatter [tilespmem:s21], [sflag:$0x2], $0x4000, $0x38;
	[tilespmem:$0x18FA0] =	vst v63  }
0x171: {  	_ =	swait.ge [sflag:s28], $0x4000  }
0x172: {  	[sflag:s28] =	ssyncset.done $0x0  }
0x173: {  	s31 =	rddreg [dreg:$0x1c];
	[sflag:s28] =	ssyncadd.s32 $0xFFFFC000  }
0x174: {  	[tilespmem:s21], [sflag:$0x1] =	stream.indirect.gather [spmem:s1], $0x80, s31, s19, $0xb8;
	[tilespmem:$0x18FA0] =	vst v63  }
0x175: {  	_ =	swait.ge [sflag:s26], $0x4000  }
0x176: {  	[sflag:s26] =	ssyncset.done $0x0  }
0x177: {  	s29 =	rddreg [dreg:$0x1d];
	[sflag:s26] =	ssyncadd.s32 $0xFFFFC000  }
0x178: {  	[hbm4b:s29+s2] =	stream.linear.scatter [tilespmem:s22], [sflag:$0x2], $0x4000, $0x38;
	[tilespmem:$0x18FA0] =	vst v63  }
0x179: {  	_ =	swait.ge [sflag:s28], $0x4000  }
0x17a: {  	[sflag:s28] =	ssyncset.done $0x0  }
0x17b: {  	s30 =	rddreg [dreg:$0x1e];
	[sflag:s28] =	ssyncadd.s32 $0xFFFFC000  }
0x17c: {  	[tilespmem:s22], [sflag:$0x1] =	stream.indirect.gather [spmem:s1], $0x80, s30, s19, $0xb8;
	[tilespmem:$0x18FA0] =	vst v63  }
0x17d: {  	_ =	swait.ge [sflag:s26], $0x4000  }
0x17e: {  	[sflag:s26] =	ssyncset.done $0x0  }
0x17f: {  	s31 =	rddreg [dreg:$0x1f];
	[sflag:s26] =	ssyncadd.s32 $0xFFFFC000  }
0x180: {  	[hbm4b:s31+s2] =	stream.linear.scatter [tilespmem:s23], [sflag:$0x2], $0x4000, $0x38;
	[tilespmem:$0x18FA0] =	vst v63  }
0x181: {  	_ =	swait.ge [sflag:s28], $0x4000  }
0x182: {  	s29 =	sld [smem:$0x7F1]  }
0x183: {  	[sflag:s28] =	ssyncset.done $0x0  }
0x184: {  	[sflag:s28] =	ssyncadd.s32 $0xFFFFC000  }
0x185: {  	[tilespmem:s23], [sflag:$0x1] =	stream.indirect.gather [spmem:s1], $0x80, s29, s19, $0xb8;
	[tilespmem:$0x18FA0] =	vst v63  }
0x186: {  	_ =	swait.ge [sflag:s26], $0x4000  }
0x187: {  	s30 =	sld [smem:$0x7F2]  }
0x188: {  	[sflag:s26] =	ssyncset.done $0x0  }
0x189: {  	[sflag:s26] =	ssyncadd.s32 $0xFFFFC000  }
0x18a: {  	[hbm4b:s30+s2] =	stream.linear.scatter [tilespmem:s24], [sflag:$0x2], $0x4000, $0x38;
	[tilespmem:$0x18FA0] =	vst v63  }
0x18b: {  	_ =	swait.ge [sflag:s28], $0x4000  }
0x18c: {  	s31 =	sld [smem:$0x7F3]  }
0x18d: {  	[sflag:s28] =	ssyncset.done $0x0  }
0x18e: {  	[sflag:s28] =	ssyncadd.s32 $0xFFFFC000  }
0x18f: {  	[tilespmem:s24], [sflag:$0x1] =	stream.indirect.gather [spmem:s1], $0x80, s31, s19, $0xb8;
	[tilespmem:$0x18FA0] =	vst v63  }
0x190: {  	_ =	swait.ge [sflag:s26], $0x4000  }
0x191: {  	s29 =	sld [smem:$0x7F4]  }
0x192: {  	[sflag:s26] =	ssyncset.done $0x0  }
0x193: {  	[sflag:s26] =	ssyncadd.s32 $0xFFFFC000  }
0x194: {  	[hbm4b:s29+s2] =	stream.linear.scatter [tilespmem:s25], [sflag:$0x2], $0x4000, $0x38;
	[tilespmem:$0x18FA0] =	vst v63  }
0x195: {  	_ =	swait.ge [sflag:s28], $0x4000  }
0x196: {  	s30 =	sld [smem:$0x7F5]  }
0x197: {  	[sflag:s28] =	ssyncset.done $0x0  }
0x198: {  	[sflag:s28] =	ssyncadd.s32 $0xFFFFC000  }
0x199: {  	[tilespmem:s25], [sflag:$0x1] =	stream.indirect.gather [spmem:s1], $0x80, s30, s19, $0xb8;
	[tilespmem:$0x18FA0] =	vst v63  }
0x19a: {  	_ =	swait.ge [sflag:s26], $0x4000  }
0x19b: {  	s31 =	sld [smem:$0x7F6]  }
0x19c: {  	[sflag:s26] =	ssyncset.done $0x0  }
0x19d: {  	[sflag:s26] =	ssyncadd.s32 $0xFFFFC000  }
0x19e: {  	[hbm4b:s31+s2] =	stream.linear.scatter [tilespmem:s20], [sflag:$0x2], $0x4000, $0x38;
	[tilespmem:$0x18FA0] =	vst v63  }
0x19f: {  	_ =	swait.ge [sflag:s28], $0x4000  }
0x1a0: {  	s29 =	sld [smem:$0x7F7]  }
0x1a1: {  	[sflag:s28] =	ssyncset.done $0x0  }
0x1a2: {  	[sflag:s28] =	ssyncadd.s32 $0xFFFFC000  }
0x1a3: {  	[tilespmem:s20], [sflag:$0x1] =	stream.indirect.gather [spmem:s1], $0x80, s29, s19, $0xb8;
	[tilespmem:$0x18FA0] =	vst v63  }
0x1a4: {  	_ =	swait.ge [sflag:s26], $0x4000  }
0x1a5: {  	s30 =	sld [smem:$0x7F8]  }
0x1a6: {  	[sflag:s26] =	ssyncset.done $0x0  }
0x1a7: {  	[sflag:s26] =	ssyncadd.s32 $0xFFFFC000  }
0x1a8: {  	[hbm4b:s30+s2] =	stream.linear.scatter [tilespmem:s21], [sflag:$0x2], $0x4000, $0x38;
	[tilespmem:$0x18FA0] =	vst v63  }
0x1a9: {  	_ =	swait.ge [sflag:s28], $0x4000  }
0x1aa: {  	s31 =	sld [smem:$0x7F9]  }
0x1ab: {  	[sflag:s28] =	ssyncset.done $0x0  }
0x1ac: {  	[sflag:s28] =	ssyncadd.s32 $0xFFFFC000  }
0x1ad: {  	[tilespmem:s21], [sflag:$0x1] =	stream.indirect.gather [spmem:s1], $0x80, s31, s19, $0xb8;
	[tilespmem:$0x18FA0] =	vst v63  }
0x1ae: {  	_ =	swait.ge [sflag:s26], $0x4000  }
0x1af: {  	s29 =	sld [smem:$0x7FA]  }
0x1b0: {  	[sflag:s26] =	ssyncset.done $0x0  }
0x1b1: {  	[sflag:s26] =	ssyncadd.s32 $0xFFFFC000  }
0x1b2: {  	[hbm4b:s29+s2] =	stream.linear.scatter [tilespmem:s22], [sflag:$0x2], $0x4000, $0x38;
	[tilespmem:$0x18FA0] =	vst v63  }
0x1b3: {  	_ =	swait.ge [sflag:s28], $0x4000  }
0x1b4: {  	s30 =	sld [smem:$0x7FB]  }
0x1b5: {  	[sflag:s28] =	ssyncset.done $0x0  }
0x1b6: {  	[sflag:s28] =	ssyncadd.s32 $0xFFFFC000  }
0x1b7: {  	[tilespmem:s22], [sflag:$0x1] =	stream.indirect.gather [spmem:s1], $0x80, s30, s19, $0xb8;
	[tilespmem:$0x18FA0] =	vst v63  }
0x1b8: {  	_ =	swait.ge [sflag:s26], $0x4000  }
0x1b9: {  	s31 =	sld [smem:$0x7FC]  }
0x1ba: {  	[sflag:s26] =	ssyncset.done $0x0  }
0x1bb: {  	[sflag:s26] =	ssyncadd.s32 $0xFFFFC000  }
0x1bc: {  	[hbm4b:s31+s2] =	stream.linear.scatter [tilespmem:s23], [sflag:$0x2], $0x4000, $0x38;
	[tilespmem:$0x18FA0] =	vst v63  }
0x1bd: {  	_ =	swait.ge [sflag:s28], $0x4000  }
0x1be: {  	[sflag:s28] =	ssyncset.done $0x0  }
0x1bf: {  	[sflag:s28] =	ssyncadd.s32 $0xFFFFC000  }
0x1c0: {  	[tilespmem:s23], [sflag:$0x1] =	stream.indirect.gather [spmem:s1], $0x80, s3, s19, $0xb8;
	[tilespmem:$0x18FA0] =	vst v63  }
0x1c1: {  	_ =	swait.ge [sflag:s26], $0x4000  }
0x1c2: {  	[sflag:s26] =	ssyncset.done $0x0  }
0x1c3: {  	[sflag:s26] =	ssyncadd.s32 $0xFFFFC000  }
0x1c4: {  	[hbm4b:s4+s2] =	stream.linear.scatter [tilespmem:s24], [sflag:$0x2], $0x4000, $0x38;
	[tilespmem:$0x18FA0] =	vst v63  }
0x1c5: {  	_ =	swait.ge [sflag:s28], $0x4000  }
0x1c6: {  	[sflag:s28] =	ssyncset.done $0x0  }
0x1c7: {  	[sflag:s28] =	ssyncadd.s32 $0xFFFFC000  }
0x1c8: {  	[tilespmem:s24], [sflag:$0x1] =	stream.indirect.gather [spmem:s1], $0x80, s5, s19, $0xb8;
	[tilespmem:$0x18FA0] =	vst v63  }
0x1c9: {  	_ =	swait.ge [sflag:s26], $0x4000  }
0x1ca: {  	[sflag:s26] =	ssyncset.done $0x0  }
0x1cb: {  	[sflag:s26] =	ssyncadd.s32 $0xFFFFC000  }
0x1cc: {  	[hbm4b:s6+s2] =	stream.linear.scatter [tilespmem:s25], [sflag:$0x2], $0x4000, $0x38;
	[tilespmem:$0x18FA0] =	vst v63  }
0x1cd: {  	_ =	swait.ge [sflag:s28], $0x4000  }
0x1ce: {  	[sflag:s28] =	ssyncset.done $0x0  }
0x1cf: {  	[sflag:s28] =	ssyncadd.s32 $0xFFFFC000  }
0x1d0: {  	[tilespmem:s25], [sflag:$0x1] =	stream.indirect.gather [spmem:s1], $0x80, s7, s19, $0xb8;
	[tilespmem:$0x18FA0] =	vst v63  }
0x1d1: {  	_ =	swait.ge [sflag:s26], $0x4000  }
0x1d2: {  	[sflag:s26] =	ssyncset.done $0x0  }
0x1d3: {  	[sflag:s26] =	ssyncadd.s32 $0xFFFFC000  }
0x1d4: {  	[hbm4b:s8+s2] =	stream.linear.scatter [tilespmem:s20], [sflag:$0x2], $0x4000, $0x38;
	[tilespmem:$0x18FA0] =	vst v63  }
0x1d5: {  	_ =	swait.ge [sflag:s28], $0x4000  }
0x1d6: {  	[sflag:s28] =	ssyncset.done $0x0  }
0x1d7: {  	[sflag:s28] =	ssyncadd.s32 $0xFFFFC000  }
0x1d8: {  	[tilespmem:s20], [sflag:$0x1] =	stream.indirect.gather [spmem:s1], $0x80, s9, s19, $0xb8;
	[tilespmem:$0x18FA0] =	vst v63  }
0x1d9: {  	_ =	swait.ge [sflag:s26], $0x4000  }
0x1da: {  	[sflag:s26] =	ssyncset.done $0x0  }
0x1db: {  	[sflag:s26] =	ssyncadd.s32 $0xFFFFC000  }
0x1dc: {  	[hbm4b:s10+s2] =	stream.linear.scatter [tilespmem:s21], [sflag:$0x2], $0x4000, $0x38;
	[tilespmem:$0x18FA0] =	vst v63  }
0x1dd: {  	_ =	swait.ge [sflag:s26], $0x4000  }
0x1de: {  	[sflag:s26] =	ssyncset.done $0x0  }
0x1df: {  	[sflag:s26] =	ssyncadd.s32 $0xFFFFC000  }
0x1e0: {  	[hbm4b:s11+s2] =	stream.linear.scatter [tilespmem:s22], [sflag:$0x2], $0x4000, $0x38;
	[tilespmem:$0x18FA0] =	vst v63  }
0x1e1: {  	_ =	swait.ge [sflag:s26], $0x4000  }
0x1e2: {  	[sflag:s26] =	ssyncset.done $0x0  }
0x1e3: {  	[sflag:s26] =	ssyncadd.s32 $0xFFFFC000  }
0x1e4: {  	[hbm4b:s12+s2] =	stream.linear.scatter [tilespmem:s23], [sflag:$0x2], $0x4000, $0x38;
	[tilespmem:$0x18FA0] =	vst v63  }
0x1e5: {  	_ =	swait.ge [sflag:s26], $0x4000  }
0x1e6: {  	[sflag:s26] =	ssyncset.done $0x0  }
0x1e7: {  	[sflag:s26] =	ssyncadd.s32 $0xFFFFC000  }
0x1e8: {  	[hbm4b:s13+s2] =	stream.linear.scatter [tilespmem:s24], [sflag:$0x2], $0x4000, $0x38;
	[tilespmem:$0x18FA0] =	vst v63  }
0x1e9: {  	_ =	swait.ge [sflag:s26], $0x4000  }
0x1ea: {  	[sflag:s26] =	ssyncset.done $0x0  }
0x1eb: {  	[sflag:s26] =	ssyncadd.s32 $0xFFFFC000  }
0x1ec: {  	[hbm4b:s14+s2] =	stream.linear.scatter [tilespmem:s25], [sflag:$0x2], $0x4000, $0x38;
	[tilespmem:$0x18FA0] =	vst v63  }
0x1ed: {  	_ =	swait.ge [sflag:s26], $0x4000  }
0x1ee: {  	[sflag:s26] =	ssyncset.done $0x0  }
0x1ef: {  	[sflag:s26] =	ssyncadd.s32 $0xFFFFC000  }
0x1f0: {  	[hbm4b:s15+s2] =	stream.linear.scatter [tilespmem:s20], [sflag:$0x2], $0x4000, $0x38;
	[tilespmem:$0x18FA0] =	vst v63  }
0x1f1: {  	_ =	swait.ge [sflag:s28], $0x4000  }
0x1f2: {  	[sflag:s28] =	ssyncset.done $0x0  }
0x1f3: {  	[sflag:s28] =	ssyncadd.s32 $0xFFFFC000  }
0x1f4: {  	_ =	swait.ge [sflag:s28], $0x4000  }
0x1f5: {  	[sflag:s28] =	ssyncset.done $0x0  }
0x1f6: {  	[sflag:s28] =	ssyncadd.s32 $0xFFFFC000  }
0x1f7: {  	_ =	swait.ge [sflag:s28], $0x4000  }
0x1f8: {  	[sflag:s28] =	ssyncset.done $0x0  }
0x1f9: {  	[sflag:s28] =	ssyncadd.s32 $0xFFFFC000  }
0x1fa: {  	_ =	swait.ge [sflag:s28], $0x4000  }
0x1fb: {  	[sflag:s28] =	ssyncset.done $0x0  }
0x1fc: {  	s16 =	sadd.s32 $0xFFFFFFFF, s16;
	[sflag:s28] =	ssyncadd.s32 $0xFFFFC000  }
0x1fd: {  	p1 =	sne.s32 s16, $0x0;
	_ =	swait.ge [sflag:s28], $0x4000  }
.Ltmp0:
0x1fe: {  	[sflag:s28] =	ssyncset.done $0x0;
	(pc) =	sbr.rel @p1 .LBB2_1-.Ltmp0, $4  }
0x1ff: {  	[sflag:s28] =	ssyncadd.s32 $0xFFFFC000  }
0x200: {  	_ =	swait.ge [sflag:s28], $0x4000  }
0x201: {  	[sflag:s28] =	ssyncset.done $0x0  }
0x202: {  	[sflag:s28] =	ssyncadd.s32 $0xFFFFC000  }
0x203: {  	_ =	sfence.sel $0x180000  }
0x204: {  	[bflag:$0x0] =	sbarrier.arrive $0xFFFF  }
0x205: {  	_ =	strace $0x90000047  }
0x206: {  	[bflag:$0x2] =	sbarrier.arrive $0xFFFF  }
0x207: {  	s0 =	rddreg [dreg:$0x4]  }
0x208: {  	s0 =	sadd.s32 @!p0 $0x100000, s0  }
0x209: {  	[sflag:s0] =	ssyncadd.tile.s32 @!p0 $0x1;
	_ =	shalt  }
.Lfunc_end2:
_tile_overlayer_lowered:
.L_overlay_start_2:
0x20a: {  	(tag) =	ssettag $0x2  }
0x20b: {  	s0 =	rddreg [dreg:$0x0];
	s2 =	stileid.u32  }
0x20c: {  	s1 =	rddreg [dreg:$0x1];
	p0 =	sne.s32 s2, $0x0  }
0x20d: {  	s3 =	rddreg [dreg:$0x2];
	[bflag:$0x3] =	sbarrier.arrive $0xFFFF;
	s2 =	simm.s32 @!p0 $0x1C03  }
0x20e: {  	[timem:s3], [sflag:s2] =	dma.local @!p0 [hbm:s0], s1  }
0x20f: {  	s0 =	simm.s32 @!p0 $0x3  }
0x210: {  	_ =	swait.ge @!p0 [sflag:s0], s1  }
0x211: {  	s1 =	ssub.s32 @!p0 $0x0, s1;
	[sflag:s0] =	ssyncset.done @!p0 $0x0  }
0x212: {  	[sflag:s0] =	ssyncadd.s32 @!p0 s1  }
0x213: {  	[bflag:$0x3] =	sbarrier.arrive $0xFFFF  }
0x214: {  	_ =	shalt  }

</sc_bundles>
